<compile_context>
chip_gen: v7x
topology: tpu7x:2x2x1
jax: 0.10.2.dev20260603
libtpu: 0.0.44.dev20260713+nightly
codegen_flags: <defaults>
</compile_context>

<pallas_src>
import functools

import jax
import jax.numpy as jnp
import numpy as np
from jax import lax
from jax.experimental import pallas as pl
from jax.experimental.pallas import tpu as pltpu
from jax.experimental.pallas import tpu_sc as plsc

N_POS = 262144
N_LEVELS = 16
N_FEAT = 2
LOG2_T = 19
TABLE_SIZE = 1 << LOG2_T
BASE_RES = 16
PER_LEVEL_SCALE = 1.3819129
P1 = np.uint32(2654435761)
P2 = np.uint32(805459861)

NW = 32
PW = N_POS // NW
CH = 1024
NCHUNK = PW // CH
NGROUP = CH // 16
NPAIR = CH // 8
NSUB = 2 * CH // 128
OB = CH * 32

RES_LIST = [int(np.floor(BASE_RES * (PER_LEVEL_SCALE ** l))) for l in range(N_LEVELS)]

RES0 = RES_LIST[0]
S0 = RES0 + 2
E0 = S0 * S0 * S0
E0P = ((2 * E0 + 2047) // 2048) * 1024
NLUTG = E0P // 16
TSHARE = 2 * E0P // 16
NLUTPT = TSHARE // 16
NLUTST = TSHARE // 128
OFF0 = [bx * S0 * S0 + by * S0 + bz
        for bz, by, bx in [((c >> 2) & 1, (c >> 1) & 1, c & 1) for c in range(8)]]


def _sc_body(xs_hbm, ys_hbm, zs_hbm, tbl_hbm, w_hbm, res_hbm, out_hbm,
             xs_v, ys_v, zs_v, idx2_v, wgt_v, rows_v, out_v, w_v, res_v,
             lut0_v, lut1_v, lut_sh, sem, psem, osem):
    sid = lax.axis_index("s")
    wid = sid * 2 + lax.axis_index("c")
    lanes = lax.broadcasted_iota(jnp.int32, (16,), 0)
    half = lanes >> 1
    feat = lanes & 1
    zeros16 = jnp.zeros((16,), jnp.float32)
    wbase = wid * PW

    pltpu.sync_copy(w_hbm, w_v.at[pl.ds(0, 32)])
    pltpu.sync_copy(res_hbm, res_v.at[pl.ds(0, 16)])

    pltpu.async_copy(xs_hbm.at[pl.ds(wbase, CH)], xs_v.at[pl.ds(0, CH)], psem)
    pltpu.async_copy(ys_hbm.at[pl.ds(wbase, CH)], ys_v.at[pl.ds(0, CH)], psem)
    pltpu.async_copy(zs_hbm.at[pl.ds(wbase, CH)], zs_v.at[pl.ds(0, CH)], psem)

    def zero_body(k, _):
        out_v[pl.ds(k * 16, 16)] = zeros16
        return 0
    lax.fori_loop(0, 2 * OB // 16, zero_body, 0, unroll=8)

    wpair0 = w_v[pl.ds(0, 16)]
    w00 = wpair0[0]
    w01 = wpair0[1]
    active0 = jnp.logical_or(w00 != 0.0, w01 != 0.0)

    @pl.when(active0)
    def _build_lut0():
        fscal = jnp.where(sid >= 8, 1, 0)
        nbase = sid * TSHARE - fscal * E0P

        def lut_idx_body(g, _):
            n = nbase + g * 16 + lanes
            i = (n * 6473) >> 21
            r = n - i * (S0 * S0)
            jj = (r * 3641) >> 16
            kk = r - jj * S0
            h = (i.astype(jnp.uint32)
                 ^ (jj.astype(jnp.uint32) * P1)
                 ^ (kk.astype(jnp.uint32) * P2))
            tidx = (h & jnp.uint32(TABLE_SIZE - 1)).astype(jnp.int32)
            idx2_v[pl.ds(g * 16, 16)] = (
                ((tidx >> 7) << 8) + (fscal << 7) + (tidx & 127))
            return 0
        lax.fori_loop(0, NLUTPT, lut_idx_body, 0, unroll=4)

        copies = []
        for s in range(NLUTST):
            copies.append(pltpu.async_copy(
                tbl_hbm.at[idx2_v.at[pl.ds(s * 128, 128)]],
                rows_v.at[pl.ds(s * 128, 128)], sem))
        for cp in copies:
            cp.wait()
        pltpu.sync_copy(rows_v.at[pl.ds(0, TSHARE)],
                        lut_sh.at[pl.ds(sid * TSHARE, TSHARE)])
        plsc.subcore_barrier()
        pltpu.sync_copy(lut_sh.at[pl.ds(0, E0P)], lut0_v)
        pltpu.sync_copy(lut_sh.at[pl.ds(E0P, E0P)], lut1_v)

    def chunk_body(ci, _):
        pb = (ci & 1) * CH
        ob = (ci & 1) * OB
        base = wbase + ci * CH

        pltpu.make_async_copy(
            xs_hbm.at[pl.ds(0, 3 * CH)], idx2_v.at[pl.ds(0, 3 * CH)], psem
        ).wait()

        @pl.when(ci + 1 < NCHUNK)
        def _prefetch():
            nb = CH - pb
            pltpu.async_copy(xs_hbm.at[pl.ds(base + CH, CH)],
                             xs_v.at[pl.ds(nb, CH)], psem)
            pltpu.async_copy(ys_hbm.at[pl.ds(base + CH, CH)],
                             ys_v.at[pl.ds(nb, CH)], psem)
            pltpu.async_copy(zs_hbm.at[pl.ds(base + CH, CH)],
                             zs_v.at[pl.ds(nb, CH)], psem)

        @pl.when(ci >= 2)
        def _drain_out():
            pltpu.make_async_copy(
                out_hbm.at[pl.ds(0, OB)], out_v.at[pl.ds(0, OB)], osem
            ).wait()

        @pl.when(active0)
        def _level0():
            res0 = jnp.float32(RES0)

            def l0_body(j, _):
                sl = pl.ds(pb + j * 16, 16)
                x = xs_v[sl] * res0
                y = ys_v[sl] * res0
                z = zs_v[sl] * res0
                xi = x.astype(jnp.int32)
                yi = y.astype(jnp.int32)
                zi = z.astype(jnp.int32)
                fx = x - xi.astype(jnp.float32)
                fy = y - yi.astype(jnp.float32)
                fz = z - zi.astype(jnp.float32)
                gx = (1.0 - fx, fx)
                gyz = {}
                for by in (0, 1):
                    for bz in (0, 1):
                        gyz[(by, bz)] = ((fy if by else 1.0 - fy)
                                         * (fz if bz else 1.0 - fz))
                lbase = xi * (S0 * S0) + yi * S0 + zi
                acc0 = zeros16
                acc1 = zeros16
                for c in range(8):
                    bx, by, bz = c & 1, (c >> 1) & 1, (c >> 2) & 1
                    lidx = lbase + OFF0[c]
                    w = gx[bx] * gyz[(by, bz)]
                    acc0 = acc0 + w * plsc.load_gather(lut0_v, [lidx])
                    acc1 = acc1 + w * plsc.load_gather(lut1_v, [lidx])
                off = ob + (j >> 3) * 1024 + (j & 7) * 16
                out_v[pl.ds(off, 16)] = acc0 * w00
                out_v[pl.ds(off + 128, 16)] = acc1 * w01
                return 0
            lax.fori_loop(0, NGROUP, l0_body, 0, unroll=4)

        def level_body(l, _):
            wpair = w_v[pl.ds(2 * l, 16)]
            w0 = wpair[0]
            w1 = wpair[1]
            active = jnp.logical_or(w0 != 0.0, w1 != 0.0)

            @pl.when(active)
            def _do_level():
                res = res_v[pl.ds(l, 16)][0]
                lbase2 = l * (TABLE_SIZE * 2)
                oscal = ob + ((l >> 2) << 13) + ((l & 3) << 8)

                def hash_body(j, _):
                    sl = pl.ds(pb + j * 16, 16)
                    p16 = j * 16 + lanes
                    x = xs_v[sl] * res
                    y = ys_v[sl] * res
                    z = zs_v[sl] * res
                    xi = x.astype(jnp.int32)
                    yi = y.astype(jnp.int32)
                    zi = z.astype(jnp.int32)
                    fx = x - xi.astype(jnp.float32)
                    fy = y - yi.astype(jnp.float32)
                    fz = z - zi.astype(jnp.float32)
                    gx = (1.0 - fx, fx)
                    gy = (1.0 - fy, fy)
                    gz = (1.0 - fz, fz)
                    xu = xi.astype(jnp.uint32)
                    hx = (xu, xu + jnp.uint32(1))
                    hy0 = yi.astype(jnp.uint32) * P1
                    hy = (hy0, hy0 + P1)
                    hz0 = zi.astype(jnp.uint32) * P2
                    hz = (hz0, hz0 + P2)
                    for c in range(8):
                        bx, by, bz = c & 1, (c >> 1) & 1, (c >> 2) & 1
                        h = hx[bx] ^ hy[by] ^ hz[bz]
                        tidx = (h & jnp.uint32(TABLE_SIZE - 1)).astype(jnp.int32)
                        e0 = lbase2 + ((tidx >> 7) << 8) + (tidx & 127)
                        slot = c * (2 * CH) + 2 * p16
                        plsc.store_scatter(idx2_v, [slot], e0)
                        plsc.store_scatter(idx2_v, [slot + 1], e0 + 128)
                        wgt_v[pl.ds(c * CH + j * 16, 16)] = gx[bx] * gy[by] * gz[bz]
                    return 0
                lax.fori_loop(0, NGROUP, hash_body, 0)

                copies = []
                for c in range(8):
                    for s in range(NSUB):
                        off = c * (2 * CH) + s * 128
                        copies.append(pltpu.async_copy(
                            tbl_hbm.at[idx2_v.at[pl.ds(off, 128)]],
                            rows_v.at[pl.ds(off, 128)], sem))
                for cp in copies:
                    cp.wait()

                wsel = jnp.where(feat == 0, w0, w1)

                def acc_body(g, _):
                    p8 = g * 8 + half
                    acc = zeros16
                    for c in range(8):
                        w = plsc.load_gather(wgt_v, [c * CH + p8])
                        r = rows_v[pl.ds(c * (2 * CH) + g * 16, 16)]
                        acc = acc + w * r
                    oidx = oscal + ((p8 >> 7) << 10) + (feat << 7) + (p8 & 127)
                    plsc.store_scatter(out_v, [oidx], acc * wsel)
                    return 0
                lax.fori_loop(0, NPAIR, acc_body, 0)
            return 0
        lax.fori_loop(1, N_LEVELS, level_body, 0)

        for cb in range(4):
            pltpu.async_copy(
                out_v.at[pl.ds(ob + cb * 8192, 8192)],
                out_hbm.at[pl.ds(cb * (N_POS * 8) + base * 8, 8192)], osem)
        return 0
    lax.fori_loop(0, NCHUNK, chunk_body, 0)

    for _ in range(2):
        pltpu.make_async_copy(
            out_hbm.at[pl.ds(0, OB)], out_v.at[pl.ds(0, OB)], osem
        ).wait()


@functools.partial(
    pl.kernel,
    mesh=plsc.VectorSubcoreMesh(core_axis_name="c", subcore_axis_name="s"),
    out_type=jax.ShapeDtypeStruct((N_POS * 32,), jnp.float32),
    compiler_params=pltpu.CompilerParams(needs_layout_passes=False),
    scratch_types=[
        pltpu.VMEM((2 * CH,), jnp.float32),
        pltpu.VMEM((2 * CH,), jnp.float32),
        pltpu.VMEM((2 * CH,), jnp.float32),
        pltpu.VMEM((8 * 2 * CH,), jnp.int32),
        pltpu.VMEM((8 * CH,), jnp.float32),
        pltpu.VMEM((8 * 2 * CH,), jnp.float32),
        pltpu.VMEM((2 * OB,), jnp.float32),
        pltpu.VMEM((48,), jnp.float32),
        pltpu.VMEM((32,), jnp.float32),
        pltpu.VMEM((E0P,), jnp.float32),
        pltpu.VMEM((E0P,), jnp.float32),
        pltpu.VMEM_SHARED((2 * E0P,), jnp.float32),
        pltpu.SemaphoreType.DMA,
        pltpu.SemaphoreType.DMA,
        pltpu.SemaphoreType.DMA,
    ],
)
def _encode(xs_hbm, ys_hbm, zs_hbm, tbl_hbm, w_hbm, res_hbm, out_hbm, *scratch):
    _sc_body(xs_hbm, ys_hbm, zs_hbm, tbl_hbm, w_hbm, res_hbm, out_hbm, *scratch)


def kernel(positions, table, weights):
    xs, ys, zs = positions[:, 0], positions[:, 1], positions[:, 2]
    tblf = (table.reshape(N_LEVELS, TABLE_SIZE // 128, 128, N_FEAT)
            .swapaxes(2, 3)
            .reshape(N_LEVELS * TABLE_SIZE * N_FEAT))
    wfl = weights.reshape(N_LEVELS * N_FEAT)
    res = jnp.asarray(np.array(RES_LIST, dtype=np.float32))
    out = _encode(xs, ys, zs, tblf, wfl, res)
    return (out.reshape(4, N_POS // 128, 8, 128)
            .transpose(1, 3, 0, 2)
            .reshape(N_POS, N_LEVELS * N_FEAT))

# --- scband reference (transcript-rebuilt; emitter-appended) ---
"""Pipeline reference for scband-progressive-encoding-40913858462211 (READ-ONLY COPY).

The authoritative reference and input builder live on the scoring server;
editing this copy changes nothing except your own understanding.
"""

import jax, jax.numpy as jnp
import numpy as np

N_POS = 262144
N_LEVELS = 16
N_FEAT = 2
LOG2_T = 19
TABLE_SIZE = 1 << LOG2_T
BASE_RES = 16
PER_LEVEL_SCALE = 1.3819129
PRIMES = np.array([1, 2654435761, 805459861], dtype=np.uint32)
N_LEVELS_INIT = 1
N_SCHEDULER_STEPS = 10000
CUR_ITER = 0


def setup_inputs(seed: int = 0) -> dict:
    key = jax.random.key(seed)
    k1, k2 = jax.random.split(key)
    positions = jax.random.uniform(k1, (N_POS, 3), dtype=jnp.float32)
    table = jax.random.normal(k2, (N_LEVELS, TABLE_SIZE, N_FEAT), dtype=jnp.float32) * 1e-4
    # ProgressiveEncoding weight mask: _get_init_weights sets first n_levels_init levels to 1,
    # then forward() at cur_iter=0 sets weights[cur_level]=1 where
    # cur_level = min(cur_iter // step_size + n_levels_init - 1, n_levels - 1) = 0.
    step_size = N_SCHEDULER_STEPS // N_LEVELS
    cur_level = min(CUR_ITER // step_size + N_LEVELS_INIT - 1, N_LEVELS - 1)
    weights = jnp.zeros((N_LEVELS, N_FEAT), dtype=jnp.float32)
    weights = weights.at[:N_LEVELS_INIT, :].set(1.0)
    weights = weights.at[cur_level, :].set(1.0)
    return {"positions": positions, "table": table, "weights": weights}


def _hash_grid_encode(positions, table):
    # Faithful multi-resolution hash-grid encoding (tcnn HashGrid, instant-ngp):
    # per level: scale positions to grid resolution, trilinear-interpolate features
    # gathered from a hashed table of size 2^19 using the instant-ngp spatial hash.
    primes = jnp.asarray(PRIMES)
    n = positions.shape[0]
    outs = []
    for lvl in range(N_LEVELS):
        res = int(np.floor(BASE_RES * (PER_LEVEL_SCALE ** lvl)))
        x = positions * jnp.float32(res)
        x0f = jnp.floor(x)
        frac = x - x0f
        x0 = x0f.astype(jnp.uint32)
        feats = jnp.zeros((n, N_FEAT), dtype=jnp.float32)
        for c in range(8):
            offs = np.array([(c >> d) & 1 for d in range(3)], dtype=np.uint32)
            corner = x0 + jnp.asarray(offs)
            h = (corner[:, 0] * primes[0]) ^ (corner[:, 1] * primes[1]) ^ (corner[:, 2] * primes[2])
            idx = (h & jnp.uint32(TABLE_SIZE - 1)).astype(jnp.int32)
            offs_f = jnp.asarray(offs.astype(np.float32))
            w = jnp.prod(frac * offs_f + (1.0 - frac) * (1.0 - offs_f), axis=-1)
            feats = feats + w[:, None] * jnp.take(table[lvl], idx, axis=0)
        outs.append(feats)
    return jnp.concatenate(outs, axis=-1)


def reference(positions, table, weights):
    encoding = _hash_grid_encode(positions, table)
    # ProgressiveEncoding: encoding = encoding * self.weights.view(-1)
    return encoding * weights.reshape(-1)

if __name__ == "__main__":
    import jax
    _d = setup_inputs()
    print(jax.jit(kernel)(*tuple(_d.values())))

</pallas_src>

<mosaic_0001>
#map = affine_map<(d0, d1) -> (0)>
module attributes {stable_mosaic.version = 14 : i64} {
  func.func @_encode(%arg0: i32, %arg1: i32, %arg2: memref<262144xf32, #tpu.memory_space<hbm>>, %arg3: memref<262144xf32, #tpu.memory_space<hbm>>, %arg4: memref<262144xf32, #tpu.memory_space<hbm>>, %arg5: memref<16777216xf32, #tpu.memory_space<hbm>>, %arg6: memref<32xf32, #tpu.memory_space<hbm>>, %arg7: memref<16xf32, #tpu.memory_space<hbm>>, %arg8: memref<8388608xf32, #tpu.memory_space<hbm>>, %arg9: memref<2048xf32, #tpu.memory_space<vmem>>, %arg10: memref<2048xf32, #tpu.memory_space<vmem>>, %arg11: memref<2048xf32, #tpu.memory_space<vmem>>, %arg12: memref<16384xi32, #tpu.memory_space<vmem>>, %arg13: memref<8192xf32, #tpu.memory_space<vmem>>, %arg14: memref<16384xf32, #tpu.memory_space<vmem>>, %arg15: memref<65536xf32, #tpu.memory_space<vmem>>, %arg16: memref<48xf32, #tpu.memory_space<vmem>>, %arg17: memref<32xf32, #tpu.memory_space<vmem>>, %arg18: memref<6144xf32, #tpu.memory_space<vmem>>, %arg19: memref<6144xf32, #tpu.memory_space<vmem>>, %arg20: memref<12288xf32, #tpu.memory_space<vmem_shared>>, %arg21: memref<!tpu.dma_semaphore, #tpu.memory_space<semaphore_mem>>, %arg22: memref<!tpu.dma_semaphore, #tpu.memory_space<semaphore_mem>>, %arg23: memref<!tpu.dma_semaphore, #tpu.memory_space<semaphore_mem>>) attributes {dimension_semantics = [#tpu.dimension_semantics<core_parallel>, #tpu.dimension_semantics<subcore_parallel>], iteration_bounds = array<i64: 2, 16>, scalar_prefetch = 0 : i64, scratch_operands = 15 : i64, tpu.core_type = #tpu.core_type<sc_vector_subcore>, window_params = [{transform_indices = #map}, {transform_indices = #map}, {transform_indices = #map}, {transform_indices = #map}, {transform_indices = #map}, {transform_indices = #map}, {transform_indices = #map}]} {
    %mul3A = arith.constant 2 : i32
    %mul3A_0 = arith.muli %arg1, %mul3A : i32
    %add3A = arith.addi %mul3A_0, %arg0 : i32
    %iota3A = tpu.iota {dimensions = array<i32: 0>} : vector<16xi32>
    %shift_right_arithmetic3A = arith.constant 1 : i32
    %shift_right_arithmetic3A_1 = vector.broadcast %shift_right_arithmetic3A : i32 to vector<16xi32>
    %shift_right_arithmetic3A_2 = arith.shrsi %iota3A, %shift_right_arithmetic3A_1 : vector<16xi32>
    %and3A = arith.constant 1 : i32
    %and3A_3 = vector.broadcast %and3A : i32 to vector<16xi32>
    %and3A_4 = arith.andi %iota3A, %and3A_3 : vector<16xi32>
    %broadcast_in_dim3A = arith.constant 0.000000e+00 : f32
    %broadcast_in_dim3A_5 = vector.broadcast %broadcast_in_dim3A : f32 to vector<16xf32>
    %mul3A_6 = arith.constant 8192 : i32
    %mul3A_7 = arith.muli %add3A, %mul3A_6 : i32
    "tpu.region"() ({
      %run_scoped3A = tpu.sem_alloc : memref<!tpu.dma_semaphore, #tpu.memory_space<semaphore_mem>>
      %dma_start3A_60 = arith.constant 0 : i32
      %dma_start3A_61 = tpu.memref_slice %arg16[%dma_start3A_60] : memref<48xf32, #tpu.memory_space<vmem>> -> memref<32xf32, #tpu.memory_space<vmem>>
      %dma_start3A_62 = arith.constant 0 : i32
      %dma_start3A_63 = tpu.memref_slice %arg16[%dma_start3A_62] : memref<48xf32, #tpu.memory_space<vmem>> -> memref<32xf32, #tpu.memory_space<vmem>>
      tpu.enqueue_dma source(%arg6 : memref<32xf32, #tpu.memory_space<hbm>>) target(%dma_start3A_63 : memref<32xf32, #tpu.memory_space<vmem>>) target_semaphore(%run_scoped3A : memref<!tpu.dma_semaphore, #tpu.memory_space<semaphore_mem>>)
      %dma_wait3A_64 = arith.constant 0 : i32
      %dma_wait3A_65 = tpu.memref_slice %arg16[%dma_wait3A_64] : memref<48xf32, #tpu.memory_space<vmem>> -> memref<32xf32, #tpu.memory_space<vmem>>
      %dma_wait3A_66 = arith.constant 0 : i32
      %dma_wait3A_67 = tpu.memref_slice %arg16[%dma_wait3A_66] : memref<48xf32, #tpu.memory_space<vmem>> -> memref<32xf32, #tpu.memory_space<vmem>>
      tpu.wait_dma2 semaphore(%run_scoped3A : memref<!tpu.dma_semaphore, #tpu.memory_space<semaphore_mem>>) src(%arg6 : memref<32xf32, #tpu.memory_space<hbm>>) dst(%dma_wait3A_67 : memref<32xf32, #tpu.memory_space<vmem>>)
      tpu.yield
    }) : () -> ()
    "tpu.region"() ({
      %run_scoped3A = tpu.sem_alloc : memref<!tpu.dma_semaphore, #tpu.memory_space<semaphore_mem>>
      %dma_start3A_60 = arith.constant 0 : i32
      %dma_start3A_61 = tpu.memref_slice %arg17[%dma_start3A_60] : memref<32xf32, #tpu.memory_space<vmem>> -> memref<16xf32, #tpu.memory_space<vmem>>
      %dma_start3A_62 = arith.constant 0 : i32
      %dma_start3A_63 = tpu.memref_slice %arg17[%dma_start3A_62] : memref<32xf32, #tpu.memory_space<vmem>> -> memref<16xf32, #tpu.memory_space<vmem>>
      tpu.enqueue_dma source(%arg7 : memref<16xf32, #tpu.memory_space<hbm>>) target(%dma_start3A_63 : memref<16xf32, #tpu.memory_space<vmem>>) target_semaphore(%run_scoped3A : memref<!tpu.dma_semaphore, #tpu.memory_space<semaphore_mem>>)
      %dma_wait3A_64 = arith.constant 0 : i32
      %dma_wait3A_65 = tpu.memref_slice %arg17[%dma_wait3A_64] : memref<32xf32, #tpu.memory_space<vmem>> -> memref<16xf32, #tpu.memory_space<vmem>>
      %dma_wait3A_66 = arith.constant 0 : i32
      %dma_wait3A_67 = tpu.memref_slice %arg17[%dma_wait3A_66] : memref<32xf32, #tpu.memory_space<vmem>> -> memref<16xf32, #tpu.memory_space<vmem>>
      tpu.wait_dma2 semaphore(%run_scoped3A : memref<!tpu.dma_semaphore, #tpu.memory_space<semaphore_mem>>) src(%arg7 : memref<16xf32, #tpu.memory_space<hbm>>) dst(%dma_wait3A_67 : memref<16xf32, #tpu.memory_space<vmem>>)
      tpu.yield
    }) : () -> ()
    %dma_start3A = arith.constant 0 : i32
    %dma_start3A_8 = tpu.memref_slice %arg9[%dma_start3A] : memref<2048xf32, #tpu.memory_space<vmem>> -> memref<1024xf32, #tpu.memory_space<vmem>>
    %dma_start3A_9 = tpu.memref_slice %arg2[%mul3A_7] : memref<262144xf32, #tpu.memory_space<hbm>> -> memref<1024xf32, #tpu.memory_space<hbm>>
    %dma_start3A_10 = arith.constant 0 : i32
    %dma_start3A_11 = tpu.memref_slice %arg9[%dma_start3A_10] : memref<2048xf32, #tpu.memory_space<vmem>> -> memref<1024xf32, #tpu.memory_space<vmem>>
    %dma_start3A_12 = tpu.memref_slice %arg2[%mul3A_7] : memref<262144xf32, #tpu.memory_space<hbm>> -> memref<1024xf32, #tpu.memory_space<hbm>>
    tpu.enqueue_dma source(%dma_start3A_12 : memref<1024xf32, #tpu.memory_space<hbm>>) target(%dma_start3A_11 : memref<1024xf32, #tpu.memory_space<vmem>>) target_semaphore(%arg22 : memref<!tpu.dma_semaphore, #tpu.memory_space<semaphore_mem>>)
    %dma_start3A_13 = arith.constant 0 : i32
    %dma_start3A_14 = tpu.memref_slice %arg10[%dma_start3A_13] : memref<2048xf32, #tpu.memory_space<vmem>> -> memref<1024xf32, #tpu.memory_space<vmem>>
    %dma_start3A_15 = tpu.memref_slice %arg3[%mul3A_7] : memref<262144xf32, #tpu.memory_space<hbm>> -> memref<1024xf32, #tpu.memory_space<hbm>>
    %dma_start3A_16 = arith.constant 0 : i32
    %dma_start3A_17 = tpu.memref_slice %arg10[%dma_start3A_16] : memref<2048xf32, #tpu.memory_space<vmem>> -> memref<1024xf32, #tpu.memory_space<vmem>>
    %dma_start3A_18 = tpu.memref_slice %arg3[%mul3A_7] : memref<262144xf32, #tpu.memory_space<hbm>> -> memref<1024xf32, #tpu.memory_space<hbm>>
    tpu.enqueue_dma source(%dma_start3A_18 : memref<1024xf32, #tpu.memory_space<hbm>>) target(%dma_start3A_17 : memref<1024xf32, #tpu.memory_space<vmem>>) target_semaphore(%arg22 : memref<!tpu.dma_semaphore, #tpu.memory_space<semaphore_mem>>)
    %dma_start3A_19 = arith.constant 0 : i32
    %dma_start3A_20 = tpu.memref_slice %arg11[%dma_start3A_19] : memref<2048xf32, #tpu.memory_space<vmem>> -> memref<1024xf32, #tpu.memory_space<vmem>>
    %dma_start3A_21 = tpu.memref_slice %arg4[%mul3A_7] : memref<262144xf32, #tpu.memory_space<hbm>> -> memref<1024xf32, #tpu.memory_space<hbm>>
    %dma_start3A_22 = arith.constant 0 : i32
    %dma_start3A_23 = tpu.memref_slice %arg11[%dma_start3A_22] : memref<2048xf32, #tpu.memory_space<vmem>> -> memref<1024xf32, #tpu.memory_space<vmem>>
    %dma_start3A_24 = tpu.memref_slice %arg4[%mul3A_7] : memref<262144xf32, #tpu.memory_space<hbm>> -> memref<1024xf32, #tpu.memory_space<hbm>>
    tpu.enqueue_dma source(%dma_start3A_24 : memref<1024xf32, #tpu.memory_space<hbm>>) target(%dma_start3A_23 : memref<1024xf32, #tpu.memory_space<vmem>>) target_semaphore(%arg22 : memref<!tpu.dma_semaphore, #tpu.memory_space<semaphore_mem>>)
    %scan3A = arith.constant 0 : i32
    %scan3A_25 = arith.constant 0 : i32
    %scan3A_26 = arith.constant 4096 : i32
    %scan3A_27 = arith.addi %scan3A_25, %scan3A_26 : i32
    %scan3A_28 = arith.constant 8 : i32
    %scan3A_29 = scf.for %scan3A_60 = %scan3A_25 to %scan3A_27 step %scan3A_28 iter_args(%scan3A_61 = %scan3A) -> (i32)  : i32 {
      %mul3A_62 = arith.constant 16 : i32
      %mul3A_63 = arith.muli %scan3A_60, %mul3A_62 : i32
      %swap3A = arith.index_cast %mul3A_63 : i32 to index
      %swap3A_64 = tpu.vector_load %arg15[%swap3A] {strides = array<i32>} : memref<65536xf32, #tpu.memory_space<vmem>>, vector<16xf32>,
      tpu.vector_store %arg15[%swap3A], %broadcast_in_dim3A_5 {strides = array<i32>} : memref<65536xf32, #tpu.memory_space<vmem>>, vector<16xf32>,
      %scan3A_65 = arith.constant 0 : i32
      %scan3A_66 = arith.constant 1 : i32
      %scan3A_67 = arith.addi %scan3A_60, %scan3A_66 : i32
      %mul3A_68 = arith.constant 16 : i32
      %mul3A_69 = arith.muli %scan3A_67, %mul3A_68 : i32
      %swap3A_70 = arith.index_cast %mul3A_69 : i32 to index
      %swap3A_71 = tpu.vector_load %arg15[%swap3A_70] {strides = array<i32>} : memref<65536xf32, #tpu.memory_space<vmem>>, vector<16xf32>,
      tpu.vector_store %arg15[%swap3A_70], %broadcast_in_dim3A_5 {strides = array<i32>} : memref<65536xf32, #tpu.memory_space<vmem>>, vector<16xf32>,
      %scan3A_72 = arith.constant 0 : i32
      %scan3A_73 = arith.constant 2 : i32
      %scan3A_74 = arith.addi %scan3A_60, %scan3A_73 : i32
      %mul3A_75 = arith.constant 16 : i32
      %mul3A_76 = arith.muli %scan3A_74, %mul3A_75 : i32
      %swap3A_77 = arith.index_cast %mul3A_76 : i32 to index
      %swap3A_78 = tpu.vector_load %arg15[%swap3A_77] {strides = array<i32>} : memref<65536xf32, #tpu.memory_space<vmem>>, vector<16xf32>,
      tpu.vector_store %arg15[%swap3A_77], %broadcast_in_dim3A_5 {strides = array<i32>} : memref<65536xf32, #tpu.memory_space<vmem>>, vector<16xf32>,
      %scan3A_79 = arith.constant 0 : i32
      %scan3A_80 = arith.constant 3 : i32
      %scan3A_81 = arith.addi %scan3A_60, %scan3A_80 : i32
      %mul3A_82 = arith.constant 16 : i32
      %mul3A_83 = arith.muli %scan3A_81, %mul3A_82 : i32
      %swap3A_84 = arith.index_cast %mul3A_83 : i32 to index
      %swap3A_85 = tpu.vector_load %arg15[%swap3A_84] {strides = array<i32>} : memref<65536xf32, #tpu.memory_space<vmem>>, vector<16xf32>,
      tpu.vector_store %arg15[%swap3A_84], %broadcast_in_dim3A_5 {strides = array<i32>} : memref<65536xf32, #tpu.memory_space<vmem>>, vector<16xf32>,
      %scan3A_86 = arith.constant 0 : i32
      %scan3A_87 = arith.constant 4 : i32
      %scan3A_88 = arith.addi %scan3A_60, %scan3A_87 : i32
      %mul3A_89 = arith.constant 16 : i32
      %mul3A_90 = arith.muli %scan3A_88, %mul3A_89 : i32
      %swap3A_91 = arith.index_cast %mul3A_90 : i32 to index
      %swap3A_92 = tpu.vector_load %arg15[%swap3A_91] {strides = array<i32>} : memref<65536xf32, #tpu.memory_space<vmem>>, vector<16xf32>,
      tpu.vector_store %arg15[%swap3A_91], %broadcast_in_dim3A_5 {strides = array<i32>} : memref<65536xf32, #tpu.memory_space<vmem>>, vector<16xf32>,
      %scan3A_93 = arith.constant 0 : i32
      %scan3A_94 = arith.constant 5 : i32
      %scan3A_95 = arith.addi %scan3A_60, %scan3A_94 : i32
      %mul3A_96 = arith.constant 16 : i32
      %mul3A_97 = arith.muli %scan3A_95, %mul3A_96 : i32
      %swap3A_98 = arith.index_cast %mul3A_97 : i32 to index
      %swap3A_99 = tpu.vector_load %arg15[%swap3A_98] {strides = array<i32>} : memref<65536xf32, #tpu.memory_space<vmem>>, vector<16xf32>,
      tpu.vector_store %arg15[%swap3A_98], %broadcast_in_dim3A_5 {strides = array<i32>} : memref<65536xf32, #tpu.memory_space<vmem>>, vector<16xf32>,
      %scan3A_100 = arith.constant 0 : i32
      %scan3A_101 = arith.constant 6 : i32
      %scan3A_102 = arith.addi %scan3A_60, %scan3A_101 : i32
      %mul3A_103 = arith.constant 16 : i32
      %mul3A_104 = arith.muli %scan3A_102, %mul3A_103 : i32
      %swap3A_105 = arith.index_cast %mul3A_104 : i32 to index
      %swap3A_106 = tpu.vector_load %arg15[%swap3A_105] {strides = array<i32>} : memref<65536xf32, #tpu.memory_space<vmem>>, vector<16xf32>,
      tpu.vector_store %arg15[%swap3A_105], %broadcast_in_dim3A_5 {strides = array<i32>} : memref<65536xf32, #tpu.memory_space<vmem>>, vector<16xf32>,
      %scan3A_107 = arith.constant 0 : i32
      %scan3A_108 = arith.constant 7 : i32
      %scan3A_109 = arith.addi %scan3A_60, %scan3A_108 : i32
      %mul3A_110 = arith.constant 16 : i32
      %mul3A_111 = arith.muli %scan3A_109, %mul3A_110 : i32
      %swap3A_112 = arith.index_cast %mul3A_111 : i32 to index
      %swap3A_113 = tpu.vector_load %arg15[%swap3A_112] {strides = array<i32>} : memref<65536xf32, #tpu.memory_space<vmem>>, vector<16xf32>,
      tpu.vector_store %arg15[%swap3A_112], %broadcast_in_dim3A_5 {strides = array<i32>} : memref<65536xf32, #tpu.memory_space<vmem>>, vector<16xf32>,
      %scan3A_114 = arith.constant 0 : i32
      scf.yield %scan3A_114 : i32
    }
    %scan3A_30 = arith.constant 4096 : i32
    %get3A = arith.constant 0 : index
    %get3A_31 = tpu.vector_load %arg16[%get3A] {strides = array<i32>} : memref<48xf32, #tpu.memory_space<vmem>>, vector<16xf32>,
    %slice3A = vector.extract_strided_slice %get3A_31 {offsets = [0], sizes = [1], strides = [1]} : vector<16xf32> to vector<1xf32>
    %squeeze3A = vector.extract %slice3A[0] : f32 from vector<1xf32>
    %slice3A_32 = vector.extract_strided_slice %get3A_31 {offsets = [1], sizes = [1], strides = [1]} : vector<16xf32> to vector<1xf32>
    %squeeze3A_33 = vector.extract %slice3A_32[0] : f32 from vector<1xf32>
    %ne3A = arith.constant 0.000000e+00 : f32
    %ne3A_34 = arith.cmpf one, %squeeze3A, %ne3A : f32
    %ne3A_35 = arith.constant 0.000000e+00 : f32
    %ne3A_36 = arith.cmpf one, %squeeze3A_33, %ne3A_35 : f32
    %or3A = arith.ori %ne3A_34, %ne3A_36 : i1
    %convert_element_type3A = arith.extui %or3A : i1 to i32
    %cond3A = arith.constant 0 : i32
    %cond3A_37 = arith.cmpi ne, %convert_element_type3A, %cond3A : i32
    scf.if %cond3A_37 {
      %ge3A = arith.constant 8 : i32
      %ge3A_60 = arith.cmpi sge, %arg1, %ge3A : i32
      %jit3A = arith.constant 1 : i32
      %jit3A_61 = arith.constant 0 : i32
      %select_n3A = arith.select %ge3A_60, %jit3A, %jit3A_61 : i32
      %mul3A_62 = arith.constant 768 : i32
      %mul3A_63 = arith.muli %arg1, %mul3A_62 : i32
      %mul3A_64 = arith.constant 6144 : i32
      %mul3A_65 = arith.muli %select_n3A, %mul3A_64 : i32
      %sub3A = arith.subi %mul3A_63, %mul3A_65 : i32
      %scan3A_66 = arith.constant 0 : i32
      %scan3A_67 = arith.constant 0 : i32
      %scan3A_68 = arith.constant 48 : i32
      %scan3A_69 = arith.addi %scan3A_67, %scan3A_68 : i32
      %scan3A_70 = arith.constant 4 : i32
      %scan3A_71 = scf.for %scan3A_147 = %scan3A_67 to %scan3A_69 step %scan3A_70 iter_args(%scan3A_148 = %scan3A_66) -> (i32)  : i32 {
        %mul3A_149 = arith.constant 16 : i32
        %mul3A_150 = arith.muli %scan3A_147, %mul3A_149 : i32
        %add3A_151 = arith.addi %sub3A, %mul3A_150 : i32
        %add3A_152 = vector.broadcast %add3A_151 : i32 to vector<16xi32>
        %add3A_153 = arith.addi %add3A_152, %iota3A : vector<16xi32>
        %mul3A_154 = arith.constant 6473 : i32
        %mul3A_155 = vector.broadcast %mul3A_154 : i32 to vector<16xi32>
        %mul3A_156 = arith.muli %add3A_153, %mul3A_155 : vector<16xi32>
        %shift_right_arithmetic3A_157 = arith.constant 21 : i32
        %shift_right_arithmetic3A_158 = vector.broadcast %shift_right_arithmetic3A_157 : i32 to vector<16xi32>
        %shift_right_arithmetic3A_159 = arith.shrsi %mul3A_156, %shift_right_arithmetic3A_158 : vector<16xi32>
        %mul3A_160 = arith.constant 324 : i32
        %mul3A_161 = vector.broadcast %mul3A_160 : i32 to vector<16xi32>
        %mul3A_162 = arith.muli %shift_right_arithmetic3A_159, %mul3A_161 : vector<16xi32>
        %sub3A_163 = arith.subi %add3A_153, %mul3A_162 : vector<16xi32>
        %mul3A_164 = arith.constant 3641 : i32
        %mul3A_165 = vector.broadcast %mul3A_164 : i32 to vector<16xi32>
        %mul3A_166 = arith.muli %sub3A_163, %mul3A_165 : vector<16xi32>
        %shift_right_arithmetic3A_167 = arith.constant 16 : i32
        %shift_right_arithmetic3A_168 = vector.broadcast %shift_right_arithmetic3A_167 : i32 to vector<16xi32>
        %shift_right_arithmetic3A_169 = arith.shrsi %mul3A_166, %shift_right_arithmetic3A_168 : vector<16xi32>
        %mul3A_170 = arith.constant 18 : i32
        %mul3A_171 = vector.broadcast %mul3A_170 : i32 to vector<16xi32>
        %mul3A_172 = arith.muli %shift_right_arithmetic3A_169, %mul3A_171 : vector<16xi32>
        %sub3A_173 = arith.subi %sub3A_163, %mul3A_172 : vector<16xi32>
        %mul3A_174 = arith.constant -1640531535 : i32
        %mul3A_175 = vector.broadcast %mul3A_174 : i32 to vector<16xi32>
        %mul3A_176 = arith.muli %shift_right_arithmetic3A_169, %mul3A_175 : vector<16xi32>
        %xor3A = arith.xori %shift_right_arithmetic3A_159, %mul3A_176 : vector<16xi32>
        %mul3A_177 = arith.constant 805459861 : i32
        %mul3A_178 = vector.broadcast %mul3A_177 : i32 to vector<16xi32>
        %mul3A_179 = arith.muli %sub3A_173, %mul3A_178 : vector<16xi32>
        %xor3A_180 = arith.xori %xor3A, %mul3A_179 : vector<16xi32>
        %and3A_181 = arith.constant 524287 : i32
        %and3A_182 = vector.broadcast %and3A_181 : i32 to vector<16xi32>
        %and3A_183 = arith.andi %xor3A_180, %and3A_182 : vector<16xi32>
        %shift_right_arithmetic3A_184 = arith.constant 7 : i32
        %shift_right_arithmetic3A_185 = vector.broadcast %shift_right_arithmetic3A_184 : i32 to vector<16xi32>
        %shift_right_arithmetic3A_186 = arith.shrsi %and3A_183, %shift_right_arithmetic3A_185 : vector<16xi32>
        %shift_left3A = arith.constant 8 : i32
        %shift_left3A_187 = vector.broadcast %shift_left3A : i32 to vector<16xi32>
        %shift_left3A_188 = arith.shli %shift_right_arithmetic3A_186, %shift_left3A_187 : vector<16xi32>
        %shift_left3A_189 = arith.constant 7 : i32
        %shift_left3A_190 = arith.shli %select_n3A, %shift_left3A_189 : i32
        %add3A_191 = vector.broadcast %shift_left3A_190 : i32 to vector<16xi32>
        %add3A_192 = arith.addi %shift_left3A_188, %add3A_191 : vector<16xi32>
        %and3A_193 = arith.constant 127 : i32
        %and3A_194 = vector.broadcast %and3A_193 : i32 to vector<16xi32>
        %and3A_195 = arith.andi %and3A_183, %and3A_194 : vector<16xi32>
        %add3A_196 = arith.addi %add3A_192, %and3A_195 : vector<16xi32>
        %mul3A_197 = arith.constant 16 : i32
        %mul3A_198 = arith.muli %scan3A_147, %mul3A_197 : i32
        %swap3A = arith.index_cast %mul3A_198 : i32 to index
        %swap3A_199 = tpu.vector_load %arg12[%swap3A] {strides = array<i32>} : memref<16384xi32, #tpu.memory_space<vmem>>, vector<16xi32>,
        tpu.vector_store %arg12[%swap3A], %add3A_196 {strides = array<i32>} : memref<16384xi32, #tpu.memory_space<vmem>>, vector<16xi32>,
        %scan3A_200 = arith.constant 0 : i32
        %scan3A_201 = arith.constant 1 : i32
        %scan3A_202 = arith.addi %scan3A_147, %scan3A_201 : i32
        %mul3A_203 = arith.constant 16 : i32
        %mul3A_204 = arith.muli %scan3A_202, %mul3A_203 : i32
        %add3A_205 = arith.addi %sub3A, %mul3A_204 : i32
        %add3A_206 = vector.broadcast %add3A_205 : i32 to vector<16xi32>
        %add3A_207 = arith.addi %add3A_206, %iota3A : vector<16xi32>
        %mul3A_208 = arith.constant 6473 : i32
        %mul3A_209 = vector.broadcast %mul3A_208 : i32 to vector<16xi32>
        %mul3A_210 = arith.muli %add3A_207, %mul3A_209 : vector<16xi32>
        %shift_right_arithmetic3A_211 = arith.constant 21 : i32
        %shift_right_arithmetic3A_212 = vector.broadcast %shift_right_arithmetic3A_211 : i32 to vector<16xi32>
        %shift_right_arithmetic3A_213 = arith.shrsi %mul3A_210, %shift_right_arithmetic3A_212 : vector<16xi32>
        %mul3A_214 = arith.constant 324 : i32
        %mul3A_215 = vector.broadcast %mul3A_214 : i32 to vector<16xi32>
        %mul3A_216 = arith.muli %shift_right_arithmetic3A_213, %mul3A_215 : vector<16xi32>
        %sub3A_217 = arith.subi %add3A_207, %mul3A_216 : vector<16xi32>
        %mul3A_218 = arith.constant 3641 : i32
        %mul3A_219 = vector.broadcast %mul3A_218 : i32 to vector<16xi32>
        %mul3A_220 = arith.muli %sub3A_217, %mul3A_219 : vector<16xi32>
        %shift_right_arithmetic3A_221 = arith.constant 16 : i32
        %shift_right_arithmetic3A_222 = vector.broadcast %shift_right_arithmetic3A_221 : i32 to vector<16xi32>
        %shift_right_arithmetic3A_223 = arith.shrsi %mul3A_220, %shift_right_arithmetic3A_222 : vector<16xi32>
        %mul3A_224 = arith.constant 18 : i32
        %mul3A_225 = vector.broadcast %mul3A_224 : i32 to vector<16xi32>
        %mul3A_226 = arith.muli %shift_right_arithmetic3A_223, %mul3A_225 : vector<16xi32>
        %sub3A_227 = arith.subi %sub3A_217, %mul3A_226 : vector<16xi32>
        %mul3A_228 = arith.constant -1640531535 : i32
        %mul3A_229 = vector.broadcast %mul3A_228 : i32 to vector<16xi32>
        %mul3A_230 = arith.muli %shift_right_arithmetic3A_223, %mul3A_229 : vector<16xi32>
        %xor3A_231 = arith.xori %shift_right_arithmetic3A_213, %mul3A_230 : vector<16xi32>
        %mul3A_232 = arith.constant 805459861 : i32
        %mul3A_233 = vector.broadcast %mul3A_232 : i32 to vector<16xi32>
        %mul3A_234 = arith.muli %sub3A_227, %mul3A_233 : vector<16xi32>
        %xor3A_235 = arith.xori %xor3A_231, %mul3A_234 : vector<16xi32>
        %and3A_236 = arith.constant 524287 : i32
        %and3A_237 = vector.broadcast %and3A_236 : i32 to vector<16xi32>
        %and3A_238 = arith.andi %xor3A_235, %and3A_237 : vector<16xi32>
        %shift_right_arithmetic3A_239 = arith.constant 7 : i32
        %shift_right_arithmetic3A_240 = vector.broadcast %shift_right_arithmetic3A_239 : i32 to vector<16xi32>
        %shift_right_arithmetic3A_241 = arith.shrsi %and3A_238, %shift_right_arithmetic3A_240 : vector<16xi32>
        %shift_left3A_242 = arith.constant 8 : i32
        %shift_left3A_243 = vector.broadcast %shift_left3A_242 : i32 to vector<16xi32>
        %shift_left3A_244 = arith.shli %shift_right_arithmetic3A_241, %shift_left3A_243 : vector<16xi32>
        %shift_left3A_245 = arith.constant 7 : i32
        %shift_left3A_246 = arith.shli %select_n3A, %shift_left3A_245 : i32
        %add3A_247 = vector.broadcast %shift_left3A_246 : i32 to vector<16xi32>
        %add3A_248 = arith.addi %shift_left3A_244, %add3A_247 : vector<16xi32>
        %and3A_249 = arith.constant 127 : i32
        %and3A_250 = vector.broadcast %and3A_249 : i32 to vector<16xi32>
        %and3A_251 = arith.andi %and3A_238, %and3A_250 : vector<16xi32>
        %add3A_252 = arith.addi %add3A_248, %and3A_251 : vector<16xi32>
        %mul3A_253 = arith.constant 16 : i32
        %mul3A_254 = arith.muli %scan3A_202, %mul3A_253 : i32
        %swap3A_255 = arith.index_cast %mul3A_254 : i32 to index
        %swap3A_256 = tpu.vector_load %arg12[%swap3A_255] {strides = array<i32>} : memref<16384xi32, #tpu.memory_space<vmem>>, vector<16xi32>,
        tpu.vector_store %arg12[%swap3A_255], %add3A_252 {strides = array<i32>} : memref<16384xi32, #tpu.memory_space<vmem>>, vector<16xi32>,
        %scan3A_257 = arith.constant 0 : i32
        %scan3A_258 = arith.constant 2 : i32
        %scan3A_259 = arith.addi %scan3A_147, %scan3A_258 : i32
        %mul3A_260 = arith.constant 16 : i32
        %mul3A_261 = arith.muli %scan3A_259, %mul3A_260 : i32
        %add3A_262 = arith.addi %sub3A, %mul3A_261 : i32
        %add3A_263 = vector.broadcast %add3A_262 : i32 to vector<16xi32>
        %add3A_264 = arith.addi %add3A_263, %iota3A : vector<16xi32>
        %mul3A_265 = arith.constant 6473 : i32
        %mul3A_266 = vector.broadcast %mul3A_265 : i32 to vector<16xi32>
        %mul3A_267 = arith.muli %add3A_264, %mul3A_266 : vector<16xi32>
        %shift_right_arithmetic3A_268 = arith.constant 21 : i32
        %shift_right_arithmetic3A_269 = vector.broadcast %shift_right_arithmetic3A_268 : i32 to vector<16xi32>
        %shift_right_arithmetic3A_270 = arith.shrsi %mul3A_267, %shift_right_arithmetic3A_269 : vector<16xi32>
        %mul3A_271 = arith.constant 324 : i32
        %mul3A_272 = vector.broadcast %mul3A_271 : i32 to vector<16xi32>
        %mul3A_273 = arith.muli %shift_right_arithmetic3A_270, %mul3A_272 : vector<16xi32>
        %sub3A_274 = arith.subi %add3A_264, %mul3A_273 : vector<16xi32>
        %mul3A_275 = arith.constant 3641 : i32
        %mul3A_276 = vector.broadcast %mul3A_275 : i32 to vector<16xi32>
        %mul3A_277 = arith.muli %sub3A_274, %mul3A_276 : vector<16xi32>
        %shift_right_arithmetic3A_278 = arith.constant 16 : i32
        %shift_right_arithmetic3A_279 = vector.broadcast %shift_right_arithmetic3A_278 : i32 to vector<16xi32>
        %shift_right_arithmetic3A_280 = arith.shrsi %mul3A_277, %shift_right_arithmetic3A_279 : vector<16xi32>
        %mul3A_281 = arith.constant 18 : i32
        %mul3A_282 = vector.broadcast %mul3A_281 : i32 to vector<16xi32>
        %mul3A_283 = arith.muli %shift_right_arithmetic3A_280, %mul3A_282 : vector<16xi32>
        %sub3A_284 = arith.subi %sub3A_274, %mul3A_283 : vector<16xi32>
        %mul3A_285 = arith.constant -1640531535 : i32
        %mul3A_286 = vector.broadcast %mul3A_285 : i32 to vector<16xi32>
        %mul3A_287 = arith.muli %shift_right_arithmetic3A_280, %mul3A_286 : vector<16xi32>
        %xor3A_288 = arith.xori %shift_right_arithmetic3A_270, %mul3A_287 : vector<16xi32>
        %mul3A_289 = arith.constant 805459861 : i32
        %mul3A_290 = vector.broadcast %mul3A_289 : i32 to vector<16xi32>
        %mul3A_291 = arith.muli %sub3A_284, %mul3A_290 : vector<16xi32>
        %xor3A_292 = arith.xori %xor3A_288, %mul3A_291 : vector<16xi32>
        %and3A_293 = arith.constant 524287 : i32
        %and3A_294 = vector.broadcast %and3A_293 : i32 to vector<16xi32>
        %and3A_295 = arith.andi %xor3A_292, %and3A_294 : vector<16xi32>
        %shift_right_arithmetic3A_296 = arith.constant 7 : i32
        %shift_right_arithmetic3A_297 = vector.broadcast %shift_right_arithmetic3A_296 : i32 to vector<16xi32>
        %shift_right_arithmetic3A_298 = arith.shrsi %and3A_295, %shift_right_arithmetic3A_297 : vector<16xi32>
        %shift_left3A_299 = arith.constant 8 : i32
        %shift_left3A_300 = vector.broadcast %shift_left3A_299 : i32 to vector<16xi32>
        %shift_left3A_301 = arith.shli %shift_right_arithmetic3A_298, %shift_left3A_300 : vector<16xi32>
        %shift_left3A_302 = arith.constant 7 : i32
        %shift_left3A_303 = arith.shli %select_n3A, %shift_left3A_302 : i32
        %add3A_304 = vector.broadcast %shift_left3A_303 : i32 to vector<16xi32>
        %add3A_305 = arith.addi %shift_left3A_301, %add3A_304 : vector<16xi32>
        %and3A_306 = arith.constant 127 : i32
        %and3A_307 = vector.broadcast %and3A_306 : i32 to vector<16xi32>
        %and3A_308 = arith.andi %and3A_295, %and3A_307 : vector<16xi32>
        %add3A_309 = arith.addi %add3A_305, %and3A_308 : vector<16xi32>
        %mul3A_310 = arith.constant 16 : i32
        %mul3A_311 = arith.muli %scan3A_259, %mul3A_310 : i32
        %swap3A_312 = arith.index_cast %mul3A_311 : i32 to index
        %swap3A_313 = tpu.vector_load %arg12[%swap3A_312] {strides = array<i32>} : memref<16384xi32, #tpu.memory_space<vmem>>, vector<16xi32>,
        tpu.vector_store %arg12[%swap3A_312], %add3A_309 {strides = array<i32>} : memref<16384xi32, #tpu.memory_space<vmem>>, vector<16xi32>,
        %scan3A_314 = arith.constant 0 : i32
        %scan3A_315 = arith.constant 3 : i32
        %scan3A_316 = arith.addi %scan3A_147, %scan3A_315 : i32
        %mul3A_317 = arith.constant 16 : i32
        %mul3A_318 = arith.muli %scan3A_316, %mul3A_317 : i32
        %add3A_319 = arith.addi %sub3A, %mul3A_318 : i32
        %add3A_320 = vector.broadcast %add3A_319 : i32 to vector<16xi32>
        %add3A_321 = arith.addi %add3A_320, %iota3A : vector<16xi32>
        %mul3A_322 = arith.constant 6473 : i32
        %mul3A_323 = vector.broadcast %mul3A_322 : i32 to vector<16xi32>
        %mul3A_324 = arith.muli %add3A_321, %mul3A_323 : vector<16xi32>
        %shift_right_arithmetic3A_325 = arith.constant 21 : i32
        %shift_right_arithmetic3A_326 = vector.broadcast %shift_right_arithmetic3A_325 : i32 to vector<16xi32>
        %shift_right_arithmetic3A_327 = arith.shrsi %mul3A_324, %shift_right_arithmetic3A_326 : vector<16xi32>
        %mul3A_328 = arith.constant 324 : i32
        %mul3A_329 = vector.broadcast %mul3A_328 : i32 to vector<16xi32>
        %mul3A_330 = arith.muli %shift_right_arithmetic3A_327, %mul3A_329 : vector<16xi32>
        %sub3A_331 = arith.subi %add3A_321, %mul3A_330 : vector<16xi32>
        %mul3A_332 = arith.constant 3641 : i32
        %mul3A_333 = vector.broadcast %mul3A_332 : i32 to vector<16xi32>
        %mul3A_334 = arith.muli %sub3A_331, %mul3A_333 : vector<16xi32>
        %shift_right_arithmetic3A_335 = arith.constant 16 : i32
        %shift_right_arithmetic3A_336 = vector.broadcast %shift_right_arithmetic3A_335 : i32 to vector<16xi32>
        %shift_right_arithmetic3A_337 = arith.shrsi %mul3A_334, %shift_right_arithmetic3A_336 : vector<16xi32>
        %mul3A_338 = arith.constant 18 : i32
        %mul3A_339 = vector.broadcast %mul3A_338 : i32 to vector<16xi32>
        %mul3A_340 = arith.muli %shift_right_arithmetic3A_337, %mul3A_339 : vector<16xi32>
        %sub3A_341 = arith.subi %sub3A_331, %mul3A_340 : vector<16xi32>
        %mul3A_342 = arith.constant -1640531535 : i32
        %mul3A_343 = vector.broadcast %mul3A_342 : i32 to vector<16xi32>
        %mul3A_344 = arith.muli %shift_right_arithmetic3A_337, %mul3A_343 : vector<16xi32>
        %xor3A_345 = arith.xori %shift_right_arithmetic3A_327, %mul3A_344 : vector<16xi32>
        %mul3A_346 = arith.constant 805459861 : i32
        %mul3A_347 = vector.broadcast %mul3A_346 : i32 to vector<16xi32>
        %mul3A_348 = arith.muli %sub3A_341, %mul3A_347 : vector<16xi32>
        %xor3A_349 = arith.xori %xor3A_345, %mul3A_348 : vector<16xi32>
        %and3A_350 = arith.constant 524287 : i32
        %and3A_351 = vector.broadcast %and3A_350 : i32 to vector<16xi32>
        %and3A_352 = arith.andi %xor3A_349, %and3A_351 : vector<16xi32>
        %shift_right_arithmetic3A_353 = arith.constant 7 : i32
        %shift_right_arithmetic3A_354 = vector.broadcast %shift_right_arithmetic3A_353 : i32 to vector<16xi32>
        %shift_right_arithmetic3A_355 = arith.shrsi %and3A_352, %shift_right_arithmetic3A_354 : vector<16xi32>
        %shift_left3A_356 = arith.constant 8 : i32
        %shift_left3A_357 = vector.broadcast %shift_left3A_356 : i32 to vector<16xi32>
        %shift_left3A_358 = arith.shli %shift_right_arithmetic3A_355, %shift_left3A_357 : vector<16xi32>
        %shift_left3A_359 = arith.constant 7 : i32
        %shift_left3A_360 = arith.shli %select_n3A, %shift_left3A_359 : i32
        %add3A_361 = vector.broadcast %shift_left3A_360 : i32 to vector<16xi32>
        %add3A_362 = arith.addi %shift_left3A_358, %add3A_361 : vector<16xi32>
        %and3A_363 = arith.constant 127 : i32
        %and3A_364 = vector.broadcast %and3A_363 : i32 to vector<16xi32>
        %and3A_365 = arith.andi %and3A_352, %and3A_364 : vector<16xi32>
        %add3A_366 = arith.addi %add3A_362, %and3A_365 : vector<16xi32>
        %mul3A_367 = arith.constant 16 : i32
        %mul3A_368 = arith.muli %scan3A_316, %mul3A_367 : i32
        %swap3A_369 = arith.index_cast %mul3A_368 : i32 to index
        %swap3A_370 = tpu.vector_load %arg12[%swap3A_369] {strides = array<i32>} : memref<16384xi32, #tpu.memory_space<vmem>>, vector<16xi32>,
        tpu.vector_store %arg12[%swap3A_369], %add3A_366 {strides = array<i32>} : memref<16384xi32, #tpu.memory_space<vmem>>, vector<16xi32>,
        %scan3A_371 = arith.constant 0 : i32
        scf.yield %scan3A_371 : i32
      }
      %scan3A_72 = arith.constant 48 : i32
      %dma_start3A_73 = arith.constant 0 : i32
      %dma_start3A_74 = tpu.memref_slice %arg14[%dma_start3A_73] : memref<16384xf32, #tpu.memory_space<vmem>> -> memref<128xf32, #tpu.memory_space<vmem>>
      %dma_start3A_75 = arith.constant 0 : i32
      %dma_start3A_76 = tpu.memref_slice %arg12[%dma_start3A_75] : memref<16384xi32, #tpu.memory_space<vmem>> -> memref<128xi32, #tpu.memory_space<vmem>>
      %dma_start3A_77 = arith.constant 0 : i32
      %dma_start3A_78 = tpu.memref_slice %arg5[%dma_start3A_77] : memref<16777216xf32, #tpu.memory_space<hbm>> -> memref<16777216xf32, #tpu.memory_space<hbm>>
      tpu.enqueue_indirect_dma source(%dma_start3A_78 : memref<16777216xf32, #tpu.memory_space<hbm>>) target(%dma_start3A_74 : memref<128xf32, #tpu.memory_space<vmem>>) offsets(%dma_start3A_76 : memref<128xi32, #tpu.memory_space<vmem>>) semaphore(%arg21 : memref<!tpu.dma_semaphore, #tpu.memory_space<semaphore_mem>>)
      %dma_start3A_79 = arith.constant 128 : i32
      %dma_start3A_80 = tpu.memref_slice %arg14[%dma_start3A_79] : memref<16384xf32, #tpu.memory_space<vmem>> -> memref<128xf32, #tpu.memory_space<vmem>>
      %dma_start3A_81 = arith.constant 128 : i32
      %dma_start3A_82 = tpu.memref_slice %arg12[%dma_start3A_81] : memref<16384xi32, #tpu.memory_space<vmem>> -> memref<128xi32, #tpu.memory_space<vmem>>
      %dma_start3A_83 = arith.constant 0 : i32
      %dma_start3A_84 = tpu.memref_slice %arg5[%dma_start3A_83] : memref<16777216xf32, #tpu.memory_space<hbm>> -> memref<16777216xf32, #tpu.memory_space<hbm>>
      tpu.enqueue_indirect_dma source(%dma_start3A_84 : memref<16777216xf32, #tpu.memory_space<hbm>>) target(%dma_start3A_80 : memref<128xf32, #tpu.memory_space<vmem>>) offsets(%dma_start3A_82 : memref<128xi32, #tpu.memory_space<vmem>>) semaphore(%arg21 : memref<!tpu.dma_semaphore, #tpu.memory_space<semaphore_mem>>)
      %dma_start3A_85 = arith.constant 256 : i32
      %dma_start3A_86 = tpu.memref_slice %arg14[%dma_start3A_85] : memref<16384xf32, #tpu.memory_space<vmem>> -> memref<128xf32, #tpu.memory_space<vmem>>
      %dma_start3A_87 = arith.constant 256 : i32
      %dma_start3A_88 = tpu.memref_slice %arg12[%dma_start3A_87] : memref<16384xi32, #tpu.memory_space<vmem>> -> memref<128xi32, #tpu.memory_space<vmem>>
      %dma_start3A_89 = arith.constant 0 : i32
      %dma_start3A_90 = tpu.memref_slice %arg5[%dma_start3A_89] : memref<16777216xf32, #tpu.memory_space<hbm>> -> memref<16777216xf32, #tpu.memory_space<hbm>>
      tpu.enqueue_indirect_dma source(%dma_start3A_90 : memref<16777216xf32, #tpu.memory_space<hbm>>) target(%dma_start3A_86 : memref<128xf32, #tpu.memory_space<vmem>>) offsets(%dma_start3A_88 : memref<128xi32, #tpu.memory_space<vmem>>) semaphore(%arg21 : memref<!tpu.dma_semaphore, #tpu.memory_space<semaphore_mem>>)
      %dma_start3A_91 = arith.constant 384 : i32
      %dma_start3A_92 = tpu.memref_slice %arg14[%dma_start3A_91] : memref<16384xf32, #tpu.memory_space<vmem>> -> memref<128xf32, #tpu.memory_space<vmem>>
      %dma_start3A_93 = arith.constant 384 : i32
      %dma_start3A_94 = tpu.memref_slice %arg12[%dma_start3A_93] : memref<16384xi32, #tpu.memory_space<vmem>> -> memref<128xi32, #tpu.memory_space<vmem>>
      %dma_start3A_95 = arith.constant 0 : i32
      %dma_start3A_96 = tpu.memref_slice %arg5[%dma_start3A_95] : memref<16777216xf32, #tpu.memory_space<hbm>> -> memref<16777216xf32, #tpu.memory_space<hbm>>
      tpu.enqueue_indirect_dma source(%dma_start3A_96 : memref<16777216xf32, #tpu.memory_space<hbm>>) target(%dma_start3A_92 : memref<128xf32, #tpu.memory_space<vmem>>) offsets(%dma_start3A_94 : memref<128xi32, #tpu.memory_space<vmem>>) semaphore(%arg21 : memref<!tpu.dma_semaphore, #tpu.memory_space<semaphore_mem>>)
      %dma_start3A_97 = arith.constant 512 : i32
      %dma_start3A_98 = tpu.memref_slice %arg14[%dma_start3A_97] : memref<16384xf32, #tpu.memory_space<vmem>> -> memref<128xf32, #tpu.memory_space<vmem>>
      %dma_start3A_99 = arith.constant 512 : i32
      %dma_start3A_100 = tpu.memref_slice %arg12[%dma_start3A_99] : memref<16384xi32, #tpu.memory_space<vmem>> -> memref<128xi32, #tpu.memory_space<vmem>>
      %dma_start3A_101 = arith.constant 0 : i32
      %dma_start3A_102 = tpu.memref_slice %arg5[%dma_start3A_101] : memref<16777216xf32, #tpu.memory_space<hbm>> -> memref<16777216xf32, #tpu.memory_space<hbm>>
      tpu.enqueue_indirect_dma source(%dma_start3A_102 : memref<16777216xf32, #tpu.memory_space<hbm>>) target(%dma_start3A_98 : memref<128xf32, #tpu.memory_space<vmem>>) offsets(%dma_start3A_100 : memref<128xi32, #tpu.memory_space<vmem>>) semaphore(%arg21 : memref<!tpu.dma_semaphore, #tpu.memory_space<semaphore_mem>>)
      %dma_start3A_103 = arith.constant 640 : i32
      %dma_start3A_104 = tpu.memref_slice %arg14[%dma_start3A_103] : memref<16384xf32, #tpu.memory_space<vmem>> -> memref<128xf32, #tpu.memory_space<vmem>>
      %dma_start3A_105 = arith.constant 640 : i32
      %dma_start3A_106 = tpu.memref_slice %arg12[%dma_start3A_105] : memref<16384xi32, #tpu.memory_space<vmem>> -> memref<128xi32, #tpu.memory_space<vmem>>
      %dma_start3A_107 = arith.constant 0 : i32
      %dma_start3A_108 = tpu.memref_slice %arg5[%dma_start3A_107] : memref<16777216xf32, #tpu.memory_space<hbm>> -> memref<16777216xf32, #tpu.memory_space<hbm>>
      tpu.enqueue_indirect_dma source(%dma_start3A_108 : memref<16777216xf32, #tpu.memory_space<hbm>>) target(%dma_start3A_104 : memref<128xf32, #tpu.memory_space<vmem>>) offsets(%dma_start3A_106 : memref<128xi32, #tpu.memory_space<vmem>>) semaphore(%arg21 : memref<!tpu.dma_semaphore, #tpu.memory_space<semaphore_mem>>)
      %dma_wait3A_109 = arith.constant 0 : i32
      %dma_wait3A_110 = tpu.memref_slice %arg14[%dma_wait3A_109] : memref<16384xf32, #tpu.memory_space<vmem>> -> memref<128xf32, #tpu.memory_space<vmem>>
      %dma_wait3A_111 = arith.constant 0 : i32
      %dma_wait3A_112 = tpu.memref_slice %arg12[%dma_wait3A_111] : memref<16384xi32, #tpu.memory_space<vmem>> -> memref<128xi32, #tpu.memory_space<vmem>>
      %dma_wait3A_113 = arith.constant 0 : i32
      %dma_wait3A_114 = tpu.memref_slice %arg5[%dma_wait3A_113] : memref<16777216xf32, #tpu.memory_space<hbm>> -> memref<16777216xf32, #tpu.memory_space<hbm>>
      tpu.wait_indirect_dma semaphore(%arg21 : memref<!tpu.dma_semaphore, #tpu.memory_space<semaphore_mem>>) src(%dma_wait3A_114 : memref<16777216xf32, #tpu.memory_space<hbm>>) dst(%dma_wait3A_110 : memref<128xf32, #tpu.memory_space<vmem>>)
      %dma_wait3A_115 = arith.constant 128 : i32
      %dma_wait3A_116 = tpu.memref_slice %arg14[%dma_wait3A_115] : memref<16384xf32, #tpu.memory_space<vmem>> -> memref<128xf32, #tpu.memory_space<vmem>>
      %dma_wait3A_117 = arith.constant 128 : i32
      %dma_wait3A_118 = tpu.memref_slice %arg12[%dma_wait3A_117] : memref<16384xi32, #tpu.memory_space<vmem>> -> memref<128xi32, #tpu.memory_space<vmem>>
      %dma_wait3A_119 = arith.constant 0 : i32
      %dma_wait3A_120 = tpu.memref_slice %arg5[%dma_wait3A_119] : memref<16777216xf32, #tpu.memory_space<hbm>> -> memref<16777216xf32, #tpu.memory_space<hbm>>
      tpu.wait_indirect_dma semaphore(%arg21 : memref<!tpu.dma_semaphore, #tpu.memory_space<semaphore_mem>>) src(%dma_wait3A_120 : memref<16777216xf32, #tpu.memory_space<hbm>>) dst(%dma_wait3A_116 : memref<128xf32, #tpu.memory_space<vmem>>)
      %dma_wait3A_121 = arith.constant 256 : i32
      %dma_wait3A_122 = tpu.memref_slice %arg14[%dma_wait3A_121] : memref<16384xf32, #tpu.memory_space<vmem>> -> memref<128xf32, #tpu.memory_space<vmem>>
      %dma_wait3A_123 = arith.constant 256 : i32
      %dma_wait3A_124 = tpu.memref_slice %arg12[%dma_wait3A_123] : memref<16384xi32, #tpu.memory_space<vmem>> -> memref<128xi32, #tpu.memory_space<vmem>>
      %dma_wait3A_125 = arith.constant 0 : i32
      %dma_wait3A_126 = tpu.memref_slice %arg5[%dma_wait3A_125] : memref<16777216xf32, #tpu.memory_space<hbm>> -> memref<16777216xf32, #tpu.memory_space<hbm>>
      tpu.wait_indirect_dma semaphore(%arg21 : memref<!tpu.dma_semaphore, #tpu.memory_space<semaphore_mem>>) src(%dma_wait3A_126 : memref<16777216xf32, #tpu.memory_space<hbm>>) dst(%dma_wait3A_122 : memref<128xf32, #tpu.memory_space<vmem>>)
      %dma_wait3A_127 = arith.constant 384 : i32
      %dma_wait3A_128 = tpu.memref_slice %arg14[%dma_wait3A_127] : memref<16384xf32, #tpu.memory_space<vmem>> -> memref<128xf32, #tpu.memory_space<vmem>>
      %dma_wait3A_129 = arith.constant 384 : i32
      %dma_wait3A_130 = tpu.memref_slice %arg12[%dma_wait3A_129] : memref<16384xi32, #tpu.memory_space<vmem>> -> memref<128xi32, #tpu.memory_space<vmem>>
      %dma_wait3A_131 = arith.constant 0 : i32
      %dma_wait3A_132 = tpu.memref_slice %arg5[%dma_wait3A_131] : memref<16777216xf32, #tpu.memory_space<hbm>> -> memref<16777216xf32, #tpu.memory_space<hbm>>
      tpu.wait_indirect_dma semaphore(%arg21 : memref<!tpu.dma_semaphore, #tpu.memory_space<semaphore_mem>>) src(%dma_wait3A_132 : memref<16777216xf32, #tpu.memory_space<hbm>>) dst(%dma_wait3A_128 : memref<128xf32, #tpu.memory_space<vmem>>)
      %dma_wait3A_133 = arith.constant 512 : i32
      %dma_wait3A_134 = tpu.memref_slice %arg14[%dma_wait3A_133] : memref<16384xf32, #tpu.memory_space<vmem>> -> memref<128xf32, #tpu.memory_space<vmem>>
      %dma_wait3A_135 = arith.constant 512 : i32
      %dma_wait3A_136 = tpu.memref_slice %arg12[%dma_wait3A_135] : memref<16384xi32, #tpu.memory_space<vmem>> -> memref<128xi32, #tpu.memory_space<vmem>>
      %dma_wait3A_137 = arith.constant 0 : i32
      %dma_wait3A_138 = tpu.memref_slice %arg5[%dma_wait3A_137] : memref<16777216xf32, #tpu.memory_space<hbm>> -> memref<16777216xf32, #tpu.memory_space<hbm>>
      tpu.wait_indirect_dma semaphore(%arg21 : memref<!tpu.dma_semaphore, #tpu.memory_space<semaphore_mem>>) src(%dma_wait3A_138 : memref<16777216xf32, #tpu.memory_space<hbm>>) dst(%dma_wait3A_134 : memref<128xf32, #tpu.memory_space<vmem>>)
      %dma_wait3A_139 = arith.constant 640 : i32
      %dma_wait3A_140 = tpu.memref_slice %arg14[%dma_wait3A_139] : memref<16384xf32, #tpu.memory_space<vmem>> -> memref<128xf32, #tpu.memory_space<vmem>>
      %dma_wait3A_141 = arith.constant 640 : i32
      %dma_wait3A_142 = tpu.memref_slice %arg12[%dma_wait3A_141] : memref<16384xi32, #tpu.memory_space<vmem>> -> memref<128xi32, #tpu.memory_space<vmem>>
      %dma_wait3A_143 = arith.constant 0 : i32
      %dma_wait3A_144 = tpu.memref_slice %arg5[%dma_wait3A_143] : memref<16777216xf32, #tpu.memory_space<hbm>> -> memref<16777216xf32, #tpu.memory_space<hbm>>
      tpu.wait_indirect_dma semaphore(%arg21 : memref<!tpu.dma_semaphore, #tpu.memory_space<semaphore_mem>>) src(%dma_wait3A_144 : memref<16777216xf32, #tpu.memory_space<hbm>>) dst(%dma_wait3A_140 : memref<128xf32, #tpu.memory_space<vmem>>)
      %mul3A_145 = arith.constant 768 : i32
      %mul3A_146 = arith.muli %arg1, %mul3A_145 : i32
      "tpu.region"() ({
        %run_scoped3A = tpu.sem_alloc : memref<!tpu.dma_semaphore, #tpu.memory_space<semaphore_mem>>
        %dma_start3A_147 = arith.constant 0 : i32
        %dma_start3A_148 = tpu.memref_slice %arg14[%dma_start3A_147] : memref<16384xf32, #tpu.memory_space<vmem>> -> memref<768xf32, #tpu.memory_space<vmem>>
        %dma_start3A_149 = tpu.memref_slice %arg20[%mul3A_146] : memref<12288xf32, #tpu.memory_space<vmem_shared>> -> memref<768xf32, #tpu.memory_space<vmem_shared>>
        %dma_start3A_150 = tpu.memref_slice %arg20[%mul3A_146] : memref<12288xf32, #tpu.memory_space<vmem_shared>> -> memref<768xf32, #tpu.memory_space<vmem_shared>>
        %dma_start3A_151 = arith.constant 0 : i32
        %dma_start3A_152 = tpu.memref_slice %arg14[%dma_start3A_151] : memref<16384xf32, #tpu.memory_space<vmem>> -> memref<768xf32, #tpu.memory_space<vmem>>
        tpu.enqueue_dma source(%dma_start3A_152 : memref<768xf32, #tpu.memory_space<vmem>>) target(%dma_start3A_150 : memref<768xf32, #tpu.memory_space<vmem_shared>>) target_semaphore(%run_scoped3A : memref<!tpu.dma_semaphore, #tpu.memory_space<semaphore_mem>>)
        %dma_wait3A_153 = arith.constant 0 : i32
        %dma_wait3A_154 = tpu.memref_slice %arg14[%dma_wait3A_153] : memref<16384xf32, #tpu.memory_space<vmem>> -> memref<768xf32, #tpu.memory_space<vmem>>
        %dma_wait3A_155 = tpu.memref_slice %arg20[%mul3A_146] : memref<12288xf32, #tpu.memory_space<vmem_shared>> -> memref<768xf32, #tpu.memory_space<vmem_shared>>
        %dma_wait3A_156 = tpu.memref_slice %arg20[%mul3A_146] : memref<12288xf32, #tpu.memory_space<vmem_shared>> -> memref<768xf32, #tpu.memory_space<vmem_shared>>
        %dma_wait3A_157 = arith.constant 0 : i32
        %dma_wait3A_158 = tpu.memref_slice %arg14[%dma_wait3A_157] : memref<16384xf32, #tpu.memory_space<vmem>> -> memref<768xf32, #tpu.memory_space<vmem>>
        tpu.wait_dma2 semaphore(%run_scoped3A : memref<!tpu.dma_semaphore, #tpu.memory_space<semaphore_mem>>) src(%dma_wait3A_158 : memref<768xf32, #tpu.memory_space<vmem>>) dst(%dma_wait3A_156 : memref<768xf32, #tpu.memory_space<vmem_shared>>)
        tpu.yield
      }) : () -> ()
      %barrier3A = arith.constant 0 : index
      tpu.barrier barrier_id(%barrier3A)
      "tpu.region"() ({
        %run_scoped3A = tpu.sem_alloc : memref<!tpu.dma_semaphore, #tpu.memory_space<semaphore_mem>>
        %dma_start3A_147 = arith.constant 0 : i32
        %dma_start3A_148 = tpu.memref_slice %arg20[%dma_start3A_147] : memref<12288xf32, #tpu.memory_space<vmem_shared>> -> memref<6144xf32, #tpu.memory_space<vmem_shared>>
        %dma_start3A_149 = arith.constant 0 : i32
        %dma_start3A_150 = tpu.memref_slice %arg20[%dma_start3A_149] : memref<12288xf32, #tpu.memory_space<vmem_shared>> -> memref<6144xf32, #tpu.memory_space<vmem_shared>>
        tpu.enqueue_dma source(%dma_start3A_150 : memref<6144xf32, #tpu.memory_space<vmem_shared>>) target(%arg18 : memref<6144xf32, #tpu.memory_space<vmem>>) target_semaphore(%run_scoped3A : memref<!tpu.dma_semaphore, #tpu.memory_space<semaphore_mem>>)
        %dma_wait3A_151 = arith.constant 0 : i32
        %dma_wait3A_152 = tpu.memref_slice %arg20[%dma_wait3A_151] : memref<12288xf32, #tpu.memory_space<vmem_shared>> -> memref<6144xf32, #tpu.memory_space<vmem_shared>>
        %dma_wait3A_153 = arith.constant 0 : i32
        %dma_wait3A_154 = tpu.memref_slice %arg20[%dma_wait3A_153] : memref<12288xf32, #tpu.memory_space<vmem_shared>> -> memref<6144xf32, #tpu.memory_space<vmem_shared>>
        tpu.wait_dma2 semaphore(%run_scoped3A : memref<!tpu.dma_semaphore, #tpu.memory_space<semaphore_mem>>) src(%dma_wait3A_154 : memref<6144xf32, #tpu.memory_space<vmem_shared>>) dst(%arg18 : memref<6144xf32, #tpu.memory_space<vmem>>)
        tpu.yield
      }) : () -> ()
      "tpu.region"() ({
        %run_scoped3A = tpu.sem_alloc : memref<!tpu.dma_semaphore, #tpu.memory_space<semaphore_mem>>
        %dma_start3A_147 = arith.constant 6144 : i32
        %dma_start3A_148 = tpu.memref_slice %arg20[%dma_start3A_147] : memref<12288xf32, #tpu.memory_space<vmem_shared>> -> memref<6144xf32, #tpu.memory_space<vmem_shared>>
        %dma_start3A_149 = arith.constant 6144 : i32
        %dma_start3A_150 = tpu.memref_slice %arg20[%dma_start3A_149] : memref<12288xf32, #tpu.memory_space<vmem_shared>> -> memref<6144xf32, #tpu.memory_space<vmem_shared>>
        tpu.enqueue_dma source(%dma_start3A_150 : memref<6144xf32, #tpu.memory_space<vmem_shared>>) target(%arg19 : memref<6144xf32, #tpu.memory_space<vmem>>) target_semaphore(%run_scoped3A : memref<!tpu.dma_semaphore, #tpu.memory_space<semaphore_mem>>)
        %dma_wait3A_151 = arith.constant 6144 : i32
        %dma_wait3A_152 = tpu.memref_slice %arg20[%dma_wait3A_151] : memref<12288xf32, #tpu.memory_space<vmem_shared>> -> memref<6144xf32, #tpu.memory_space<vmem_shared>>
        %dma_wait3A_153 = arith.constant 6144 : i32
        %dma_wait3A_154 = tpu.memref_slice %arg20[%dma_wait3A_153] : memref<12288xf32, #tpu.memory_space<vmem_shared>> -> memref<6144xf32, #tpu.memory_space<vmem_shared>>
        tpu.wait_dma2 semaphore(%run_scoped3A : memref<!tpu.dma_semaphore, #tpu.memory_space<semaphore_mem>>) src(%dma_wait3A_154 : memref<6144xf32, #tpu.memory_space<vmem_shared>>) dst(%arg19 : memref<6144xf32, #tpu.memory_space<vmem>>)
        tpu.yield
      }) : () -> ()
    } else {
    }
    %scan3A_38 = arith.constant 0 : i32
    %scan3A_39 = arith.constant 0 : i32
    %scan3A_40 = arith.constant 8 : i32
    %scan3A_41 = arith.addi %scan3A_39, %scan3A_40 : i32
    %scan3A_42 = arith.constant 1 : i32
    %scan3A_43 = scf.for %scan3A_60 = %scan3A_39 to %scan3A_41 step %scan3A_42 iter_args(%scan3A_61 = %scan3A_38) -> (i32)  : i32 {
      %and3A_62 = arith.constant 1 : i32
      %and3A_63 = arith.andi %scan3A_60, %and3A_62 : i32
      %mul3A_64 = arith.constant 1024 : i32
      %mul3A_65 = arith.muli %and3A_63, %mul3A_64 : i32
      %and3A_66 = arith.constant 1 : i32
      %and3A_67 = arith.andi %scan3A_60, %and3A_66 : i32
      %mul3A_68 = arith.constant 32768 : i32
      %mul3A_69 = arith.muli %and3A_67, %mul3A_68 : i32
      %mul3A_70 = arith.constant 1024 : i32
      %mul3A_71 = arith.muli %scan3A_60, %mul3A_70 : i32
      %add3A_72 = arith.addi %mul3A_7, %mul3A_71 : i32
      %dma_wait3A_73 = arith.constant 0 : i32
      %dma_wait3A_74 = tpu.memref_slice %arg12[%dma_wait3A_73] : memref<16384xi32, #tpu.memory_space<vmem>> -> memref<3072xi32, #tpu.memory_space<vmem>>
      %dma_wait3A_75 = arith.constant 0 : i32
      %dma_wait3A_76 = tpu.memref_slice %arg2[%dma_wait3A_75] : memref<262144xf32, #tpu.memory_space<hbm>> -> memref<3072xf32, #tpu.memory_space<hbm>>
      %dma_wait3A_77 = arith.constant 0 : i32
      %dma_wait3A_78 = tpu.memref_slice %arg12[%dma_wait3A_77] : memref<16384xi32, #tpu.memory_space<vmem>> -> memref<3072xi32, #tpu.memory_space<vmem>>
      %dma_wait3A_79 = arith.constant 0 : i32
      %dma_wait3A_80 = tpu.memref_slice %arg2[%dma_wait3A_79] : memref<262144xf32, #tpu.memory_space<hbm>> -> memref<3072xf32, #tpu.memory_space<hbm>>
      tpu.wait_dma2 semaphore(%arg22 : memref<!tpu.dma_semaphore, #tpu.memory_space<semaphore_mem>>) src(%dma_wait3A_80 : memref<3072xf32, #tpu.memory_space<hbm>>) dst(%dma_wait3A_78 : memref<3072xi32, #tpu.memory_space<vmem>>)
      %add3A_81 = arith.constant 1 : i32
      %add3A_82 = arith.addi %scan3A_60, %add3A_81 : i32
      %lt3A = arith.constant 8 : i32
      %lt3A_83 = arith.cmpi slt, %add3A_82, %lt3A : i32
      %convert_element_type3A_84 = arith.extui %lt3A_83 : i1 to i32
      %cond3A_85 = arith.constant 0 : i32
      %cond3A_86 = arith.cmpi ne, %convert_element_type3A_84, %cond3A_85 : i32
      scf.if %cond3A_86 {
        %sub3A = arith.constant 1024 : i32
        %sub3A_142 = arith.subi %sub3A, %mul3A_65 : i32
        %add3A_143 = arith.constant 1024 : i32
        %add3A_144 = arith.addi %add3A_72, %add3A_143 : i32
        %dma_start3A_145 = tpu.memref_slice %arg9[%sub3A_142] : memref<2048xf32, #tpu.memory_space<vmem>> -> memref<1024xf32, #tpu.memory_space<vmem>>
        %dma_start3A_146 = tpu.memref_slice %arg2[%add3A_144] : memref<262144xf32, #tpu.memory_space<hbm>> -> memref<1024xf32, #tpu.memory_space<hbm>>
        %dma_start3A_147 = tpu.memref_slice %arg9[%sub3A_142] : memref<2048xf32, #tpu.memory_space<vmem>> -> memref<1024xf32, #tpu.memory_space<vmem>>
        %dma_start3A_148 = tpu.memref_slice %arg2[%add3A_144] : memref<262144xf32, #tpu.memory_space<hbm>> -> memref<1024xf32, #tpu.memory_space<hbm>>
        tpu.enqueue_dma source(%dma_start3A_148 : memref<1024xf32, #tpu.memory_space<hbm>>) target(%dma_start3A_147 : memref<1024xf32, #tpu.memory_space<vmem>>) target_semaphore(%arg22 : memref<!tpu.dma_semaphore, #tpu.memory_space<semaphore_mem>>)
        %add3A_149 = arith.constant 1024 : i32
        %add3A_150 = arith.addi %add3A_72, %add3A_149 : i32
        %dma_start3A_151 = tpu.memref_slice %arg10[%sub3A_142] : memref<2048xf32, #tpu.memory_space<vmem>> -> memref<1024xf32, #tpu.memory_space<vmem>>
        %dma_start3A_152 = tpu.memref_slice %arg3[%add3A_150] : memref<262144xf32, #tpu.memory_space<hbm>> -> memref<1024xf32, #tpu.memory_space<hbm>>
        %dma_start3A_153 = tpu.memref_slice %arg10[%sub3A_142] : memref<2048xf32, #tpu.memory_space<vmem>> -> memref<1024xf32, #tpu.memory_space<vmem>>
        %dma_start3A_154 = tpu.memref_slice %arg3[%add3A_150] : memref<262144xf32, #tpu.memory_space<hbm>> -> memref<1024xf32, #tpu.memory_space<hbm>>
        tpu.enqueue_dma source(%dma_start3A_154 : memref<1024xf32, #tpu.memory_space<hbm>>) target(%dma_start3A_153 : memref<1024xf32, #tpu.memory_space<vmem>>) target_semaphore(%arg22 : memref<!tpu.dma_semaphore, #tpu.memory_space<semaphore_mem>>)
        %add3A_155 = arith.constant 1024 : i32
        %add3A_156 = arith.addi %add3A_72, %add3A_155 : i32
        %dma_start3A_157 = tpu.memref_slice %arg11[%sub3A_142] : memref<2048xf32, #tpu.memory_space<vmem>> -> memref<1024xf32, #tpu.memory_space<vmem>>
        %dma_start3A_158 = tpu.memref_slice %arg4[%add3A_156] : memref<262144xf32, #tpu.memory_space<hbm>> -> memref<1024xf32, #tpu.memory_space<hbm>>
        %dma_start3A_159 = tpu.memref_slice %arg11[%sub3A_142] : memref<2048xf32, #tpu.memory_space<vmem>> -> memref<1024xf32, #tpu.memory_space<vmem>>
        %dma_start3A_160 = tpu.memref_slice %arg4[%add3A_156] : memref<262144xf32, #tpu.memory_space<hbm>> -> memref<1024xf32, #tpu.memory_space<hbm>>
        tpu.enqueue_dma source(%dma_start3A_160 : memref<1024xf32, #tpu.memory_space<hbm>>) target(%dma_start3A_159 : memref<1024xf32, #tpu.memory_space<vmem>>) target_semaphore(%arg22 : memref<!tpu.dma_semaphore, #tpu.memory_space<semaphore_mem>>)
      } else {
      }
      %ge3A = arith.constant 2 : i32
      %ge3A_87 = arith.cmpi sge, %scan3A_60, %ge3A : i32
      %convert_element_type3A_88 = arith.extui %ge3A_87 : i1 to i32
      %cond3A_89 = arith.constant 0 : i32
      %cond3A_90 = arith.cmpi ne, %convert_element_type3A_88, %cond3A_89 : i32
      scf.if %cond3A_90 {
        %dma_wait3A_142 = arith.constant 0 : i32
        %dma_wait3A_143 = tpu.memref_slice %arg15[%dma_wait3A_142] : memref<65536xf32, #tpu.memory_space<vmem>> -> memref<32768xf32, #tpu.memory_space<vmem>>
        %dma_wait3A_144 = arith.constant 0 : i32
        %dma_wait3A_145 = tpu.memref_slice %arg8[%dma_wait3A_144] : memref<8388608xf32, #tpu.memory_space<hbm>> -> memref<32768xf32, #tpu.memory_space<hbm>>
        %dma_wait3A_146 = arith.constant 0 : i32
        %dma_wait3A_147 = tpu.memref_slice %arg15[%dma_wait3A_146] : memref<65536xf32, #tpu.memory_space<vmem>> -> memref<32768xf32, #tpu.memory_space<vmem>>
        %dma_wait3A_148 = arith.constant 0 : i32
        %dma_wait3A_149 = tpu.memref_slice %arg8[%dma_wait3A_148] : memref<8388608xf32, #tpu.memory_space<hbm>> -> memref<32768xf32, #tpu.memory_space<hbm>>
        tpu.wait_dma2 semaphore(%arg23 : memref<!tpu.dma_semaphore, #tpu.memory_space<semaphore_mem>>) src(%dma_wait3A_149 : memref<32768xf32, #tpu.memory_space<hbm>>) dst(%dma_wait3A_147 : memref<32768xf32, #tpu.memory_space<vmem>>)
      } else {
      }
      %convert_element_type3A_91 = arith.extui %or3A : i1 to i32
      %cond3A_92 = arith.constant 0 : i32
      %cond3A_93 = arith.cmpi ne, %convert_element_type3A_91, %cond3A_92 : i32
      scf.if %cond3A_93 {
        %scan3A_142 = arith.constant 1.600000e+01 : f32
        %scan3A_143 = arith.constant 0 : i32
        %scan3A_144 = arith.constant 0 : i32
        %scan3A_145 = arith.constant 64 : i32
        %scan3A_146 = arith.addi %scan3A_144, %scan3A_145 : i32
        %scan3A_147 = arith.constant 4 : i32
        %scan3A_148 = scf.for %scan3A_150 = %scan3A_144 to %scan3A_146 step %scan3A_147 iter_args(%scan3A_151 = %scan3A_143) -> (i32)  : i32 {
          %mul3A_152 = arith.constant 16 : i32
          %mul3A_153 = arith.muli %scan3A_150, %mul3A_152 : i32
          %add3A_154 = arith.addi %mul3A_65, %mul3A_153 : i32
          %get3A_155 = arith.index_cast %add3A_154 : i32 to index
          %get3A_156 = tpu.vector_load %arg9[%get3A_155] {strides = array<i32>} : memref<2048xf32, #tpu.memory_space<vmem>>, vector<16xf32>,
          %mul3A_157 = vector.broadcast %scan3A_142 : f32 to vector<16xf32>
          %mul3A_158 = arith.mulf %get3A_156, %mul3A_157 : vector<16xf32>
          %get3A_159 = arith.index_cast %add3A_154 : i32 to index
          %get3A_160 = tpu.vector_load %arg10[%get3A_159] {strides = array<i32>} : memref<2048xf32, #tpu.memory_space<vmem>>, vector<16xf32>,
          %mul3A_161 = vector.broadcast %scan3A_142 : f32 to vector<16xf32>
          %mul3A_162 = arith.mulf %get3A_160, %mul3A_161 : vector<16xf32>
          %get3A_163 = arith.index_cast %add3A_154 : i32 to index
          %get3A_164 = tpu.vector_load %arg11[%get3A_163] {strides = array<i32>} : memref<2048xf32, #tpu.memory_space<vmem>>, vector<16xf32>,
          %mul3A_165 = vector.broadcast %scan3A_142 : f32 to vector<16xf32>
          %mul3A_166 = arith.mulf %get3A_164, %mul3A_165 : vector<16xf32>
          %convert_element_type3A_167 = arith.fptosi %mul3A_158 : vector<16xf32> to vector<16xi32>
          %convert_element_type3A_168 = arith.fptosi %mul3A_162 : vector<16xf32> to vector<16xi32>
          %convert_element_type3A_169 = arith.fptosi %mul3A_166 : vector<16xf32> to vector<16xi32>
          %convert_element_type3A_170 = arith.sitofp %convert_element_type3A_167 : vector<16xi32> to vector<16xf32>
          %sub3A = arith.subf %mul3A_158, %convert_element_type3A_170 : vector<16xf32>
          %convert_element_type3A_171 = arith.sitofp %convert_element_type3A_168 : vector<16xi32> to vector<16xf32>
          %sub3A_172 = arith.subf %mul3A_162, %convert_element_type3A_171 : vector<16xf32>
          %convert_element_type3A_173 = arith.sitofp %convert_element_type3A_169 : vector<16xi32> to vector<16xf32>
          %sub3A_174 = arith.subf %mul3A_166, %convert_element_type3A_173 : vector<16xf32>
          %sub3A_175 = arith.constant 1.000000e+00 : f32
          %sub3A_176 = vector.broadcast %sub3A_175 : f32 to vector<16xf32>
          %sub3A_177 = arith.subf %sub3A_176, %sub3A : vector<16xf32>
          %sub3A_178 = arith.constant 1.000000e+00 : f32
          %sub3A_179 = vector.broadcast %sub3A_178 : f32 to vector<16xf32>
          %sub3A_180 = arith.subf %sub3A_179, %sub3A_172 : vector<16xf32>
          %sub3A_181 = arith.constant 1.000000e+00 : f32
          %sub3A_182 = vector.broadcast %sub3A_181 : f32 to vector<16xf32>
          %sub3A_183 = arith.subf %sub3A_182, %sub3A_174 : vector<16xf32>
          %mul3A_184 = arith.mulf %sub3A_180, %sub3A_183 : vector<16xf32>
          %sub3A_185 = arith.constant 1.000000e+00 : f32
          %sub3A_186 = vector.broadcast %sub3A_185 : f32 to vector<16xf32>
          %sub3A_187 = arith.subf %sub3A_186, %sub3A_172 : vector<16xf32>
          %mul3A_188 = arith.mulf %sub3A_187, %sub3A_174 : vector<16xf32>
          %sub3A_189 = arith.constant 1.000000e+00 : f32
          %sub3A_190 = vector.broadcast %sub3A_189 : f32 to vector<16xf32>
          %sub3A_191 = arith.subf %sub3A_190, %sub3A_174 : vector<16xf32>
          %mul3A_192 = arith.mulf %sub3A_172, %sub3A_191 : vector<16xf32>
          %mul3A_193 = arith.mulf %sub3A_172, %sub3A_174 : vector<16xf32>
          %mul3A_194 = arith.constant 324 : i32
          %mul3A_195 = vector.broadcast %mul3A_194 : i32 to vector<16xi32>
          %mul3A_196 = arith.muli %convert_element_type3A_167, %mul3A_195 : vector<16xi32>
          %mul3A_197 = arith.constant 18 : i32
          %mul3A_198 = vector.broadcast %mul3A_197 : i32 to vector<16xi32>
          %mul3A_199 = arith.muli %convert_element_type3A_168, %mul3A_198 : vector<16xi32>
          %add3A_200 = arith.addi %mul3A_196, %mul3A_199 : vector<16xi32>
          %add3A_201 = arith.addi %add3A_200, %convert_element_type3A_169 : vector<16xi32>
          %add3A_202 = arith.constant 0 : i32
          %add3A_203 = vector.broadcast %add3A_202 : i32 to vector<16xi32>
          %add3A_204 = arith.addi %add3A_201, %add3A_203 : vector<16xi32>
          %mul3A_205 = arith.mulf %sub3A_177, %mul3A_184 : vector<16xf32>
          %gather3A = tpu.vector_load_idx %arg18[%add3A_204] : memref<6144xf32, #tpu.memory_space<vmem>>[vector<16xi32>], vector<16xf32>,
          %mul3A_206 = arith.mulf %mul3A_205, %gather3A : vector<16xf32>
          %add3A_207 = arith.addf %broadcast_in_dim3A_5, %mul3A_206 : vector<16xf32>
          %gather3A_208 = tpu.vector_load_idx %arg19[%add3A_204] : memref<6144xf32, #tpu.memory_space<vmem>>[vector<16xi32>], vector<16xf32>,
          %mul3A_209 = arith.mulf %mul3A_205, %gather3A_208 : vector<16xf32>
          %add3A_210 = arith.addf %broadcast_in_dim3A_5, %mul3A_209 : vector<16xf32>
          %add3A_211 = arith.constant 324 : i32
          %add3A_212 = vector.broadcast %add3A_211 : i32 to vector<16xi32>
          %add3A_213 = arith.addi %add3A_201, %add3A_212 : vector<16xi32>
          %mul3A_214 = arith.mulf %sub3A, %mul3A_184 : vector<16xf32>
          %gather3A_215 = tpu.vector_load_idx %arg18[%add3A_213] : memref<6144xf32, #tpu.memory_space<vmem>>[vector<16xi32>], vector<16xf32>,
          %mul3A_216 = arith.mulf %mul3A_214, %gather3A_215 : vector<16xf32>
          %add3A_217 = arith.addf %add3A_207, %mul3A_216 : vector<16xf32>
          %gather3A_218 = tpu.vector_load_idx %arg19[%add3A_213] : memref<6144xf32, #tpu.memory_space<vmem>>[vector<16xi32>], vector<16xf32>,
          %mul3A_219 = arith.mulf %mul3A_214, %gather3A_218 : vector<16xf32>
          %add3A_220 = arith.addf %add3A_210, %mul3A_219 : vector<16xf32>
          %add3A_221 = arith.constant 18 : i32
          %add3A_222 = vector.broadcast %add3A_221 : i32 to vector<16xi32>
          %add3A_223 = arith.addi %add3A_201, %add3A_222 : vector<16xi32>
          %mul3A_224 = arith.mulf %sub3A_177, %mul3A_192 : vector<16xf32>
          %gather3A_225 = tpu.vector_load_idx %arg18[%add3A_223] : memref<6144xf32, #tpu.memory_space<vmem>>[vector<16xi32>], vector<16xf32>,
          %mul3A_226 = arith.mulf %mul3A_224, %gather3A_225 : vector<16xf32>
          %add3A_227 = arith.addf %add3A_217, %mul3A_226 : vector<16xf32>
          %gather3A_228 = tpu.vector_load_idx %arg19[%add3A_223] : memref<6144xf32, #tpu.memory_space<vmem>>[vector<16xi32>], vector<16xf32>,
          %mul3A_229 = arith.mulf %mul3A_224, %gather3A_228 : vector<16xf32>
          %add3A_230 = arith.addf %add3A_220, %mul3A_229 : vector<16xf32>
          %add3A_231 = arith.constant 342 : i32
          %add3A_232 = vector.broadcast %add3A_231 : i32 to vector<16xi32>
          %add3A_233 = arith.addi %add3A_201, %add3A_232 : vector<16xi32>
          %mul3A_234 = arith.mulf %sub3A, %mul3A_192 : vector<16xf32>
          %gather3A_235 = tpu.vector_load_idx %arg18[%add3A_233] : memref<6144xf32, #tpu.memory_space<vmem>>[vector<16xi32>], vector<16xf32>,
          %mul3A_236 = arith.mulf %mul3A_234, %gather3A_235 : vector<16xf32>
          %add3A_237 = arith.addf %add3A_227, %mul3A_236 : vector<16xf32>
          %gather3A_238 = tpu.vector_load_idx %arg19[%add3A_233] : memref<6144xf32, #tpu.memory_space<vmem>>[vector<16xi32>], vector<16xf32>,
          %mul3A_239 = arith.mulf %mul3A_234, %gather3A_238 : vector<16xf32>
          %add3A_240 = arith.addf %add3A_230, %mul3A_239 : vector<16xf32>
          %add3A_241 = arith.constant 1 : i32
          %add3A_242 = vector.broadcast %add3A_241 : i32 to vector<16xi32>
          %add3A_243 = arith.addi %add3A_201, %add3A_242 : vector<16xi32>
          %mul3A_244 = arith.mulf %sub3A_177, %mul3A_188 : vector<16xf32>
          %gather3A_245 = tpu.vector_load_idx %arg18[%add3A_243] : memref<6144xf32, #tpu.memory_space<vmem>>[vector<16xi32>], vector<16xf32>,
          %mul3A_246 = arith.mulf %mul3A_244, %gather3A_245 : vector<16xf32>
          %add3A_247 = arith.addf %add3A_237, %mul3A_246 : vector<16xf32>
          %gather3A_248 = tpu.vector_load_idx %arg19[%add3A_243] : memref<6144xf32, #tpu.memory_space<vmem>>[vector<16xi32>], vector<16xf32>,
          %mul3A_249 = arith.mulf %mul3A_244, %gather3A_248 : vector<16xf32>
          %add3A_250 = arith.addf %add3A_240, %mul3A_249 : vector<16xf32>
          %add3A_251 = arith.constant 325 : i32
          %add3A_252 = vector.broadcast %add3A_251 : i32 to vector<16xi32>
          %add3A_253 = arith.addi %add3A_201, %add3A_252 : vector<16xi32>
          %mul3A_254 = arith.mulf %sub3A, %mul3A_188 : vector<16xf32>
          %gather3A_255 = tpu.vector_load_idx %arg18[%add3A_253] : memref<6144xf32, #tpu.memory_space<vmem>>[vector<16xi32>], vector<16xf32>,
          %mul3A_256 = arith.mulf %mul3A_254, %gather3A_255 : vector<16xf32>
          %add3A_257 = arith.addf %add3A_247, %mul3A_256 : vector<16xf32>
          %gather3A_258 = tpu.vector_load_idx %arg19[%add3A_253] : memref<6144xf32, #tpu.memory_space<vmem>>[vector<16xi32>], vector<16xf32>,
          %mul3A_259 = arith.mulf %mul3A_254, %gather3A_258 : vector<16xf32>
          %add3A_260 = arith.addf %add3A_250, %mul3A_259 : vector<16xf32>
          %add3A_261 = arith.constant 19 : i32
          %add3A_262 = vector.broadcast %add3A_261 : i32 to vector<16xi32>
          %add3A_263 = arith.addi %add3A_201, %add3A_262 : vector<16xi32>
          %mul3A_264 = arith.mulf %sub3A_177, %mul3A_193 : vector<16xf32>
          %gather3A_265 = tpu.vector_load_idx %arg18[%add3A_263] : memref<6144xf32, #tpu.memory_space<vmem>>[vector<16xi32>], vector<16xf32>,
          %mul3A_266 = arith.mulf %mul3A_264, %gather3A_265 : vector<16xf32>
          %add3A_267 = arith.addf %add3A_257, %mul3A_266 : vector<16xf32>
          %gather3A_268 = tpu.vector_load_idx %arg19[%add3A_263] : memref<6144xf32, #tpu.memory_space<vmem>>[vector<16xi32>], vector<16xf32>,
          %mul3A_269 = arith.mulf %mul3A_264, %gather3A_268 : vector<16xf32>
          %add3A_270 = arith.addf %add3A_260, %mul3A_269 : vector<16xf32>
          %add3A_271 = arith.constant 343 : i32
          %add3A_272 = vector.broadcast %add3A_271 : i32 to vector<16xi32>
          %add3A_273 = arith.addi %add3A_201, %add3A_272 : vector<16xi32>
          %mul3A_274 = arith.mulf %sub3A, %mul3A_193 : vector<16xf32>
          %gather3A_275 = tpu.vector_load_idx %arg18[%add3A_273] : memref<6144xf32, #tpu.memory_space<vmem>>[vector<16xi32>], vector<16xf32>,
          %mul3A_276 = arith.mulf %mul3A_274, %gather3A_275 : vector<16xf32>
          %add3A_277 = arith.addf %add3A_267, %mul3A_276 : vector<16xf32>
          %gather3A_278 = tpu.vector_load_idx %arg19[%add3A_273] : memref<6144xf32, #tpu.memory_space<vmem>>[vector<16xi32>], vector<16xf32>,
          %mul3A_279 = arith.mulf %mul3A_274, %gather3A_278 : vector<16xf32>
          %add3A_280 = arith.addf %add3A_270, %mul3A_279 : vector<16xf32>
          %shift_right_arithmetic3A_281 = arith.constant 3 : i32
          %shift_right_arithmetic3A_282 = arith.shrsi %scan3A_150, %shift_right_arithmetic3A_281 : i32
          %mul3A_283 = arith.constant 1024 : i32
          %mul3A_284 = arith.muli %shift_right_arithmetic3A_282, %mul3A_283 : i32
          %add3A_285 = arith.addi %mul3A_69, %mul3A_284 : i32
          %and3A_286 = arith.constant 7 : i32
          %and3A_287 = arith.andi %scan3A_150, %and3A_286 : i32
          %mul3A_288 = arith.constant 16 : i32
          %mul3A_289 = arith.muli %and3A_287, %mul3A_288 : i32
          %add3A_290 = arith.addi %add3A_285, %mul3A_289 : i32
          %mul3A_291 = vector.broadcast %squeeze3A : f32 to vector<16xf32>
          %mul3A_292 = arith.mulf %add3A_277, %mul3A_291 : vector<16xf32>
          %swap3A = arith.index_cast %add3A_290 : i32 to index
          %swap3A_293 = tpu.vector_load %arg15[%swap3A] {strides = array<i32>} : memref<65536xf32, #tpu.memory_space<vmem>>, vector<16xf32>,
          tpu.vector_store %arg15[%swap3A], %mul3A_292 {strides = array<i32>} : memref<65536xf32, #tpu.memory_space<vmem>>, vector<16xf32>,
          %mul3A_294 = vector.broadcast %squeeze3A_33 : f32 to vector<16xf32>
          %mul3A_295 = arith.mulf %add3A_280, %mul3A_294 : vector<16xf32>
          %add3A_296 = arith.constant 128 : i32
          %add3A_297 = arith.addi %add3A_290, %add3A_296 : i32
          %swap3A_298 = arith.index_cast %add3A_297 : i32 to index
          %swap3A_299 = tpu.vector_load %arg15[%swap3A_298] {strides = array<i32>} : memref<65536xf32, #tpu.memory_space<vmem>>, vector<16xf32>,
          tpu.vector_store %arg15[%swap3A_298], %mul3A_295 {strides = array<i32>} : memref<65536xf32, #tpu.memory_space<vmem>>, vector<16xf32>,
          %scan3A_300 = arith.constant 0 : i32
          %scan3A_301 = arith.constant 1 : i32
          %scan3A_302 = arith.addi %scan3A_150, %scan3A_301 : i32
          %mul3A_303 = arith.constant 16 : i32
          %mul3A_304 = arith.muli %scan3A_302, %mul3A_303 : i32
          %add3A_305 = arith.addi %mul3A_65, %mul3A_304 : i32
          %get3A_306 = arith.index_cast %add3A_305 : i32 to index
          %get3A_307 = tpu.vector_load %arg9[%get3A_306] {strides = array<i32>} : memref<2048xf32, #tpu.memory_space<vmem>>, vector<16xf32>,
          %mul3A_308 = vector.broadcast %scan3A_142 : f32 to vector<16xf32>
          %mul3A_309 = arith.mulf %get3A_307, %mul3A_308 : vector<16xf32>
          %get3A_310 = arith.index_cast %add3A_305 : i32 to index
          %get3A_311 = tpu.vector_load %arg10[%get3A_310] {strides = array<i32>} : memref<2048xf32, #tpu.memory_space<vmem>>, vector<16xf32>,
          %mul3A_312 = vector.broadcast %scan3A_142 : f32 to vector<16xf32>
          %mul3A_313 = arith.mulf %get3A_311, %mul3A_312 : vector<16xf32>
          %get3A_314 = arith.index_cast %add3A_305 : i32 to index
          %get3A_315 = tpu.vector_load %arg11[%get3A_314] {strides = array<i32>} : memref<2048xf32, #tpu.memory_space<vmem>>, vector<16xf32>,
          %mul3A_316 = vector.broadcast %scan3A_142 : f32 to vector<16xf32>
          %mul3A_317 = arith.mulf %get3A_315, %mul3A_316 : vector<16xf32>
          %convert_element_type3A_318 = arith.fptosi %mul3A_309 : vector<16xf32> to vector<16xi32>
          %convert_element_type3A_319 = arith.fptosi %mul3A_313 : vector<16xf32> to vector<16xi32>
          %convert_element_type3A_320 = arith.fptosi %mul3A_317 : vector<16xf32> to vector<16xi32>
          %convert_element_type3A_321 = arith.sitofp %convert_element_type3A_318 : vector<16xi32> to vector<16xf32>
          %sub3A_322 = arith.subf %mul3A_309, %convert_element_type3A_321 : vector<16xf32>
          %convert_element_type3A_323 = arith.sitofp %convert_element_type3A_319 : vector<16xi32> to vector<16xf32>
          %sub3A_324 = arith.subf %mul3A_313, %convert_element_type3A_323 : vector<16xf32>
          %convert_element_type3A_325 = arith.sitofp %convert_element_type3A_320 : vector<16xi32> to vector<16xf32>
          %sub3A_326 = arith.subf %mul3A_317, %convert_element_type3A_325 : vector<16xf32>
          %sub3A_327 = arith.constant 1.000000e+00 : f32
          %sub3A_328 = vector.broadcast %sub3A_327 : f32 to vector<16xf32>
          %sub3A_329 = arith.subf %sub3A_328, %sub3A_322 : vector<16xf32>
          %sub3A_330 = arith.constant 1.000000e+00 : f32
          %sub3A_331 = vector.broadcast %sub3A_330 : f32 to vector<16xf32>
          %sub3A_332 = arith.subf %sub3A_331, %sub3A_324 : vector<16xf32>
          %sub3A_333 = arith.constant 1.000000e+00 : f32
          %sub3A_334 = vector.broadcast %sub3A_333 : f32 to vector<16xf32>
          %sub3A_335 = arith.subf %sub3A_334, %sub3A_326 : vector<16xf32>
          %mul3A_336 = arith.mulf %sub3A_332, %sub3A_335 : vector<16xf32>
          %sub3A_337 = arith.constant 1.000000e+00 : f32
          %sub3A_338 = vector.broadcast %sub3A_337 : f32 to vector<16xf32>
          %sub3A_339 = arith.subf %sub3A_338, %sub3A_324 : vector<16xf32>
          %mul3A_340 = arith.mulf %sub3A_339, %sub3A_326 : vector<16xf32>
          %sub3A_341 = arith.constant 1.000000e+00 : f32
          %sub3A_342 = vector.broadcast %sub3A_341 : f32 to vector<16xf32>
          %sub3A_343 = arith.subf %sub3A_342, %sub3A_326 : vector<16xf32>
          %mul3A_344 = arith.mulf %sub3A_324, %sub3A_343 : vector<16xf32>
          %mul3A_345 = arith.mulf %sub3A_324, %sub3A_326 : vector<16xf32>
          %mul3A_346 = arith.constant 324 : i32
          %mul3A_347 = vector.broadcast %mul3A_346 : i32 to vector<16xi32>
          %mul3A_348 = arith.muli %convert_element_type3A_318, %mul3A_347 : vector<16xi32>
          %mul3A_349 = arith.constant 18 : i32
          %mul3A_350 = vector.broadcast %mul3A_349 : i32 to vector<16xi32>
          %mul3A_351 = arith.muli %convert_element_type3A_319, %mul3A_350 : vector<16xi32>
          %add3A_352 = arith.addi %mul3A_348, %mul3A_351 : vector<16xi32>
          %add3A_353 = arith.addi %add3A_352, %convert_element_type3A_320 : vector<16xi32>
          %add3A_354 = arith.constant 0 : i32
          %add3A_355 = vector.broadcast %add3A_354 : i32 to vector<16xi32>
          %add3A_356 = arith.addi %add3A_353, %add3A_355 : vector<16xi32>
          %mul3A_357 = arith.mulf %sub3A_329, %mul3A_336 : vector<16xf32>
          %gather3A_358 = tpu.vector_load_idx %arg18[%add3A_356] : memref<6144xf32, #tpu.memory_space<vmem>>[vector<16xi32>], vector<16xf32>,
          %mul3A_359 = arith.mulf %mul3A_357, %gather3A_358 : vector<16xf32>
          %add3A_360 = arith.addf %broadcast_in_dim3A_5, %mul3A_359 : vector<16xf32>
          %gather3A_361 = tpu.vector_load_idx %arg19[%add3A_356] : memref<6144xf32, #tpu.memory_space<vmem>>[vector<16xi32>], vector<16xf32>,
          %mul3A_362 = arith.mulf %mul3A_357, %gather3A_361 : vector<16xf32>
          %add3A_363 = arith.addf %broadcast_in_dim3A_5, %mul3A_362 : vector<16xf32>
          %add3A_364 = arith.constant 324 : i32
          %add3A_365 = vector.broadcast %add3A_364 : i32 to vector<16xi32>
          %add3A_366 = arith.addi %add3A_353, %add3A_365 : vector<16xi32>
          %mul3A_367 = arith.mulf %sub3A_322, %mul3A_336 : vector<16xf32>
          %gather3A_368 = tpu.vector_load_idx %arg18[%add3A_366] : memref<6144xf32, #tpu.memory_space<vmem>>[vector<16xi32>], vector<16xf32>,
          %mul3A_369 = arith.mulf %mul3A_367, %gather3A_368 : vector<16xf32>
          %add3A_370 = arith.addf %add3A_360, %mul3A_369 : vector<16xf32>
          %gather3A_371 = tpu.vector_load_idx %arg19[%add3A_366] : memref<6144xf32, #tpu.memory_space<vmem>>[vector<16xi32>], vector<16xf32>,
          %mul3A_372 = arith.mulf %mul3A_367, %gather3A_371 : vector<16xf32>
          %add3A_373 = arith.addf %add3A_363, %mul3A_372 : vector<16xf32>
          %add3A_374 = arith.constant 18 : i32
          %add3A_375 = vector.broadcast %add3A_374 : i32 to vector<16xi32>
          %add3A_376 = arith.addi %add3A_353, %add3A_375 : vector<16xi32>
          %mul3A_377 = arith.mulf %sub3A_329, %mul3A_344 : vector<16xf32>
          %gather3A_378 = tpu.vector_load_idx %arg18[%add3A_376] : memref<6144xf32, #tpu.memory_space<vmem>>[vector<16xi32>], vector<16xf32>,
          %mul3A_379 = arith.mulf %mul3A_377, %gather3A_378 : vector<16xf32>
          %add3A_380 = arith.addf %add3A_370, %mul3A_379 : vector<16xf32>
          %gather3A_381 = tpu.vector_load_idx %arg19[%add3A_376] : memref<6144xf32, #tpu.memory_space<vmem>>[vector<16xi32>], vector<16xf32>,
          %mul3A_382 = arith.mulf %mul3A_377, %gather3A_381 : vector<16xf32>
          %add3A_383 = arith.addf %add3A_373, %mul3A_382 : vector<16xf32>
          %add3A_384 = arith.constant 342 : i32
          %add3A_385 = vector.broadcast %add3A_384 : i32 to vector<16xi32>
          %add3A_386 = arith.addi %add3A_353, %add3A_385 : vector<16xi32>
          %mul3A_387 = arith.mulf %sub3A_322, %mul3A_344 : vector<16xf32>
          %gather3A_388 = tpu.vector_load_idx %arg18[%add3A_386] : memref<6144xf32, #tpu.memory_space<vmem>>[vector<16xi32>], vector<16xf32>,
          %mul3A_389 = arith.mulf %mul3A_387, %gather3A_388 : vector<16xf32>
          %add3A_390 = arith.addf %add3A_380, %mul3A_389 : vector<16xf32>
          %gather3A_391 = tpu.vector_load_idx %arg19[%add3A_386] : memref<6144xf32, #tpu.memory_space<vmem>>[vector<16xi32>], vector<16xf32>,
          %mul3A_392 = arith.mulf %mul3A_387, %gather3A_391 : vector<16xf32>
          %add3A_393 = arith.addf %add3A_383, %mul3A_392 : vector<16xf32>
          %add3A_394 = arith.constant 1 : i32
          %add3A_395 = vector.broadcast %add3A_394 : i32 to vector<16xi32>
          %add3A_396 = arith.addi %add3A_353, %add3A_395 : vector<16xi32>
          %mul3A_397 = arith.mulf %sub3A_329, %mul3A_340 : vector<16xf32>
          %gather3A_398 = tpu.vector_load_idx %arg18[%add3A_396] : memref<6144xf32, #tpu.memory_space<vmem>>[vector<16xi32>], vector<16xf32>,
          %mul3A_399 = arith.mulf %mul3A_397, %gather3A_398 : vector<16xf32>
          %add3A_400 = arith.addf %add3A_390, %mul3A_399 : vector<16xf32>
          %gather3A_401 = tpu.vector_load_idx %arg19[%add3A_396] : memref<6144xf32, #tpu.memory_space<vmem>>[vector<16xi32>], vector<16xf32>,
          %mul3A_402 = arith.mulf %mul3A_397, %gather3A_401 : vector<16xf32>
          %add3A_403 = arith.addf %add3A_393, %mul3A_402 : vector<16xf32>
          %add3A_404 = arith.constant 325 : i32
          %add3A_405 = vector.broadcast %add3A_404 : i32 to vector<16xi32>
          %add3A_406 = arith.addi %add3A_353, %add3A_405 : vector<16xi32>
          %mul3A_407 = arith.mulf %sub3A_322, %mul3A_340 : vector<16xf32>
          %gather3A_408 = tpu.vector_load_idx %arg18[%add3A_406] : memref<6144xf32, #tpu.memory_space<vmem>>[vector<16xi32>], vector<16xf32>,
          %mul3A_409 = arith.mulf %mul3A_407, %gather3A_408 : vector<16xf32>
          %add3A_410 = arith.addf %add3A_400, %mul3A_409 : vector<16xf32>
          %gather3A_411 = tpu.vector_load_idx %arg19[%add3A_406] : memref<6144xf32, #tpu.memory_space<vmem>>[vector<16xi32>], vector<16xf32>,
          %mul3A_412 = arith.mulf %mul3A_407, %gather3A_411 : vector<16xf32>
          %add3A_413 = arith.addf %add3A_403, %mul3A_412 : vector<16xf32>
          %add3A_414 = arith.constant 19 : i32
          %add3A_415 = vector.broadcast %add3A_414 : i32 to vector<16xi32>
          %add3A_416 = arith.addi %add3A_353, %add3A_415 : vector<16xi32>
          %mul3A_417 = arith.mulf %sub3A_329, %mul3A_345 : vector<16xf32>
          %gather3A_418 = tpu.vector_load_idx %arg18[%add3A_416] : memref<6144xf32, #tpu.memory_space<vmem>>[vector<16xi32>], vector<16xf32>,
          %mul3A_419 = arith.mulf %mul3A_417, %gather3A_418 : vector<16xf32>
          %add3A_420 = arith.addf %add3A_410, %mul3A_419 : vector<16xf32>
          %gather3A_421 = tpu.vector_load_idx %arg19[%add3A_416] : memref<6144xf32, #tpu.memory_space<vmem>>[vector<16xi32>], vector<16xf32>,
          %mul3A_422 = arith.mulf %mul3A_417, %gather3A_421 : vector<16xf32>
          %add3A_423 = arith.addf %add3A_413, %mul3A_422 : vector<16xf32>
          %add3A_424 = arith.constant 343 : i32
          %add3A_425 = vector.broadcast %add3A_424 : i32 to vector<16xi32>
          %add3A_426 = arith.addi %add3A_353, %add3A_425 : vector<16xi32>
          %mul3A_427 = arith.mulf %sub3A_322, %mul3A_345 : vector<16xf32>
          %gather3A_428 = tpu.vector_load_idx %arg18[%add3A_426] : memref<6144xf32, #tpu.memory_space<vmem>>[vector<16xi32>], vector<16xf32>,
          %mul3A_429 = arith.mulf %mul3A_427, %gather3A_428 : vector<16xf32>
          %add3A_430 = arith.addf %add3A_420, %mul3A_429 : vector<16xf32>
          %gather3A_431 = tpu.vector_load_idx %arg19[%add3A_426] : memref<6144xf32, #tpu.memory_space<vmem>>[vector<16xi32>], vector<16xf32>,
          %mul3A_432 = arith.mulf %mul3A_427, %gather3A_431 : vector<16xf32>
          %add3A_433 = arith.addf %add3A_423, %mul3A_432 : vector<16xf32>
          %shift_right_arithmetic3A_434 = arith.constant 3 : i32
          %shift_right_arithmetic3A_435 = arith.shrsi %scan3A_302, %shift_right_arithmetic3A_434 : i32
          %mul3A_436 = arith.constant 1024 : i32
          %mul3A_437 = arith.muli %shift_right_arithmetic3A_435, %mul3A_436 : i32
          %add3A_438 = arith.addi %mul3A_69, %mul3A_437 : i32
          %and3A_439 = arith.constant 7 : i32
          %and3A_440 = arith.andi %scan3A_302, %and3A_439 : i32
          %mul3A_441 = arith.constant 16 : i32
          %mul3A_442 = arith.muli %and3A_440, %mul3A_441 : i32
          %add3A_443 = arith.addi %add3A_438, %mul3A_442 : i32
          %mul3A_444 = vector.broadcast %squeeze3A : f32 to vector<16xf32>
          %mul3A_445 = arith.mulf %add3A_430, %mul3A_444 : vector<16xf32>
          %swap3A_446 = arith.index_cast %add3A_443 : i32 to index
          %swap3A_447 = tpu.vector_load %arg15[%swap3A_446] {strides = array<i32>} : memref<65536xf32, #tpu.memory_space<vmem>>, vector<16xf32>,
          tpu.vector_store %arg15[%swap3A_446], %mul3A_445 {strides = array<i32>} : memref<65536xf32, #tpu.memory_space<vmem>>, vector<16xf32>,
          %mul3A_448 = vector.broadcast %squeeze3A_33 : f32 to vector<16xf32>
          %mul3A_449 = arith.mulf %add3A_433, %mul3A_448 : vector<16xf32>
          %add3A_450 = arith.constant 128 : i32
          %add3A_451 = arith.addi %add3A_443, %add3A_450 : i32
          %swap3A_452 = arith.index_cast %add3A_451 : i32 to index
          %swap3A_453 = tpu.vector_load %arg15[%swap3A_452] {strides = array<i32>} : memref<65536xf32, #tpu.memory_space<vmem>>, vector<16xf32>,
          tpu.vector_store %arg15[%swap3A_452], %mul3A_449 {strides = array<i32>} : memref<65536xf32, #tpu.memory_space<vmem>>, vector<16xf32>,
          %scan3A_454 = arith.constant 0 : i32
          %scan3A_455 = arith.constant 2 : i32
          %scan3A_456 = arith.addi %scan3A_150, %scan3A_455 : i32
          %mul3A_457 = arith.constant 16 : i32
          %mul3A_458 = arith.muli %scan3A_456, %mul3A_457 : i32
          %add3A_459 = arith.addi %mul3A_65, %mul3A_458 : i32
          %get3A_460 = arith.index_cast %add3A_459 : i32 to index
          %get3A_461 = tpu.vector_load %arg9[%get3A_460] {strides = array<i32>} : memref<2048xf32, #tpu.memory_space<vmem>>, vector<16xf32>,
          %mul3A_462 = vector.broadcast %scan3A_142 : f32 to vector<16xf32>
          %mul3A_463 = arith.mulf %get3A_461, %mul3A_462 : vector<16xf32>
          %get3A_464 = arith.index_cast %add3A_459 : i32 to index
          %get3A_465 = tpu.vector_load %arg10[%get3A_464] {strides = array<i32>} : memref<2048xf32, #tpu.memory_space<vmem>>, vector<16xf32>,
          %mul3A_466 = vector.broadcast %scan3A_142 : f32 to vector<16xf32>
          %mul3A_467 = arith.mulf %get3A_465, %mul3A_466 : vector<16xf32>
          %get3A_468 = arith.index_cast %add3A_459 : i32 to index
          %get3A_469 = tpu.vector_load %arg11[%get3A_468] {strides = array<i32>} : memref<2048xf32, #tpu.memory_space<vmem>>, vector<16xf32>,
          %mul3A_470 = vector.broadcast %scan3A_142 : f32 to vector<16xf32>
          %mul3A_471 = arith.mulf %get3A_469, %mul3A_470 : vector<16xf32>
          %convert_element_type3A_472 = arith.fptosi %mul3A_463 : vector<16xf32> to vector<16xi32>
          %convert_element_type3A_473 = arith.fptosi %mul3A_467 : vector<16xf32> to vector<16xi32>
          %convert_element_type3A_474 = arith.fptosi %mul3A_471 : vector<16xf32> to vector<16xi32>
          %convert_element_type3A_475 = arith.sitofp %convert_element_type3A_472 : vector<16xi32> to vector<16xf32>
          %sub3A_476 = arith.subf %mul3A_463, %convert_element_type3A_475 : vector<16xf32>
          %convert_element_type3A_477 = arith.sitofp %convert_element_type3A_473 : vector<16xi32> to vector<16xf32>
          %sub3A_478 = arith.subf %mul3A_467, %convert_element_type3A_477 : vector<16xf32>
          %convert_element_type3A_479 = arith.sitofp %convert_element_type3A_474 : vector<16xi32> to vector<16xf32>
          %sub3A_480 = arith.subf %mul3A_471, %convert_element_type3A_479 : vector<16xf32>
          %sub3A_481 = arith.constant 1.000000e+00 : f32
          %sub3A_482 = vector.broadcast %sub3A_481 : f32 to vector<16xf32>
          %sub3A_483 = arith.subf %sub3A_482, %sub3A_476 : vector<16xf32>
          %sub3A_484 = arith.constant 1.000000e+00 : f32
          %sub3A_485 = vector.broadcast %sub3A_484 : f32 to vector<16xf32>
          %sub3A_486 = arith.subf %sub3A_485, %sub3A_478 : vector<16xf32>
          %sub3A_487 = arith.constant 1.000000e+00 : f32
          %sub3A_488 = vector.broadcast %sub3A_487 : f32 to vector<16xf32>
          %sub3A_489 = arith.subf %sub3A_488, %sub3A_480 : vector<16xf32>
          %mul3A_490 = arith.mulf %sub3A_486, %sub3A_489 : vector<16xf32>
          %sub3A_491 = arith.constant 1.000000e+00 : f32
          %sub3A_492 = vector.broadcast %sub3A_491 : f32 to vector<16xf32>
          %sub3A_493 = arith.subf %sub3A_492, %sub3A_478 : vector<16xf32>
          %mul3A_494 = arith.mulf %sub3A_493, %sub3A_480 : vector<16xf32>
          %sub3A_495 = arith.constant 1.000000e+00 : f32
          %sub3A_496 = vector.broadcast %sub3A_495 : f32 to vector<16xf32>
          %sub3A_497 = arith.subf %sub3A_496, %sub3A_480 : vector<16xf32>
          %mul3A_498 = arith.mulf %sub3A_478, %sub3A_497 : vector<16xf32>
          %mul3A_499 = arith.mulf %sub3A_478, %sub3A_480 : vector<16xf32>
          %mul3A_500 = arith.constant 324 : i32
          %mul3A_501 = vector.broadcast %mul3A_500 : i32 to vector<16xi32>
          %mul3A_502 = arith.muli %convert_element_type3A_472, %mul3A_501 : vector<16xi32>
          %mul3A_503 = arith.constant 18 : i32
          %mul3A_504 = vector.broadcast %mul3A_503 : i32 to vector<16xi32>
          %mul3A_505 = arith.muli %convert_element_type3A_473, %mul3A_504 : vector<16xi32>
          %add3A_506 = arith.addi %mul3A_502, %mul3A_505 : vector<16xi32>
          %add3A_507 = arith.addi %add3A_506, %convert_element_type3A_474 : vector<16xi32>
          %add3A_508 = arith.constant 0 : i32
          %add3A_509 = vector.broadcast %add3A_508 : i32 to vector<16xi32>
          %add3A_510 = arith.addi %add3A_507, %add3A_509 : vector<16xi32>
          %mul3A_511 = arith.mulf %sub3A_483, %mul3A_490 : vector<16xf32>
          %gather3A_512 = tpu.vector_load_idx %arg18[%add3A_510] : memref<6144xf32, #tpu.memory_space<vmem>>[vector<16xi32>], vector<16xf32>,
          %mul3A_513 = arith.mulf %mul3A_511, %gather3A_512 : vector<16xf32>
          %add3A_514 = arith.addf %broadcast_in_dim3A_5, %mul3A_513 : vector<16xf32>
          %gather3A_515 = tpu.vector_load_idx %arg19[%add3A_510] : memref<6144xf32, #tpu.memory_space<vmem>>[vector<16xi32>], vector<16xf32>,
          %mul3A_516 = arith.mulf %mul3A_511, %gather3A_515 : vector<16xf32>
          %add3A_517 = arith.addf %broadcast_in_dim3A_5, %mul3A_516 : vector<16xf32>
          %add3A_518 = arith.constant 324 : i32
          %add3A_519 = vector.broadcast %add3A_518 : i32 to vector<16xi32>
          %add3A_520 = arith.addi %add3A_507, %add3A_519 : vector<16xi32>
          %mul3A_521 = arith.mulf %sub3A_476, %mul3A_490 : vector<16xf32>
          %gather3A_522 = tpu.vector_load_idx %arg18[%add3A_520] : memref<6144xf32, #tpu.memory_space<vmem>>[vector<16xi32>], vector<16xf32>,
          %mul3A_523 = arith.mulf %mul3A_521, %gather3A_522 : vector<16xf32>
          %add3A_524 = arith.addf %add3A_514, %mul3A_523 : vector<16xf32>
          %gather3A_525 = tpu.vector_load_idx %arg19[%add3A_520] : memref<6144xf32, #tpu.memory_space<vmem>>[vector<16xi32>], vector<16xf32>,
          %mul3A_526 = arith.mulf %mul3A_521, %gather3A_525 : vector<16xf32>
          %add3A_527 = arith.addf %add3A_517, %mul3A_526 : vector<16xf32>
          %add3A_528 = arith.constant 18 : i32
          %add3A_529 = vector.broadcast %add3A_528 : i32 to vector<16xi32>
          %add3A_530 = arith.addi %add3A_507, %add3A_529 : vector<16xi32>
          %mul3A_531 = arith.mulf %sub3A_483, %mul3A_498 : vector<16xf32>
          %gather3A_532 = tpu.vector_load_idx %arg18[%add3A_530] : memref<6144xf32, #tpu.memory_space<vmem>>[vector<16xi32>], vector<16xf32>,
          %mul3A_533 = arith.mulf %mul3A_531, %gather3A_532 : vector<16xf32>
          %add3A_534 = arith.addf %add3A_524, %mul3A_533 : vector<16xf32>
          %gather3A_535 = tpu.vector_load_idx %arg19[%add3A_530] : memref<6144xf32, #tpu.memory_space<vmem>>[vector<16xi32>], vector<16xf32>,
          %mul3A_536 = arith.mulf %mul3A_531, %gather3A_535 : vector<16xf32>
          %add3A_537 = arith.addf %add3A_527, %mul3A_536 : vector<16xf32>
          %add3A_538 = arith.constant 342 : i32
          %add3A_539 = vector.broadcast %add3A_538 : i32 to vector<16xi32>
          %add3A_540 = arith.addi %add3A_507, %add3A_539 : vector<16xi32>
          %mul3A_541 = arith.mulf %sub3A_476, %mul3A_498 : vector<16xf32>
          %gather3A_542 = tpu.vector_load_idx %arg18[%add3A_540] : memref<6144xf32, #tpu.memory_space<vmem>>[vector<16xi32>], vector<16xf32>,
          %mul3A_543 = arith.mulf %mul3A_541, %gather3A_542 : vector<16xf32>
          %add3A_544 = arith.addf %add3A_534, %mul3A_543 : vector<16xf32>
          %gather3A_545 = tpu.vector_load_idx %arg19[%add3A_540] : memref<6144xf32, #tpu.memory_space<vmem>>[vector<16xi32>], vector<16xf32>,
          %mul3A_546 = arith.mulf %mul3A_541, %gather3A_545 : vector<16xf32>
          %add3A_547 = arith.addf %add3A_537, %mul3A_546 : vector<16xf32>
          %add3A_548 = arith.constant 1 : i32
          %add3A_549 = vector.broadcast %add3A_548 : i32 to vector<16xi32>
          %add3A_550 = arith.addi %add3A_507, %add3A_549 : vector<16xi32>
          %mul3A_551 = arith.mulf %sub3A_483, %mul3A_494 : vector<16xf32>
          %gather3A_552 = tpu.vector_load_idx %arg18[%add3A_550] : memref<6144xf32, #tpu.memory_space<vmem>>[vector<16xi32>], vector<16xf32>,
          %mul3A_553 = arith.mulf %mul3A_551, %gather3A_552 : vector<16xf32>
          %add3A_554 = arith.addf %add3A_544, %mul3A_553 : vector<16xf32>
          %gather3A_555 = tpu.vector_load_idx %arg19[%add3A_550] : memref<6144xf32, #tpu.memory_space<vmem>>[vector<16xi32>], vector<16xf32>,
          %mul3A_556 = arith.mulf %mul3A_551, %gather3A_555 : vector<16xf32>
          %add3A_557 = arith.addf %add3A_547, %mul3A_556 : vector<16xf32>
          %add3A_558 = arith.constant 325 : i32
          %add3A_559 = vector.broadcast %add3A_558 : i32 to vector<16xi32>
          %add3A_560 = arith.addi %add3A_507, %add3A_559 : vector<16xi32>
          %mul3A_561 = arith.mulf %sub3A_476, %mul3A_494 : vector<16xf32>
          %gather3A_562 = tpu.vector_load_idx %arg18[%add3A_560] : memref<6144xf32, #tpu.memory_space<vmem>>[vector<16xi32>], vector<16xf32>,
          %mul3A_563 = arith.mulf %mul3A_561, %gather3A_562 : vector<16xf32>
          %add3A_564 = arith.addf %add3A_554, %mul3A_563 : vector<16xf32>
          %gather3A_565 = tpu.vector_load_idx %arg19[%add3A_560] : memref<6144xf32, #tpu.memory_space<vmem>>[vector<16xi32>], vector<16xf32>,
          %mul3A_566 = arith.mulf %mul3A_561, %gather3A_565 : vector<16xf32>
          %add3A_567 = arith.addf %add3A_557, %mul3A_566 : vector<16xf32>
          %add3A_568 = arith.constant 19 : i32
          %add3A_569 = vector.broadcast %add3A_568 : i32 to vector<16xi32>
          %add3A_570 = arith.addi %add3A_507, %add3A_569 : vector<16xi32>
          %mul3A_571 = arith.mulf %sub3A_483, %mul3A_499 : vector<16xf32>
          %gather3A_572 = tpu.vector_load_idx %arg18[%add3A_570] : memref<6144xf32, #tpu.memory_space<vmem>>[vector<16xi32>], vector<16xf32>,
          %mul3A_573 = arith.mulf %mul3A_571, %gather3A_572 : vector<16xf32>
          %add3A_574 = arith.addf %add3A_564, %mul3A_573 : vector<16xf32>
          %gather3A_575 = tpu.vector_load_idx %arg19[%add3A_570] : memref<6144xf32, #tpu.memory_space<vmem>>[vector<16xi32>], vector<16xf32>,
          %mul3A_576 = arith.mulf %mul3A_571, %gather3A_575 : vector<16xf32>
          %add3A_577 = arith.addf %add3A_567, %mul3A_576 : vector<16xf32>
          %add3A_578 = arith.constant 343 : i32
          %add3A_579 = vector.broadcast %add3A_578 : i32 to vector<16xi32>
          %add3A_580 = arith.addi %add3A_507, %add3A_579 : vector<16xi32>
          %mul3A_581 = arith.mulf %sub3A_476, %mul3A_499 : vector<16xf32>
          %gather3A_582 = tpu.vector_load_idx %arg18[%add3A_580] : memref<6144xf32, #tpu.memory_space<vmem>>[vector<16xi32>], vector<16xf32>,
          %mul3A_583 = arith.mulf %mul3A_581, %gather3A_582 : vector<16xf32>
          %add3A_584 = arith.addf %add3A_574, %mul3A_583 : vector<16xf32>
          %gather3A_585 = tpu.vector_load_idx %arg19[%add3A_580] : memref<6144xf32, #tpu.memory_space<vmem>>[vector<16xi32>], vector<16xf32>,
          %mul3A_586 = arith.mulf %mul3A_581, %gather3A_585 : vector<16xf32>
          %add3A_587 = arith.addf %add3A_577, %mul3A_586 : vector<16xf32>
          %shift_right_arithmetic3A_588 = arith.constant 3 : i32
          %shift_right_arithmetic3A_589 = arith.shrsi %scan3A_456, %shift_right_arithmetic3A_588 : i32
          %mul3A_590 = arith.constant 1024 : i32
          %mul3A_591 = arith.muli %shift_right_arithmetic3A_589, %mul3A_590 : i32
          %add3A_592 = arith.addi %mul3A_69, %mul3A_591 : i32
          %and3A_593 = arith.constant 7 : i32
          %and3A_594 = arith.andi %scan3A_456, %and3A_593 : i32
          %mul3A_595 = arith.constant 16 : i32
          %mul3A_596 = arith.muli %and3A_594, %mul3A_595 : i32
          %add3A_597 = arith.addi %add3A_592, %mul3A_596 : i32
          %mul3A_598 = vector.broadcast %squeeze3A : f32 to vector<16xf32>
          %mul3A_599 = arith.mulf %add3A_584, %mul3A_598 : vector<16xf32>
          %swap3A_600 = arith.index_cast %add3A_597 : i32 to index
          %swap3A_601 = tpu.vector_load %arg15[%swap3A_600] {strides = array<i32>} : memref<65536xf32, #tpu.memory_space<vmem>>, vector<16xf32>,
          tpu.vector_store %arg15[%swap3A_600], %mul3A_599 {strides = array<i32>} : memref<65536xf32, #tpu.memory_space<vmem>>, vector<16xf32>,
          %mul3A_602 = vector.broadcast %squeeze3A_33 : f32 to vector<16xf32>
          %mul3A_603 = arith.mulf %add3A_587, %mul3A_602 : vector<16xf32>
          %add3A_604 = arith.constant 128 : i32
          %add3A_605 = arith.addi %add3A_597, %add3A_604 : i32
          %swap3A_606 = arith.index_cast %add3A_605 : i32 to index
          %swap3A_607 = tpu.vector_load %arg15[%swap3A_606] {strides = array<i32>} : memref<65536xf32, #tpu.memory_space<vmem>>, vector<16xf32>,
          tpu.vector_store %arg15[%swap3A_606], %mul3A_603 {strides = array<i32>} : memref<65536xf32, #tpu.memory_space<vmem>>, vector<16xf32>,
          %scan3A_608 = arith.constant 0 : i32
          %scan3A_609 = arith.constant 3 : i32
          %scan3A_610 = arith.addi %scan3A_150, %scan3A_609 : i32
          %mul3A_611 = arith.constant 16 : i32
          %mul3A_612 = arith.muli %scan3A_610, %mul3A_611 : i32
          %add3A_613 = arith.addi %mul3A_65, %mul3A_612 : i32
          %get3A_614 = arith.index_cast %add3A_613 : i32 to index
          %get3A_615 = tpu.vector_load %arg9[%get3A_614] {strides = array<i32>} : memref<2048xf32, #tpu.memory_space<vmem>>, vector<16xf32>,
          %mul3A_616 = vector.broadcast %scan3A_142 : f32 to vector<16xf32>
          %mul3A_617 = arith.mulf %get3A_615, %mul3A_616 : vector<16xf32>
          %get3A_618 = arith.index_cast %add3A_613 : i32 to index
          %get3A_619 = tpu.vector_load %arg10[%get3A_618] {strides = array<i32>} : memref<2048xf32, #tpu.memory_space<vmem>>, vector<16xf32>,
          %mul3A_620 = vector.broadcast %scan3A_142 : f32 to vector<16xf32>
          %mul3A_621 = arith.mulf %get3A_619, %mul3A_620 : vector<16xf32>
          %get3A_622 = arith.index_cast %add3A_613 : i32 to index
          %get3A_623 = tpu.vector_load %arg11[%get3A_622] {strides = array<i32>} : memref<2048xf32, #tpu.memory_space<vmem>>, vector<16xf32>,
          %mul3A_624 = vector.broadcast %scan3A_142 : f32 to vector<16xf32>
          %mul3A_625 = arith.mulf %get3A_623, %mul3A_624 : vector<16xf32>
          %convert_element_type3A_626 = arith.fptosi %mul3A_617 : vector<16xf32> to vector<16xi32>
          %convert_element_type3A_627 = arith.fptosi %mul3A_621 : vector<16xf32> to vector<16xi32>
          %convert_element_type3A_628 = arith.fptosi %mul3A_625 : vector<16xf32> to vector<16xi32>
          %convert_element_type3A_629 = arith.sitofp %convert_element_type3A_626 : vector<16xi32> to vector<16xf32>
          %sub3A_630 = arith.subf %mul3A_617, %convert_element_type3A_629 : vector<16xf32>
          %convert_element_type3A_631 = arith.sitofp %convert_element_type3A_627 : vector<16xi32> to vector<16xf32>
          %sub3A_632 = arith.subf %mul3A_621, %convert_element_type3A_631 : vector<16xf32>
          %convert_element_type3A_633 = arith.sitofp %convert_element_type3A_628 : vector<16xi32> to vector<16xf32>
          %sub3A_634 = arith.subf %mul3A_625, %convert_element_type3A_633 : vector<16xf32>
          %sub3A_635 = arith.constant 1.000000e+00 : f32
          %sub3A_636 = vector.broadcast %sub3A_635 : f32 to vector<16xf32>
          %sub3A_637 = arith.subf %sub3A_636, %sub3A_630 : vector<16xf32>
          %sub3A_638 = arith.constant 1.000000e+00 : f32
          %sub3A_639 = vector.broadcast %sub3A_638 : f32 to vector<16xf32>
          %sub3A_640 = arith.subf %sub3A_639, %sub3A_632 : vector<16xf32>
          %sub3A_641 = arith.constant 1.000000e+00 : f32
          %sub3A_642 = vector.broadcast %sub3A_641 : f32 to vector<16xf32>
          %sub3A_643 = arith.subf %sub3A_642, %sub3A_634 : vector<16xf32>
          %mul3A_644 = arith.mulf %sub3A_640, %sub3A_643 : vector<16xf32>
          %sub3A_645 = arith.constant 1.000000e+00 : f32
          %sub3A_646 = vector.broadcast %sub3A_645 : f32 to vector<16xf32>
          %sub3A_647 = arith.subf %sub3A_646, %sub3A_632 : vector<16xf32>
          %mul3A_648 = arith.mulf %sub3A_647, %sub3A_634 : vector<16xf32>
          %sub3A_649 = arith.constant 1.000000e+00 : f32
          %sub3A_650 = vector.broadcast %sub3A_649 : f32 to vector<16xf32>
          %sub3A_651 = arith.subf %sub3A_650, %sub3A_634 : vector<16xf32>
          %mul3A_652 = arith.mulf %sub3A_632, %sub3A_651 : vector<16xf32>
          %mul3A_653 = arith.mulf %sub3A_632, %sub3A_634 : vector<16xf32>
          %mul3A_654 = arith.constant 324 : i32
          %mul3A_655 = vector.broadcast %mul3A_654 : i32 to vector<16xi32>
          %mul3A_656 = arith.muli %convert_element_type3A_626, %mul3A_655 : vector<16xi32>
          %mul3A_657 = arith.constant 18 : i32
          %mul3A_658 = vector.broadcast %mul3A_657 : i32 to vector<16xi32>
          %mul3A_659 = arith.muli %convert_element_type3A_627, %mul3A_658 : vector<16xi32>
          %add3A_660 = arith.addi %mul3A_656, %mul3A_659 : vector<16xi32>
          %add3A_661 = arith.addi %add3A_660, %convert_element_type3A_628 : vector<16xi32>
          %add3A_662 = arith.constant 0 : i32
          %add3A_663 = vector.broadcast %add3A_662 : i32 to vector<16xi32>
          %add3A_664 = arith.addi %add3A_661, %add3A_663 : vector<16xi32>
          %mul3A_665 = arith.mulf %sub3A_637, %mul3A_644 : vector<16xf32>
          %gather3A_666 = tpu.vector_load_idx %arg18[%add3A_664] : memref<6144xf32, #tpu.memory_space<vmem>>[vector<16xi32>], vector<16xf32>,
          %mul3A_667 = arith.mulf %mul3A_665, %gather3A_666 : vector<16xf32>
          %add3A_668 = arith.addf %broadcast_in_dim3A_5, %mul3A_667 : vector<16xf32>
          %gather3A_669 = tpu.vector_load_idx %arg19[%add3A_664] : memref<6144xf32, #tpu.memory_space<vmem>>[vector<16xi32>], vector<16xf32>,
          %mul3A_670 = arith.mulf %mul3A_665, %gather3A_669 : vector<16xf32>
          %add3A_671 = arith.addf %broadcast_in_dim3A_5, %mul3A_670 : vector<16xf32>
          %add3A_672 = arith.constant 324 : i32
          %add3A_673 = vector.broadcast %add3A_672 : i32 to vector<16xi32>
          %add3A_674 = arith.addi %add3A_661, %add3A_673 : vector<16xi32>
          %mul3A_675 = arith.mulf %sub3A_630, %mul3A_644 : vector<16xf32>
          %gather3A_676 = tpu.vector_load_idx %arg18[%add3A_674] : memref<6144xf32, #tpu.memory_space<vmem>>[vector<16xi32>], vector<16xf32>,
          %mul3A_677 = arith.mulf %mul3A_675, %gather3A_676 : vector<16xf32>
          %add3A_678 = arith.addf %add3A_668, %mul3A_677 : vector<16xf32>
          %gather3A_679 = tpu.vector_load_idx %arg19[%add3A_674] : memref<6144xf32, #tpu.memory_space<vmem>>[vector<16xi32>], vector<16xf32>,
          %mul3A_680 = arith.mulf %mul3A_675, %gather3A_679 : vector<16xf32>
          %add3A_681 = arith.addf %add3A_671, %mul3A_680 : vector<16xf32>
          %add3A_682 = arith.constant 18 : i32
          %add3A_683 = vector.broadcast %add3A_682 : i32 to vector<16xi32>
          %add3A_684 = arith.addi %add3A_661, %add3A_683 : vector<16xi32>
          %mul3A_685 = arith.mulf %sub3A_637, %mul3A_652 : vector<16xf32>
          %gather3A_686 = tpu.vector_load_idx %arg18[%add3A_684] : memref<6144xf32, #tpu.memory_space<vmem>>[vector<16xi32>], vector<16xf32>,
          %mul3A_687 = arith.mulf %mul3A_685, %gather3A_686 : vector<16xf32>
          %add3A_688 = arith.addf %add3A_678, %mul3A_687 : vector<16xf32>
          %gather3A_689 = tpu.vector_load_idx %arg19[%add3A_684] : memref<6144xf32, #tpu.memory_space<vmem>>[vector<16xi32>], vector<16xf32>,
          %mul3A_690 = arith.mulf %mul3A_685, %gather3A_689 : vector<16xf32>
          %add3A_691 = arith.addf %add3A_681, %mul3A_690 : vector<16xf32>
          %add3A_692 = arith.constant 342 : i32
          %add3A_693 = vector.broadcast %add3A_692 : i32 to vector<16xi32>
          %add3A_694 = arith.addi %add3A_661, %add3A_693 : vector<16xi32>
          %mul3A_695 = arith.mulf %sub3A_630, %mul3A_652 : vector<16xf32>
          %gather3A_696 = tpu.vector_load_idx %arg18[%add3A_694] : memref<6144xf32, #tpu.memory_space<vmem>>[vector<16xi32>], vector<16xf32>,
          %mul3A_697 = arith.mulf %mul3A_695, %gather3A_696 : vector<16xf32>
          %add3A_698 = arith.addf %add3A_688, %mul3A_697 : vector<16xf32>
          %gather3A_699 = tpu.vector_load_idx %arg19[%add3A_694] : memref<6144xf32, #tpu.memory_space<vmem>>[vector<16xi32>], vector<16xf32>,
          %mul3A_700 = arith.mulf %mul3A_695, %gather3A_699 : vector<16xf32>
          %add3A_701 = arith.addf %add3A_691, %mul3A_700 : vector<16xf32>
          %add3A_702 = arith.constant 1 : i32
          %add3A_703 = vector.broadcast %add3A_702 : i32 to vector<16xi32>
          %add3A_704 = arith.addi %add3A_661, %add3A_703 : vector<16xi32>
          %mul3A_705 = arith.mulf %sub3A_637, %mul3A_648 : vector<16xf32>
          %gather3A_706 = tpu.vector_load_idx %arg18[%add3A_704] : memref<6144xf32, #tpu.memory_space<vmem>>[vector<16xi32>], vector<16xf32>,
          %mul3A_707 = arith.mulf %mul3A_705, %gather3A_706 : vector<16xf32>
          %add3A_708 = arith.addf %add3A_698, %mul3A_707 : vector<16xf32>
          %gather3A_709 = tpu.vector_load_idx %arg19[%add3A_704] : memref<6144xf32, #tpu.memory_space<vmem>>[vector<16xi32>], vector<16xf32>,
          %mul3A_710 = arith.mulf %mul3A_705, %gather3A_709 : vector<16xf32>
          %add3A_711 = arith.addf %add3A_701, %mul3A_710 : vector<16xf32>
          %add3A_712 = arith.constant 325 : i32
          %add3A_713 = vector.broadcast %add3A_712 : i32 to vector<16xi32>
          %add3A_714 = arith.addi %add3A_661, %add3A_713 : vector<16xi32>
          %mul3A_715 = arith.mulf %sub3A_630, %mul3A_648 : vector<16xf32>
          %gather3A_716 = tpu.vector_load_idx %arg18[%add3A_714] : memref<6144xf32, #tpu.memory_space<vmem>>[vector<16xi32>], vector<16xf32>,
          %mul3A_717 = arith.mulf %mul3A_715, %gather3A_716 : vector<16xf32>
          %add3A_718 = arith.addf %add3A_708, %mul3A_717 : vector<16xf32>
          %gather3A_719 = tpu.vector_load_idx %arg19[%add3A_714] : memref<6144xf32, #tpu.memory_space<vmem>>[vector<16xi32>], vector<16xf32>,
          %mul3A_720 = arith.mulf %mul3A_715, %gather3A_719 : vector<16xf32>
          %add3A_721 = arith.addf %add3A_711, %mul3A_720 : vector<16xf32>
          %add3A_722 = arith.constant 19 : i32
          %add3A_723 = vector.broadcast %add3A_722 : i32 to vector<16xi32>
          %add3A_724 = arith.addi %add3A_661, %add3A_723 : vector<16xi32>
          %mul3A_725 = arith.mulf %sub3A_637, %mul3A_653 : vector<16xf32>
          %gather3A_726 = tpu.vector_load_idx %arg18[%add3A_724] : memref<6144xf32, #tpu.memory_space<vmem>>[vector<16xi32>], vector<16xf32>,
          %mul3A_727 = arith.mulf %mul3A_725, %gather3A_726 : vector<16xf32>
          %add3A_728 = arith.addf %add3A_718, %mul3A_727 : vector<16xf32>
          %gather3A_729 = tpu.vector_load_idx %arg19[%add3A_724] : memref<6144xf32, #tpu.memory_space<vmem>>[vector<16xi32>], vector<16xf32>,
          %mul3A_730 = arith.mulf %mul3A_725, %gather3A_729 : vector<16xf32>
          %add3A_731 = arith.addf %add3A_721, %mul3A_730 : vector<16xf32>
          %add3A_732 = arith.constant 343 : i32
          %add3A_733 = vector.broadcast %add3A_732 : i32 to vector<16xi32>
          %add3A_734 = arith.addi %add3A_661, %add3A_733 : vector<16xi32>
          %mul3A_735 = arith.mulf %sub3A_630, %mul3A_653 : vector<16xf32>
          %gather3A_736 = tpu.vector_load_idx %arg18[%add3A_734] : memref<6144xf32, #tpu.memory_space<vmem>>[vector<16xi32>], vector<16xf32>,
          %mul3A_737 = arith.mulf %mul3A_735, %gather3A_736 : vector<16xf32>
          %add3A_738 = arith.addf %add3A_728, %mul3A_737 : vector<16xf32>
          %gather3A_739 = tpu.vector_load_idx %arg19[%add3A_734] : memref<6144xf32, #tpu.memory_space<vmem>>[vector<16xi32>], vector<16xf32>,
          %mul3A_740 = arith.mulf %mul3A_735, %gather3A_739 : vector<16xf32>
          %add3A_741 = arith.addf %add3A_731, %mul3A_740 : vector<16xf32>
          %shift_right_arithmetic3A_742 = arith.constant 3 : i32
          %shift_right_arithmetic3A_743 = arith.shrsi %scan3A_610, %shift_right_arithmetic3A_742 : i32
          %mul3A_744 = arith.constant 1024 : i32
          %mul3A_745 = arith.muli %shift_right_arithmetic3A_743, %mul3A_744 : i32
          %add3A_746 = arith.addi %mul3A_69, %mul3A_745 : i32
          %and3A_747 = arith.constant 7 : i32
          %and3A_748 = arith.andi %scan3A_610, %and3A_747 : i32
          %mul3A_749 = arith.constant 16 : i32
          %mul3A_750 = arith.muli %and3A_748, %mul3A_749 : i32
          %add3A_751 = arith.addi %add3A_746, %mul3A_750 : i32
          %mul3A_752 = vector.broadcast %squeeze3A : f32 to vector<16xf32>
          %mul3A_753 = arith.mulf %add3A_738, %mul3A_752 : vector<16xf32>
          %swap3A_754 = arith.index_cast %add3A_751 : i32 to index
          %swap3A_755 = tpu.vector_load %arg15[%swap3A_754] {strides = array<i32>} : memref<65536xf32, #tpu.memory_space<vmem>>, vector<16xf32>,
          tpu.vector_store %arg15[%swap3A_754], %mul3A_753 {strides = array<i32>} : memref<65536xf32, #tpu.memory_space<vmem>>, vector<16xf32>,
          %mul3A_756 = vector.broadcast %squeeze3A_33 : f32 to vector<16xf32>
          %mul3A_757 = arith.mulf %add3A_741, %mul3A_756 : vector<16xf32>
          %add3A_758 = arith.constant 128 : i32
          %add3A_759 = arith.addi %add3A_751, %add3A_758 : i32
          %swap3A_760 = arith.index_cast %add3A_759 : i32 to index
          %swap3A_761 = tpu.vector_load %arg15[%swap3A_760] {strides = array<i32>} : memref<65536xf32, #tpu.memory_space<vmem>>, vector<16xf32>,
          tpu.vector_store %arg15[%swap3A_760], %mul3A_757 {strides = array<i32>} : memref<65536xf32, #tpu.memory_space<vmem>>, vector<16xf32>,
          %scan3A_762 = arith.constant 0 : i32
          scf.yield %scan3A_762 : i32
        }
        %scan3A_149 = arith.constant 64 : i32
      } else {
      }
      %scan3A_94 = arith.constant 0 : i32
      %scan3A_95 = arith.constant 1 : i32
      %scan3A_96 = arith.constant 15 : i32
      %scan3A_97 = arith.addi %scan3A_95, %scan3A_96 : i32
      %scan3A_98 = arith.constant 1 : i32
      %scan3A_99 = scf.for %scan3A_142 = %scan3A_95 to %scan3A_97 step %scan3A_98 iter_args(%scan3A_143 = %scan3A_94) -> (i32)  : i32 {
        %mul3A_144 = arith.constant 2 : i32
        %mul3A_145 = arith.muli %mul3A_144, %scan3A_142 : i32
        %get3A_146 = arith.index_cast %mul3A_145 : i32 to index
        %get3A_147 = tpu.vector_load %arg16[%get3A_146] {strides = array<i32>} : memref<48xf32, #tpu.memory_space<vmem>>, vector<16xf32>,
        %slice3A_148 = vector.extract_strided_slice %get3A_147 {offsets = [0], sizes = [1], strides = [1]} : vector<16xf32> to vector<1xf32>
        %squeeze3A_149 = vector.extract %slice3A_148[0] : f32 from vector<1xf32>
        %slice3A_150 = vector.extract_strided_slice %get3A_147 {offsets = [1], sizes = [1], strides = [1]} : vector<16xf32> to vector<1xf32>
        %squeeze3A_151 = vector.extract %slice3A_150[0] : f32 from vector<1xf32>
        %ne3A_152 = arith.constant 0.000000e+00 : f32
        %ne3A_153 = arith.cmpf one, %squeeze3A_149, %ne3A_152 : f32
        %ne3A_154 = arith.constant 0.000000e+00 : f32
        %ne3A_155 = arith.cmpf one, %squeeze3A_151, %ne3A_154 : f32
        %or3A_156 = arith.ori %ne3A_153, %ne3A_155 : i1
        %convert_element_type3A_157 = arith.extui %or3A_156 : i1 to i32
        %cond3A_158 = arith.constant 0 : i32
        %cond3A_159 = arith.cmpi ne, %convert_element_type3A_157, %cond3A_158 : i32
        scf.if %cond3A_159 {
          %get3A_161 = arith.index_cast %scan3A_142 : i32 to index
          %get3A_162 = tpu.vector_load %arg17[%get3A_161] {strides = array<i32>} : memref<32xf32, #tpu.memory_space<vmem>>, vector<16xf32>,
          %slice3A_163 = vector.extract_strided_slice %get3A_162 {offsets = [0], sizes = [1], strides = [1]} : vector<16xf32> to vector<1xf32>
          %squeeze3A_164 = vector.extract %slice3A_163[0] : f32 from vector<1xf32>
          %mul3A_165 = arith.constant 1048576 : i32
          %mul3A_166 = arith.muli %scan3A_142, %mul3A_165 : i32
          %shift_right_arithmetic3A_167 = arith.constant 2 : i32
          %shift_right_arithmetic3A_168 = arith.shrsi %scan3A_142, %shift_right_arithmetic3A_167 : i32
          %shift_left3A = arith.constant 13 : i32
          %shift_left3A_169 = arith.shli %shift_right_arithmetic3A_168, %shift_left3A : i32
          %add3A_170 = arith.addi %mul3A_69, %shift_left3A_169 : i32
          %and3A_171 = arith.constant 3 : i32
          %and3A_172 = arith.andi %scan3A_142, %and3A_171 : i32
          %shift_left3A_173 = arith.constant 8 : i32
          %shift_left3A_174 = arith.shli %and3A_172, %shift_left3A_173 : i32
          %add3A_175 = arith.addi %add3A_170, %shift_left3A_174 : i32
          %scan3A_176 = arith.constant 0 : i32
          %scan3A_177 = arith.constant 0 : i32
          %scan3A_178 = arith.constant 64 : i32
          %scan3A_179 = arith.addi %scan3A_177, %scan3A_178 : i32
          %scan3A_180 = arith.constant 1 : i32
          %scan3A_181 = scf.for %scan3A_1730 = %scan3A_177 to %scan3A_179 step %scan3A_180 iter_args(%scan3A_1731 = %scan3A_176) -> (i32)  : i32 {
            %mul3A_1732 = arith.constant 16 : i32
            %mul3A_1733 = arith.muli %scan3A_1730, %mul3A_1732 : i32
            %add3A_1734 = arith.addi %mul3A_65, %mul3A_1733 : i32
            %mul3A_1735 = arith.constant 16 : i32
            %mul3A_1736 = arith.muli %scan3A_1730, %mul3A_1735 : i32
            %add3A_1737 = vector.broadcast %mul3A_1736 : i32 to vector<16xi32>
            %add3A_1738 = arith.addi %add3A_1737, %iota3A : vector<16xi32>
            %get3A_1739 = arith.index_cast %add3A_1734 : i32 to index
            %get3A_1740 = tpu.vector_load %arg9[%get3A_1739] {strides = array<i32>} : memref<2048xf32, #tpu.memory_space<vmem>>, vector<16xf32>,
            %mul3A_1741 = vector.broadcast %squeeze3A_164 : f32 to vector<16xf32>
            %mul3A_1742 = arith.mulf %get3A_1740, %mul3A_1741 : vector<16xf32>
            %get3A_1743 = arith.index_cast %add3A_1734 : i32 to index
            %get3A_1744 = tpu.vector_load %arg10[%get3A_1743] {strides = array<i32>} : memref<2048xf32, #tpu.memory_space<vmem>>, vector<16xf32>,
            %mul3A_1745 = vector.broadcast %squeeze3A_164 : f32 to vector<16xf32>
            %mul3A_1746 = arith.mulf %get3A_1744, %mul3A_1745 : vector<16xf32>
            %get3A_1747 = arith.index_cast %add3A_1734 : i32 to index
            %get3A_1748 = tpu.vector_load %arg11[%get3A_1747] {strides = array<i32>} : memref<2048xf32, #tpu.memory_space<vmem>>, vector<16xf32>,
            %mul3A_1749 = vector.broadcast %squeeze3A_164 : f32 to vector<16xf32>
            %mul3A_1750 = arith.mulf %get3A_1748, %mul3A_1749 : vector<16xf32>
            %convert_element_type3A_1751 = arith.fptosi %mul3A_1742 : vector<16xf32> to vector<16xi32>
            %convert_element_type3A_1752 = arith.fptosi %mul3A_1746 : vector<16xf32> to vector<16xi32>
            %convert_element_type3A_1753 = arith.fptosi %mul3A_1750 : vector<16xf32> to vector<16xi32>
            %convert_element_type3A_1754 = arith.sitofp %convert_element_type3A_1751 : vector<16xi32> to vector<16xf32>
            %sub3A = arith.subf %mul3A_1742, %convert_element_type3A_1754 : vector<16xf32>
            %convert_element_type3A_1755 = arith.sitofp %convert_element_type3A_1752 : vector<16xi32> to vector<16xf32>
            %sub3A_1756 = arith.subf %mul3A_1746, %convert_element_type3A_1755 : vector<16xf32>
            %convert_element_type3A_1757 = arith.sitofp %convert_element_type3A_1753 : vector<16xi32> to vector<16xf32>
            %sub3A_1758 = arith.subf %mul3A_1750, %convert_element_type3A_1757 : vector<16xf32>
            %sub3A_1759 = arith.constant 1.000000e+00 : f32
            %sub3A_1760 = vector.broadcast %sub3A_1759 : f32 to vector<16xf32>
            %sub3A_1761 = arith.subf %sub3A_1760, %sub3A : vector<16xf32>
            %sub3A_1762 = arith.constant 1.000000e+00 : f32
            %sub3A_1763 = vector.broadcast %sub3A_1762 : f32 to vector<16xf32>
            %sub3A_1764 = arith.subf %sub3A_1763, %sub3A_1756 : vector<16xf32>
            %sub3A_1765 = arith.constant 1.000000e+00 : f32
            %sub3A_1766 = vector.broadcast %sub3A_1765 : f32 to vector<16xf32>
            %sub3A_1767 = arith.subf %sub3A_1766, %sub3A_1758 : vector<16xf32>
            %add3A_1768 = arith.constant 1 : i32
            %add3A_1769 = vector.broadcast %add3A_1768 : i32 to vector<16xi32>
            %add3A_1770 = arith.addi %convert_element_type3A_1751, %add3A_1769 : vector<16xi32>
            %mul3A_1771 = arith.constant -1640531535 : i32
            %mul3A_1772 = vector.broadcast %mul3A_1771 : i32 to vector<16xi32>
            %mul3A_1773 = arith.muli %convert_element_type3A_1752, %mul3A_1772 : vector<16xi32>
            %add3A_1774 = arith.constant -1640531535 : i32
            %add3A_1775 = vector.broadcast %add3A_1774 : i32 to vector<16xi32>
            %add3A_1776 = arith.addi %mul3A_1773, %add3A_1775 : vector<16xi32>
            %mul3A_1777 = arith.constant 805459861 : i32
            %mul3A_1778 = vector.broadcast %mul3A_1777 : i32 to vector<16xi32>
            %mul3A_1779 = arith.muli %convert_element_type3A_1753, %mul3A_1778 : vector<16xi32>
            %add3A_1780 = arith.constant 805459861 : i32
            %add3A_1781 = vector.broadcast %add3A_1780 : i32 to vector<16xi32>
            %add3A_1782 = arith.addi %mul3A_1779, %add3A_1781 : vector<16xi32>
            %xor3A = arith.xori %convert_element_type3A_1751, %mul3A_1773 : vector<16xi32>
            %xor3A_1783 = arith.xori %xor3A, %mul3A_1779 : vector<16xi32>
            %and3A_1784 = arith.constant 524287 : i32
            %and3A_1785 = vector.broadcast %and3A_1784 : i32 to vector<16xi32>
            %and3A_1786 = arith.andi %xor3A_1783, %and3A_1785 : vector<16xi32>
            %shift_right_arithmetic3A_1787 = arith.constant 7 : i32
            %shift_right_arithmetic3A_1788 = vector.broadcast %shift_right_arithmetic3A_1787 : i32 to vector<16xi32>
            %shift_right_arithmetic3A_1789 = arith.shrsi %and3A_1786, %shift_right_arithmetic3A_1788 : vector<16xi32>
            %shift_left3A_1790 = arith.constant 8 : i32
            %shift_left3A_1791 = vector.broadcast %shift_left3A_1790 : i32 to vector<16xi32>
            %shift_left3A_1792 = arith.shli %shift_right_arithmetic3A_1789, %shift_left3A_1791 : vector<16xi32>
            %add3A_1793 = vector.broadcast %mul3A_166 : i32 to vector<16xi32>
            %add3A_1794 = arith.addi %add3A_1793, %shift_left3A_1792 : vector<16xi32>
            %and3A_1795 = arith.constant 127 : i32
            %and3A_1796 = vector.broadcast %and3A_1795 : i32 to vector<16xi32>
            %and3A_1797 = arith.andi %and3A_1786, %and3A_1796 : vector<16xi32>
            %add3A_1798 = arith.addi %add3A_1794, %and3A_1797 : vector<16xi32>
            %mul3A_1799 = arith.constant 2 : i32
            %mul3A_1800 = vector.broadcast %mul3A_1799 : i32 to vector<16xi32>
            %mul3A_1801 = arith.muli %mul3A_1800, %add3A_1738 : vector<16xi32>
            %add3A_1802 = arith.constant 0 : i32
            %add3A_1803 = vector.broadcast %add3A_1802 : i32 to vector<16xi32>
            %add3A_1804 = arith.addi %add3A_1803, %mul3A_1801 : vector<16xi32>
            tpu.vector_store_idx %arg12[%add3A_1804], %add3A_1798 : memref<16384xi32, #tpu.memory_space<vmem>>[vector<16xi32>], vector<16xi32>,
            %add3A_1805 = arith.constant 1 : i32
            %add3A_1806 = vector.broadcast %add3A_1805 : i32 to vector<16xi32>
            %add3A_1807 = arith.addi %add3A_1804, %add3A_1806 : vector<16xi32>
            %add3A_1808 = arith.constant 128 : i32
            %add3A_1809 = vector.broadcast %add3A_1808 : i32 to vector<16xi32>
            %add3A_1810 = arith.addi %add3A_1798, %add3A_1809 : vector<16xi32>
            tpu.vector_store_idx %arg12[%add3A_1807], %add3A_1810 : memref<16384xi32, #tpu.memory_space<vmem>>[vector<16xi32>], vector<16xi32>,
            %mul3A_1811 = arith.mulf %sub3A_1761, %sub3A_1764 : vector<16xf32>
            %mul3A_1812 = arith.mulf %mul3A_1811, %sub3A_1767 : vector<16xf32>
            %mul3A_1813 = arith.constant 16 : i32
            %mul3A_1814 = arith.muli %scan3A_1730, %mul3A_1813 : i32
            %add3A_1815 = arith.constant 0 : i32
            %add3A_1816 = arith.addi %add3A_1815, %mul3A_1814 : i32
            %swap3A = arith.index_cast %add3A_1816 : i32 to index
            %swap3A_1817 = tpu.vector_load %arg13[%swap3A] {strides = array<i32>} : memref<8192xf32, #tpu.memory_space<vmem>>, vector<16xf32>,
            tpu.vector_store %arg13[%swap3A], %mul3A_1812 {strides = array<i32>} : memref<8192xf32, #tpu.memory_space<vmem>>, vector<16xf32>,
            %xor3A_1818 = arith.xori %add3A_1770, %mul3A_1773 : vector<16xi32>
            %xor3A_1819 = arith.xori %xor3A_1818, %mul3A_1779 : vector<16xi32>
            %and3A_1820 = arith.constant 524287 : i32
            %and3A_1821 = vector.broadcast %and3A_1820 : i32 to vector<16xi32>
            %and3A_1822 = arith.andi %xor3A_1819, %and3A_1821 : vector<16xi32>
            %shift_right_arithmetic3A_1823 = arith.constant 7 : i32
            %shift_right_arithmetic3A_1824 = vector.broadcast %shift_right_arithmetic3A_1823 : i32 to vector<16xi32>
            %shift_right_arithmetic3A_1825 = arith.shrsi %and3A_1822, %shift_right_arithmetic3A_1824 : vector<16xi32>
            %shift_left3A_1826 = arith.constant 8 : i32
            %shift_left3A_1827 = vector.broadcast %shift_left3A_1826 : i32 to vector<16xi32>
            %shift_left3A_1828 = arith.shli %shift_right_arithmetic3A_1825, %shift_left3A_1827 : vector<16xi32>
            %add3A_1829 = vector.broadcast %mul3A_166 : i32 to vector<16xi32>
            %add3A_1830 = arith.addi %add3A_1829, %shift_left3A_1828 : vector<16xi32>
            %and3A_1831 = arith.constant 127 : i32
            %and3A_1832 = vector.broadcast %and3A_1831 : i32 to vector<16xi32>
            %and3A_1833 = arith.andi %and3A_1822, %and3A_1832 : vector<16xi32>
            %add3A_1834 = arith.addi %add3A_1830, %and3A_1833 : vector<16xi32>
            %mul3A_1835 = arith.constant 2 : i32
            %mul3A_1836 = vector.broadcast %mul3A_1835 : i32 to vector<16xi32>
            %mul3A_1837 = arith.muli %mul3A_1836, %add3A_1738 : vector<16xi32>
            %add3A_1838 = arith.constant 2048 : i32
            %add3A_1839 = vector.broadcast %add3A_1838 : i32 to vector<16xi32>
            %add3A_1840 = arith.addi %add3A_1839, %mul3A_1837 : vector<16xi32>
            tpu.vector_store_idx %arg12[%add3A_1840], %add3A_1834 : memref<16384xi32, #tpu.memory_space<vmem>>[vector<16xi32>], vector<16xi32>,
            %add3A_1841 = arith.constant 1 : i32
            %add3A_1842 = vector.broadcast %add3A_1841 : i32 to vector<16xi32>
            %add3A_1843 = arith.addi %add3A_1840, %add3A_1842 : vector<16xi32>
            %add3A_1844 = arith.constant 128 : i32
            %add3A_1845 = vector.broadcast %add3A_1844 : i32 to vector<16xi32>
            %add3A_1846 = arith.addi %add3A_1834, %add3A_1845 : vector<16xi32>
            tpu.vector_store_idx %arg12[%add3A_1843], %add3A_1846 : memref<16384xi32, #tpu.memory_space<vmem>>[vector<16xi32>], vector<16xi32>,
            %mul3A_1847 = arith.mulf %sub3A, %sub3A_1764 : vector<16xf32>
            %mul3A_1848 = arith.mulf %mul3A_1847, %sub3A_1767 : vector<16xf32>
            %mul3A_1849 = arith.constant 16 : i32
            %mul3A_1850 = arith.muli %scan3A_1730, %mul3A_1849 : i32
            %add3A_1851 = arith.constant 1024 : i32
            %add3A_1852 = arith.addi %add3A_1851, %mul3A_1850 : i32
            %swap3A_1853 = arith.index_cast %add3A_1852 : i32 to index
            %swap3A_1854 = tpu.vector_load %arg13[%swap3A_1853] {strides = array<i32>} : memref<8192xf32, #tpu.memory_space<vmem>>, vector<16xf32>,
            tpu.vector_store %arg13[%swap3A_1853], %mul3A_1848 {strides = array<i32>} : memref<8192xf32, #tpu.memory_space<vmem>>, vector<16xf32>,
            %xor3A_1855 = arith.xori %convert_element_type3A_1751, %add3A_1776 : vector<16xi32>
            %xor3A_1856 = arith.xori %xor3A_1855, %mul3A_1779 : vector<16xi32>
            %and3A_1857 = arith.constant 524287 : i32
            %and3A_1858 = vector.broadcast %and3A_1857 : i32 to vector<16xi32>
            %and3A_1859 = arith.andi %xor3A_1856, %and3A_1858 : vector<16xi32>
            %shift_right_arithmetic3A_1860 = arith.constant 7 : i32
            %shift_right_arithmetic3A_1861 = vector.broadcast %shift_right_arithmetic3A_1860 : i32 to vector<16xi32>
            %shift_right_arithmetic3A_1862 = arith.shrsi %and3A_1859, %shift_right_arithmetic3A_1861 : vector<16xi32>
            %shift_left3A_1863 = arith.constant 8 : i32
            %shift_left3A_1864 = vector.broadcast %shift_left3A_1863 : i32 to vector<16xi32>
            %shift_left3A_1865 = arith.shli %shift_right_arithmetic3A_1862, %shift_left3A_1864 : vector<16xi32>
            %add3A_1866 = vector.broadcast %mul3A_166 : i32 to vector<16xi32>
            %add3A_1867 = arith.addi %add3A_1866, %shift_left3A_1865 : vector<16xi32>
            %and3A_1868 = arith.constant 127 : i32
            %and3A_1869 = vector.broadcast %and3A_1868 : i32 to vector<16xi32>
            %and3A_1870 = arith.andi %and3A_1859, %and3A_1869 : vector<16xi32>
            %add3A_1871 = arith.addi %add3A_1867, %and3A_1870 : vector<16xi32>
            %mul3A_1872 = arith.constant 2 : i32
            %mul3A_1873 = vector.broadcast %mul3A_1872 : i32 to vector<16xi32>
            %mul3A_1874 = arith.muli %mul3A_1873, %add3A_1738 : vector<16xi32>
            %add3A_1875 = arith.constant 4096 : i32
            %add3A_1876 = vector.broadcast %add3A_1875 : i32 to vector<16xi32>
            %add3A_1877 = arith.addi %add3A_1876, %mul3A_1874 : vector<16xi32>
            tpu.vector_store_idx %arg12[%add3A_1877], %add3A_1871 : memref<16384xi32, #tpu.memory_space<vmem>>[vector<16xi32>], vector<16xi32>,
            %add3A_1878 = arith.constant 1 : i32
            %add3A_1879 = vector.broadcast %add3A_1878 : i32 to vector<16xi32>
            %add3A_1880 = arith.addi %add3A_1877, %add3A_1879 : vector<16xi32>
            %add3A_1881 = arith.constant 128 : i32
            %add3A_1882 = vector.broadcast %add3A_1881 : i32 to vector<16xi32>
            %add3A_1883 = arith.addi %add3A_1871, %add3A_1882 : vector<16xi32>
            tpu.vector_store_idx %arg12[%add3A_1880], %add3A_1883 : memref<16384xi32, #tpu.memory_space<vmem>>[vector<16xi32>], vector<16xi32>,
            %mul3A_1884 = arith.mulf %sub3A_1761, %sub3A_1756 : vector<16xf32>
            %mul3A_1885 = arith.mulf %mul3A_1884, %sub3A_1767 : vector<16xf32>
            %mul3A_1886 = arith.constant 16 : i32
            %mul3A_1887 = arith.muli %scan3A_1730, %mul3A_1886 : i32
            %add3A_1888 = arith.constant 2048 : i32
            %add3A_1889 = arith.addi %add3A_1888, %mul3A_1887 : i32
            %swap3A_1890 = arith.index_cast %add3A_1889 : i32 to index
            %swap3A_1891 = tpu.vector_load %arg13[%swap3A_1890] {strides = array<i32>} : memref<8192xf32, #tpu.memory_space<vmem>>, vector<16xf32>,
            tpu.vector_store %arg13[%swap3A_1890], %mul3A_1885 {strides = array<i32>} : memref<8192xf32, #tpu.memory_space<vmem>>, vector<16xf32>,
            %xor3A_1892 = arith.xori %add3A_1770, %add3A_1776 : vector<16xi32>
            %xor3A_1893 = arith.xori %xor3A_1892, %mul3A_1779 : vector<16xi32>
            %and3A_1894 = arith.constant 524287 : i32
            %and3A_1895 = vector.broadcast %and3A_1894 : i32 to vector<16xi32>
            %and3A_1896 = arith.andi %xor3A_1893, %and3A_1895 : vector<16xi32>
            %shift_right_arithmetic3A_1897 = arith.constant 7 : i32
            %shift_right_arithmetic3A_1898 = vector.broadcast %shift_right_arithmetic3A_1897 : i32 to vector<16xi32>
            %shift_right_arithmetic3A_1899 = arith.shrsi %and3A_1896, %shift_right_arithmetic3A_1898 : vector<16xi32>
            %shift_left3A_1900 = arith.constant 8 : i32
            %shift_left3A_1901 = vector.broadcast %shift_left3A_1900 : i32 to vector<16xi32>
            %shift_left3A_1902 = arith.shli %shift_right_arithmetic3A_1899, %shift_left3A_1901 : vector<16xi32>
            %add3A_1903 = vector.broadcast %mul3A_166 : i32 to vector<16xi32>
            %add3A_1904 = arith.addi %add3A_1903, %shift_left3A_1902 : vector<16xi32>
            %and3A_1905 = arith.constant 127 : i32
            %and3A_1906 = vector.broadcast %and3A_1905 : i32 to vector<16xi32>
            %and3A_1907 = arith.andi %and3A_1896, %and3A_1906 : vector<16xi32>
            %add3A_1908 = arith.addi %add3A_1904, %and3A_1907 : vector<16xi32>
            %mul3A_1909 = arith.constant 2 : i32
            %mul3A_1910 = vector.broadcast %mul3A_1909 : i32 to vector<16xi32>
            %mul3A_1911 = arith.muli %mul3A_1910, %add3A_1738 : vector<16xi32>
            %add3A_1912 = arith.constant 6144 : i32
            %add3A_1913 = vector.broadcast %add3A_1912 : i32 to vector<16xi32>
            %add3A_1914 = arith.addi %add3A_1913, %mul3A_1911 : vector<16xi32>
            tpu.vector_store_idx %arg12[%add3A_1914], %add3A_1908 : memref<16384xi32, #tpu.memory_space<vmem>>[vector<16xi32>], vector<16xi32>,
            %add3A_1915 = arith.constant 1 : i32
            %add3A_1916 = vector.broadcast %add3A_1915 : i32 to vector<16xi32>
            %add3A_1917 = arith.addi %add3A_1914, %add3A_1916 : vector<16xi32>
            %add3A_1918 = arith.constant 128 : i32
            %add3A_1919 = vector.broadcast %add3A_1918 : i32 to vector<16xi32>
            %add3A_1920 = arith.addi %add3A_1908, %add3A_1919 : vector<16xi32>
            tpu.vector_store_idx %arg12[%add3A_1917], %add3A_1920 : memref<16384xi32, #tpu.memory_space<vmem>>[vector<16xi32>], vector<16xi32>,
            %mul3A_1921 = arith.mulf %sub3A, %sub3A_1756 : vector<16xf32>
            %mul3A_1922 = arith.mulf %mul3A_1921, %sub3A_1767 : vector<16xf32>
            %mul3A_1923 = arith.constant 16 : i32
            %mul3A_1924 = arith.muli %scan3A_1730, %mul3A_1923 : i32
            %add3A_1925 = arith.constant 3072 : i32
            %add3A_1926 = arith.addi %add3A_1925, %mul3A_1924 : i32
            %swap3A_1927 = arith.index_cast %add3A_1926 : i32 to index
            %swap3A_1928 = tpu.vector_load %arg13[%swap3A_1927] {strides = array<i32>} : memref<8192xf32, #tpu.memory_space<vmem>>, vector<16xf32>,
            tpu.vector_store %arg13[%swap3A_1927], %mul3A_1922 {strides = array<i32>} : memref<8192xf32, #tpu.memory_space<vmem>>, vector<16xf32>,
            %xor3A_1929 = arith.xori %convert_element_type3A_1751, %mul3A_1773 : vector<16xi32>
            %xor3A_1930 = arith.xori %xor3A_1929, %add3A_1782 : vector<16xi32>
            %and3A_1931 = arith.constant 524287 : i32
            %and3A_1932 = vector.broadcast %and3A_1931 : i32 to vector<16xi32>
            %and3A_1933 = arith.andi %xor3A_1930, %and3A_1932 : vector<16xi32>
            %shift_right_arithmetic3A_1934 = arith.constant 7 : i32
            %shift_right_arithmetic3A_1935 = vector.broadcast %shift_right_arithmetic3A_1934 : i32 to vector<16xi32>
            %shift_right_arithmetic3A_1936 = arith.shrsi %and3A_1933, %shift_right_arithmetic3A_1935 : vector<16xi32>
            %shift_left3A_1937 = arith.constant 8 : i32
            %shift_left3A_1938 = vector.broadcast %shift_left3A_1937 : i32 to vector<16xi32>
            %shift_left3A_1939 = arith.shli %shift_right_arithmetic3A_1936, %shift_left3A_1938 : vector<16xi32>
            %add3A_1940 = vector.broadcast %mul3A_166 : i32 to vector<16xi32>
            %add3A_1941 = arith.addi %add3A_1940, %shift_left3A_1939 : vector<16xi32>
            %and3A_1942 = arith.constant 127 : i32
            %and3A_1943 = vector.broadcast %and3A_1942 : i32 to vector<16xi32>
            %and3A_1944 = arith.andi %and3A_1933, %and3A_1943 : vector<16xi32>
            %add3A_1945 = arith.addi %add3A_1941, %and3A_1944 : vector<16xi32>
            %mul3A_1946 = arith.constant 2 : i32
            %mul3A_1947 = vector.broadcast %mul3A_1946 : i32 to vector<16xi32>
            %mul3A_1948 = arith.muli %mul3A_1947, %add3A_1738 : vector<16xi32>
            %add3A_1949 = arith.constant 8192 : i32
            %add3A_1950 = vector.broadcast %add3A_1949 : i32 to vector<16xi32>
            %add3A_1951 = arith.addi %add3A_1950, %mul3A_1948 : vector<16xi32>
            tpu.vector_store_idx %arg12[%add3A_1951], %add3A_1945 : memref<16384xi32, #tpu.memory_space<vmem>>[vector<16xi32>], vector<16xi32>,
            %add3A_1952 = arith.constant 1 : i32
            %add3A_1953 = vector.broadcast %add3A_1952 : i32 to vector<16xi32>
            %add3A_1954 = arith.addi %add3A_1951, %add3A_1953 : vector<16xi32>
            %add3A_1955 = arith.constant 128 : i32
            %add3A_1956 = vector.broadcast %add3A_1955 : i32 to vector<16xi32>
            %add3A_1957 = arith.addi %add3A_1945, %add3A_1956 : vector<16xi32>
            tpu.vector_store_idx %arg12[%add3A_1954], %add3A_1957 : memref<16384xi32, #tpu.memory_space<vmem>>[vector<16xi32>], vector<16xi32>,
            %mul3A_1958 = arith.mulf %sub3A_1761, %sub3A_1764 : vector<16xf32>
            %mul3A_1959 = arith.mulf %mul3A_1958, %sub3A_1758 : vector<16xf32>
            %mul3A_1960 = arith.constant 16 : i32
            %mul3A_1961 = arith.muli %scan3A_1730, %mul3A_1960 : i32
            %add3A_1962 = arith.constant 4096 : i32
            %add3A_1963 = arith.addi %add3A_1962, %mul3A_1961 : i32
            %swap3A_1964 = arith.index_cast %add3A_1963 : i32 to index
            %swap3A_1965 = tpu.vector_load %arg13[%swap3A_1964] {strides = array<i32>} : memref<8192xf32, #tpu.memory_space<vmem>>, vector<16xf32>,
            tpu.vector_store %arg13[%swap3A_1964], %mul3A_1959 {strides = array<i32>} : memref<8192xf32, #tpu.memory_space<vmem>>, vector<16xf32>,
            %xor3A_1966 = arith.xori %add3A_1770, %mul3A_1773 : vector<16xi32>
            %xor3A_1967 = arith.xori %xor3A_1966, %add3A_1782 : vector<16xi32>
            %and3A_1968 = arith.constant 524287 : i32
            %and3A_1969 = vector.broadcast %and3A_1968 : i32 to vector<16xi32>
            %and3A_1970 = arith.andi %xor3A_1967, %and3A_1969 : vector<16xi32>
            %shift_right_arithmetic3A_1971 = arith.constant 7 : i32
            %shift_right_arithmetic3A_1972 = vector.broadcast %shift_right_arithmetic3A_1971 : i32 to vector<16xi32>
            %shift_right_arithmetic3A_1973 = arith.shrsi %and3A_1970, %shift_right_arithmetic3A_1972 : vector<16xi32>
            %shift_left3A_1974 = arith.constant 8 : i32
            %shift_left3A_1975 = vector.broadcast %shift_left3A_1974 : i32 to vector<16xi32>
            %shift_left3A_1976 = arith.shli %shift_right_arithmetic3A_1973, %shift_left3A_1975 : vector<16xi32>
            %add3A_1977 = vector.broadcast %mul3A_166 : i32 to vector<16xi32>
            %add3A_1978 = arith.addi %add3A_1977, %shift_left3A_1976 : vector<16xi32>
            %and3A_1979 = arith.constant 127 : i32
            %and3A_1980 = vector.broadcast %and3A_1979 : i32 to vector<16xi32>
            %and3A_1981 = arith.andi %and3A_1970, %and3A_1980 : vector<16xi32>
            %add3A_1982 = arith.addi %add3A_1978, %and3A_1981 : vector<16xi32>
            %mul3A_1983 = arith.constant 2 : i32
            %mul3A_1984 = vector.broadcast %mul3A_1983 : i32 to vector<16xi32>
            %mul3A_1985 = arith.muli %mul3A_1984, %add3A_1738 : vector<16xi32>
            %add3A_1986 = arith.constant 10240 : i32
            %add3A_1987 = vector.broadcast %add3A_1986 : i32 to vector<16xi32>
            %add3A_1988 = arith.addi %add3A_1987, %mul3A_1985 : vector<16xi32>
            tpu.vector_store_idx %arg12[%add3A_1988], %add3A_1982 : memref<16384xi32, #tpu.memory_space<vmem>>[vector<16xi32>], vector<16xi32>,
            %add3A_1989 = arith.constant 1 : i32
            %add3A_1990 = vector.broadcast %add3A_1989 : i32 to vector<16xi32>
            %add3A_1991 = arith.addi %add3A_1988, %add3A_1990 : vector<16xi32>
            %add3A_1992 = arith.constant 128 : i32
            %add3A_1993 = vector.broadcast %add3A_1992 : i32 to vector<16xi32>
            %add3A_1994 = arith.addi %add3A_1982, %add3A_1993 : vector<16xi32>
            tpu.vector_store_idx %arg12[%add3A_1991], %add3A_1994 : memref<16384xi32, #tpu.memory_space<vmem>>[vector<16xi32>], vector<16xi32>,
            %mul3A_1995 = arith.mulf %sub3A, %sub3A_1764 : vector<16xf32>
            %mul3A_1996 = arith.mulf %mul3A_1995, %sub3A_1758 : vector<16xf32>
            %mul3A_1997 = arith.constant 16 : i32
            %mul3A_1998 = arith.muli %scan3A_1730, %mul3A_1997 : i32
            %add3A_1999 = arith.constant 5120 : i32
            %add3A_2000 = arith.addi %add3A_1999, %mul3A_1998 : i32
            %swap3A_2001 = arith.index_cast %add3A_2000 : i32 to index
            %swap3A_2002 = tpu.vector_load %arg13[%swap3A_2001] {strides = array<i32>} : memref<8192xf32, #tpu.memory_space<vmem>>, vector<16xf32>,
            tpu.vector_store %arg13[%swap3A_2001], %mul3A_1996 {strides = array<i32>} : memref<8192xf32, #tpu.memory_space<vmem>>, vector<16xf32>,
            %xor3A_2003 = arith.xori %convert_element_type3A_1751, %add3A_1776 : vector<16xi32>
            %xor3A_2004 = arith.xori %xor3A_2003, %add3A_1782 : vector<16xi32>
            %and3A_2005 = arith.constant 524287 : i32
            %and3A_2006 = vector.broadcast %and3A_2005 : i32 to vector<16xi32>
            %and3A_2007 = arith.andi %xor3A_2004, %and3A_2006 : vector<16xi32>
            %shift_right_arithmetic3A_2008 = arith.constant 7 : i32
            %shift_right_arithmetic3A_2009 = vector.broadcast %shift_right_arithmetic3A_2008 : i32 to vector<16xi32>
            %shift_right_arithmetic3A_2010 = arith.shrsi %and3A_2007, %shift_right_arithmetic3A_2009 : vector<16xi32>
            %shift_left3A_2011 = arith.constant 8 : i32
            %shift_left3A_2012 = vector.broadcast %shift_left3A_2011 : i32 to vector<16xi32>
            %shift_left3A_2013 = arith.shli %shift_right_arithmetic3A_2010, %shift_left3A_2012 : vector<16xi32>
            %add3A_2014 = vector.broadcast %mul3A_166 : i32 to vector<16xi32>
            %add3A_2015 = arith.addi %add3A_2014, %shift_left3A_2013 : vector<16xi32>
            %and3A_2016 = arith.constant 127 : i32
            %and3A_2017 = vector.broadcast %and3A_2016 : i32 to vector<16xi32>
            %and3A_2018 = arith.andi %and3A_2007, %and3A_2017 : vector<16xi32>
            %add3A_2019 = arith.addi %add3A_2015, %and3A_2018 : vector<16xi32>
            %mul3A_2020 = arith.constant 2 : i32
            %mul3A_2021 = vector.broadcast %mul3A_2020 : i32 to vector<16xi32>
            %mul3A_2022 = arith.muli %mul3A_2021, %add3A_1738 : vector<16xi32>
            %add3A_2023 = arith.constant 12288 : i32
            %add3A_2024 = vector.broadcast %add3A_2023 : i32 to vector<16xi32>
            %add3A_2025 = arith.addi %add3A_2024, %mul3A_2022 : vector<16xi32>
            tpu.vector_store_idx %arg12[%add3A_2025], %add3A_2019 : memref<16384xi32, #tpu.memory_space<vmem>>[vector<16xi32>], vector<16xi32>,
            %add3A_2026 = arith.constant 1 : i32
            %add3A_2027 = vector.broadcast %add3A_2026 : i32 to vector<16xi32>
            %add3A_2028 = arith.addi %add3A_2025, %add3A_2027 : vector<16xi32>
            %add3A_2029 = arith.constant 128 : i32
            %add3A_2030 = vector.broadcast %add3A_2029 : i32 to vector<16xi32>
            %add3A_2031 = arith.addi %add3A_2019, %add3A_2030 : vector<16xi32>
            tpu.vector_store_idx %arg12[%add3A_2028], %add3A_2031 : memref<16384xi32, #tpu.memory_space<vmem>>[vector<16xi32>], vector<16xi32>,
            %mul3A_2032 = arith.mulf %sub3A_1761, %sub3A_1756 : vector<16xf32>
            %mul3A_2033 = arith.mulf %mul3A_2032, %sub3A_1758 : vector<16xf32>
            %mul3A_2034 = arith.constant 16 : i32
            %mul3A_2035 = arith.muli %scan3A_1730, %mul3A_2034 : i32
            %add3A_2036 = arith.constant 6144 : i32
            %add3A_2037 = arith.addi %add3A_2036, %mul3A_2035 : i32
            %swap3A_2038 = arith.index_cast %add3A_2037 : i32 to index
            %swap3A_2039 = tpu.vector_load %arg13[%swap3A_2038] {strides = array<i32>} : memref<8192xf32, #tpu.memory_space<vmem>>, vector<16xf32>,
            tpu.vector_store %arg13[%swap3A_2038], %mul3A_2033 {strides = array<i32>} : memref<8192xf32, #tpu.memory_space<vmem>>, vector<16xf32>,
            %xor3A_2040 = arith.xori %add3A_1770, %add3A_1776 : vector<16xi32>
            %xor3A_2041 = arith.xori %xor3A_2040, %add3A_1782 : vector<16xi32>
            %and3A_2042 = arith.constant 524287 : i32
            %and3A_2043 = vector.broadcast %and3A_2042 : i32 to vector<16xi32>
            %and3A_2044 = arith.andi %xor3A_2041, %and3A_2043 : vector<16xi32>
            %shift_right_arithmetic3A_2045 = arith.constant 7 : i32
            %shift_right_arithmetic3A_2046 = vector.broadcast %shift_right_arithmetic3A_2045 : i32 to vector<16xi32>
            %shift_right_arithmetic3A_2047 = arith.shrsi %and3A_2044, %shift_right_arithmetic3A_2046 : vector<16xi32>
            %shift_left3A_2048 = arith.constant 8 : i32
            %shift_left3A_2049 = vector.broadcast %shift_left3A_2048 : i32 to vector<16xi32>
            %shift_left3A_2050 = arith.shli %shift_right_arithmetic3A_2047, %shift_left3A_2049 : vector<16xi32>
            %add3A_2051 = vector.broadcast %mul3A_166 : i32 to vector<16xi32>
            %add3A_2052 = arith.addi %add3A_2051, %shift_left3A_2050 : vector<16xi32>
            %and3A_2053 = arith.constant 127 : i32
            %and3A_2054 = vector.broadcast %and3A_2053 : i32 to vector<16xi32>
            %and3A_2055 = arith.andi %and3A_2044, %and3A_2054 : vector<16xi32>
            %add3A_2056 = arith.addi %add3A_2052, %and3A_2055 : vector<16xi32>
            %mul3A_2057 = arith.constant 2 : i32
            %mul3A_2058 = vector.broadcast %mul3A_2057 : i32 to vector<16xi32>
            %mul3A_2059 = arith.muli %mul3A_2058, %add3A_1738 : vector<16xi32>
            %add3A_2060 = arith.constant 14336 : i32
            %add3A_2061 = vector.broadcast %add3A_2060 : i32 to vector<16xi32>
            %add3A_2062 = arith.addi %add3A_2061, %mul3A_2059 : vector<16xi32>
            tpu.vector_store_idx %arg12[%add3A_2062], %add3A_2056 : memref<16384xi32, #tpu.memory_space<vmem>>[vector<16xi32>], vector<16xi32>,
            %add3A_2063 = arith.constant 1 : i32
            %add3A_2064 = vector.broadcast %add3A_2063 : i32 to vector<16xi32>
            %add3A_2065 = arith.addi %add3A_2062, %add3A_2064 : vector<16xi32>
            %add3A_2066 = arith.constant 128 : i32
            %add3A_2067 = vector.broadcast %add3A_2066 : i32 to vector<16xi32>
            %add3A_2068 = arith.addi %add3A_2056, %add3A_2067 : vector<16xi32>
            tpu.vector_store_idx %arg12[%add3A_2065], %add3A_2068 : memref<16384xi32, #tpu.memory_space<vmem>>[vector<16xi32>], vector<16xi32>,
            %mul3A_2069 = arith.mulf %sub3A, %sub3A_1756 : vector<16xf32>
            %mul3A_2070 = arith.mulf %mul3A_2069, %sub3A_1758 : vector<16xf32>
            %mul3A_2071 = arith.constant 16 : i32
            %mul3A_2072 = arith.muli %scan3A_1730, %mul3A_2071 : i32
            %add3A_2073 = arith.constant 7168 : i32
            %add3A_2074 = arith.addi %add3A_2073, %mul3A_2072 : i32
            %swap3A_2075 = arith.index_cast %add3A_2074 : i32 to index
            %swap3A_2076 = tpu.vector_load %arg13[%swap3A_2075] {strides = array<i32>} : memref<8192xf32, #tpu.memory_space<vmem>>, vector<16xf32>,
            tpu.vector_store %arg13[%swap3A_2075], %mul3A_2070 {strides = array<i32>} : memref<8192xf32, #tpu.memory_space<vmem>>, vector<16xf32>,
            %scan3A_2077 = arith.constant 0 : i32
            scf.yield %scan3A_2077 : i32
          }
          %scan3A_182 = arith.constant 64 : i32
          %dma_start3A_183 = arith.constant 0 : i32
          %dma_start3A_184 = tpu.memref_slice %arg14[%dma_start3A_183] : memref<16384xf32, #tpu.memory_space<vmem>> -> memref<128xf32, #tpu.memory_space<vmem>>
          %dma_start3A_185 = arith.constant 0 : i32
          %dma_start3A_186 = tpu.memref_slice %arg12[%dma_start3A_185] : memref<16384xi32, #tpu.memory_space<vmem>> -> memref<128xi32, #tpu.memory_space<vmem>>
          %dma_start3A_187 = arith.constant 0 : i32
          %dma_start3A_188 = tpu.memref_slice %arg5[%dma_start3A_187] : memref<16777216xf32, #tpu.memory_space<hbm>> -> memref<16777216xf32, #tpu.memory_space<hbm>>
          tpu.enqueue_indirect_dma source(%dma_start3A_188 : memref<16777216xf32, #tpu.memory_space<hbm>>) target(%dma_start3A_184 : memref<128xf32, #tpu.memory_space<vmem>>) offsets(%dma_start3A_186 : memref<128xi32, #tpu.memory_space<vmem>>) semaphore(%arg21 : memref<!tpu.dma_semaphore, #tpu.memory_space<semaphore_mem>>)
          %dma_start3A_189 = arith.constant 128 : i32
          %dma_start3A_190 = tpu.memref_slice %arg14[%dma_start3A_189] : memref<16384xf32, #tpu.memory_space<vmem>> -> memref<128xf32, #tpu.memory_space<vmem>>
          %dma_start3A_191 = arith.constant 128 : i32
          %dma_start3A_192 = tpu.memref_slice %arg12[%dma_start3A_191] : memref<16384xi32, #tpu.memory_space<vmem>> -> memref<128xi32, #tpu.memory_space<vmem>>
          %dma_start3A_193 = arith.constant 0 : i32
          %dma_start3A_194 = tpu.memref_slice %arg5[%dma_start3A_193] : memref<16777216xf32, #tpu.memory_space<hbm>> -> memref<16777216xf32, #tpu.memory_space<hbm>>
          tpu.enqueue_indirect_dma source(%dma_start3A_194 : memref<16777216xf32, #tpu.memory_space<hbm>>) target(%dma_start3A_190 : memref<128xf32, #tpu.memory_space<vmem>>) offsets(%dma_start3A_192 : memref<128xi32, #tpu.memory_space<vmem>>) semaphore(%arg21 : memref<!tpu.dma_semaphore, #tpu.memory_space<semaphore_mem>>)
          %dma_start3A_195 = arith.constant 256 : i32
          %dma_start3A_196 = tpu.memref_slice %arg14[%dma_start3A_195] : memref<16384xf32, #tpu.memory_space<vmem>> -> memref<128xf32, #tpu.memory_space<vmem>>
          %dma_start3A_197 = arith.constant 256 : i32
          %dma_start3A_198 = tpu.memref_slice %arg12[%dma_start3A_197] : memref<16384xi32, #tpu.memory_space<vmem>> -> memref<128xi32, #tpu.memory_space<vmem>>
          %dma_start3A_199 = arith.constant 0 : i32
          %dma_start3A_200 = tpu.memref_slice %arg5[%dma_start3A_199] : memref<16777216xf32, #tpu.memory_space<hbm>> -> memref<16777216xf32, #tpu.memory_space<hbm>>
          tpu.enqueue_indirect_dma source(%dma_start3A_200 : memref<16777216xf32, #tpu.memory_space<hbm>>) target(%dma_start3A_196 : memref<128xf32, #tpu.memory_space<vmem>>) offsets(%dma_start3A_198 : memref<128xi32, #tpu.memory_space<vmem>>) semaphore(%arg21 : memref<!tpu.dma_semaphore, #tpu.memory_space<semaphore_mem>>)
          %dma_start3A_201 = arith.constant 384 : i32
          %dma_start3A_202 = tpu.memref_slice %arg14[%dma_start3A_201] : memref<16384xf32, #tpu.memory_space<vmem>> -> memref<128xf32, #tpu.memory_space<vmem>>
          %dma_start3A_203 = arith.constant 384 : i32
          %dma_start3A_204 = tpu.memref_slice %arg12[%dma_start3A_203] : memref<16384xi32, #tpu.memory_space<vmem>> -> memref<128xi32, #tpu.memory_space<vmem>>
          %dma_start3A_205 = arith.constant 0 : i32
          %dma_start3A_206 = tpu.memref_slice %arg5[%dma_start3A_205] : memref<16777216xf32, #tpu.memory_space<hbm>> -> memref<16777216xf32, #tpu.memory_space<hbm>>
          tpu.enqueue_indirect_dma source(%dma_start3A_206 : memref<16777216xf32, #tpu.memory_space<hbm>>) target(%dma_start3A_202 : memref<128xf32, #tpu.memory_space<vmem>>) offsets(%dma_start3A_204 : memref<128xi32, #tpu.memory_space<vmem>>) semaphore(%arg21 : memref<!tpu.dma_semaphore, #tpu.memory_space<semaphore_mem>>)
          %dma_start3A_207 = arith.constant 512 : i32
          %dma_start3A_208 = tpu.memref_slice %arg14[%dma_start3A_207] : memref<16384xf32, #tpu.memory_space<vmem>> -> memref<128xf32, #tpu.memory_space<vmem>>
          %dma_start3A_209 = arith.constant 512 : i32
          %dma_start3A_210 = tpu.memref_slice %arg12[%dma_start3A_209] : memref<16384xi32, #tpu.memory_space<vmem>> -> memref<128xi32, #tpu.memory_space<vmem>>
          %dma_start3A_211 = arith.constant 0 : i32
          %dma_start3A_212 = tpu.memref_slice %arg5[%dma_start3A_211] : memref<16777216xf32, #tpu.memory_space<hbm>> -> memref<16777216xf32, #tpu.memory_space<hbm>>
          tpu.enqueue_indirect_dma source(%dma_start3A_212 : memref<16777216xf32, #tpu.memory_space<hbm>>) target(%dma_start3A_208 : memref<128xf32, #tpu.memory_space<vmem>>) offsets(%dma_start3A_210 : memref<128xi32, #tpu.memory_space<vmem>>) semaphore(%arg21 : memref<!tpu.dma_semaphore, #tpu.memory_space<semaphore_mem>>)
          %dma_start3A_213 = arith.constant 640 : i32
          %dma_start3A_214 = tpu.memref_slice %arg14[%dma_start3A_213] : memref<16384xf32, #tpu.memory_space<vmem>> -> memref<128xf32, #tpu.memory_space<vmem>>
          %dma_start3A_215 = arith.constant 640 : i32
          %dma_start3A_216 = tpu.memref_slice %arg12[%dma_start3A_215] : memref<16384xi32, #tpu.memory_space<vmem>> -> memref<128xi32, #tpu.memory_space<vmem>>
          %dma_start3A_217 = arith.constant 0 : i32
          %dma_start3A_218 = tpu.memref_slice %arg5[%dma_start3A_217] : memref<16777216xf32, #tpu.memory_space<hbm>> -> memref<16777216xf32, #tpu.memory_space<hbm>>
          tpu.enqueue_indirect_dma source(%dma_start3A_218 : memref<16777216xf32, #tpu.memory_space<hbm>>) target(%dma_start3A_214 : memref<128xf32, #tpu.memory_space<vmem>>) offsets(%dma_start3A_216 : memref<128xi32, #tpu.memory_space<vmem>>) semaphore(%arg21 : memref<!tpu.dma_semaphore, #tpu.memory_space<semaphore_mem>>)
          %dma_start3A_219 = arith.constant 768 : i32
          %dma_start3A_220 = tpu.memref_slice %arg14[%dma_start3A_219] : memref<16384xf32, #tpu.memory_space<vmem>> -> memref<128xf32, #tpu.memory_space<vmem>>
          %dma_start3A_221 = arith.constant 768 : i32
          %dma_start3A_222 = tpu.memref_slice %arg12[%dma_start3A_221] : memref<16384xi32, #tpu.memory_space<vmem>> -> memref<128xi32, #tpu.memory_space<vmem>>
          %dma_start3A_223 = arith.constant 0 : i32
          %dma_start3A_224 = tpu.memref_slice %arg5[%dma_start3A_223] : memref<16777216xf32, #tpu.memory_space<hbm>> -> memref<16777216xf32, #tpu.memory_space<hbm>>
          tpu.enqueue_indirect_dma source(%dma_start3A_224 : memref<16777216xf32, #tpu.memory_space<hbm>>) target(%dma_start3A_220 : memref<128xf32, #tpu.memory_space<vmem>>) offsets(%dma_start3A_222 : memref<128xi32, #tpu.memory_space<vmem>>) semaphore(%arg21 : memref<!tpu.dma_semaphore, #tpu.memory_space<semaphore_mem>>)
          %dma_start3A_225 = arith.constant 896 : i32
          %dma_start3A_226 = tpu.memref_slice %arg14[%dma_start3A_225] : memref<16384xf32, #tpu.memory_space<vmem>> -> memref<128xf32, #tpu.memory_space<vmem>>
          %dma_start3A_227 = arith.constant 896 : i32
          %dma_start3A_228 = tpu.memref_slice %arg12[%dma_start3A_227] : memref<16384xi32, #tpu.memory_space<vmem>> -> memref<128xi32, #tpu.memory_space<vmem>>
          %dma_start3A_229 = arith.constant 0 : i32
          %dma_start3A_230 = tpu.memref_slice %arg5[%dma_start3A_229] : memref<16777216xf32, #tpu.memory_space<hbm>> -> memref<16777216xf32, #tpu.memory_space<hbm>>
          tpu.enqueue_indirect_dma source(%dma_start3A_230 : memref<16777216xf32, #tpu.memory_space<hbm>>) target(%dma_start3A_226 : memref<128xf32, #tpu.memory_space<vmem>>) offsets(%dma_start3A_228 : memref<128xi32, #tpu.memory_space<vmem>>) semaphore(%arg21 : memref<!tpu.dma_semaphore, #tpu.memory_space<semaphore_mem>>)
          %dma_start3A_231 = arith.constant 1024 : i32
          %dma_start3A_232 = tpu.memref_slice %arg14[%dma_start3A_231] : memref<16384xf32, #tpu.memory_space<vmem>> -> memref<128xf32, #tpu.memory_space<vmem>>
          %dma_start3A_233 = arith.constant 1024 : i32
          %dma_start3A_234 = tpu.memref_slice %arg12[%dma_start3A_233] : memref<16384xi32, #tpu.memory_space<vmem>> -> memref<128xi32, #tpu.memory_space<vmem>>
          %dma_start3A_235 = arith.constant 0 : i32
          %dma_start3A_236 = tpu.memref_slice %arg5[%dma_start3A_235] : memref<16777216xf32, #tpu.memory_space<hbm>> -> memref<16777216xf32, #tpu.memory_space<hbm>>
          tpu.enqueue_indirect_dma source(%dma_start3A_236 : memref<16777216xf32, #tpu.memory_space<hbm>>) target(%dma_start3A_232 : memref<128xf32, #tpu.memory_space<vmem>>) offsets(%dma_start3A_234 : memref<128xi32, #tpu.memory_space<vmem>>) semaphore(%arg21 : memref<!tpu.dma_semaphore, #tpu.memory_space<semaphore_mem>>)
          %dma_start3A_237 = arith.constant 1152 : i32
          %dma_start3A_238 = tpu.memref_slice %arg14[%dma_start3A_237] : memref<16384xf32, #tpu.memory_space<vmem>> -> memref<128xf32, #tpu.memory_space<vmem>>
          %dma_start3A_239 = arith.constant 1152 : i32
          %dma_start3A_240 = tpu.memref_slice %arg12[%dma_start3A_239] : memref<16384xi32, #tpu.memory_space<vmem>> -> memref<128xi32, #tpu.memory_space<vmem>>
          %dma_start3A_241 = arith.constant 0 : i32
          %dma_start3A_242 = tpu.memref_slice %arg5[%dma_start3A_241] : memref<16777216xf32, #tpu.memory_space<hbm>> -> memref<16777216xf32, #tpu.memory_space<hbm>>
          tpu.enqueue_indirect_dma source(%dma_start3A_242 : memref<16777216xf32, #tpu.memory_space<hbm>>) target(%dma_start3A_238 : memref<128xf32, #tpu.memory_space<vmem>>) offsets(%dma_start3A_240 : memref<128xi32, #tpu.memory_space<vmem>>) semaphore(%arg21 : memref<!tpu.dma_semaphore, #tpu.memory_space<semaphore_mem>>)
          %dma_start3A_243 = arith.constant 1280 : i32
          %dma_start3A_244 = tpu.memref_slice %arg14[%dma_start3A_243] : memref<16384xf32, #tpu.memory_space<vmem>> -> memref<128xf32, #tpu.memory_space<vmem>>
          %dma_start3A_245 = arith.constant 1280 : i32
          %dma_start3A_246 = tpu.memref_slice %arg12[%dma_start3A_245] : memref<16384xi32, #tpu.memory_space<vmem>> -> memref<128xi32, #tpu.memory_space<vmem>>
          %dma_start3A_247 = arith.constant 0 : i32
          %dma_start3A_248 = tpu.memref_slice %arg5[%dma_start3A_247] : memref<16777216xf32, #tpu.memory_space<hbm>> -> memref<16777216xf32, #tpu.memory_space<hbm>>
          tpu.enqueue_indirect_dma source(%dma_start3A_248 : memref<16777216xf32, #tpu.memory_space<hbm>>) target(%dma_start3A_244 : memref<128xf32, #tpu.memory_space<vmem>>) offsets(%dma_start3A_246 : memref<128xi32, #tpu.memory_space<vmem>>) semaphore(%arg21 : memref<!tpu.dma_semaphore, #tpu.memory_space<semaphore_mem>>)
          %dma_start3A_249 = arith.constant 1408 : i32
          %dma_start3A_250 = tpu.memref_slice %arg14[%dma_start3A_249] : memref<16384xf32, #tpu.memory_space<vmem>> -> memref<128xf32, #tpu.memory_space<vmem>>
          %dma_start3A_251 = arith.constant 1408 : i32
          %dma_start3A_252 = tpu.memref_slice %arg12[%dma_start3A_251] : memref<16384xi32, #tpu.memory_space<vmem>> -> memref<128xi32, #tpu.memory_space<vmem>>
          %dma_start3A_253 = arith.constant 0 : i32
          %dma_start3A_254 = tpu.memref_slice %arg5[%dma_start3A_253] : memref<16777216xf32, #tpu.memory_space<hbm>> -> memref<16777216xf32, #tpu.memory_space<hbm>>
          tpu.enqueue_indirect_dma source(%dma_start3A_254 : memref<16777216xf32, #tpu.memory_space<hbm>>) target(%dma_start3A_250 : memref<128xf32, #tpu.memory_space<vmem>>) offsets(%dma_start3A_252 : memref<128xi32, #tpu.memory_space<vmem>>) semaphore(%arg21 : memref<!tpu.dma_semaphore, #tpu.memory_space<semaphore_mem>>)
          %dma_start3A_255 = arith.constant 1536 : i32
          %dma_start3A_256 = tpu.memref_slice %arg14[%dma_start3A_255] : memref<16384xf32, #tpu.memory_space<vmem>> -> memref<128xf32, #tpu.memory_space<vmem>>
          %dma_start3A_257 = arith.constant 1536 : i32
          %dma_start3A_258 = tpu.memref_slice %arg12[%dma_start3A_257] : memref<16384xi32, #tpu.memory_space<vmem>> -> memref<128xi32, #tpu.memory_space<vmem>>
          %dma_start3A_259 = arith.constant 0 : i32
          %dma_start3A_260 = tpu.memref_slice %arg5[%dma_start3A_259] : memref<16777216xf32, #tpu.memory_space<hbm>> -> memref<16777216xf32, #tpu.memory_space<hbm>>
          tpu.enqueue_indirect_dma source(%dma_start3A_260 : memref<16777216xf32, #tpu.memory_space<hbm>>) target(%dma_start3A_256 : memref<128xf32, #tpu.memory_space<vmem>>) offsets(%dma_start3A_258 : memref<128xi32, #tpu.memory_space<vmem>>) semaphore(%arg21 : memref<!tpu.dma_semaphore, #tpu.memory_space<semaphore_mem>>)
          %dma_start3A_261 = arith.constant 1664 : i32
          %dma_start3A_262 = tpu.memref_slice %arg14[%dma_start3A_261] : memref<16384xf32, #tpu.memory_space<vmem>> -> memref<128xf32, #tpu.memory_space<vmem>>
          %dma_start3A_263 = arith.constant 1664 : i32
          %dma_start3A_264 = tpu.memref_slice %arg12[%dma_start3A_263] : memref<16384xi32, #tpu.memory_space<vmem>> -> memref<128xi32, #tpu.memory_space<vmem>>
          %dma_start3A_265 = arith.constant 0 : i32
          %dma_start3A_266 = tpu.memref_slice %arg5[%dma_start3A_265] : memref<16777216xf32, #tpu.memory_space<hbm>> -> memref<16777216xf32, #tpu.memory_space<hbm>>
          tpu.enqueue_indirect_dma source(%dma_start3A_266 : memref<16777216xf32, #tpu.memory_space<hbm>>) target(%dma_start3A_262 : memref<128xf32, #tpu.memory_space<vmem>>) offsets(%dma_start3A_264 : memref<128xi32, #tpu.memory_space<vmem>>) semaphore(%arg21 : memref<!tpu.dma_semaphore, #tpu.memory_space<semaphore_mem>>)
          %dma_start3A_267 = arith.constant 1792 : i32
          %dma_start3A_268 = tpu.memref_slice %arg14[%dma_start3A_267] : memref<16384xf32, #tpu.memory_space<vmem>> -> memref<128xf32, #tpu.memory_space<vmem>>
          %dma_start3A_269 = arith.constant 1792 : i32
          %dma_start3A_270 = tpu.memref_slice %arg12[%dma_start3A_269] : memref<16384xi32, #tpu.memory_space<vmem>> -> memref<128xi32, #tpu.memory_space<vmem>>
          %dma_start3A_271 = arith.constant 0 : i32
          %dma_start3A_272 = tpu.memref_slice %arg5[%dma_start3A_271] : memref<16777216xf32, #tpu.memory_space<hbm>> -> memref<16777216xf32, #tpu.memory_space<hbm>>
          tpu.enqueue_indirect_dma source(%dma_start3A_272 : memref<16777216xf32, #tpu.memory_space<hbm>>) target(%dma_start3A_268 : memref<128xf32, #tpu.memory_space<vmem>>) offsets(%dma_start3A_270 : memref<128xi32, #tpu.memory_space<vmem>>) semaphore(%arg21 : memref<!tpu.dma_semaphore, #tpu.memory_space<semaphore_mem>>)
          %dma_start3A_273 = arith.constant 1920 : i32
          %dma_start3A_274 = tpu.memref_slice %arg14[%dma_start3A_273] : memref<16384xf32, #tpu.memory_space<vmem>> -> memref<128xf32, #tpu.memory_space<vmem>>
          %dma_start3A_275 = arith.constant 1920 : i32
          %dma_start3A_276 = tpu.memref_slice %arg12[%dma_start3A_275] : memref<16384xi32, #tpu.memory_space<vmem>> -> memref<128xi32, #tpu.memory_space<vmem>>
          %dma_start3A_277 = arith.constant 0 : i32
          %dma_start3A_278 = tpu.memref_slice %arg5[%dma_start3A_277] : memref<16777216xf32, #tpu.memory_space<hbm>> -> memref<16777216xf32, #tpu.memory_space<hbm>>
          tpu.enqueue_indirect_dma source(%dma_start3A_278 : memref<16777216xf32, #tpu.memory_space<hbm>>) target(%dma_start3A_274 : memref<128xf32, #tpu.memory_space<vmem>>) offsets(%dma_start3A_276 : memref<128xi32, #tpu.memory_space<vmem>>) semaphore(%arg21 : memref<!tpu.dma_semaphore, #tpu.memory_space<semaphore_mem>>)
          %dma_start3A_279 = arith.constant 2048 : i32
          %dma_start3A_280 = tpu.memref_slice %arg14[%dma_start3A_279] : memref<16384xf32, #tpu.memory_space<vmem>> -> memref<128xf32, #tpu.memory_space<vmem>>
          %dma_start3A_281 = arith.constant 2048 : i32
          %dma_start3A_282 = tpu.memref_slice %arg12[%dma_start3A_281] : memref<16384xi32, #tpu.memory_space<vmem>> -> memref<128xi32, #tpu.memory_space<vmem>>
          %dma_start3A_283 = arith.constant 0 : i32
          %dma_start3A_284 = tpu.memref_slice %arg5[%dma_start3A_283] : memref<16777216xf32, #tpu.memory_space<hbm>> -> memref<16777216xf32, #tpu.memory_space<hbm>>
          tpu.enqueue_indirect_dma source(%dma_start3A_284 : memref<16777216xf32, #tpu.memory_space<hbm>>) target(%dma_start3A_280 : memref<128xf32, #tpu.memory_space<vmem>>) offsets(%dma_start3A_282 : memref<128xi32, #tpu.memory_space<vmem>>) semaphore(%arg21 : memref<!tpu.dma_semaphore, #tpu.memory_space<semaphore_mem>>)
          %dma_start3A_285 = arith.constant 2176 : i32
          %dma_start3A_286 = tpu.memref_slice %arg14[%dma_start3A_285] : memref<16384xf32, #tpu.memory_space<vmem>> -> memref<128xf32, #tpu.memory_space<vmem>>
          %dma_start3A_287 = arith.constant 2176 : i32
          %dma_start3A_288 = tpu.memref_slice %arg12[%dma_start3A_287] : memref<16384xi32, #tpu.memory_space<vmem>> -> memref<128xi32, #tpu.memory_space<vmem>>
          %dma_start3A_289 = arith.constant 0 : i32
          %dma_start3A_290 = tpu.memref_slice %arg5[%dma_start3A_289] : memref<16777216xf32, #tpu.memory_space<hbm>> -> memref<16777216xf32, #tpu.memory_space<hbm>>
          tpu.enqueue_indirect_dma source(%dma_start3A_290 : memref<16777216xf32, #tpu.memory_space<hbm>>) target(%dma_start3A_286 : memref<128xf32, #tpu.memory_space<vmem>>) offsets(%dma_start3A_288 : memref<128xi32, #tpu.memory_space<vmem>>) semaphore(%arg21 : memref<!tpu.dma_semaphore, #tpu.memory_space<semaphore_mem>>)
          %dma_start3A_291 = arith.constant 2304 : i32
          %dma_start3A_292 = tpu.memref_slice %arg14[%dma_start3A_291] : memref<16384xf32, #tpu.memory_space<vmem>> -> memref<128xf32, #tpu.memory_space<vmem>>
          %dma_start3A_293 = arith.constant 2304 : i32
          %dma_start3A_294 = tpu.memref_slice %arg12[%dma_start3A_293] : memref<16384xi32, #tpu.memory_space<vmem>> -> memref<128xi32, #tpu.memory_space<vmem>>
          %dma_start3A_295 = arith.constant 0 : i32
          %dma_start3A_296 = tpu.memref_slice %arg5[%dma_start3A_295] : memref<16777216xf32, #tpu.memory_space<hbm>> -> memref<16777216xf32, #tpu.memory_space<hbm>>
          tpu.enqueue_indirect_dma source(%dma_start3A_296 : memref<16777216xf32, #tpu.memory_space<hbm>>) target(%dma_start3A_292 : memref<128xf32, #tpu.memory_space<vmem>>) offsets(%dma_start3A_294 : memref<128xi32, #tpu.memory_space<vmem>>) semaphore(%arg21 : memref<!tpu.dma_semaphore, #tpu.memory_space<semaphore_mem>>)
          %dma_start3A_297 = arith.constant 2432 : i32
          %dma_start3A_298 = tpu.memref_slice %arg14[%dma_start3A_297] : memref<16384xf32, #tpu.memory_space<vmem>> -> memref<128xf32, #tpu.memory_space<vmem>>
          %dma_start3A_299 = arith.constant 2432 : i32
          %dma_start3A_300 = tpu.memref_slice %arg12[%dma_start3A_299] : memref<16384xi32, #tpu.memory_space<vmem>> -> memref<128xi32, #tpu.memory_space<vmem>>
          %dma_start3A_301 = arith.constant 0 : i32
          %dma_start3A_302 = tpu.memref_slice %arg5[%dma_start3A_301] : memref<16777216xf32, #tpu.memory_space<hbm>> -> memref<16777216xf32, #tpu.memory_space<hbm>>
          tpu.enqueue_indirect_dma source(%dma_start3A_302 : memref<16777216xf32, #tpu.memory_space<hbm>>) target(%dma_start3A_298 : memref<128xf32, #tpu.memory_space<vmem>>) offsets(%dma_start3A_300 : memref<128xi32, #tpu.memory_space<vmem>>) semaphore(%arg21 : memref<!tpu.dma_semaphore, #tpu.memory_space<semaphore_mem>>)
          %dma_start3A_303 = arith.constant 2560 : i32
          %dma_start3A_304 = tpu.memref_slice %arg14[%dma_start3A_303] : memref<16384xf32, #tpu.memory_space<vmem>> -> memref<128xf32, #tpu.memory_space<vmem>>
          %dma_start3A_305 = arith.constant 2560 : i32
          %dma_start3A_306 = tpu.memref_slice %arg12[%dma_start3A_305] : memref<16384xi32, #tpu.memory_space<vmem>> -> memref<128xi32, #tpu.memory_space<vmem>>
          %dma_start3A_307 = arith.constant 0 : i32
          %dma_start3A_308 = tpu.memref_slice %arg5[%dma_start3A_307] : memref<16777216xf32, #tpu.memory_space<hbm>> -> memref<16777216xf32, #tpu.memory_space<hbm>>
          tpu.enqueue_indirect_dma source(%dma_start3A_308 : memref<16777216xf32, #tpu.memory_space<hbm>>) target(%dma_start3A_304 : memref<128xf32, #tpu.memory_space<vmem>>) offsets(%dma_start3A_306 : memref<128xi32, #tpu.memory_space<vmem>>) semaphore(%arg21 : memref<!tpu.dma_semaphore, #tpu.memory_space<semaphore_mem>>)
          %dma_start3A_309 = arith.constant 2688 : i32
          %dma_start3A_310 = tpu.memref_slice %arg14[%dma_start3A_309] : memref<16384xf32, #tpu.memory_space<vmem>> -> memref<128xf32, #tpu.memory_space<vmem>>
          %dma_start3A_311 = arith.constant 2688 : i32
          %dma_start3A_312 = tpu.memref_slice %arg12[%dma_start3A_311] : memref<16384xi32, #tpu.memory_space<vmem>> -> memref<128xi32, #tpu.memory_space<vmem>>
          %dma_start3A_313 = arith.constant 0 : i32
          %dma_start3A_314 = tpu.memref_slice %arg5[%dma_start3A_313] : memref<16777216xf32, #tpu.memory_space<hbm>> -> memref<16777216xf32, #tpu.memory_space<hbm>>
          tpu.enqueue_indirect_dma source(%dma_start3A_314 : memref<16777216xf32, #tpu.memory_space<hbm>>) target(%dma_start3A_310 : memref<128xf32, #tpu.memory_space<vmem>>) offsets(%dma_start3A_312 : memref<128xi32, #tpu.memory_space<vmem>>) semaphore(%arg21 : memref<!tpu.dma_semaphore, #tpu.memory_space<semaphore_mem>>)
          %dma_start3A_315 = arith.constant 2816 : i32
          %dma_start3A_316 = tpu.memref_slice %arg14[%dma_start3A_315] : memref<16384xf32, #tpu.memory_space<vmem>> -> memref<128xf32, #tpu.memory_space<vmem>>
          %dma_start3A_317 = arith.constant 2816 : i32
          %dma_start3A_318 = tpu.memref_slice %arg12[%dma_start3A_317] : memref<16384xi32, #tpu.memory_space<vmem>> -> memref<128xi32, #tpu.memory_space<vmem>>
          %dma_start3A_319 = arith.constant 0 : i32
          %dma_start3A_320 = tpu.memref_slice %arg5[%dma_start3A_319] : memref<16777216xf32, #tpu.memory_space<hbm>> -> memref<16777216xf32, #tpu.memory_space<hbm>>
          tpu.enqueue_indirect_dma source(%dma_start3A_320 : memref<16777216xf32, #tpu.memory_space<hbm>>) target(%dma_start3A_316 : memref<128xf32, #tpu.memory_space<vmem>>) offsets(%dma_start3A_318 : memref<128xi32, #tpu.memory_space<vmem>>) semaphore(%arg21 : memref<!tpu.dma_semaphore, #tpu.memory_space<semaphore_mem>>)
          %dma_start3A_321 = arith.constant 2944 : i32
          %dma_start3A_322 = tpu.memref_slice %arg14[%dma_start3A_321] : memref<16384xf32, #tpu.memory_space<vmem>> -> memref<128xf32, #tpu.memory_space<vmem>>
          %dma_start3A_323 = arith.constant 2944 : i32
          %dma_start3A_324 = tpu.memref_slice %arg12[%dma_start3A_323] : memref<16384xi32, #tpu.memory_space<vmem>> -> memref<128xi32, #tpu.memory_space<vmem>>
          %dma_start3A_325 = arith.constant 0 : i32
          %dma_start3A_326 = tpu.memref_slice %arg5[%dma_start3A_325] : memref<16777216xf32, #tpu.memory_space<hbm>> -> memref<16777216xf32, #tpu.memory_space<hbm>>
          tpu.enqueue_indirect_dma source(%dma_start3A_326 : memref<16777216xf32, #tpu.memory_space<hbm>>) target(%dma_start3A_322 : memref<128xf32, #tpu.memory_space<vmem>>) offsets(%dma_start3A_324 : memref<128xi32, #tpu.memory_space<vmem>>) semaphore(%arg21 : memref<!tpu.dma_semaphore, #tpu.memory_space<semaphore_mem>>)
          %dma_start3A_327 = arith.constant 3072 : i32
          %dma_start3A_328 = tpu.memref_slice %arg14[%dma_start3A_327] : memref<16384xf32, #tpu.memory_space<vmem>> -> memref<128xf32, #tpu.memory_space<vmem>>
          %dma_start3A_329 = arith.constant 3072 : i32
          %dma_start3A_330 = tpu.memref_slice %arg12[%dma_start3A_329] : memref<16384xi32, #tpu.memory_space<vmem>> -> memref<128xi32, #tpu.memory_space<vmem>>
          %dma_start3A_331 = arith.constant 0 : i32
          %dma_start3A_332 = tpu.memref_slice %arg5[%dma_start3A_331] : memref<16777216xf32, #tpu.memory_space<hbm>> -> memref<16777216xf32, #tpu.memory_space<hbm>>
          tpu.enqueue_indirect_dma source(%dma_start3A_332 : memref<16777216xf32, #tpu.memory_space<hbm>>) target(%dma_start3A_328 : memref<128xf32, #tpu.memory_space<vmem>>) offsets(%dma_start3A_330 : memref<128xi32, #tpu.memory_space<vmem>>) semaphore(%arg21 : memref<!tpu.dma_semaphore, #tpu.memory_space<semaphore_mem>>)
          %dma_start3A_333 = arith.constant 3200 : i32
          %dma_start3A_334 = tpu.memref_slice %arg14[%dma_start3A_333] : memref<16384xf32, #tpu.memory_space<vmem>> -> memref<128xf32, #tpu.memory_space<vmem>>
          %dma_start3A_335 = arith.constant 3200 : i32
          %dma_start3A_336 = tpu.memref_slice %arg12[%dma_start3A_335] : memref<16384xi32, #tpu.memory_space<vmem>> -> memref<128xi32, #tpu.memory_space<vmem>>
          %dma_start3A_337 = arith.constant 0 : i32
          %dma_start3A_338 = tpu.memref_slice %arg5[%dma_start3A_337] : memref<16777216xf32, #tpu.memory_space<hbm>> -> memref<16777216xf32, #tpu.memory_space<hbm>>
          tpu.enqueue_indirect_dma source(%dma_start3A_338 : memref<16777216xf32, #tpu.memory_space<hbm>>) target(%dma_start3A_334 : memref<128xf32, #tpu.memory_space<vmem>>) offsets(%dma_start3A_336 : memref<128xi32, #tpu.memory_space<vmem>>) semaphore(%arg21 : memref<!tpu.dma_semaphore, #tpu.memory_space<semaphore_mem>>)
          %dma_start3A_339 = arith.constant 3328 : i32
          %dma_start3A_340 = tpu.memref_slice %arg14[%dma_start3A_339] : memref<16384xf32, #tpu.memory_space<vmem>> -> memref<128xf32, #tpu.memory_space<vmem>>
          %dma_start3A_341 = arith.constant 3328 : i32
          %dma_start3A_342 = tpu.memref_slice %arg12[%dma_start3A_341] : memref<16384xi32, #tpu.memory_space<vmem>> -> memref<128xi32, #tpu.memory_space<vmem>>
          %dma_start3A_343 = arith.constant 0 : i32
          %dma_start3A_344 = tpu.memref_slice %arg5[%dma_start3A_343] : memref<16777216xf32, #tpu.memory_space<hbm>> -> memref<16777216xf32, #tpu.memory_space<hbm>>
          tpu.enqueue_indirect_dma source(%dma_start3A_344 : memref<16777216xf32, #tpu.memory_space<hbm>>) target(%dma_start3A_340 : memref<128xf32, #tpu.memory_space<vmem>>) offsets(%dma_start3A_342 : memref<128xi32, #tpu.memory_space<vmem>>) semaphore(%arg21 : memref<!tpu.dma_semaphore, #tpu.memory_space<semaphore_mem>>)
          %dma_start3A_345 = arith.constant 3456 : i32
          %dma_start3A_346 = tpu.memref_slice %arg14[%dma_start3A_345] : memref<16384xf32, #tpu.memory_space<vmem>> -> memref<128xf32, #tpu.memory_space<vmem>>
          %dma_start3A_347 = arith.constant 3456 : i32
          %dma_start3A_348 = tpu.memref_slice %arg12[%dma_start3A_347] : memref<16384xi32, #tpu.memory_space<vmem>> -> memref<128xi32, #tpu.memory_space<vmem>>
          %dma_start3A_349 = arith.constant 0 : i32
          %dma_start3A_350 = tpu.memref_slice %arg5[%dma_start3A_349] : memref<16777216xf32, #tpu.memory_space<hbm>> -> memref<16777216xf32, #tpu.memory_space<hbm>>
          tpu.enqueue_indirect_dma source(%dma_start3A_350 : memref<16777216xf32, #tpu.memory_space<hbm>>) target(%dma_start3A_346 : memref<128xf32, #tpu.memory_space<vmem>>) offsets(%dma_start3A_348 : memref<128xi32, #tpu.memory_space<vmem>>) semaphore(%arg21 : memref<!tpu.dma_semaphore, #tpu.memory_space<semaphore_mem>>)
          %dma_start3A_351 = arith.constant 3584 : i32
          %dma_start3A_352 = tpu.memref_slice %arg14[%dma_start3A_351] : memref<16384xf32, #tpu.memory_space<vmem>> -> memref<128xf32, #tpu.memory_space<vmem>>
          %dma_start3A_353 = arith.constant 3584 : i32
          %dma_start3A_354 = tpu.memref_slice %arg12[%dma_start3A_353] : memref<16384xi32, #tpu.memory_space<vmem>> -> memref<128xi32, #tpu.memory_space<vmem>>
          %dma_start3A_355 = arith.constant 0 : i32
          %dma_start3A_356 = tpu.memref_slice %arg5[%dma_start3A_355] : memref<16777216xf32, #tpu.memory_space<hbm>> -> memref<16777216xf32, #tpu.memory_space<hbm>>
          tpu.enqueue_indirect_dma source(%dma_start3A_356 : memref<16777216xf32, #tpu.memory_space<hbm>>) target(%dma_start3A_352 : memref<128xf32, #tpu.memory_space<vmem>>) offsets(%dma_start3A_354 : memref<128xi32, #tpu.memory_space<vmem>>) semaphore(%arg21 : memref<!tpu.dma_semaphore, #tpu.memory_space<semaphore_mem>>)
          %dma_start3A_357 = arith.constant 3712 : i32
          %dma_start3A_358 = tpu.memref_slice %arg14[%dma_start3A_357] : memref<16384xf32, #tpu.memory_space<vmem>> -> memref<128xf32, #tpu.memory_space<vmem>>
          %dma_start3A_359 = arith.constant 3712 : i32
          %dma_start3A_360 = tpu.memref_slice %arg12[%dma_start3A_359] : memref<16384xi32, #tpu.memory_space<vmem>> -> memref<128xi32, #tpu.memory_space<vmem>>
          %dma_start3A_361 = arith.constant 0 : i32
          %dma_start3A_362 = tpu.memref_slice %arg5[%dma_start3A_361] : memref<16777216xf32, #tpu.memory_space<hbm>> -> memref<16777216xf32, #tpu.memory_space<hbm>>
          tpu.enqueue_indirect_dma source(%dma_start3A_362 : memref<16777216xf32, #tpu.memory_space<hbm>>) target(%dma_start3A_358 : memref<128xf32, #tpu.memory_space<vmem>>) offsets(%dma_start3A_360 : memref<128xi32, #tpu.memory_space<vmem>>) semaphore(%arg21 : memref<!tpu.dma_semaphore, #tpu.memory_space<semaphore_mem>>)
          %dma_start3A_363 = arith.constant 3840 : i32
          %dma_start3A_364 = tpu.memref_slice %arg14[%dma_start3A_363] : memref<16384xf32, #tpu.memory_space<vmem>> -> memref<128xf32, #tpu.memory_space<vmem>>
          %dma_start3A_365 = arith.constant 3840 : i32
          %dma_start3A_366 = tpu.memref_slice %arg12[%dma_start3A_365] : memref<16384xi32, #tpu.memory_space<vmem>> -> memref<128xi32, #tpu.memory_space<vmem>>
          %dma_start3A_367 = arith.constant 0 : i32
          %dma_start3A_368 = tpu.memref_slice %arg5[%dma_start3A_367] : memref<16777216xf32, #tpu.memory_space<hbm>> -> memref<16777216xf32, #tpu.memory_space<hbm>>
          tpu.enqueue_indirect_dma source(%dma_start3A_368 : memref<16777216xf32, #tpu.memory_space<hbm>>) target(%dma_start3A_364 : memref<128xf32, #tpu.memory_space<vmem>>) offsets(%dma_start3A_366 : memref<128xi32, #tpu.memory_space<vmem>>) semaphore(%arg21 : memref<!tpu.dma_semaphore, #tpu.memory_space<semaphore_mem>>)
          %dma_start3A_369 = arith.constant 3968 : i32
          %dma_start3A_370 = tpu.memref_slice %arg14[%dma_start3A_369] : memref<16384xf32, #tpu.memory_space<vmem>> -> memref<128xf32, #tpu.memory_space<vmem>>
          %dma_start3A_371 = arith.constant 3968 : i32
          %dma_start3A_372 = tpu.memref_slice %arg12[%dma_start3A_371] : memref<16384xi32, #tpu.memory_space<vmem>> -> memref<128xi32, #tpu.memory_space<vmem>>
          %dma_start3A_373 = arith.constant 0 : i32
          %dma_start3A_374 = tpu.memref_slice %arg5[%dma_start3A_373] : memref<16777216xf32, #tpu.memory_space<hbm>> -> memref<16777216xf32, #tpu.memory_space<hbm>>
          tpu.enqueue_indirect_dma source(%dma_start3A_374 : memref<16777216xf32, #tpu.memory_space<hbm>>) target(%dma_start3A_370 : memref<128xf32, #tpu.memory_space<vmem>>) offsets(%dma_start3A_372 : memref<128xi32, #tpu.memory_space<vmem>>) semaphore(%arg21 : memref<!tpu.dma_semaphore, #tpu.memory_space<semaphore_mem>>)
          %dma_start3A_375 = arith.constant 4096 : i32
          %dma_start3A_376 = tpu.memref_slice %arg14[%dma_start3A_375] : memref<16384xf32, #tpu.memory_space<vmem>> -> memref<128xf32, #tpu.memory_space<vmem>>
          %dma_start3A_377 = arith.constant 4096 : i32
          %dma_start3A_378 = tpu.memref_slice %arg12[%dma_start3A_377] : memref<16384xi32, #tpu.memory_space<vmem>> -> memref<128xi32, #tpu.memory_space<vmem>>
          %dma_start3A_379 = arith.constant 0 : i32
          %dma_start3A_380 = tpu.memref_slice %arg5[%dma_start3A_379] : memref<16777216xf32, #tpu.memory_space<hbm>> -> memref<16777216xf32, #tpu.memory_space<hbm>>
          tpu.enqueue_indirect_dma source(%dma_start3A_380 : memref<16777216xf32, #tpu.memory_space<hbm>>) target(%dma_start3A_376 : memref<128xf32, #tpu.memory_space<vmem>>) offsets(%dma_start3A_378 : memref<128xi32, #tpu.memory_space<vmem>>) semaphore(%arg21 : memref<!tpu.dma_semaphore, #tpu.memory_space<semaphore_mem>>)
          %dma_start3A_381 = arith.constant 4224 : i32
          %dma_start3A_382 = tpu.memref_slice %arg14[%dma_start3A_381] : memref<16384xf32, #tpu.memory_space<vmem>> -> memref<128xf32, #tpu.memory_space<vmem>>
          %dma_start3A_383 = arith.constant 4224 : i32
          %dma_start3A_384 = tpu.memref_slice %arg12[%dma_start3A_383] : memref<16384xi32, #tpu.memory_space<vmem>> -> memref<128xi32, #tpu.memory_space<vmem>>
          %dma_start3A_385 = arith.constant 0 : i32
          %dma_start3A_386 = tpu.memref_slice %arg5[%dma_start3A_385] : memref<16777216xf32, #tpu.memory_space<hbm>> -> memref<16777216xf32, #tpu.memory_space<hbm>>
          tpu.enqueue_indirect_dma source(%dma_start3A_386 : memref<16777216xf32, #tpu.memory_space<hbm>>) target(%dma_start3A_382 : memref<128xf32, #tpu.memory_space<vmem>>) offsets(%dma_start3A_384 : memref<128xi32, #tpu.memory_space<vmem>>) semaphore(%arg21 : memref<!tpu.dma_semaphore, #tpu.memory_space<semaphore_mem>>)
          %dma_start3A_387 = arith.constant 4352 : i32
          %dma_start3A_388 = tpu.memref_slice %arg14[%dma_start3A_387] : memref<16384xf32, #tpu.memory_space<vmem>> -> memref<128xf32, #tpu.memory_space<vmem>>
          %dma_start3A_389 = arith.constant 4352 : i32
          %dma_start3A_390 = tpu.memref_slice %arg12[%dma_start3A_389] : memref<16384xi32, #tpu.memory_space<vmem>> -> memref<128xi32, #tpu.memory_space<vmem>>
          %dma_start3A_391 = arith.constant 0 : i32
          %dma_start3A_392 = tpu.memref_slice %arg5[%dma_start3A_391] : memref<16777216xf32, #tpu.memory_space<hbm>> -> memref<16777216xf32, #tpu.memory_space<hbm>>
          tpu.enqueue_indirect_dma source(%dma_start3A_392 : memref<16777216xf32, #tpu.memory_space<hbm>>) target(%dma_start3A_388 : memref<128xf32, #tpu.memory_space<vmem>>) offsets(%dma_start3A_390 : memref<128xi32, #tpu.memory_space<vmem>>) semaphore(%arg21 : memref<!tpu.dma_semaphore, #tpu.memory_space<semaphore_mem>>)
          %dma_start3A_393 = arith.constant 4480 : i32
          %dma_start3A_394 = tpu.memref_slice %arg14[%dma_start3A_393] : memref<16384xf32, #tpu.memory_space<vmem>> -> memref<128xf32, #tpu.memory_space<vmem>>
          %dma_start3A_395 = arith.constant 4480 : i32
          %dma_start3A_396 = tpu.memref_slice %arg12[%dma_start3A_395] : memref<16384xi32, #tpu.memory_space<vmem>> -> memref<128xi32, #tpu.memory_space<vmem>>
          %dma_start3A_397 = arith.constant 0 : i32
          %dma_start3A_398 = tpu.memref_slice %arg5[%dma_start3A_397] : memref<16777216xf32, #tpu.memory_space<hbm>> -> memref<16777216xf32, #tpu.memory_space<hbm>>
          tpu.enqueue_indirect_dma source(%dma_start3A_398 : memref<16777216xf32, #tpu.memory_space<hbm>>) target(%dma_start3A_394 : memref<128xf32, #tpu.memory_space<vmem>>) offsets(%dma_start3A_396 : memref<128xi32, #tpu.memory_space<vmem>>) semaphore(%arg21 : memref<!tpu.dma_semaphore, #tpu.memory_space<semaphore_mem>>)
          %dma_start3A_399 = arith.constant 4608 : i32
          %dma_start3A_400 = tpu.memref_slice %arg14[%dma_start3A_399] : memref<16384xf32, #tpu.memory_space<vmem>> -> memref<128xf32, #tpu.memory_space<vmem>>
          %dma_start3A_401 = arith.constant 4608 : i32
          %dma_start3A_402 = tpu.memref_slice %arg12[%dma_start3A_401] : memref<16384xi32, #tpu.memory_space<vmem>> -> memref<128xi32, #tpu.memory_space<vmem>>
          %dma_start3A_403 = arith.constant 0 : i32
          %dma_start3A_404 = tpu.memref_slice %arg5[%dma_start3A_403] : memref<16777216xf32, #tpu.memory_space<hbm>> -> memref<16777216xf32, #tpu.memory_space<hbm>>
          tpu.enqueue_indirect_dma source(%dma_start3A_404 : memref<16777216xf32, #tpu.memory_space<hbm>>) target(%dma_start3A_400 : memref<128xf32, #tpu.memory_space<vmem>>) offsets(%dma_start3A_402 : memref<128xi32, #tpu.memory_space<vmem>>) semaphore(%arg21 : memref<!tpu.dma_semaphore, #tpu.memory_space<semaphore_mem>>)
          %dma_start3A_405 = arith.constant 4736 : i32
          %dma_start3A_406 = tpu.memref_slice %arg14[%dma_start3A_405] : memref<16384xf32, #tpu.memory_space<vmem>> -> memref<128xf32, #tpu.memory_space<vmem>>
          %dma_start3A_407 = arith.constant 4736 : i32
          %dma_start3A_408 = tpu.memref_slice %arg12[%dma_start3A_407] : memref<16384xi32, #tpu.memory_space<vmem>> -> memref<128xi32, #tpu.memory_space<vmem>>
          %dma_start3A_409 = arith.constant 0 : i32
          %dma_start3A_410 = tpu.memref_slice %arg5[%dma_start3A_409] : memref<16777216xf32, #tpu.memory_space<hbm>> -> memref<16777216xf32, #tpu.memory_space<hbm>>
          tpu.enqueue_indirect_dma source(%dma_start3A_410 : memref<16777216xf32, #tpu.memory_space<hbm>>) target(%dma_start3A_406 : memref<128xf32, #tpu.memory_space<vmem>>) offsets(%dma_start3A_408 : memref<128xi32, #tpu.memory_space<vmem>>) semaphore(%arg21 : memref<!tpu.dma_semaphore, #tpu.memory_space<semaphore_mem>>)
          %dma_start3A_411 = arith.constant 4864 : i32
          %dma_start3A_412 = tpu.memref_slice %arg14[%dma_start3A_411] : memref<16384xf32, #tpu.memory_space<vmem>> -> memref<128xf32, #tpu.memory_space<vmem>>
          %dma_start3A_413 = arith.constant 4864 : i32
          %dma_start3A_414 = tpu.memref_slice %arg12[%dma_start3A_413] : memref<16384xi32, #tpu.memory_space<vmem>> -> memref<128xi32, #tpu.memory_space<vmem>>
          %dma_start3A_415 = arith.constant 0 : i32
          %dma_start3A_416 = tpu.memref_slice %arg5[%dma_start3A_415] : memref<16777216xf32, #tpu.memory_space<hbm>> -> memref<16777216xf32, #tpu.memory_space<hbm>>
          tpu.enqueue_indirect_dma source(%dma_start3A_416 : memref<16777216xf32, #tpu.memory_space<hbm>>) target(%dma_start3A_412 : memref<128xf32, #tpu.memory_space<vmem>>) offsets(%dma_start3A_414 : memref<128xi32, #tpu.memory_space<vmem>>) semaphore(%arg21 : memref<!tpu.dma_semaphore, #tpu.memory_space<semaphore_mem>>)
          %dma_start3A_417 = arith.constant 4992 : i32
          %dma_start3A_418 = tpu.memref_slice %arg14[%dma_start3A_417] : memref<16384xf32, #tpu.memory_space<vmem>> -> memref<128xf32, #tpu.memory_space<vmem>>
          %dma_start3A_419 = arith.constant 4992 : i32
          %dma_start3A_420 = tpu.memref_slice %arg12[%dma_start3A_419] : memref<16384xi32, #tpu.memory_space<vmem>> -> memref<128xi32, #tpu.memory_space<vmem>>
          %dma_start3A_421 = arith.constant 0 : i32
          %dma_start3A_422 = tpu.memref_slice %arg5[%dma_start3A_421] : memref<16777216xf32, #tpu.memory_space<hbm>> -> memref<16777216xf32, #tpu.memory_space<hbm>>
          tpu.enqueue_indirect_dma source(%dma_start3A_422 : memref<16777216xf32, #tpu.memory_space<hbm>>) target(%dma_start3A_418 : memref<128xf32, #tpu.memory_space<vmem>>) offsets(%dma_start3A_420 : memref<128xi32, #tpu.memory_space<vmem>>) semaphore(%arg21 : memref<!tpu.dma_semaphore, #tpu.memory_space<semaphore_mem>>)
          %dma_start3A_423 = arith.constant 5120 : i32
          %dma_start3A_424 = tpu.memref_slice %arg14[%dma_start3A_423] : memref<16384xf32, #tpu.memory_space<vmem>> -> memref<128xf32, #tpu.memory_space<vmem>>
          %dma_start3A_425 = arith.constant 5120 : i32
          %dma_start3A_426 = tpu.memref_slice %arg12[%dma_start3A_425] : memref<16384xi32, #tpu.memory_space<vmem>> -> memref<128xi32, #tpu.memory_space<vmem>>
          %dma_start3A_427 = arith.constant 0 : i32
          %dma_start3A_428 = tpu.memref_slice %arg5[%dma_start3A_427] : memref<16777216xf32, #tpu.memory_space<hbm>> -> memref<16777216xf32, #tpu.memory_space<hbm>>
          tpu.enqueue_indirect_dma source(%dma_start3A_428 : memref<16777216xf32, #tpu.memory_space<hbm>>) target(%dma_start3A_424 : memref<128xf32, #tpu.memory_space<vmem>>) offsets(%dma_start3A_426 : memref<128xi32, #tpu.memory_space<vmem>>) semaphore(%arg21 : memref<!tpu.dma_semaphore, #tpu.memory_space<semaphore_mem>>)
          %dma_start3A_429 = arith.constant 5248 : i32
          %dma_start3A_430 = tpu.memref_slice %arg14[%dma_start3A_429] : memref<16384xf32, #tpu.memory_space<vmem>> -> memref<128xf32, #tpu.memory_space<vmem>>
          %dma_start3A_431 = arith.constant 5248 : i32
          %dma_start3A_432 = tpu.memref_slice %arg12[%dma_start3A_431] : memref<16384xi32, #tpu.memory_space<vmem>> -> memref<128xi32, #tpu.memory_space<vmem>>
          %dma_start3A_433 = arith.constant 0 : i32
          %dma_start3A_434 = tpu.memref_slice %arg5[%dma_start3A_433] : memref<16777216xf32, #tpu.memory_space<hbm>> -> memref<16777216xf32, #tpu.memory_space<hbm>>
          tpu.enqueue_indirect_dma source(%dma_start3A_434 : memref<16777216xf32, #tpu.memory_space<hbm>>) target(%dma_start3A_430 : memref<128xf32, #tpu.memory_space<vmem>>) offsets(%dma_start3A_432 : memref<128xi32, #tpu.memory_space<vmem>>) semaphore(%arg21 : memref<!tpu.dma_semaphore, #tpu.memory_space<semaphore_mem>>)
          %dma_start3A_435 = arith.constant 5376 : i32
          %dma_start3A_436 = tpu.memref_slice %arg14[%dma_start3A_435] : memref<16384xf32, #tpu.memory_space<vmem>> -> memref<128xf32, #tpu.memory_space<vmem>>
          %dma_start3A_437 = arith.constant 5376 : i32
          %dma_start3A_438 = tpu.memref_slice %arg12[%dma_start3A_437] : memref<16384xi32, #tpu.memory_space<vmem>> -> memref<128xi32, #tpu.memory_space<vmem>>
          %dma_start3A_439 = arith.constant 0 : i32
          %dma_start3A_440 = tpu.memref_slice %arg5[%dma_start3A_439] : memref<16777216xf32, #tpu.memory_space<hbm>> -> memref<16777216xf32, #tpu.memory_space<hbm>>
          tpu.enqueue_indirect_dma source(%dma_start3A_440 : memref<16777216xf32, #tpu.memory_space<hbm>>) target(%dma_start3A_436 : memref<128xf32, #tpu.memory_space<vmem>>) offsets(%dma_start3A_438 : memref<128xi32, #tpu.memory_space<vmem>>) semaphore(%arg21 : memref<!tpu.dma_semaphore, #tpu.memory_space<semaphore_mem>>)
          %dma_start3A_441 = arith.constant 5504 : i32
          %dma_start3A_442 = tpu.memref_slice %arg14[%dma_start3A_441] : memref<16384xf32, #tpu.memory_space<vmem>> -> memref<128xf32, #tpu.memory_space<vmem>>
          %dma_start3A_443 = arith.constant 5504 : i32
          %dma_start3A_444 = tpu.memref_slice %arg12[%dma_start3A_443] : memref<16384xi32, #tpu.memory_space<vmem>> -> memref<128xi32, #tpu.memory_space<vmem>>
          %dma_start3A_445 = arith.constant 0 : i32
          %dma_start3A_446 = tpu.memref_slice %arg5[%dma_start3A_445] : memref<16777216xf32, #tpu.memory_space<hbm>> -> memref<16777216xf32, #tpu.memory_space<hbm>>
          tpu.enqueue_indirect_dma source(%dma_start3A_446 : memref<16777216xf32, #tpu.memory_space<hbm>>) target(%dma_start3A_442 : memref<128xf32, #tpu.memory_space<vmem>>) offsets(%dma_start3A_444 : memref<128xi32, #tpu.memory_space<vmem>>) semaphore(%arg21 : memref<!tpu.dma_semaphore, #tpu.memory_space<semaphore_mem>>)
          %dma_start3A_447 = arith.constant 5632 : i32
          %dma_start3A_448 = tpu.memref_slice %arg14[%dma_start3A_447] : memref<16384xf32, #tpu.memory_space<vmem>> -> memref<128xf32, #tpu.memory_space<vmem>>
          %dma_start3A_449 = arith.constant 5632 : i32
          %dma_start3A_450 = tpu.memref_slice %arg12[%dma_start3A_449] : memref<16384xi32, #tpu.memory_space<vmem>> -> memref<128xi32, #tpu.memory_space<vmem>>
          %dma_start3A_451 = arith.constant 0 : i32
          %dma_start3A_452 = tpu.memref_slice %arg5[%dma_start3A_451] : memref<16777216xf32, #tpu.memory_space<hbm>> -> memref<16777216xf32, #tpu.memory_space<hbm>>
          tpu.enqueue_indirect_dma source(%dma_start3A_452 : memref<16777216xf32, #tpu.memory_space<hbm>>) target(%dma_start3A_448 : memref<128xf32, #tpu.memory_space<vmem>>) offsets(%dma_start3A_450 : memref<128xi32, #tpu.memory_space<vmem>>) semaphore(%arg21 : memref<!tpu.dma_semaphore, #tpu.memory_space<semaphore_mem>>)
          %dma_start3A_453 = arith.constant 5760 : i32
          %dma_start3A_454 = tpu.memref_slice %arg14[%dma_start3A_453] : memref<16384xf32, #tpu.memory_space<vmem>> -> memref<128xf32, #tpu.memory_space<vmem>>
          %dma_start3A_455 = arith.constant 5760 : i32
          %dma_start3A_456 = tpu.memref_slice %arg12[%dma_start3A_455] : memref<16384xi32, #tpu.memory_space<vmem>> -> memref<128xi32, #tpu.memory_space<vmem>>
          %dma_start3A_457 = arith.constant 0 : i32
          %dma_start3A_458 = tpu.memref_slice %arg5[%dma_start3A_457] : memref<16777216xf32, #tpu.memory_space<hbm>> -> memref<16777216xf32, #tpu.memory_space<hbm>>
          tpu.enqueue_indirect_dma source(%dma_start3A_458 : memref<16777216xf32, #tpu.memory_space<hbm>>) target(%dma_start3A_454 : memref<128xf32, #tpu.memory_space<vmem>>) offsets(%dma_start3A_456 : memref<128xi32, #tpu.memory_space<vmem>>) semaphore(%arg21 : memref<!tpu.dma_semaphore, #tpu.memory_space<semaphore_mem>>)
          %dma_start3A_459 = arith.constant 5888 : i32
          %dma_start3A_460 = tpu.memref_slice %arg14[%dma_start3A_459] : memref<16384xf32, #tpu.memory_space<vmem>> -> memref<128xf32, #tpu.memory_space<vmem>>
          %dma_start3A_461 = arith.constant 5888 : i32
          %dma_start3A_462 = tpu.memref_slice %arg12[%dma_start3A_461] : memref<16384xi32, #tpu.memory_space<vmem>> -> memref<128xi32, #tpu.memory_space<vmem>>
          %dma_start3A_463 = arith.constant 0 : i32
          %dma_start3A_464 = tpu.memref_slice %arg5[%dma_start3A_463] : memref<16777216xf32, #tpu.memory_space<hbm>> -> memref<16777216xf32, #tpu.memory_space<hbm>>
          tpu.enqueue_indirect_dma source(%dma_start3A_464 : memref<16777216xf32, #tpu.memory_space<hbm>>) target(%dma_start3A_460 : memref<128xf32, #tpu.memory_space<vmem>>) offsets(%dma_start3A_462 : memref<128xi32, #tpu.memory_space<vmem>>) semaphore(%arg21 : memref<!tpu.dma_semaphore, #tpu.memory_space<semaphore_mem>>)
          %dma_start3A_465 = arith.constant 6016 : i32
          %dma_start3A_466 = tpu.memref_slice %arg14[%dma_start3A_465] : memref<16384xf32, #tpu.memory_space<vmem>> -> memref<128xf32, #tpu.memory_space<vmem>>
          %dma_start3A_467 = arith.constant 6016 : i32
          %dma_start3A_468 = tpu.memref_slice %arg12[%dma_start3A_467] : memref<16384xi32, #tpu.memory_space<vmem>> -> memref<128xi32, #tpu.memory_space<vmem>>
          %dma_start3A_469 = arith.constant 0 : i32
          %dma_start3A_470 = tpu.memref_slice %arg5[%dma_start3A_469] : memref<16777216xf32, #tpu.memory_space<hbm>> -> memref<16777216xf32, #tpu.memory_space<hbm>>
          tpu.enqueue_indirect_dma source(%dma_start3A_470 : memref<16777216xf32, #tpu.memory_space<hbm>>) target(%dma_start3A_466 : memref<128xf32, #tpu.memory_space<vmem>>) offsets(%dma_start3A_468 : memref<128xi32, #tpu.memory_space<vmem>>) semaphore(%arg21 : memref<!tpu.dma_semaphore, #tpu.memory_space<semaphore_mem>>)
          %dma_start3A_471 = arith.constant 6144 : i32
          %dma_start3A_472 = tpu.memref_slice %arg14[%dma_start3A_471] : memref<16384xf32, #tpu.memory_space<vmem>> -> memref<128xf32, #tpu.memory_space<vmem>>
          %dma_start3A_473 = arith.constant 6144 : i32
          %dma_start3A_474 = tpu.memref_slice %arg12[%dma_start3A_473] : memref<16384xi32, #tpu.memory_space<vmem>> -> memref<128xi32, #tpu.memory_space<vmem>>
          %dma_start3A_475 = arith.constant 0 : i32
          %dma_start3A_476 = tpu.memref_slice %arg5[%dma_start3A_475] : memref<16777216xf32, #tpu.memory_space<hbm>> -> memref<16777216xf32, #tpu.memory_space<hbm>>
          tpu.enqueue_indirect_dma source(%dma_start3A_476 : memref<16777216xf32, #tpu.memory_space<hbm>>) target(%dma_start3A_472 : memref<128xf32, #tpu.memory_space<vmem>>) offsets(%dma_start3A_474 : memref<128xi32, #tpu.memory_space<vmem>>) semaphore(%arg21 : memref<!tpu.dma_semaphore, #tpu.memory_space<semaphore_mem>>)
          %dma_start3A_477 = arith.constant 6272 : i32
          %dma_start3A_478 = tpu.memref_slice %arg14[%dma_start3A_477] : memref<16384xf32, #tpu.memory_space<vmem>> -> memref<128xf32, #tpu.memory_space<vmem>>
          %dma_start3A_479 = arith.constant 6272 : i32
          %dma_start3A_480 = tpu.memref_slice %arg12[%dma_start3A_479] : memref<16384xi32, #tpu.memory_space<vmem>> -> memref<128xi32, #tpu.memory_space<vmem>>
          %dma_start3A_481 = arith.constant 0 : i32
          %dma_start3A_482 = tpu.memref_slice %arg5[%dma_start3A_481] : memref<16777216xf32, #tpu.memory_space<hbm>> -> memref<16777216xf32, #tpu.memory_space<hbm>>
          tpu.enqueue_indirect_dma source(%dma_start3A_482 : memref<16777216xf32, #tpu.memory_space<hbm>>) target(%dma_start3A_478 : memref<128xf32, #tpu.memory_space<vmem>>) offsets(%dma_start3A_480 : memref<128xi32, #tpu.memory_space<vmem>>) semaphore(%arg21 : memref<!tpu.dma_semaphore, #tpu.memory_space<semaphore_mem>>)
          %dma_start3A_483 = arith.constant 6400 : i32
          %dma_start3A_484 = tpu.memref_slice %arg14[%dma_start3A_483] : memref<16384xf32, #tpu.memory_space<vmem>> -> memref<128xf32, #tpu.memory_space<vmem>>
          %dma_start3A_485 = arith.constant 6400 : i32
          %dma_start3A_486 = tpu.memref_slice %arg12[%dma_start3A_485] : memref<16384xi32, #tpu.memory_space<vmem>> -> memref<128xi32, #tpu.memory_space<vmem>>
          %dma_start3A_487 = arith.constant 0 : i32
          %dma_start3A_488 = tpu.memref_slice %arg5[%dma_start3A_487] : memref<16777216xf32, #tpu.memory_space<hbm>> -> memref<16777216xf32, #tpu.memory_space<hbm>>
          tpu.enqueue_indirect_dma source(%dma_start3A_488 : memref<16777216xf32, #tpu.memory_space<hbm>>) target(%dma_start3A_484 : memref<128xf32, #tpu.memory_space<vmem>>) offsets(%dma_start3A_486 : memref<128xi32, #tpu.memory_space<vmem>>) semaphore(%arg21 : memref<!tpu.dma_semaphore, #tpu.memory_space<semaphore_mem>>)
          %dma_start3A_489 = arith.constant 6528 : i32
          %dma_start3A_490 = tpu.memref_slice %arg14[%dma_start3A_489] : memref<16384xf32, #tpu.memory_space<vmem>> -> memref<128xf32, #tpu.memory_space<vmem>>
          %dma_start3A_491 = arith.constant 6528 : i32
          %dma_start3A_492 = tpu.memref_slice %arg12[%dma_start3A_491] : memref<16384xi32, #tpu.memory_space<vmem>> -> memref<128xi32, #tpu.memory_space<vmem>>
          %dma_start3A_493 = arith.constant 0 : i32
          %dma_start3A_494 = tpu.memref_slice %arg5[%dma_start3A_493] : memref<16777216xf32, #tpu.memory_space<hbm>> -> memref<16777216xf32, #tpu.memory_space<hbm>>
          tpu.enqueue_indirect_dma source(%dma_start3A_494 : memref<16777216xf32, #tpu.memory_space<hbm>>) target(%dma_start3A_490 : memref<128xf32, #tpu.memory_space<vmem>>) offsets(%dma_start3A_492 : memref<128xi32, #tpu.memory_space<vmem>>) semaphore(%arg21 : memref<!tpu.dma_semaphore, #tpu.memory_space<semaphore_mem>>)
          %dma_start3A_495 = arith.constant 6656 : i32
          %dma_start3A_496 = tpu.memref_slice %arg14[%dma_start3A_495] : memref<16384xf32, #tpu.memory_space<vmem>> -> memref<128xf32, #tpu.memory_space<vmem>>
          %dma_start3A_497 = arith.constant 6656 : i32
          %dma_start3A_498 = tpu.memref_slice %arg12[%dma_start3A_497] : memref<16384xi32, #tpu.memory_space<vmem>> -> memref<128xi32, #tpu.memory_space<vmem>>
          %dma_start3A_499 = arith.constant 0 : i32
          %dma_start3A_500 = tpu.memref_slice %arg5[%dma_start3A_499] : memref<16777216xf32, #tpu.memory_space<hbm>> -> memref<16777216xf32, #tpu.memory_space<hbm>>
          tpu.enqueue_indirect_dma source(%dma_start3A_500 : memref<16777216xf32, #tpu.memory_space<hbm>>) target(%dma_start3A_496 : memref<128xf32, #tpu.memory_space<vmem>>) offsets(%dma_start3A_498 : memref<128xi32, #tpu.memory_space<vmem>>) semaphore(%arg21 : memref<!tpu.dma_semaphore, #tpu.memory_space<semaphore_mem>>)
          %dma_start3A_501 = arith.constant 6784 : i32
          %dma_start3A_502 = tpu.memref_slice %arg14[%dma_start3A_501] : memref<16384xf32, #tpu.memory_space<vmem>> -> memref<128xf32, #tpu.memory_space<vmem>>
          %dma_start3A_503 = arith.constant 6784 : i32
          %dma_start3A_504 = tpu.memref_slice %arg12[%dma_start3A_503] : memref<16384xi32, #tpu.memory_space<vmem>> -> memref<128xi32, #tpu.memory_space<vmem>>
          %dma_start3A_505 = arith.constant 0 : i32
          %dma_start3A_506 = tpu.memref_slice %arg5[%dma_start3A_505] : memref<16777216xf32, #tpu.memory_space<hbm>> -> memref<16777216xf32, #tpu.memory_space<hbm>>
          tpu.enqueue_indirect_dma source(%dma_start3A_506 : memref<16777216xf32, #tpu.memory_space<hbm>>) target(%dma_start3A_502 : memref<128xf32, #tpu.memory_space<vmem>>) offsets(%dma_start3A_504 : memref<128xi32, #tpu.memory_space<vmem>>) semaphore(%arg21 : memref<!tpu.dma_semaphore, #tpu.memory_space<semaphore_mem>>)
          %dma_start3A_507 = arith.constant 6912 : i32
          %dma_start3A_508 = tpu.memref_slice %arg14[%dma_start3A_507] : memref<16384xf32, #tpu.memory_space<vmem>> -> memref<128xf32, #tpu.memory_space<vmem>>
          %dma_start3A_509 = arith.constant 6912 : i32
          %dma_start3A_510 = tpu.memref_slice %arg12[%dma_start3A_509] : memref<16384xi32, #tpu.memory_space<vmem>> -> memref<128xi32, #tpu.memory_space<vmem>>
          %dma_start3A_511 = arith.constant 0 : i32
          %dma_start3A_512 = tpu.memref_slice %arg5[%dma_start3A_511] : memref<16777216xf32, #tpu.memory_space<hbm>> -> memref<16777216xf32, #tpu.memory_space<hbm>>
          tpu.enqueue_indirect_dma source(%dma_start3A_512 : memref<16777216xf32, #tpu.memory_space<hbm>>) target(%dma_start3A_508 : memref<128xf32, #tpu.memory_space<vmem>>) offsets(%dma_start3A_510 : memref<128xi32, #tpu.memory_space<vmem>>) semaphore(%arg21 : memref<!tpu.dma_semaphore, #tpu.memory_space<semaphore_mem>>)
          %dma_start3A_513 = arith.constant 7040 : i32
          %dma_start3A_514 = tpu.memref_slice %arg14[%dma_start3A_513] : memref<16384xf32, #tpu.memory_space<vmem>> -> memref<128xf32, #tpu.memory_space<vmem>>
          %dma_start3A_515 = arith.constant 7040 : i32
          %dma_start3A_516 = tpu.memref_slice %arg12[%dma_start3A_515] : memref<16384xi32, #tpu.memory_space<vmem>> -> memref<128xi32, #tpu.memory_space<vmem>>
          %dma_start3A_517 = arith.constant 0 : i32
          %dma_start3A_518 = tpu.memref_slice %arg5[%dma_start3A_517] : memref<16777216xf32, #tpu.memory_space<hbm>> -> memref<16777216xf32, #tpu.memory_space<hbm>>
          tpu.enqueue_indirect_dma source(%dma_start3A_518 : memref<16777216xf32, #tpu.memory_space<hbm>>) target(%dma_start3A_514 : memref<128xf32, #tpu.memory_space<vmem>>) offsets(%dma_start3A_516 : memref<128xi32, #tpu.memory_space<vmem>>) semaphore(%arg21 : memref<!tpu.dma_semaphore, #tpu.memory_space<semaphore_mem>>)
          %dma_start3A_519 = arith.constant 7168 : i32
          %dma_start3A_520 = tpu.memref_slice %arg14[%dma_start3A_519] : memref<16384xf32, #tpu.memory_space<vmem>> -> memref<128xf32, #tpu.memory_space<vmem>>
          %dma_start3A_521 = arith.constant 7168 : i32
          %dma_start3A_522 = tpu.memref_slice %arg12[%dma_start3A_521] : memref<16384xi32, #tpu.memory_space<vmem>> -> memref<128xi32, #tpu.memory_space<vmem>>
          %dma_start3A_523 = arith.constant 0 : i32
          %dma_start3A_524 = tpu.memref_slice %arg5[%dma_start3A_523] : memref<16777216xf32, #tpu.memory_space<hbm>> -> memref<16777216xf32, #tpu.memory_space<hbm>>
          tpu.enqueue_indirect_dma source(%dma_start3A_524 : memref<16777216xf32, #tpu.memory_space<hbm>>) target(%dma_start3A_520 : memref<128xf32, #tpu.memory_space<vmem>>) offsets(%dma_start3A_522 : memref<128xi32, #tpu.memory_space<vmem>>) semaphore(%arg21 : memref<!tpu.dma_semaphore, #tpu.memory_space<semaphore_mem>>)
          %dma_start3A_525 = arith.constant 7296 : i32
          %dma_start3A_526 = tpu.memref_slice %arg14[%dma_start3A_525] : memref<16384xf32, #tpu.memory_space<vmem>> -> memref<128xf32, #tpu.memory_space<vmem>>
          %dma_start3A_527 = arith.constant 7296 : i32
          %dma_start3A_528 = tpu.memref_slice %arg12[%dma_start3A_527] : memref<16384xi32, #tpu.memory_space<vmem>> -> memref<128xi32, #tpu.memory_space<vmem>>
          %dma_start3A_529 = arith.constant 0 : i32
          %dma_start3A_530 = tpu.memref_slice %arg5[%dma_start3A_529] : memref<16777216xf32, #tpu.memory_space<hbm>> -> memref<16777216xf32, #tpu.memory_space<hbm>>
          tpu.enqueue_indirect_dma source(%dma_start3A_530 : memref<16777216xf32, #tpu.memory_space<hbm>>) target(%dma_start3A_526 : memref<128xf32, #tpu.memory_space<vmem>>) offsets(%dma_start3A_528 : memref<128xi32, #tpu.memory_space<vmem>>) semaphore(%arg21 : memref<!tpu.dma_semaphore, #tpu.memory_space<semaphore_mem>>)
          %dma_start3A_531 = arith.constant 7424 : i32
          %dma_start3A_532 = tpu.memref_slice %arg14[%dma_start3A_531] : memref<16384xf32, #tpu.memory_space<vmem>> -> memref<128xf32, #tpu.memory_space<vmem>>
          %dma_start3A_533 = arith.constant 7424 : i32
          %dma_start3A_534 = tpu.memref_slice %arg12[%dma_start3A_533] : memref<16384xi32, #tpu.memory_space<vmem>> -> memref<128xi32, #tpu.memory_space<vmem>>
          %dma_start3A_535 = arith.constant 0 : i32
          %dma_start3A_536 = tpu.memref_slice %arg5[%dma_start3A_535] : memref<16777216xf32, #tpu.memory_space<hbm>> -> memref<16777216xf32, #tpu.memory_space<hbm>>
          tpu.enqueue_indirect_dma source(%dma_start3A_536 : memref<16777216xf32, #tpu.memory_space<hbm>>) target(%dma_start3A_532 : memref<128xf32, #tpu.memory_space<vmem>>) offsets(%dma_start3A_534 : memref<128xi32, #tpu.memory_space<vmem>>) semaphore(%arg21 : memref<!tpu.dma_semaphore, #tpu.memory_space<semaphore_mem>>)
          %dma_start3A_537 = arith.constant 7552 : i32
          %dma_start3A_538 = tpu.memref_slice %arg14[%dma_start3A_537] : memref<16384xf32, #tpu.memory_space<vmem>> -> memref<128xf32, #tpu.memory_space<vmem>>
          %dma_start3A_539 = arith.constant 7552 : i32
          %dma_start3A_540 = tpu.memref_slice %arg12[%dma_start3A_539] : memref<16384xi32, #tpu.memory_space<vmem>> -> memref<128xi32, #tpu.memory_space<vmem>>
          %dma_start3A_541 = arith.constant 0 : i32
          %dma_start3A_542 = tpu.memref_slice %arg5[%dma_start3A_541] : memref<16777216xf32, #tpu.memory_space<hbm>> -> memref<16777216xf32, #tpu.memory_space<hbm>>
          tpu.enqueue_indirect_dma source(%dma_start3A_542 : memref<16777216xf32, #tpu.memory_space<hbm>>) target(%dma_start3A_538 : memref<128xf32, #tpu.memory_space<vmem>>) offsets(%dma_start3A_540 : memref<128xi32, #tpu.memory_space<vmem>>) semaphore(%arg21 : memref<!tpu.dma_semaphore, #tpu.memory_space<semaphore_mem>>)
          %dma_start3A_543 = arith.constant 7680 : i32
          %dma_start3A_544 = tpu.memref_slice %arg14[%dma_start3A_543] : memref<16384xf32, #tpu.memory_space<vmem>> -> memref<128xf32, #tpu.memory_space<vmem>>
          %dma_start3A_545 = arith.constant 7680 : i32
          %dma_start3A_546 = tpu.memref_slice %arg12[%dma_start3A_545] : memref<16384xi32, #tpu.memory_space<vmem>> -> memref<128xi32, #tpu.memory_space<vmem>>
          %dma_start3A_547 = arith.constant 0 : i32
          %dma_start3A_548 = tpu.memref_slice %arg5[%dma_start3A_547] : memref<16777216xf32, #tpu.memory_space<hbm>> -> memref<16777216xf32, #tpu.memory_space<hbm>>
          tpu.enqueue_indirect_dma source(%dma_start3A_548 : memref<16777216xf32, #tpu.memory_space<hbm>>) target(%dma_start3A_544 : memref<128xf32, #tpu.memory_space<vmem>>) offsets(%dma_start3A_546 : memref<128xi32, #tpu.memory_space<vmem>>) semaphore(%arg21 : memref<!tpu.dma_semaphore, #tpu.memory_space<semaphore_mem>>)
          %dma_start3A_549 = arith.constant 7808 : i32
          %dma_start3A_550 = tpu.memref_slice %arg14[%dma_start3A_549] : memref<16384xf32, #tpu.memory_space<vmem>> -> memref<128xf32, #tpu.memory_space<vmem>>
          %dma_start3A_551 = arith.constant 7808 : i32
          %dma_start3A_552 = tpu.memref_slice %arg12[%dma_start3A_551] : memref<16384xi32, #tpu.memory_space<vmem>> -> memref<128xi32, #tpu.memory_space<vmem>>
          %dma_start3A_553 = arith.constant 0 : i32
          %dma_start3A_554 = tpu.memref_slice %arg5[%dma_start3A_553] : memref<16777216xf32, #tpu.memory_space<hbm>> -> memref<16777216xf32, #tpu.memory_space<hbm>>
          tpu.enqueue_indirect_dma source(%dma_start3A_554 : memref<16777216xf32, #tpu.memory_space<hbm>>) target(%dma_start3A_550 : memref<128xf32, #tpu.memory_space<vmem>>) offsets(%dma_start3A_552 : memref<128xi32, #tpu.memory_space<vmem>>) semaphore(%arg21 : memref<!tpu.dma_semaphore, #tpu.memory_space<semaphore_mem>>)
          %dma_start3A_555 = arith.constant 7936 : i32
          %dma_start3A_556 = tpu.memref_slice %arg14[%dma_start3A_555] : memref<16384xf32, #tpu.memory_space<vmem>> -> memref<128xf32, #tpu.memory_space<vmem>>
          %dma_start3A_557 = arith.constant 7936 : i32
          %dma_start3A_558 = tpu.memref_slice %arg12[%dma_start3A_557] : memref<16384xi32, #tpu.memory_space<vmem>> -> memref<128xi32, #tpu.memory_space<vmem>>
          %dma_start3A_559 = arith.constant 0 : i32
          %dma_start3A_560 = tpu.memref_slice %arg5[%dma_start3A_559] : memref<16777216xf32, #tpu.memory_space<hbm>> -> memref<16777216xf32, #tpu.memory_space<hbm>>
          tpu.enqueue_indirect_dma source(%dma_start3A_560 : memref<16777216xf32, #tpu.memory_space<hbm>>) target(%dma_start3A_556 : memref<128xf32, #tpu.memory_space<vmem>>) offsets(%dma_start3A_558 : memref<128xi32, #tpu.memory_space<vmem>>) semaphore(%arg21 : memref<!tpu.dma_semaphore, #tpu.memory_space<semaphore_mem>>)
          %dma_start3A_561 = arith.constant 8064 : i32
          %dma_start3A_562 = tpu.memref_slice %arg14[%dma_start3A_561] : memref<16384xf32, #tpu.memory_space<vmem>> -> memref<128xf32, #tpu.memory_space<vmem>>
          %dma_start3A_563 = arith.constant 8064 : i32
          %dma_start3A_564 = tpu.memref_slice %arg12[%dma_start3A_563] : memref<16384xi32, #tpu.memory_space<vmem>> -> memref<128xi32, #tpu.memory_space<vmem>>
          %dma_start3A_565 = arith.constant 0 : i32
          %dma_start3A_566 = tpu.memref_slice %arg5[%dma_start3A_565] : memref<16777216xf32, #tpu.memory_space<hbm>> -> memref<16777216xf32, #tpu.memory_space<hbm>>
          tpu.enqueue_indirect_dma source(%dma_start3A_566 : memref<16777216xf32, #tpu.memory_space<hbm>>) target(%dma_start3A_562 : memref<128xf32, #tpu.memory_space<vmem>>) offsets(%dma_start3A_564 : memref<128xi32, #tpu.memory_space<vmem>>) semaphore(%arg21 : memref<!tpu.dma_semaphore, #tpu.memory_space<semaphore_mem>>)
          %dma_start3A_567 = arith.constant 8192 : i32
          %dma_start3A_568 = tpu.memref_slice %arg14[%dma_start3A_567] : memref<16384xf32, #tpu.memory_space<vmem>> -> memref<128xf32, #tpu.memory_space<vmem>>
          %dma_start3A_569 = arith.constant 8192 : i32
          %dma_start3A_570 = tpu.memref_slice %arg12[%dma_start3A_569] : memref<16384xi32, #tpu.memory_space<vmem>> -> memref<128xi32, #tpu.memory_space<vmem>>
          %dma_start3A_571 = arith.constant 0 : i32
          %dma_start3A_572 = tpu.memref_slice %arg5[%dma_start3A_571] : memref<16777216xf32, #tpu.memory_space<hbm>> -> memref<16777216xf32, #tpu.memory_space<hbm>>
          tpu.enqueue_indirect_dma source(%dma_start3A_572 : memref<16777216xf32, #tpu.memory_space<hbm>>) target(%dma_start3A_568 : memref<128xf32, #tpu.memory_space<vmem>>) offsets(%dma_start3A_570 : memref<128xi32, #tpu.memory_space<vmem>>) semaphore(%arg21 : memref<!tpu.dma_semaphore, #tpu.memory_space<semaphore_mem>>)
          %dma_start3A_573 = arith.constant 8320 : i32
          %dma_start3A_574 = tpu.memref_slice %arg14[%dma_start3A_573] : memref<16384xf32, #tpu.memory_space<vmem>> -> memref<128xf32, #tpu.memory_space<vmem>>
          %dma_start3A_575 = arith.constant 8320 : i32
          %dma_start3A_576 = tpu.memref_slice %arg12[%dma_start3A_575] : memref<16384xi32, #tpu.memory_space<vmem>> -> memref<128xi32, #tpu.memory_space<vmem>>
          %dma_start3A_577 = arith.constant 0 : i32
          %dma_start3A_578 = tpu.memref_slice %arg5[%dma_start3A_577] : memref<16777216xf32, #tpu.memory_space<hbm>> -> memref<16777216xf32, #tpu.memory_space<hbm>>
          tpu.enqueue_indirect_dma source(%dma_start3A_578 : memref<16777216xf32, #tpu.memory_space<hbm>>) target(%dma_start3A_574 : memref<128xf32, #tpu.memory_space<vmem>>) offsets(%dma_start3A_576 : memref<128xi32, #tpu.memory_space<vmem>>) semaphore(%arg21 : memref<!tpu.dma_semaphore, #tpu.memory_space<semaphore_mem>>)
          %dma_start3A_579 = arith.constant 8448 : i32
          %dma_start3A_580 = tpu.memref_slice %arg14[%dma_start3A_579] : memref<16384xf32, #tpu.memory_space<vmem>> -> memref<128xf32, #tpu.memory_space<vmem>>
          %dma_start3A_581 = arith.constant 8448 : i32
          %dma_start3A_582 = tpu.memref_slice %arg12[%dma_start3A_581] : memref<16384xi32, #tpu.memory_space<vmem>> -> memref<128xi32, #tpu.memory_space<vmem>>
          %dma_start3A_583 = arith.constant 0 : i32
          %dma_start3A_584 = tpu.memref_slice %arg5[%dma_start3A_583] : memref<16777216xf32, #tpu.memory_space<hbm>> -> memref<16777216xf32, #tpu.memory_space<hbm>>
          tpu.enqueue_indirect_dma source(%dma_start3A_584 : memref<16777216xf32, #tpu.memory_space<hbm>>) target(%dma_start3A_580 : memref<128xf32, #tpu.memory_space<vmem>>) offsets(%dma_start3A_582 : memref<128xi32, #tpu.memory_space<vmem>>) semaphore(%arg21 : memref<!tpu.dma_semaphore, #tpu.memory_space<semaphore_mem>>)
          %dma_start3A_585 = arith.constant 8576 : i32
          %dma_start3A_586 = tpu.memref_slice %arg14[%dma_start3A_585] : memref<16384xf32, #tpu.memory_space<vmem>> -> memref<128xf32, #tpu.memory_space<vmem>>
          %dma_start3A_587 = arith.constant 8576 : i32
          %dma_start3A_588 = tpu.memref_slice %arg12[%dma_start3A_587] : memref<16384xi32, #tpu.memory_space<vmem>> -> memref<128xi32, #tpu.memory_space<vmem>>
          %dma_start3A_589 = arith.constant 0 : i32
          %dma_start3A_590 = tpu.memref_slice %arg5[%dma_start3A_589] : memref<16777216xf32, #tpu.memory_space<hbm>> -> memref<16777216xf32, #tpu.memory_space<hbm>>
          tpu.enqueue_indirect_dma source(%dma_start3A_590 : memref<16777216xf32, #tpu.memory_space<hbm>>) target(%dma_start3A_586 : memref<128xf32, #tpu.memory_space<vmem>>) offsets(%dma_start3A_588 : memref<128xi32, #tpu.memory_space<vmem>>) semaphore(%arg21 : memref<!tpu.dma_semaphore, #tpu.memory_space<semaphore_mem>>)
          %dma_start3A_591 = arith.constant 8704 : i32
          %dma_start3A_592 = tpu.memref_slice %arg14[%dma_start3A_591] : memref<16384xf32, #tpu.memory_space<vmem>> -> memref<128xf32, #tpu.memory_space<vmem>>
          %dma_start3A_593 = arith.constant 8704 : i32
          %dma_start3A_594 = tpu.memref_slice %arg12[%dma_start3A_593] : memref<16384xi32, #tpu.memory_space<vmem>> -> memref<128xi32, #tpu.memory_space<vmem>>
          %dma_start3A_595 = arith.constant 0 : i32
          %dma_start3A_596 = tpu.memref_slice %arg5[%dma_start3A_595] : memref<16777216xf32, #tpu.memory_space<hbm>> -> memref<16777216xf32, #tpu.memory_space<hbm>>
          tpu.enqueue_indirect_dma source(%dma_start3A_596 : memref<16777216xf32, #tpu.memory_space<hbm>>) target(%dma_start3A_592 : memref<128xf32, #tpu.memory_space<vmem>>) offsets(%dma_start3A_594 : memref<128xi32, #tpu.memory_space<vmem>>) semaphore(%arg21 : memref<!tpu.dma_semaphore, #tpu.memory_space<semaphore_mem>>)
          %dma_start3A_597 = arith.constant 8832 : i32
          %dma_start3A_598 = tpu.memref_slice %arg14[%dma_start3A_597] : memref<16384xf32, #tpu.memory_space<vmem>> -> memref<128xf32, #tpu.memory_space<vmem>>
          %dma_start3A_599 = arith.constant 8832 : i32
          %dma_start3A_600 = tpu.memref_slice %arg12[%dma_start3A_599] : memref<16384xi32, #tpu.memory_space<vmem>> -> memref<128xi32, #tpu.memory_space<vmem>>
          %dma_start3A_601 = arith.constant 0 : i32
          %dma_start3A_602 = tpu.memref_slice %arg5[%dma_start3A_601] : memref<16777216xf32, #tpu.memory_space<hbm>> -> memref<16777216xf32, #tpu.memory_space<hbm>>
          tpu.enqueue_indirect_dma source(%dma_start3A_602 : memref<16777216xf32, #tpu.memory_space<hbm>>) target(%dma_start3A_598 : memref<128xf32, #tpu.memory_space<vmem>>) offsets(%dma_start3A_600 : memref<128xi32, #tpu.memory_space<vmem>>) semaphore(%arg21 : memref<!tpu.dma_semaphore, #tpu.memory_space<semaphore_mem>>)
          %dma_start3A_603 = arith.constant 8960 : i32
          %dma_start3A_604 = tpu.memref_slice %arg14[%dma_start3A_603] : memref<16384xf32, #tpu.memory_space<vmem>> -> memref<128xf32, #tpu.memory_space<vmem>>
          %dma_start3A_605 = arith.constant 8960 : i32
          %dma_start3A_606 = tpu.memref_slice %arg12[%dma_start3A_605] : memref<16384xi32, #tpu.memory_space<vmem>> -> memref<128xi32, #tpu.memory_space<vmem>>
          %dma_start3A_607 = arith.constant 0 : i32
          %dma_start3A_608 = tpu.memref_slice %arg5[%dma_start3A_607] : memref<16777216xf32, #tpu.memory_space<hbm>> -> memref<16777216xf32, #tpu.memory_space<hbm>>
          tpu.enqueue_indirect_dma source(%dma_start3A_608 : memref<16777216xf32, #tpu.memory_space<hbm>>) target(%dma_start3A_604 : memref<128xf32, #tpu.memory_space<vmem>>) offsets(%dma_start3A_606 : memref<128xi32, #tpu.memory_space<vmem>>) semaphore(%arg21 : memref<!tpu.dma_semaphore, #tpu.memory_space<semaphore_mem>>)
          %dma_start3A_609 = arith.constant 9088 : i32
          %dma_start3A_610 = tpu.memref_slice %arg14[%dma_start3A_609] : memref<16384xf32, #tpu.memory_space<vmem>> -> memref<128xf32, #tpu.memory_space<vmem>>
          %dma_start3A_611 = arith.constant 9088 : i32
          %dma_start3A_612 = tpu.memref_slice %arg12[%dma_start3A_611] : memref<16384xi32, #tpu.memory_space<vmem>> -> memref<128xi32, #tpu.memory_space<vmem>>
          %dma_start3A_613 = arith.constant 0 : i32
          %dma_start3A_614 = tpu.memref_slice %arg5[%dma_start3A_613] : memref<16777216xf32, #tpu.memory_space<hbm>> -> memref<16777216xf32, #tpu.memory_space<hbm>>
          tpu.enqueue_indirect_dma source(%dma_start3A_614 : memref<16777216xf32, #tpu.memory_space<hbm>>) target(%dma_start3A_610 : memref<128xf32, #tpu.memory_space<vmem>>) offsets(%dma_start3A_612 : memref<128xi32, #tpu.memory_space<vmem>>) semaphore(%arg21 : memref<!tpu.dma_semaphore, #tpu.memory_space<semaphore_mem>>)
          %dma_start3A_615 = arith.constant 9216 : i32
          %dma_start3A_616 = tpu.memref_slice %arg14[%dma_start3A_615] : memref<16384xf32, #tpu.memory_space<vmem>> -> memref<128xf32, #tpu.memory_space<vmem>>
          %dma_start3A_617 = arith.constant 9216 : i32
          %dma_start3A_618 = tpu.memref_slice %arg12[%dma_start3A_617] : memref<16384xi32, #tpu.memory_space<vmem>> -> memref<128xi32, #tpu.memory_space<vmem>>
          %dma_start3A_619 = arith.constant 0 : i32
          %dma_start3A_620 = tpu.memref_slice %arg5[%dma_start3A_619] : memref<16777216xf32, #tpu.memory_space<hbm>> -> memref<16777216xf32, #tpu.memory_space<hbm>>
          tpu.enqueue_indirect_dma source(%dma_start3A_620 : memref<16777216xf32, #tpu.memory_space<hbm>>) target(%dma_start3A_616 : memref<128xf32, #tpu.memory_space<vmem>>) offsets(%dma_start3A_618 : memref<128xi32, #tpu.memory_space<vmem>>) semaphore(%arg21 : memref<!tpu.dma_semaphore, #tpu.memory_space<semaphore_mem>>)
          %dma_start3A_621 = arith.constant 9344 : i32
          %dma_start3A_622 = tpu.memref_slice %arg14[%dma_start3A_621] : memref<16384xf32, #tpu.memory_space<vmem>> -> memref<128xf32, #tpu.memory_space<vmem>>
          %dma_start3A_623 = arith.constant 9344 : i32
          %dma_start3A_624 = tpu.memref_slice %arg12[%dma_start3A_623] : memref<16384xi32, #tpu.memory_space<vmem>> -> memref<128xi32, #tpu.memory_space<vmem>>
          %dma_start3A_625 = arith.constant 0 : i32
          %dma_start3A_626 = tpu.memref_slice %arg5[%dma_start3A_625] : memref<16777216xf32, #tpu.memory_space<hbm>> -> memref<16777216xf32, #tpu.memory_space<hbm>>
          tpu.enqueue_indirect_dma source(%dma_start3A_626 : memref<16777216xf32, #tpu.memory_space<hbm>>) target(%dma_start3A_622 : memref<128xf32, #tpu.memory_space<vmem>>) offsets(%dma_start3A_624 : memref<128xi32, #tpu.memory_space<vmem>>) semaphore(%arg21 : memref<!tpu.dma_semaphore, #tpu.memory_space<semaphore_mem>>)
          %dma_start3A_627 = arith.constant 9472 : i32
          %dma_start3A_628 = tpu.memref_slice %arg14[%dma_start3A_627] : memref<16384xf32, #tpu.memory_space<vmem>> -> memref<128xf32, #tpu.memory_space<vmem>>
          %dma_start3A_629 = arith.constant 9472 : i32
          %dma_start3A_630 = tpu.memref_slice %arg12[%dma_start3A_629] : memref<16384xi32, #tpu.memory_space<vmem>> -> memref<128xi32, #tpu.memory_space<vmem>>
          %dma_start3A_631 = arith.constant 0 : i32
          %dma_start3A_632 = tpu.memref_slice %arg5[%dma_start3A_631] : memref<16777216xf32, #tpu.memory_space<hbm>> -> memref<16777216xf32, #tpu.memory_space<hbm>>
          tpu.enqueue_indirect_dma source(%dma_start3A_632 : memref<16777216xf32, #tpu.memory_space<hbm>>) target(%dma_start3A_628 : memref<128xf32, #tpu.memory_space<vmem>>) offsets(%dma_start3A_630 : memref<128xi32, #tpu.memory_space<vmem>>) semaphore(%arg21 : memref<!tpu.dma_semaphore, #tpu.memory_space<semaphore_mem>>)
          %dma_start3A_633 = arith.constant 9600 : i32
          %dma_start3A_634 = tpu.memref_slice %arg14[%dma_start3A_633] : memref<16384xf32, #tpu.memory_space<vmem>> -> memref<128xf32, #tpu.memory_space<vmem>>
          %dma_start3A_635 = arith.constant 9600 : i32
          %dma_start3A_636 = tpu.memref_slice %arg12[%dma_start3A_635] : memref<16384xi32, #tpu.memory_space<vmem>> -> memref<128xi32, #tpu.memory_space<vmem>>
          %dma_start3A_637 = arith.constant 0 : i32
          %dma_start3A_638 = tpu.memref_slice %arg5[%dma_start3A_637] : memref<16777216xf32, #tpu.memory_space<hbm>> -> memref<16777216xf32, #tpu.memory_space<hbm>>
          tpu.enqueue_indirect_dma source(%dma_start3A_638 : memref<16777216xf32, #tpu.memory_space<hbm>>) target(%dma_start3A_634 : memref<128xf32, #tpu.memory_space<vmem>>) offsets(%dma_start3A_636 : memref<128xi32, #tpu.memory_space<vmem>>) semaphore(%arg21 : memref<!tpu.dma_semaphore, #tpu.memory_space<semaphore_mem>>)
          %dma_start3A_639 = arith.constant 9728 : i32
          %dma_start3A_640 = tpu.memref_slice %arg14[%dma_start3A_639] : memref<16384xf32, #tpu.memory_space<vmem>> -> memref<128xf32, #tpu.memory_space<vmem>>
          %dma_start3A_641 = arith.constant 9728 : i32
          %dma_start3A_642 = tpu.memref_slice %arg12[%dma_start3A_641] : memref<16384xi32, #tpu.memory_space<vmem>> -> memref<128xi32, #tpu.memory_space<vmem>>
          %dma_start3A_643 = arith.constant 0 : i32
          %dma_start3A_644 = tpu.memref_slice %arg5[%dma_start3A_643] : memref<16777216xf32, #tpu.memory_space<hbm>> -> memref<16777216xf32, #tpu.memory_space<hbm>>
          tpu.enqueue_indirect_dma source(%dma_start3A_644 : memref<16777216xf32, #tpu.memory_space<hbm>>) target(%dma_start3A_640 : memref<128xf32, #tpu.memory_space<vmem>>) offsets(%dma_start3A_642 : memref<128xi32, #tpu.memory_space<vmem>>) semaphore(%arg21 : memref<!tpu.dma_semaphore, #tpu.memory_space<semaphore_mem>>)
          %dma_start3A_645 = arith.constant 9856 : i32
          %dma_start3A_646 = tpu.memref_slice %arg14[%dma_start3A_645] : memref<16384xf32, #tpu.memory_space<vmem>> -> memref<128xf32, #tpu.memory_space<vmem>>
          %dma_start3A_647 = arith.constant 9856 : i32
          %dma_start3A_648 = tpu.memref_slice %arg12[%dma_start3A_647] : memref<16384xi32, #tpu.memory_space<vmem>> -> memref<128xi32, #tpu.memory_space<vmem>>
          %dma_start3A_649 = arith.constant 0 : i32
          %dma_start3A_650 = tpu.memref_slice %arg5[%dma_start3A_649] : memref<16777216xf32, #tpu.memory_space<hbm>> -> memref<16777216xf32, #tpu.memory_space<hbm>>
          tpu.enqueue_indirect_dma source(%dma_start3A_650 : memref<16777216xf32, #tpu.memory_space<hbm>>) target(%dma_start3A_646 : memref<128xf32, #tpu.memory_space<vmem>>) offsets(%dma_start3A_648 : memref<128xi32, #tpu.memory_space<vmem>>) semaphore(%arg21 : memref<!tpu.dma_semaphore, #tpu.memory_space<semaphore_mem>>)
          %dma_start3A_651 = arith.constant 9984 : i32
          %dma_start3A_652 = tpu.memref_slice %arg14[%dma_start3A_651] : memref<16384xf32, #tpu.memory_space<vmem>> -> memref<128xf32, #tpu.memory_space<vmem>>
          %dma_start3A_653 = arith.constant 9984 : i32
          %dma_start3A_654 = tpu.memref_slice %arg12[%dma_start3A_653] : memref<16384xi32, #tpu.memory_space<vmem>> -> memref<128xi32, #tpu.memory_space<vmem>>
          %dma_start3A_655 = arith.constant 0 : i32
          %dma_start3A_656 = tpu.memref_slice %arg5[%dma_start3A_655] : memref<16777216xf32, #tpu.memory_space<hbm>> -> memref<16777216xf32, #tpu.memory_space<hbm>>
          tpu.enqueue_indirect_dma source(%dma_start3A_656 : memref<16777216xf32, #tpu.memory_space<hbm>>) target(%dma_start3A_652 : memref<128xf32, #tpu.memory_space<vmem>>) offsets(%dma_start3A_654 : memref<128xi32, #tpu.memory_space<vmem>>) semaphore(%arg21 : memref<!tpu.dma_semaphore, #tpu.memory_space<semaphore_mem>>)
          %dma_start3A_657 = arith.constant 10112 : i32
          %dma_start3A_658 = tpu.memref_slice %arg14[%dma_start3A_657] : memref<16384xf32, #tpu.memory_space<vmem>> -> memref<128xf32, #tpu.memory_space<vmem>>
          %dma_start3A_659 = arith.constant 10112 : i32
          %dma_start3A_660 = tpu.memref_slice %arg12[%dma_start3A_659] : memref<16384xi32, #tpu.memory_space<vmem>> -> memref<128xi32, #tpu.memory_space<vmem>>
          %dma_start3A_661 = arith.constant 0 : i32
          %dma_start3A_662 = tpu.memref_slice %arg5[%dma_start3A_661] : memref<16777216xf32, #tpu.memory_space<hbm>> -> memref<16777216xf32, #tpu.memory_space<hbm>>
          tpu.enqueue_indirect_dma source(%dma_start3A_662 : memref<16777216xf32, #tpu.memory_space<hbm>>) target(%dma_start3A_658 : memref<128xf32, #tpu.memory_space<vmem>>) offsets(%dma_start3A_660 : memref<128xi32, #tpu.memory_space<vmem>>) semaphore(%arg21 : memref<!tpu.dma_semaphore, #tpu.memory_space<semaphore_mem>>)
          %dma_start3A_663 = arith.constant 10240 : i32
          %dma_start3A_664 = tpu.memref_slice %arg14[%dma_start3A_663] : memref<16384xf32, #tpu.memory_space<vmem>> -> memref<128xf32, #tpu.memory_space<vmem>>
          %dma_start3A_665 = arith.constant 10240 : i32
          %dma_start3A_666 = tpu.memref_slice %arg12[%dma_start3A_665] : memref<16384xi32, #tpu.memory_space<vmem>> -> memref<128xi32, #tpu.memory_space<vmem>>
          %dma_start3A_667 = arith.constant 0 : i32
          %dma_start3A_668 = tpu.memref_slice %arg5[%dma_start3A_667] : memref<16777216xf32, #tpu.memory_space<hbm>> -> memref<16777216xf32, #tpu.memory_space<hbm>>
          tpu.enqueue_indirect_dma source(%dma_start3A_668 : memref<16777216xf32, #tpu.memory_space<hbm>>) target(%dma_start3A_664 : memref<128xf32, #tpu.memory_space<vmem>>) offsets(%dma_start3A_666 : memref<128xi32, #tpu.memory_space<vmem>>) semaphore(%arg21 : memref<!tpu.dma_semaphore, #tpu.memory_space<semaphore_mem>>)
          %dma_start3A_669 = arith.constant 10368 : i32
          %dma_start3A_670 = tpu.memref_slice %arg14[%dma_start3A_669] : memref<16384xf32, #tpu.memory_space<vmem>> -> memref<128xf32, #tpu.memory_space<vmem>>
          %dma_start3A_671 = arith.constant 10368 : i32
          %dma_start3A_672 = tpu.memref_slice %arg12[%dma_start3A_671] : memref<16384xi32, #tpu.memory_space<vmem>> -> memref<128xi32, #tpu.memory_space<vmem>>
          %dma_start3A_673 = arith.constant 0 : i32
          %dma_start3A_674 = tpu.memref_slice %arg5[%dma_start3A_673] : memref<16777216xf32, #tpu.memory_space<hbm>> -> memref<16777216xf32, #tpu.memory_space<hbm>>
          tpu.enqueue_indirect_dma source(%dma_start3A_674 : memref<16777216xf32, #tpu.memory_space<hbm>>) target(%dma_start3A_670 : memref<128xf32, #tpu.memory_space<vmem>>) offsets(%dma_start3A_672 : memref<128xi32, #tpu.memory_space<vmem>>) semaphore(%arg21 : memref<!tpu.dma_semaphore, #tpu.memory_space<semaphore_mem>>)
          %dma_start3A_675 = arith.constant 10496 : i32
          %dma_start3A_676 = tpu.memref_slice %arg14[%dma_start3A_675] : memref<16384xf32, #tpu.memory_space<vmem>> -> memref<128xf32, #tpu.memory_space<vmem>>
          %dma_start3A_677 = arith.constant 10496 : i32
          %dma_start3A_678 = tpu.memref_slice %arg12[%dma_start3A_677] : memref<16384xi32, #tpu.memory_space<vmem>> -> memref<128xi32, #tpu.memory_space<vmem>>
          %dma_start3A_679 = arith.constant 0 : i32
          %dma_start3A_680 = tpu.memref_slice %arg5[%dma_start3A_679] : memref<16777216xf32, #tpu.memory_space<hbm>> -> memref<16777216xf32, #tpu.memory_space<hbm>>
          tpu.enqueue_indirect_dma source(%dma_start3A_680 : memref<16777216xf32, #tpu.memory_space<hbm>>) target(%dma_start3A_676 : memref<128xf32, #tpu.memory_space<vmem>>) offsets(%dma_start3A_678 : memref<128xi32, #tpu.memory_space<vmem>>) semaphore(%arg21 : memref<!tpu.dma_semaphore, #tpu.memory_space<semaphore_mem>>)
          %dma_start3A_681 = arith.constant 10624 : i32
          %dma_start3A_682 = tpu.memref_slice %arg14[%dma_start3A_681] : memref<16384xf32, #tpu.memory_space<vmem>> -> memref<128xf32, #tpu.memory_space<vmem>>
          %dma_start3A_683 = arith.constant 10624 : i32
          %dma_start3A_684 = tpu.memref_slice %arg12[%dma_start3A_683] : memref<16384xi32, #tpu.memory_space<vmem>> -> memref<128xi32, #tpu.memory_space<vmem>>
          %dma_start3A_685 = arith.constant 0 : i32
          %dma_start3A_686 = tpu.memref_slice %arg5[%dma_start3A_685] : memref<16777216xf32, #tpu.memory_space<hbm>> -> memref<16777216xf32, #tpu.memory_space<hbm>>
          tpu.enqueue_indirect_dma source(%dma_start3A_686 : memref<16777216xf32, #tpu.memory_space<hbm>>) target(%dma_start3A_682 : memref<128xf32, #tpu.memory_space<vmem>>) offsets(%dma_start3A_684 : memref<128xi32, #tpu.memory_space<vmem>>) semaphore(%arg21 : memref<!tpu.dma_semaphore, #tpu.memory_space<semaphore_mem>>)
          %dma_start3A_687 = arith.constant 10752 : i32
          %dma_start3A_688 = tpu.memref_slice %arg14[%dma_start3A_687] : memref<16384xf32, #tpu.memory_space<vmem>> -> memref<128xf32, #tpu.memory_space<vmem>>
          %dma_start3A_689 = arith.constant 10752 : i32
          %dma_start3A_690 = tpu.memref_slice %arg12[%dma_start3A_689] : memref<16384xi32, #tpu.memory_space<vmem>> -> memref<128xi32, #tpu.memory_space<vmem>>
          %dma_start3A_691 = arith.constant 0 : i32
          %dma_start3A_692 = tpu.memref_slice %arg5[%dma_start3A_691] : memref<16777216xf32, #tpu.memory_space<hbm>> -> memref<16777216xf32, #tpu.memory_space<hbm>>
          tpu.enqueue_indirect_dma source(%dma_start3A_692 : memref<16777216xf32, #tpu.memory_space<hbm>>) target(%dma_start3A_688 : memref<128xf32, #tpu.memory_space<vmem>>) offsets(%dma_start3A_690 : memref<128xi32, #tpu.memory_space<vmem>>) semaphore(%arg21 : memref<!tpu.dma_semaphore, #tpu.memory_space<semaphore_mem>>)
          %dma_start3A_693 = arith.constant 10880 : i32
          %dma_start3A_694 = tpu.memref_slice %arg14[%dma_start3A_693] : memref<16384xf32, #tpu.memory_space<vmem>> -> memref<128xf32, #tpu.memory_space<vmem>>
          %dma_start3A_695 = arith.constant 10880 : i32
          %dma_start3A_696 = tpu.memref_slice %arg12[%dma_start3A_695] : memref<16384xi32, #tpu.memory_space<vmem>> -> memref<128xi32, #tpu.memory_space<vmem>>
          %dma_start3A_697 = arith.constant 0 : i32
          %dma_start3A_698 = tpu.memref_slice %arg5[%dma_start3A_697] : memref<16777216xf32, #tpu.memory_space<hbm>> -> memref<16777216xf32, #tpu.memory_space<hbm>>
          tpu.enqueue_indirect_dma source(%dma_start3A_698 : memref<16777216xf32, #tpu.memory_space<hbm>>) target(%dma_start3A_694 : memref<128xf32, #tpu.memory_space<vmem>>) offsets(%dma_start3A_696 : memref<128xi32, #tpu.memory_space<vmem>>) semaphore(%arg21 : memref<!tpu.dma_semaphore, #tpu.memory_space<semaphore_mem>>)
          %dma_start3A_699 = arith.constant 11008 : i32
          %dma_start3A_700 = tpu.memref_slice %arg14[%dma_start3A_699] : memref<16384xf32, #tpu.memory_space<vmem>> -> memref<128xf32, #tpu.memory_space<vmem>>
          %dma_start3A_701 = arith.constant 11008 : i32
          %dma_start3A_702 = tpu.memref_slice %arg12[%dma_start3A_701] : memref<16384xi32, #tpu.memory_space<vmem>> -> memref<128xi32, #tpu.memory_space<vmem>>
          %dma_start3A_703 = arith.constant 0 : i32
          %dma_start3A_704 = tpu.memref_slice %arg5[%dma_start3A_703] : memref<16777216xf32, #tpu.memory_space<hbm>> -> memref<16777216xf32, #tpu.memory_space<hbm>>
          tpu.enqueue_indirect_dma source(%dma_start3A_704 : memref<16777216xf32, #tpu.memory_space<hbm>>) target(%dma_start3A_700 : memref<128xf32, #tpu.memory_space<vmem>>) offsets(%dma_start3A_702 : memref<128xi32, #tpu.memory_space<vmem>>) semaphore(%arg21 : memref<!tpu.dma_semaphore, #tpu.memory_space<semaphore_mem>>)
          %dma_start3A_705 = arith.constant 11136 : i32
          %dma_start3A_706 = tpu.memref_slice %arg14[%dma_start3A_705] : memref<16384xf32, #tpu.memory_space<vmem>> -> memref<128xf32, #tpu.memory_space<vmem>>
          %dma_start3A_707 = arith.constant 11136 : i32
          %dma_start3A_708 = tpu.memref_slice %arg12[%dma_start3A_707] : memref<16384xi32, #tpu.memory_space<vmem>> -> memref<128xi32, #tpu.memory_space<vmem>>
          %dma_start3A_709 = arith.constant 0 : i32
          %dma_start3A_710 = tpu.memref_slice %arg5[%dma_start3A_709] : memref<16777216xf32, #tpu.memory_space<hbm>> -> memref<16777216xf32, #tpu.memory_space<hbm>>
          tpu.enqueue_indirect_dma source(%dma_start3A_710 : memref<16777216xf32, #tpu.memory_space<hbm>>) target(%dma_start3A_706 : memref<128xf32, #tpu.memory_space<vmem>>) offsets(%dma_start3A_708 : memref<128xi32, #tpu.memory_space<vmem>>) semaphore(%arg21 : memref<!tpu.dma_semaphore, #tpu.memory_space<semaphore_mem>>)
          %dma_start3A_711 = arith.constant 11264 : i32
          %dma_start3A_712 = tpu.memref_slice %arg14[%dma_start3A_711] : memref<16384xf32, #tpu.memory_space<vmem>> -> memref<128xf32, #tpu.memory_space<vmem>>
          %dma_start3A_713 = arith.constant 11264 : i32
          %dma_start3A_714 = tpu.memref_slice %arg12[%dma_start3A_713] : memref<16384xi32, #tpu.memory_space<vmem>> -> memref<128xi32, #tpu.memory_space<vmem>>
          %dma_start3A_715 = arith.constant 0 : i32
          %dma_start3A_716 = tpu.memref_slice %arg5[%dma_start3A_715] : memref<16777216xf32, #tpu.memory_space<hbm>> -> memref<16777216xf32, #tpu.memory_space<hbm>>
          tpu.enqueue_indirect_dma source(%dma_start3A_716 : memref<16777216xf32, #tpu.memory_space<hbm>>) target(%dma_start3A_712 : memref<128xf32, #tpu.memory_space<vmem>>) offsets(%dma_start3A_714 : memref<128xi32, #tpu.memory_space<vmem>>) semaphore(%arg21 : memref<!tpu.dma_semaphore, #tpu.memory_space<semaphore_mem>>)
          %dma_start3A_717 = arith.constant 11392 : i32
          %dma_start3A_718 = tpu.memref_slice %arg14[%dma_start3A_717] : memref<16384xf32, #tpu.memory_space<vmem>> -> memref<128xf32, #tpu.memory_space<vmem>>
          %dma_start3A_719 = arith.constant 11392 : i32
          %dma_start3A_720 = tpu.memref_slice %arg12[%dma_start3A_719] : memref<16384xi32, #tpu.memory_space<vmem>> -> memref<128xi32, #tpu.memory_space<vmem>>
          %dma_start3A_721 = arith.constant 0 : i32
          %dma_start3A_722 = tpu.memref_slice %arg5[%dma_start3A_721] : memref<16777216xf32, #tpu.memory_space<hbm>> -> memref<16777216xf32, #tpu.memory_space<hbm>>
          tpu.enqueue_indirect_dma source(%dma_start3A_722 : memref<16777216xf32, #tpu.memory_space<hbm>>) target(%dma_start3A_718 : memref<128xf32, #tpu.memory_space<vmem>>) offsets(%dma_start3A_720 : memref<128xi32, #tpu.memory_space<vmem>>) semaphore(%arg21 : memref<!tpu.dma_semaphore, #tpu.memory_space<semaphore_mem>>)
          %dma_start3A_723 = arith.constant 11520 : i32
          %dma_start3A_724 = tpu.memref_slice %arg14[%dma_start3A_723] : memref<16384xf32, #tpu.memory_space<vmem>> -> memref<128xf32, #tpu.memory_space<vmem>>
          %dma_start3A_725 = arith.constant 11520 : i32
          %dma_start3A_726 = tpu.memref_slice %arg12[%dma_start3A_725] : memref<16384xi32, #tpu.memory_space<vmem>> -> memref<128xi32, #tpu.memory_space<vmem>>
          %dma_start3A_727 = arith.constant 0 : i32
          %dma_start3A_728 = tpu.memref_slice %arg5[%dma_start3A_727] : memref<16777216xf32, #tpu.memory_space<hbm>> -> memref<16777216xf32, #tpu.memory_space<hbm>>
          tpu.enqueue_indirect_dma source(%dma_start3A_728 : memref<16777216xf32, #tpu.memory_space<hbm>>) target(%dma_start3A_724 : memref<128xf32, #tpu.memory_space<vmem>>) offsets(%dma_start3A_726 : memref<128xi32, #tpu.memory_space<vmem>>) semaphore(%arg21 : memref<!tpu.dma_semaphore, #tpu.memory_space<semaphore_mem>>)
          %dma_start3A_729 = arith.constant 11648 : i32
          %dma_start3A_730 = tpu.memref_slice %arg14[%dma_start3A_729] : memref<16384xf32, #tpu.memory_space<vmem>> -> memref<128xf32, #tpu.memory_space<vmem>>
          %dma_start3A_731 = arith.constant 11648 : i32
          %dma_start3A_732 = tpu.memref_slice %arg12[%dma_start3A_731] : memref<16384xi32, #tpu.memory_space<vmem>> -> memref<128xi32, #tpu.memory_space<vmem>>
          %dma_start3A_733 = arith.constant 0 : i32
          %dma_start3A_734 = tpu.memref_slice %arg5[%dma_start3A_733] : memref<16777216xf32, #tpu.memory_space<hbm>> -> memref<16777216xf32, #tpu.memory_space<hbm>>
          tpu.enqueue_indirect_dma source(%dma_start3A_734 : memref<16777216xf32, #tpu.memory_space<hbm>>) target(%dma_start3A_730 : memref<128xf32, #tpu.memory_space<vmem>>) offsets(%dma_start3A_732 : memref<128xi32, #tpu.memory_space<vmem>>) semaphore(%arg21 : memref<!tpu.dma_semaphore, #tpu.memory_space<semaphore_mem>>)
          %dma_start3A_735 = arith.constant 11776 : i32
          %dma_start3A_736 = tpu.memref_slice %arg14[%dma_start3A_735] : memref<16384xf32, #tpu.memory_space<vmem>> -> memref<128xf32, #tpu.memory_space<vmem>>
          %dma_start3A_737 = arith.constant 11776 : i32
          %dma_start3A_738 = tpu.memref_slice %arg12[%dma_start3A_737] : memref<16384xi32, #tpu.memory_space<vmem>> -> memref<128xi32, #tpu.memory_space<vmem>>
          %dma_start3A_739 = arith.constant 0 : i32
          %dma_start3A_740 = tpu.memref_slice %arg5[%dma_start3A_739] : memref<16777216xf32, #tpu.memory_space<hbm>> -> memref<16777216xf32, #tpu.memory_space<hbm>>
          tpu.enqueue_indirect_dma source(%dma_start3A_740 : memref<16777216xf32, #tpu.memory_space<hbm>>) target(%dma_start3A_736 : memref<128xf32, #tpu.memory_space<vmem>>) offsets(%dma_start3A_738 : memref<128xi32, #tpu.memory_space<vmem>>) semaphore(%arg21 : memref<!tpu.dma_semaphore, #tpu.memory_space<semaphore_mem>>)
          %dma_start3A_741 = arith.constant 11904 : i32
          %dma_start3A_742 = tpu.memref_slice %arg14[%dma_start3A_741] : memref<16384xf32, #tpu.memory_space<vmem>> -> memref<128xf32, #tpu.memory_space<vmem>>
          %dma_start3A_743 = arith.constant 11904 : i32
          %dma_start3A_744 = tpu.memref_slice %arg12[%dma_start3A_743] : memref<16384xi32, #tpu.memory_space<vmem>> -> memref<128xi32, #tpu.memory_space<vmem>>
          %dma_start3A_745 = arith.constant 0 : i32
          %dma_start3A_746 = tpu.memref_slice %arg5[%dma_start3A_745] : memref<16777216xf32, #tpu.memory_space<hbm>> -> memref<16777216xf32, #tpu.memory_space<hbm>>
          tpu.enqueue_indirect_dma source(%dma_start3A_746 : memref<16777216xf32, #tpu.memory_space<hbm>>) target(%dma_start3A_742 : memref<128xf32, #tpu.memory_space<vmem>>) offsets(%dma_start3A_744 : memref<128xi32, #tpu.memory_space<vmem>>) semaphore(%arg21 : memref<!tpu.dma_semaphore, #tpu.memory_space<semaphore_mem>>)
          %dma_start3A_747 = arith.constant 12032 : i32
          %dma_start3A_748 = tpu.memref_slice %arg14[%dma_start3A_747] : memref<16384xf32, #tpu.memory_space<vmem>> -> memref<128xf32, #tpu.memory_space<vmem>>
          %dma_start3A_749 = arith.constant 12032 : i32
          %dma_start3A_750 = tpu.memref_slice %arg12[%dma_start3A_749] : memref<16384xi32, #tpu.memory_space<vmem>> -> memref<128xi32, #tpu.memory_space<vmem>>
          %dma_start3A_751 = arith.constant 0 : i32
          %dma_start3A_752 = tpu.memref_slice %arg5[%dma_start3A_751] : memref<16777216xf32, #tpu.memory_space<hbm>> -> memref<16777216xf32, #tpu.memory_space<hbm>>
          tpu.enqueue_indirect_dma source(%dma_start3A_752 : memref<16777216xf32, #tpu.memory_space<hbm>>) target(%dma_start3A_748 : memref<128xf32, #tpu.memory_space<vmem>>) offsets(%dma_start3A_750 : memref<128xi32, #tpu.memory_space<vmem>>) semaphore(%arg21 : memref<!tpu.dma_semaphore, #tpu.memory_space<semaphore_mem>>)
          %dma_start3A_753 = arith.constant 12160 : i32
          %dma_start3A_754 = tpu.memref_slice %arg14[%dma_start3A_753] : memref<16384xf32, #tpu.memory_space<vmem>> -> memref<128xf32, #tpu.memory_space<vmem>>
          %dma_start3A_755 = arith.constant 12160 : i32
          %dma_start3A_756 = tpu.memref_slice %arg12[%dma_start3A_755] : memref<16384xi32, #tpu.memory_space<vmem>> -> memref<128xi32, #tpu.memory_space<vmem>>
          %dma_start3A_757 = arith.constant 0 : i32
          %dma_start3A_758 = tpu.memref_slice %arg5[%dma_start3A_757] : memref<16777216xf32, #tpu.memory_space<hbm>> -> memref<16777216xf32, #tpu.memory_space<hbm>>
          tpu.enqueue_indirect_dma source(%dma_start3A_758 : memref<16777216xf32, #tpu.memory_space<hbm>>) target(%dma_start3A_754 : memref<128xf32, #tpu.memory_space<vmem>>) offsets(%dma_start3A_756 : memref<128xi32, #tpu.memory_space<vmem>>) semaphore(%arg21 : memref<!tpu.dma_semaphore, #tpu.memory_space<semaphore_mem>>)
          %dma_start3A_759 = arith.constant 12288 : i32
          %dma_start3A_760 = tpu.memref_slice %arg14[%dma_start3A_759] : memref<16384xf32, #tpu.memory_space<vmem>> -> memref<128xf32, #tpu.memory_space<vmem>>
          %dma_start3A_761 = arith.constant 12288 : i32
          %dma_start3A_762 = tpu.memref_slice %arg12[%dma_start3A_761] : memref<16384xi32, #tpu.memory_space<vmem>> -> memref<128xi32, #tpu.memory_space<vmem>>
          %dma_start3A_763 = arith.constant 0 : i32
          %dma_start3A_764 = tpu.memref_slice %arg5[%dma_start3A_763] : memref<16777216xf32, #tpu.memory_space<hbm>> -> memref<16777216xf32, #tpu.memory_space<hbm>>
          tpu.enqueue_indirect_dma source(%dma_start3A_764 : memref<16777216xf32, #tpu.memory_space<hbm>>) target(%dma_start3A_760 : memref<128xf32, #tpu.memory_space<vmem>>) offsets(%dma_start3A_762 : memref<128xi32, #tpu.memory_space<vmem>>) semaphore(%arg21 : memref<!tpu.dma_semaphore, #tpu.memory_space<semaphore_mem>>)
          %dma_start3A_765 = arith.constant 12416 : i32
          %dma_start3A_766 = tpu.memref_slice %arg14[%dma_start3A_765] : memref<16384xf32, #tpu.memory_space<vmem>> -> memref<128xf32, #tpu.memory_space<vmem>>
          %dma_start3A_767 = arith.constant 12416 : i32
          %dma_start3A_768 = tpu.memref_slice %arg12[%dma_start3A_767] : memref<16384xi32, #tpu.memory_space<vmem>> -> memref<128xi32, #tpu.memory_space<vmem>>
          %dma_start3A_769 = arith.constant 0 : i32
          %dma_start3A_770 = tpu.memref_slice %arg5[%dma_start3A_769] : memref<16777216xf32, #tpu.memory_space<hbm>> -> memref<16777216xf32, #tpu.memory_space<hbm>>
          tpu.enqueue_indirect_dma source(%dma_start3A_770 : memref<16777216xf32, #tpu.memory_space<hbm>>) target(%dma_start3A_766 : memref<128xf32, #tpu.memory_space<vmem>>) offsets(%dma_start3A_768 : memref<128xi32, #tpu.memory_space<vmem>>) semaphore(%arg21 : memref<!tpu.dma_semaphore, #tpu.memory_space<semaphore_mem>>)
          %dma_start3A_771 = arith.constant 12544 : i32
          %dma_start3A_772 = tpu.memref_slice %arg14[%dma_start3A_771] : memref<16384xf32, #tpu.memory_space<vmem>> -> memref<128xf32, #tpu.memory_space<vmem>>
          %dma_start3A_773 = arith.constant 12544 : i32
          %dma_start3A_774 = tpu.memref_slice %arg12[%dma_start3A_773] : memref<16384xi32, #tpu.memory_space<vmem>> -> memref<128xi32, #tpu.memory_space<vmem>>
          %dma_start3A_775 = arith.constant 0 : i32
          %dma_start3A_776 = tpu.memref_slice %arg5[%dma_start3A_775] : memref<16777216xf32, #tpu.memory_space<hbm>> -> memref<16777216xf32, #tpu.memory_space<hbm>>
          tpu.enqueue_indirect_dma source(%dma_start3A_776 : memref<16777216xf32, #tpu.memory_space<hbm>>) target(%dma_start3A_772 : memref<128xf32, #tpu.memory_space<vmem>>) offsets(%dma_start3A_774 : memref<128xi32, #tpu.memory_space<vmem>>) semaphore(%arg21 : memref<!tpu.dma_semaphore, #tpu.memory_space<semaphore_mem>>)
          %dma_start3A_777 = arith.constant 12672 : i32
          %dma_start3A_778 = tpu.memref_slice %arg14[%dma_start3A_777] : memref<16384xf32, #tpu.memory_space<vmem>> -> memref<128xf32, #tpu.memory_space<vmem>>
          %dma_start3A_779 = arith.constant 12672 : i32
          %dma_start3A_780 = tpu.memref_slice %arg12[%dma_start3A_779] : memref<16384xi32, #tpu.memory_space<vmem>> -> memref<128xi32, #tpu.memory_space<vmem>>
          %dma_start3A_781 = arith.constant 0 : i32
          %dma_start3A_782 = tpu.memref_slice %arg5[%dma_start3A_781] : memref<16777216xf32, #tpu.memory_space<hbm>> -> memref<16777216xf32, #tpu.memory_space<hbm>>
          tpu.enqueue_indirect_dma source(%dma_start3A_782 : memref<16777216xf32, #tpu.memory_space<hbm>>) target(%dma_start3A_778 : memref<128xf32, #tpu.memory_space<vmem>>) offsets(%dma_start3A_780 : memref<128xi32, #tpu.memory_space<vmem>>) semaphore(%arg21 : memref<!tpu.dma_semaphore, #tpu.memory_space<semaphore_mem>>)
          %dma_start3A_783 = arith.constant 12800 : i32
          %dma_start3A_784 = tpu.memref_slice %arg14[%dma_start3A_783] : memref<16384xf32, #tpu.memory_space<vmem>> -> memref<128xf32, #tpu.memory_space<vmem>>
          %dma_start3A_785 = arith.constant 12800 : i32
          %dma_start3A_786 = tpu.memref_slice %arg12[%dma_start3A_785] : memref<16384xi32, #tpu.memory_space<vmem>> -> memref<128xi32, #tpu.memory_space<vmem>>
          %dma_start3A_787 = arith.constant 0 : i32
          %dma_start3A_788 = tpu.memref_slice %arg5[%dma_start3A_787] : memref<16777216xf32, #tpu.memory_space<hbm>> -> memref<16777216xf32, #tpu.memory_space<hbm>>
          tpu.enqueue_indirect_dma source(%dma_start3A_788 : memref<16777216xf32, #tpu.memory_space<hbm>>) target(%dma_start3A_784 : memref<128xf32, #tpu.memory_space<vmem>>) offsets(%dma_start3A_786 : memref<128xi32, #tpu.memory_space<vmem>>) semaphore(%arg21 : memref<!tpu.dma_semaphore, #tpu.memory_space<semaphore_mem>>)
          %dma_start3A_789 = arith.constant 12928 : i32
          %dma_start3A_790 = tpu.memref_slice %arg14[%dma_start3A_789] : memref<16384xf32, #tpu.memory_space<vmem>> -> memref<128xf32, #tpu.memory_space<vmem>>
          %dma_start3A_791 = arith.constant 12928 : i32
          %dma_start3A_792 = tpu.memref_slice %arg12[%dma_start3A_791] : memref<16384xi32, #tpu.memory_space<vmem>> -> memref<128xi32, #tpu.memory_space<vmem>>
          %dma_start3A_793 = arith.constant 0 : i32
          %dma_start3A_794 = tpu.memref_slice %arg5[%dma_start3A_793] : memref<16777216xf32, #tpu.memory_space<hbm>> -> memref<16777216xf32, #tpu.memory_space<hbm>>
          tpu.enqueue_indirect_dma source(%dma_start3A_794 : memref<16777216xf32, #tpu.memory_space<hbm>>) target(%dma_start3A_790 : memref<128xf32, #tpu.memory_space<vmem>>) offsets(%dma_start3A_792 : memref<128xi32, #tpu.memory_space<vmem>>) semaphore(%arg21 : memref<!tpu.dma_semaphore, #tpu.memory_space<semaphore_mem>>)
          %dma_start3A_795 = arith.constant 13056 : i32
          %dma_start3A_796 = tpu.memref_slice %arg14[%dma_start3A_795] : memref<16384xf32, #tpu.memory_space<vmem>> -> memref<128xf32, #tpu.memory_space<vmem>>
          %dma_start3A_797 = arith.constant 13056 : i32
          %dma_start3A_798 = tpu.memref_slice %arg12[%dma_start3A_797] : memref<16384xi32, #tpu.memory_space<vmem>> -> memref<128xi32, #tpu.memory_space<vmem>>
          %dma_start3A_799 = arith.constant 0 : i32
          %dma_start3A_800 = tpu.memref_slice %arg5[%dma_start3A_799] : memref<16777216xf32, #tpu.memory_space<hbm>> -> memref<16777216xf32, #tpu.memory_space<hbm>>
          tpu.enqueue_indirect_dma source(%dma_start3A_800 : memref<16777216xf32, #tpu.memory_space<hbm>>) target(%dma_start3A_796 : memref<128xf32, #tpu.memory_space<vmem>>) offsets(%dma_start3A_798 : memref<128xi32, #tpu.memory_space<vmem>>) semaphore(%arg21 : memref<!tpu.dma_semaphore, #tpu.memory_space<semaphore_mem>>)
          %dma_start3A_801 = arith.constant 13184 : i32
          %dma_start3A_802 = tpu.memref_slice %arg14[%dma_start3A_801] : memref<16384xf32, #tpu.memory_space<vmem>> -> memref<128xf32, #tpu.memory_space<vmem>>
          %dma_start3A_803 = arith.constant 13184 : i32
          %dma_start3A_804 = tpu.memref_slice %arg12[%dma_start3A_803] : memref<16384xi32, #tpu.memory_space<vmem>> -> memref<128xi32, #tpu.memory_space<vmem>>
          %dma_start3A_805 = arith.constant 0 : i32
          %dma_start3A_806 = tpu.memref_slice %arg5[%dma_start3A_805] : memref<16777216xf32, #tpu.memory_space<hbm>> -> memref<16777216xf32, #tpu.memory_space<hbm>>
          tpu.enqueue_indirect_dma source(%dma_start3A_806 : memref<16777216xf32, #tpu.memory_space<hbm>>) target(%dma_start3A_802 : memref<128xf32, #tpu.memory_space<vmem>>) offsets(%dma_start3A_804 : memref<128xi32, #tpu.memory_space<vmem>>) semaphore(%arg21 : memref<!tpu.dma_semaphore, #tpu.memory_space<semaphore_mem>>)
          %dma_start3A_807 = arith.constant 13312 : i32
          %dma_start3A_808 = tpu.memref_slice %arg14[%dma_start3A_807] : memref<16384xf32, #tpu.memory_space<vmem>> -> memref<128xf32, #tpu.memory_space<vmem>>
          %dma_start3A_809 = arith.constant 13312 : i32
          %dma_start3A_810 = tpu.memref_slice %arg12[%dma_start3A_809] : memref<16384xi32, #tpu.memory_space<vmem>> -> memref<128xi32, #tpu.memory_space<vmem>>
          %dma_start3A_811 = arith.constant 0 : i32
          %dma_start3A_812 = tpu.memref_slice %arg5[%dma_start3A_811] : memref<16777216xf32, #tpu.memory_space<hbm>> -> memref<16777216xf32, #tpu.memory_space<hbm>>
          tpu.enqueue_indirect_dma source(%dma_start3A_812 : memref<16777216xf32, #tpu.memory_space<hbm>>) target(%dma_start3A_808 : memref<128xf32, #tpu.memory_space<vmem>>) offsets(%dma_start3A_810 : memref<128xi32, #tpu.memory_space<vmem>>) semaphore(%arg21 : memref<!tpu.dma_semaphore, #tpu.memory_space<semaphore_mem>>)
          %dma_start3A_813 = arith.constant 13440 : i32
          %dma_start3A_814 = tpu.memref_slice %arg14[%dma_start3A_813] : memref<16384xf32, #tpu.memory_space<vmem>> -> memref<128xf32, #tpu.memory_space<vmem>>
          %dma_start3A_815 = arith.constant 13440 : i32
          %dma_start3A_816 = tpu.memref_slice %arg12[%dma_start3A_815] : memref<16384xi32, #tpu.memory_space<vmem>> -> memref<128xi32, #tpu.memory_space<vmem>>
          %dma_start3A_817 = arith.constant 0 : i32
          %dma_start3A_818 = tpu.memref_slice %arg5[%dma_start3A_817] : memref<16777216xf32, #tpu.memory_space<hbm>> -> memref<16777216xf32, #tpu.memory_space<hbm>>
          tpu.enqueue_indirect_dma source(%dma_start3A_818 : memref<16777216xf32, #tpu.memory_space<hbm>>) target(%dma_start3A_814 : memref<128xf32, #tpu.memory_space<vmem>>) offsets(%dma_start3A_816 : memref<128xi32, #tpu.memory_space<vmem>>) semaphore(%arg21 : memref<!tpu.dma_semaphore, #tpu.memory_space<semaphore_mem>>)
          %dma_start3A_819 = arith.constant 13568 : i32
          %dma_start3A_820 = tpu.memref_slice %arg14[%dma_start3A_819] : memref<16384xf32, #tpu.memory_space<vmem>> -> memref<128xf32, #tpu.memory_space<vmem>>
          %dma_start3A_821 = arith.constant 13568 : i32
          %dma_start3A_822 = tpu.memref_slice %arg12[%dma_start3A_821] : memref<16384xi32, #tpu.memory_space<vmem>> -> memref<128xi32, #tpu.memory_space<vmem>>
          %dma_start3A_823 = arith.constant 0 : i32
          %dma_start3A_824 = tpu.memref_slice %arg5[%dma_start3A_823] : memref<16777216xf32, #tpu.memory_space<hbm>> -> memref<16777216xf32, #tpu.memory_space<hbm>>
          tpu.enqueue_indirect_dma source(%dma_start3A_824 : memref<16777216xf32, #tpu.memory_space<hbm>>) target(%dma_start3A_820 : memref<128xf32, #tpu.memory_space<vmem>>) offsets(%dma_start3A_822 : memref<128xi32, #tpu.memory_space<vmem>>) semaphore(%arg21 : memref<!tpu.dma_semaphore, #tpu.memory_space<semaphore_mem>>)
          %dma_start3A_825 = arith.constant 13696 : i32
          %dma_start3A_826 = tpu.memref_slice %arg14[%dma_start3A_825] : memref<16384xf32, #tpu.memory_space<vmem>> -> memref<128xf32, #tpu.memory_space<vmem>>
          %dma_start3A_827 = arith.constant 13696 : i32
          %dma_start3A_828 = tpu.memref_slice %arg12[%dma_start3A_827] : memref<16384xi32, #tpu.memory_space<vmem>> -> memref<128xi32, #tpu.memory_space<vmem>>
          %dma_start3A_829 = arith.constant 0 : i32
          %dma_start3A_830 = tpu.memref_slice %arg5[%dma_start3A_829] : memref<16777216xf32, #tpu.memory_space<hbm>> -> memref<16777216xf32, #tpu.memory_space<hbm>>
          tpu.enqueue_indirect_dma source(%dma_start3A_830 : memref<16777216xf32, #tpu.memory_space<hbm>>) target(%dma_start3A_826 : memref<128xf32, #tpu.memory_space<vmem>>) offsets(%dma_start3A_828 : memref<128xi32, #tpu.memory_space<vmem>>) semaphore(%arg21 : memref<!tpu.dma_semaphore, #tpu.memory_space<semaphore_mem>>)
          %dma_start3A_831 = arith.constant 13824 : i32
          %dma_start3A_832 = tpu.memref_slice %arg14[%dma_start3A_831] : memref<16384xf32, #tpu.memory_space<vmem>> -> memref<128xf32, #tpu.memory_space<vmem>>
          %dma_start3A_833 = arith.constant 13824 : i32
          %dma_start3A_834 = tpu.memref_slice %arg12[%dma_start3A_833] : memref<16384xi32, #tpu.memory_space<vmem>> -> memref<128xi32, #tpu.memory_space<vmem>>
          %dma_start3A_835 = arith.constant 0 : i32
          %dma_start3A_836 = tpu.memref_slice %arg5[%dma_start3A_835] : memref<16777216xf32, #tpu.memory_space<hbm>> -> memref<16777216xf32, #tpu.memory_space<hbm>>
          tpu.enqueue_indirect_dma source(%dma_start3A_836 : memref<16777216xf32, #tpu.memory_space<hbm>>) target(%dma_start3A_832 : memref<128xf32, #tpu.memory_space<vmem>>) offsets(%dma_start3A_834 : memref<128xi32, #tpu.memory_space<vmem>>) semaphore(%arg21 : memref<!tpu.dma_semaphore, #tpu.memory_space<semaphore_mem>>)
          %dma_start3A_837 = arith.constant 13952 : i32
          %dma_start3A_838 = tpu.memref_slice %arg14[%dma_start3A_837] : memref<16384xf32, #tpu.memory_space<vmem>> -> memref<128xf32, #tpu.memory_space<vmem>>
          %dma_start3A_839 = arith.constant 13952 : i32
          %dma_start3A_840 = tpu.memref_slice %arg12[%dma_start3A_839] : memref<16384xi32, #tpu.memory_space<vmem>> -> memref<128xi32, #tpu.memory_space<vmem>>
          %dma_start3A_841 = arith.constant 0 : i32
          %dma_start3A_842 = tpu.memref_slice %arg5[%dma_start3A_841] : memref<16777216xf32, #tpu.memory_space<hbm>> -> memref<16777216xf32, #tpu.memory_space<hbm>>
          tpu.enqueue_indirect_dma source(%dma_start3A_842 : memref<16777216xf32, #tpu.memory_space<hbm>>) target(%dma_start3A_838 : memref<128xf32, #tpu.memory_space<vmem>>) offsets(%dma_start3A_840 : memref<128xi32, #tpu.memory_space<vmem>>) semaphore(%arg21 : memref<!tpu.dma_semaphore, #tpu.memory_space<semaphore_mem>>)
          %dma_start3A_843 = arith.constant 14080 : i32
          %dma_start3A_844 = tpu.memref_slice %arg14[%dma_start3A_843] : memref<16384xf32, #tpu.memory_space<vmem>> -> memref<128xf32, #tpu.memory_space<vmem>>
          %dma_start3A_845 = arith.constant 14080 : i32
          %dma_start3A_846 = tpu.memref_slice %arg12[%dma_start3A_845] : memref<16384xi32, #tpu.memory_space<vmem>> -> memref<128xi32, #tpu.memory_space<vmem>>
          %dma_start3A_847 = arith.constant 0 : i32
          %dma_start3A_848 = tpu.memref_slice %arg5[%dma_start3A_847] : memref<16777216xf32, #tpu.memory_space<hbm>> -> memref<16777216xf32, #tpu.memory_space<hbm>>
          tpu.enqueue_indirect_dma source(%dma_start3A_848 : memref<16777216xf32, #tpu.memory_space<hbm>>) target(%dma_start3A_844 : memref<128xf32, #tpu.memory_space<vmem>>) offsets(%dma_start3A_846 : memref<128xi32, #tpu.memory_space<vmem>>) semaphore(%arg21 : memref<!tpu.dma_semaphore, #tpu.memory_space<semaphore_mem>>)
          %dma_start3A_849 = arith.constant 14208 : i32
          %dma_start3A_850 = tpu.memref_slice %arg14[%dma_start3A_849] : memref<16384xf32, #tpu.memory_space<vmem>> -> memref<128xf32, #tpu.memory_space<vmem>>
          %dma_start3A_851 = arith.constant 14208 : i32
          %dma_start3A_852 = tpu.memref_slice %arg12[%dma_start3A_851] : memref<16384xi32, #tpu.memory_space<vmem>> -> memref<128xi32, #tpu.memory_space<vmem>>
          %dma_start3A_853 = arith.constant 0 : i32
          %dma_start3A_854 = tpu.memref_slice %arg5[%dma_start3A_853] : memref<16777216xf32, #tpu.memory_space<hbm>> -> memref<16777216xf32, #tpu.memory_space<hbm>>
          tpu.enqueue_indirect_dma source(%dma_start3A_854 : memref<16777216xf32, #tpu.memory_space<hbm>>) target(%dma_start3A_850 : memref<128xf32, #tpu.memory_space<vmem>>) offsets(%dma_start3A_852 : memref<128xi32, #tpu.memory_space<vmem>>) semaphore(%arg21 : memref<!tpu.dma_semaphore, #tpu.memory_space<semaphore_mem>>)
          %dma_start3A_855 = arith.constant 14336 : i32
          %dma_start3A_856 = tpu.memref_slice %arg14[%dma_start3A_855] : memref<16384xf32, #tpu.memory_space<vmem>> -> memref<128xf32, #tpu.memory_space<vmem>>
          %dma_start3A_857 = arith.constant 14336 : i32
          %dma_start3A_858 = tpu.memref_slice %arg12[%dma_start3A_857] : memref<16384xi32, #tpu.memory_space<vmem>> -> memref<128xi32, #tpu.memory_space<vmem>>
          %dma_start3A_859 = arith.constant 0 : i32
          %dma_start3A_860 = tpu.memref_slice %arg5[%dma_start3A_859] : memref<16777216xf32, #tpu.memory_space<hbm>> -> memref<16777216xf32, #tpu.memory_space<hbm>>
          tpu.enqueue_indirect_dma source(%dma_start3A_860 : memref<16777216xf32, #tpu.memory_space<hbm>>) target(%dma_start3A_856 : memref<128xf32, #tpu.memory_space<vmem>>) offsets(%dma_start3A_858 : memref<128xi32, #tpu.memory_space<vmem>>) semaphore(%arg21 : memref<!tpu.dma_semaphore, #tpu.memory_space<semaphore_mem>>)
          %dma_start3A_861 = arith.constant 14464 : i32
          %dma_start3A_862 = tpu.memref_slice %arg14[%dma_start3A_861] : memref<16384xf32, #tpu.memory_space<vmem>> -> memref<128xf32, #tpu.memory_space<vmem>>
          %dma_start3A_863 = arith.constant 14464 : i32
          %dma_start3A_864 = tpu.memref_slice %arg12[%dma_start3A_863] : memref<16384xi32, #tpu.memory_space<vmem>> -> memref<128xi32, #tpu.memory_space<vmem>>
          %dma_start3A_865 = arith.constant 0 : i32
          %dma_start3A_866 = tpu.memref_slice %arg5[%dma_start3A_865] : memref<16777216xf32, #tpu.memory_space<hbm>> -> memref<16777216xf32, #tpu.memory_space<hbm>>
          tpu.enqueue_indirect_dma source(%dma_start3A_866 : memref<16777216xf32, #tpu.memory_space<hbm>>) target(%dma_start3A_862 : memref<128xf32, #tpu.memory_space<vmem>>) offsets(%dma_start3A_864 : memref<128xi32, #tpu.memory_space<vmem>>) semaphore(%arg21 : memref<!tpu.dma_semaphore, #tpu.memory_space<semaphore_mem>>)
          %dma_start3A_867 = arith.constant 14592 : i32
          %dma_start3A_868 = tpu.memref_slice %arg14[%dma_start3A_867] : memref<16384xf32, #tpu.memory_space<vmem>> -> memref<128xf32, #tpu.memory_space<vmem>>
          %dma_start3A_869 = arith.constant 14592 : i32
          %dma_start3A_870 = tpu.memref_slice %arg12[%dma_start3A_869] : memref<16384xi32, #tpu.memory_space<vmem>> -> memref<128xi32, #tpu.memory_space<vmem>>
          %dma_start3A_871 = arith.constant 0 : i32
          %dma_start3A_872 = tpu.memref_slice %arg5[%dma_start3A_871] : memref<16777216xf32, #tpu.memory_space<hbm>> -> memref<16777216xf32, #tpu.memory_space<hbm>>
          tpu.enqueue_indirect_dma source(%dma_start3A_872 : memref<16777216xf32, #tpu.memory_space<hbm>>) target(%dma_start3A_868 : memref<128xf32, #tpu.memory_space<vmem>>) offsets(%dma_start3A_870 : memref<128xi32, #tpu.memory_space<vmem>>) semaphore(%arg21 : memref<!tpu.dma_semaphore, #tpu.memory_space<semaphore_mem>>)
          %dma_start3A_873 = arith.constant 14720 : i32
          %dma_start3A_874 = tpu.memref_slice %arg14[%dma_start3A_873] : memref<16384xf32, #tpu.memory_space<vmem>> -> memref<128xf32, #tpu.memory_space<vmem>>
          %dma_start3A_875 = arith.constant 14720 : i32
          %dma_start3A_876 = tpu.memref_slice %arg12[%dma_start3A_875] : memref<16384xi32, #tpu.memory_space<vmem>> -> memref<128xi32, #tpu.memory_space<vmem>>
          %dma_start3A_877 = arith.constant 0 : i32
          %dma_start3A_878 = tpu.memref_slice %arg5[%dma_start3A_877] : memref<16777216xf32, #tpu.memory_space<hbm>> -> memref<16777216xf32, #tpu.memory_space<hbm>>
          tpu.enqueue_indirect_dma source(%dma_start3A_878 : memref<16777216xf32, #tpu.memory_space<hbm>>) target(%dma_start3A_874 : memref<128xf32, #tpu.memory_space<vmem>>) offsets(%dma_start3A_876 : memref<128xi32, #tpu.memory_space<vmem>>) semaphore(%arg21 : memref<!tpu.dma_semaphore, #tpu.memory_space<semaphore_mem>>)
          %dma_start3A_879 = arith.constant 14848 : i32
          %dma_start3A_880 = tpu.memref_slice %arg14[%dma_start3A_879] : memref<16384xf32, #tpu.memory_space<vmem>> -> memref<128xf32, #tpu.memory_space<vmem>>
          %dma_start3A_881 = arith.constant 14848 : i32
          %dma_start3A_882 = tpu.memref_slice %arg12[%dma_start3A_881] : memref<16384xi32, #tpu.memory_space<vmem>> -> memref<128xi32, #tpu.memory_space<vmem>>
          %dma_start3A_883 = arith.constant 0 : i32
          %dma_start3A_884 = tpu.memref_slice %arg5[%dma_start3A_883] : memref<16777216xf32, #tpu.memory_space<hbm>> -> memref<16777216xf32, #tpu.memory_space<hbm>>
          tpu.enqueue_indirect_dma source(%dma_start3A_884 : memref<16777216xf32, #tpu.memory_space<hbm>>) target(%dma_start3A_880 : memref<128xf32, #tpu.memory_space<vmem>>) offsets(%dma_start3A_882 : memref<128xi32, #tpu.memory_space<vmem>>) semaphore(%arg21 : memref<!tpu.dma_semaphore, #tpu.memory_space<semaphore_mem>>)
          %dma_start3A_885 = arith.constant 14976 : i32
          %dma_start3A_886 = tpu.memref_slice %arg14[%dma_start3A_885] : memref<16384xf32, #tpu.memory_space<vmem>> -> memref<128xf32, #tpu.memory_space<vmem>>
          %dma_start3A_887 = arith.constant 14976 : i32
          %dma_start3A_888 = tpu.memref_slice %arg12[%dma_start3A_887] : memref<16384xi32, #tpu.memory_space<vmem>> -> memref<128xi32, #tpu.memory_space<vmem>>
          %dma_start3A_889 = arith.constant 0 : i32
          %dma_start3A_890 = tpu.memref_slice %arg5[%dma_start3A_889] : memref<16777216xf32, #tpu.memory_space<hbm>> -> memref<16777216xf32, #tpu.memory_space<hbm>>
          tpu.enqueue_indirect_dma source(%dma_start3A_890 : memref<16777216xf32, #tpu.memory_space<hbm>>) target(%dma_start3A_886 : memref<128xf32, #tpu.memory_space<vmem>>) offsets(%dma_start3A_888 : memref<128xi32, #tpu.memory_space<vmem>>) semaphore(%arg21 : memref<!tpu.dma_semaphore, #tpu.memory_space<semaphore_mem>>)
          %dma_start3A_891 = arith.constant 15104 : i32
          %dma_start3A_892 = tpu.memref_slice %arg14[%dma_start3A_891] : memref<16384xf32, #tpu.memory_space<vmem>> -> memref<128xf32, #tpu.memory_space<vmem>>
          %dma_start3A_893 = arith.constant 15104 : i32
          %dma_start3A_894 = tpu.memref_slice %arg12[%dma_start3A_893] : memref<16384xi32, #tpu.memory_space<vmem>> -> memref<128xi32, #tpu.memory_space<vmem>>
          %dma_start3A_895 = arith.constant 0 : i32
          %dma_start3A_896 = tpu.memref_slice %arg5[%dma_start3A_895] : memref<16777216xf32, #tpu.memory_space<hbm>> -> memref<16777216xf32, #tpu.memory_space<hbm>>
          tpu.enqueue_indirect_dma source(%dma_start3A_896 : memref<16777216xf32, #tpu.memory_space<hbm>>) target(%dma_start3A_892 : memref<128xf32, #tpu.memory_space<vmem>>) offsets(%dma_start3A_894 : memref<128xi32, #tpu.memory_space<vmem>>) semaphore(%arg21 : memref<!tpu.dma_semaphore, #tpu.memory_space<semaphore_mem>>)
          %dma_start3A_897 = arith.constant 15232 : i32
          %dma_start3A_898 = tpu.memref_slice %arg14[%dma_start3A_897] : memref<16384xf32, #tpu.memory_space<vmem>> -> memref<128xf32, #tpu.memory_space<vmem>>
          %dma_start3A_899 = arith.constant 15232 : i32
          %dma_start3A_900 = tpu.memref_slice %arg12[%dma_start3A_899] : memref<16384xi32, #tpu.memory_space<vmem>> -> memref<128xi32, #tpu.memory_space<vmem>>
          %dma_start3A_901 = arith.constant 0 : i32
          %dma_start3A_902 = tpu.memref_slice %arg5[%dma_start3A_901] : memref<16777216xf32, #tpu.memory_space<hbm>> -> memref<16777216xf32, #tpu.memory_space<hbm>>
          tpu.enqueue_indirect_dma source(%dma_start3A_902 : memref<16777216xf32, #tpu.memory_space<hbm>>) target(%dma_start3A_898 : memref<128xf32, #tpu.memory_space<vmem>>) offsets(%dma_start3A_900 : memref<128xi32, #tpu.memory_space<vmem>>) semaphore(%arg21 : memref<!tpu.dma_semaphore, #tpu.memory_space<semaphore_mem>>)
          %dma_start3A_903 = arith.constant 15360 : i32
          %dma_start3A_904 = tpu.memref_slice %arg14[%dma_start3A_903] : memref<16384xf32, #tpu.memory_space<vmem>> -> memref<128xf32, #tpu.memory_space<vmem>>
          %dma_start3A_905 = arith.constant 15360 : i32
          %dma_start3A_906 = tpu.memref_slice %arg12[%dma_start3A_905] : memref<16384xi32, #tpu.memory_space<vmem>> -> memref<128xi32, #tpu.memory_space<vmem>>
          %dma_start3A_907 = arith.constant 0 : i32
          %dma_start3A_908 = tpu.memref_slice %arg5[%dma_start3A_907] : memref<16777216xf32, #tpu.memory_space<hbm>> -> memref<16777216xf32, #tpu.memory_space<hbm>>
          tpu.enqueue_indirect_dma source(%dma_start3A_908 : memref<16777216xf32, #tpu.memory_space<hbm>>) target(%dma_start3A_904 : memref<128xf32, #tpu.memory_space<vmem>>) offsets(%dma_start3A_906 : memref<128xi32, #tpu.memory_space<vmem>>) semaphore(%arg21 : memref<!tpu.dma_semaphore, #tpu.memory_space<semaphore_mem>>)
          %dma_start3A_909 = arith.constant 15488 : i32
          %dma_start3A_910 = tpu.memref_slice %arg14[%dma_start3A_909] : memref<16384xf32, #tpu.memory_space<vmem>> -> memref<128xf32, #tpu.memory_space<vmem>>
          %dma_start3A_911 = arith.constant 15488 : i32
          %dma_start3A_912 = tpu.memref_slice %arg12[%dma_start3A_911] : memref<16384xi32, #tpu.memory_space<vmem>> -> memref<128xi32, #tpu.memory_space<vmem>>
          %dma_start3A_913 = arith.constant 0 : i32
          %dma_start3A_914 = tpu.memref_slice %arg5[%dma_start3A_913] : memref<16777216xf32, #tpu.memory_space<hbm>> -> memref<16777216xf32, #tpu.memory_space<hbm>>
          tpu.enqueue_indirect_dma source(%dma_start3A_914 : memref<16777216xf32, #tpu.memory_space<hbm>>) target(%dma_start3A_910 : memref<128xf32, #tpu.memory_space<vmem>>) offsets(%dma_start3A_912 : memref<128xi32, #tpu.memory_space<vmem>>) semaphore(%arg21 : memref<!tpu.dma_semaphore, #tpu.memory_space<semaphore_mem>>)
          %dma_start3A_915 = arith.constant 15616 : i32
          %dma_start3A_916 = tpu.memref_slice %arg14[%dma_start3A_915] : memref<16384xf32, #tpu.memory_space<vmem>> -> memref<128xf32, #tpu.memory_space<vmem>>
          %dma_start3A_917 = arith.constant 15616 : i32
          %dma_start3A_918 = tpu.memref_slice %arg12[%dma_start3A_917] : memref<16384xi32, #tpu.memory_space<vmem>> -> memref<128xi32, #tpu.memory_space<vmem>>
          %dma_start3A_919 = arith.constant 0 : i32
          %dma_start3A_920 = tpu.memref_slice %arg5[%dma_start3A_919] : memref<16777216xf32, #tpu.memory_space<hbm>> -> memref<16777216xf32, #tpu.memory_space<hbm>>
          tpu.enqueue_indirect_dma source(%dma_start3A_920 : memref<16777216xf32, #tpu.memory_space<hbm>>) target(%dma_start3A_916 : memref<128xf32, #tpu.memory_space<vmem>>) offsets(%dma_start3A_918 : memref<128xi32, #tpu.memory_space<vmem>>) semaphore(%arg21 : memref<!tpu.dma_semaphore, #tpu.memory_space<semaphore_mem>>)
          %dma_start3A_921 = arith.constant 15744 : i32
          %dma_start3A_922 = tpu.memref_slice %arg14[%dma_start3A_921] : memref<16384xf32, #tpu.memory_space<vmem>> -> memref<128xf32, #tpu.memory_space<vmem>>
          %dma_start3A_923 = arith.constant 15744 : i32
          %dma_start3A_924 = tpu.memref_slice %arg12[%dma_start3A_923] : memref<16384xi32, #tpu.memory_space<vmem>> -> memref<128xi32, #tpu.memory_space<vmem>>
          %dma_start3A_925 = arith.constant 0 : i32
          %dma_start3A_926 = tpu.memref_slice %arg5[%dma_start3A_925] : memref<16777216xf32, #tpu.memory_space<hbm>> -> memref<16777216xf32, #tpu.memory_space<hbm>>
          tpu.enqueue_indirect_dma source(%dma_start3A_926 : memref<16777216xf32, #tpu.memory_space<hbm>>) target(%dma_start3A_922 : memref<128xf32, #tpu.memory_space<vmem>>) offsets(%dma_start3A_924 : memref<128xi32, #tpu.memory_space<vmem>>) semaphore(%arg21 : memref<!tpu.dma_semaphore, #tpu.memory_space<semaphore_mem>>)
          %dma_start3A_927 = arith.constant 15872 : i32
          %dma_start3A_928 = tpu.memref_slice %arg14[%dma_start3A_927] : memref<16384xf32, #tpu.memory_space<vmem>> -> memref<128xf32, #tpu.memory_space<vmem>>
          %dma_start3A_929 = arith.constant 15872 : i32
          %dma_start3A_930 = tpu.memref_slice %arg12[%dma_start3A_929] : memref<16384xi32, #tpu.memory_space<vmem>> -> memref<128xi32, #tpu.memory_space<vmem>>
          %dma_start3A_931 = arith.constant 0 : i32
          %dma_start3A_932 = tpu.memref_slice %arg5[%dma_start3A_931] : memref<16777216xf32, #tpu.memory_space<hbm>> -> memref<16777216xf32, #tpu.memory_space<hbm>>
          tpu.enqueue_indirect_dma source(%dma_start3A_932 : memref<16777216xf32, #tpu.memory_space<hbm>>) target(%dma_start3A_928 : memref<128xf32, #tpu.memory_space<vmem>>) offsets(%dma_start3A_930 : memref<128xi32, #tpu.memory_space<vmem>>) semaphore(%arg21 : memref<!tpu.dma_semaphore, #tpu.memory_space<semaphore_mem>>)
          %dma_start3A_933 = arith.constant 16000 : i32
          %dma_start3A_934 = tpu.memref_slice %arg14[%dma_start3A_933] : memref<16384xf32, #tpu.memory_space<vmem>> -> memref<128xf32, #tpu.memory_space<vmem>>
          %dma_start3A_935 = arith.constant 16000 : i32
          %dma_start3A_936 = tpu.memref_slice %arg12[%dma_start3A_935] : memref<16384xi32, #tpu.memory_space<vmem>> -> memref<128xi32, #tpu.memory_space<vmem>>
          %dma_start3A_937 = arith.constant 0 : i32
          %dma_start3A_938 = tpu.memref_slice %arg5[%dma_start3A_937] : memref<16777216xf32, #tpu.memory_space<hbm>> -> memref<16777216xf32, #tpu.memory_space<hbm>>
          tpu.enqueue_indirect_dma source(%dma_start3A_938 : memref<16777216xf32, #tpu.memory_space<hbm>>) target(%dma_start3A_934 : memref<128xf32, #tpu.memory_space<vmem>>) offsets(%dma_start3A_936 : memref<128xi32, #tpu.memory_space<vmem>>) semaphore(%arg21 : memref<!tpu.dma_semaphore, #tpu.memory_space<semaphore_mem>>)
          %dma_start3A_939 = arith.constant 16128 : i32
          %dma_start3A_940 = tpu.memref_slice %arg14[%dma_start3A_939] : memref<16384xf32, #tpu.memory_space<vmem>> -> memref<128xf32, #tpu.memory_space<vmem>>
          %dma_start3A_941 = arith.constant 16128 : i32
          %dma_start3A_942 = tpu.memref_slice %arg12[%dma_start3A_941] : memref<16384xi32, #tpu.memory_space<vmem>> -> memref<128xi32, #tpu.memory_space<vmem>>
          %dma_start3A_943 = arith.constant 0 : i32
          %dma_start3A_944 = tpu.memref_slice %arg5[%dma_start3A_943] : memref<16777216xf32, #tpu.memory_space<hbm>> -> memref<16777216xf32, #tpu.memory_space<hbm>>
          tpu.enqueue_indirect_dma source(%dma_start3A_944 : memref<16777216xf32, #tpu.memory_space<hbm>>) target(%dma_start3A_940 : memref<128xf32, #tpu.memory_space<vmem>>) offsets(%dma_start3A_942 : memref<128xi32, #tpu.memory_space<vmem>>) semaphore(%arg21 : memref<!tpu.dma_semaphore, #tpu.memory_space<semaphore_mem>>)
          %dma_start3A_945 = arith.constant 16256 : i32
          %dma_start3A_946 = tpu.memref_slice %arg14[%dma_start3A_945] : memref<16384xf32, #tpu.memory_space<vmem>> -> memref<128xf32, #tpu.memory_space<vmem>>
          %dma_start3A_947 = arith.constant 16256 : i32
          %dma_start3A_948 = tpu.memref_slice %arg12[%dma_start3A_947] : memref<16384xi32, #tpu.memory_space<vmem>> -> memref<128xi32, #tpu.memory_space<vmem>>
          %dma_start3A_949 = arith.constant 0 : i32
          %dma_start3A_950 = tpu.memref_slice %arg5[%dma_start3A_949] : memref<16777216xf32, #tpu.memory_space<hbm>> -> memref<16777216xf32, #tpu.memory_space<hbm>>
          tpu.enqueue_indirect_dma source(%dma_start3A_950 : memref<16777216xf32, #tpu.memory_space<hbm>>) target(%dma_start3A_946 : memref<128xf32, #tpu.memory_space<vmem>>) offsets(%dma_start3A_948 : memref<128xi32, #tpu.memory_space<vmem>>) semaphore(%arg21 : memref<!tpu.dma_semaphore, #tpu.memory_space<semaphore_mem>>)
          %dma_wait3A_951 = arith.constant 0 : i32
          %dma_wait3A_952 = tpu.memref_slice %arg14[%dma_wait3A_951] : memref<16384xf32, #tpu.memory_space<vmem>> -> memref<128xf32, #tpu.memory_space<vmem>>
          %dma_wait3A_953 = arith.constant 0 : i32
          %dma_wait3A_954 = tpu.memref_slice %arg12[%dma_wait3A_953] : memref<16384xi32, #tpu.memory_space<vmem>> -> memref<128xi32, #tpu.memory_space<vmem>>
          %dma_wait3A_955 = arith.constant 0 : i32
          %dma_wait3A_956 = tpu.memref_slice %arg5[%dma_wait3A_955] : memref<16777216xf32, #tpu.memory_space<hbm>> -> memref<16777216xf32, #tpu.memory_space<hbm>>
          tpu.wait_indirect_dma semaphore(%arg21 : memref<!tpu.dma_semaphore, #tpu.memory_space<semaphore_mem>>) src(%dma_wait3A_956 : memref<16777216xf32, #tpu.memory_space<hbm>>) dst(%dma_wait3A_952 : memref<128xf32, #tpu.memory_space<vmem>>)
          %dma_wait3A_957 = arith.constant 128 : i32
          %dma_wait3A_958 = tpu.memref_slice %arg14[%dma_wait3A_957] : memref<16384xf32, #tpu.memory_space<vmem>> -> memref<128xf32, #tpu.memory_space<vmem>>
          %dma_wait3A_959 = arith.constant 128 : i32
          %dma_wait3A_960 = tpu.memref_slice %arg12[%dma_wait3A_959] : memref<16384xi32, #tpu.memory_space<vmem>> -> memref<128xi32, #tpu.memory_space<vmem>>
          %dma_wait3A_961 = arith.constant 0 : i32
          %dma_wait3A_962 = tpu.memref_slice %arg5[%dma_wait3A_961] : memref<16777216xf32, #tpu.memory_space<hbm>> -> memref<16777216xf32, #tpu.memory_space<hbm>>
          tpu.wait_indirect_dma semaphore(%arg21 : memref<!tpu.dma_semaphore, #tpu.memory_space<semaphore_mem>>) src(%dma_wait3A_962 : memref<16777216xf32, #tpu.memory_space<hbm>>) dst(%dma_wait3A_958 : memref<128xf32, #tpu.memory_space<vmem>>)
          %dma_wait3A_963 = arith.constant 256 : i32
          %dma_wait3A_964 = tpu.memref_slice %arg14[%dma_wait3A_963] : memref<16384xf32, #tpu.memory_space<vmem>> -> memref<128xf32, #tpu.memory_space<vmem>>
          %dma_wait3A_965 = arith.constant 256 : i32
          %dma_wait3A_966 = tpu.memref_slice %arg12[%dma_wait3A_965] : memref<16384xi32, #tpu.memory_space<vmem>> -> memref<128xi32, #tpu.memory_space<vmem>>
          %dma_wait3A_967 = arith.constant 0 : i32
          %dma_wait3A_968 = tpu.memref_slice %arg5[%dma_wait3A_967] : memref<16777216xf32, #tpu.memory_space<hbm>> -> memref<16777216xf32, #tpu.memory_space<hbm>>
          tpu.wait_indirect_dma semaphore(%arg21 : memref<!tpu.dma_semaphore, #tpu.memory_space<semaphore_mem>>) src(%dma_wait3A_968 : memref<16777216xf32, #tpu.memory_space<hbm>>) dst(%dma_wait3A_964 : memref<128xf32, #tpu.memory_space<vmem>>)
          %dma_wait3A_969 = arith.constant 384 : i32
          %dma_wait3A_970 = tpu.memref_slice %arg14[%dma_wait3A_969] : memref<16384xf32, #tpu.memory_space<vmem>> -> memref<128xf32, #tpu.memory_space<vmem>>
          %dma_wait3A_971 = arith.constant 384 : i32
          %dma_wait3A_972 = tpu.memref_slice %arg12[%dma_wait3A_971] : memref<16384xi32, #tpu.memory_space<vmem>> -> memref<128xi32, #tpu.memory_space<vmem>>
          %dma_wait3A_973 = arith.constant 0 : i32
          %dma_wait3A_974 = tpu.memref_slice %arg5[%dma_wait3A_973] : memref<16777216xf32, #tpu.memory_space<hbm>> -> memref<16777216xf32, #tpu.memory_space<hbm>>
          tpu.wait_indirect_dma semaphore(%arg21 : memref<!tpu.dma_semaphore, #tpu.memory_space<semaphore_mem>>) src(%dma_wait3A_974 : memref<16777216xf32, #tpu.memory_space<hbm>>) dst(%dma_wait3A_970 : memref<128xf32, #tpu.memory_space<vmem>>)
          %dma_wait3A_975 = arith.constant 512 : i32
          %dma_wait3A_976 = tpu.memref_slice %arg14[%dma_wait3A_975] : memref<16384xf32, #tpu.memory_space<vmem>> -> memref<128xf32, #tpu.memory_space<vmem>>
          %dma_wait3A_977 = arith.constant 512 : i32
          %dma_wait3A_978 = tpu.memref_slice %arg12[%dma_wait3A_977] : memref<16384xi32, #tpu.memory_space<vmem>> -> memref<128xi32, #tpu.memory_space<vmem>>
          %dma_wait3A_979 = arith.constant 0 : i32
          %dma_wait3A_980 = tpu.memref_slice %arg5[%dma_wait3A_979] : memref<16777216xf32, #tpu.memory_space<hbm>> -> memref<16777216xf32, #tpu.memory_space<hbm>>
          tpu.wait_indirect_dma semaphore(%arg21 : memref<!tpu.dma_semaphore, #tpu.memory_space<semaphore_mem>>) src(%dma_wait3A_980 : memref<16777216xf32, #tpu.memory_space<hbm>>) dst(%dma_wait3A_976 : memref<128xf32, #tpu.memory_space<vmem>>)
          %dma_wait3A_981 = arith.constant 640 : i32
          %dma_wait3A_982 = tpu.memref_slice %arg14[%dma_wait3A_981] : memref<16384xf32, #tpu.memory_space<vmem>> -> memref<128xf32, #tpu.memory_space<vmem>>
          %dma_wait3A_983 = arith.constant 640 : i32
          %dma_wait3A_984 = tpu.memref_slice %arg12[%dma_wait3A_983] : memref<16384xi32, #tpu.memory_space<vmem>> -> memref<128xi32, #tpu.memory_space<vmem>>
          %dma_wait3A_985 = arith.constant 0 : i32
          %dma_wait3A_986 = tpu.memref_slice %arg5[%dma_wait3A_985] : memref<16777216xf32, #tpu.memory_space<hbm>> -> memref<16777216xf32, #tpu.memory_space<hbm>>
          tpu.wait_indirect_dma semaphore(%arg21 : memref<!tpu.dma_semaphore, #tpu.memory_space<semaphore_mem>>) src(%dma_wait3A_986 : memref<16777216xf32, #tpu.memory_space<hbm>>) dst(%dma_wait3A_982 : memref<128xf32, #tpu.memory_space<vmem>>)
          %dma_wait3A_987 = arith.constant 768 : i32
          %dma_wait3A_988 = tpu.memref_slice %arg14[%dma_wait3A_987] : memref<16384xf32, #tpu.memory_space<vmem>> -> memref<128xf32, #tpu.memory_space<vmem>>
          %dma_wait3A_989 = arith.constant 768 : i32
          %dma_wait3A_990 = tpu.memref_slice %arg12[%dma_wait3A_989] : memref<16384xi32, #tpu.memory_space<vmem>> -> memref<128xi32, #tpu.memory_space<vmem>>
          %dma_wait3A_991 = arith.constant 0 : i32
          %dma_wait3A_992 = tpu.memref_slice %arg5[%dma_wait3A_991] : memref<16777216xf32, #tpu.memory_space<hbm>> -> memref<16777216xf32, #tpu.memory_space<hbm>>
          tpu.wait_indirect_dma semaphore(%arg21 : memref<!tpu.dma_semaphore, #tpu.memory_space<semaphore_mem>>) src(%dma_wait3A_992 : memref<16777216xf32, #tpu.memory_space<hbm>>) dst(%dma_wait3A_988 : memref<128xf32, #tpu.memory_space<vmem>>)
          %dma_wait3A_993 = arith.constant 896 : i32
          %dma_wait3A_994 = tpu.memref_slice %arg14[%dma_wait3A_993] : memref<16384xf32, #tpu.memory_space<vmem>> -> memref<128xf32, #tpu.memory_space<vmem>>
          %dma_wait3A_995 = arith.constant 896 : i32
          %dma_wait3A_996 = tpu.memref_slice %arg12[%dma_wait3A_995] : memref<16384xi32, #tpu.memory_space<vmem>> -> memref<128xi32, #tpu.memory_space<vmem>>
          %dma_wait3A_997 = arith.constant 0 : i32
          %dma_wait3A_998 = tpu.memref_slice %arg5[%dma_wait3A_997] : memref<16777216xf32, #tpu.memory_space<hbm>> -> memref<16777216xf32, #tpu.memory_space<hbm>>
          tpu.wait_indirect_dma semaphore(%arg21 : memref<!tpu.dma_semaphore, #tpu.memory_space<semaphore_mem>>) src(%dma_wait3A_998 : memref<16777216xf32, #tpu.memory_space<hbm>>) dst(%dma_wait3A_994 : memref<128xf32, #tpu.memory_space<vmem>>)
          %dma_wait3A_999 = arith.constant 1024 : i32
          %dma_wait3A_1000 = tpu.memref_slice %arg14[%dma_wait3A_999] : memref<16384xf32, #tpu.memory_space<vmem>> -> memref<128xf32, #tpu.memory_space<vmem>>
          %dma_wait3A_1001 = arith.constant 1024 : i32
          %dma_wait3A_1002 = tpu.memref_slice %arg12[%dma_wait3A_1001] : memref<16384xi32, #tpu.memory_space<vmem>> -> memref<128xi32, #tpu.memory_space<vmem>>
          %dma_wait3A_1003 = arith.constant 0 : i32
          %dma_wait3A_1004 = tpu.memref_slice %arg5[%dma_wait3A_1003] : memref<16777216xf32, #tpu.memory_space<hbm>> -> memref<16777216xf32, #tpu.memory_space<hbm>>
          tpu.wait_indirect_dma semaphore(%arg21 : memref<!tpu.dma_semaphore, #tpu.memory_space<semaphore_mem>>) src(%dma_wait3A_1004 : memref<16777216xf32, #tpu.memory_space<hbm>>) dst(%dma_wait3A_1000 : memref<128xf32, #tpu.memory_space<vmem>>)
          %dma_wait3A_1005 = arith.constant 1152 : i32
          %dma_wait3A_1006 = tpu.memref_slice %arg14[%dma_wait3A_1005] : memref<16384xf32, #tpu.memory_space<vmem>> -> memref<128xf32, #tpu.memory_space<vmem>>
          %dma_wait3A_1007 = arith.constant 1152 : i32
          %dma_wait3A_1008 = tpu.memref_slice %arg12[%dma_wait3A_1007] : memref<16384xi32, #tpu.memory_space<vmem>> -> memref<128xi32, #tpu.memory_space<vmem>>
          %dma_wait3A_1009 = arith.constant 0 : i32
          %dma_wait3A_1010 = tpu.memref_slice %arg5[%dma_wait3A_1009] : memref<16777216xf32, #tpu.memory_space<hbm>> -> memref<16777216xf32, #tpu.memory_space<hbm>>
          tpu.wait_indirect_dma semaphore(%arg21 : memref<!tpu.dma_semaphore, #tpu.memory_space<semaphore_mem>>) src(%dma_wait3A_1010 : memref<16777216xf32, #tpu.memory_space<hbm>>) dst(%dma_wait3A_1006 : memref<128xf32, #tpu.memory_space<vmem>>)
          %dma_wait3A_1011 = arith.constant 1280 : i32
          %dma_wait3A_1012 = tpu.memref_slice %arg14[%dma_wait3A_1011] : memref<16384xf32, #tpu.memory_space<vmem>> -> memref<128xf32, #tpu.memory_space<vmem>>
          %dma_wait3A_1013 = arith.constant 1280 : i32
          %dma_wait3A_1014 = tpu.memref_slice %arg12[%dma_wait3A_1013] : memref<16384xi32, #tpu.memory_space<vmem>> -> memref<128xi32, #tpu.memory_space<vmem>>
          %dma_wait3A_1015 = arith.constant 0 : i32
          %dma_wait3A_1016 = tpu.memref_slice %arg5[%dma_wait3A_1015] : memref<16777216xf32, #tpu.memory_space<hbm>> -> memref<16777216xf32, #tpu.memory_space<hbm>>
          tpu.wait_indirect_dma semaphore(%arg21 : memref<!tpu.dma_semaphore, #tpu.memory_space<semaphore_mem>>) src(%dma_wait3A_1016 : memref<16777216xf32, #tpu.memory_space<hbm>>) dst(%dma_wait3A_1012 : memref<128xf32, #tpu.memory_space<vmem>>)
          %dma_wait3A_1017 = arith.constant 1408 : i32
          %dma_wait3A_1018 = tpu.memref_slice %arg14[%dma_wait3A_1017] : memref<16384xf32, #tpu.memory_space<vmem>> -> memref<128xf32, #tpu.memory_space<vmem>>
          %dma_wait3A_1019 = arith.constant 1408 : i32
          %dma_wait3A_1020 = tpu.memref_slice %arg12[%dma_wait3A_1019] : memref<16384xi32, #tpu.memory_space<vmem>> -> memref<128xi32, #tpu.memory_space<vmem>>
          %dma_wait3A_1021 = arith.constant 0 : i32
          %dma_wait3A_1022 = tpu.memref_slice %arg5[%dma_wait3A_1021] : memref<16777216xf32, #tpu.memory_space<hbm>> -> memref<16777216xf32, #tpu.memory_space<hbm>>
          tpu.wait_indirect_dma semaphore(%arg21 : memref<!tpu.dma_semaphore, #tpu.memory_space<semaphore_mem>>) src(%dma_wait3A_1022 : memref<16777216xf32, #tpu.memory_space<hbm>>) dst(%dma_wait3A_1018 : memref<128xf32, #tpu.memory_space<vmem>>)
          %dma_wait3A_1023 = arith.constant 1536 : i32
          %dma_wait3A_1024 = tpu.memref_slice %arg14[%dma_wait3A_1023] : memref<16384xf32, #tpu.memory_space<vmem>> -> memref<128xf32, #tpu.memory_space<vmem>>
          %dma_wait3A_1025 = arith.constant 1536 : i32
          %dma_wait3A_1026 = tpu.memref_slice %arg12[%dma_wait3A_1025] : memref<16384xi32, #tpu.memory_space<vmem>> -> memref<128xi32, #tpu.memory_space<vmem>>
          %dma_wait3A_1027 = arith.constant 0 : i32
          %dma_wait3A_1028 = tpu.memref_slice %arg5[%dma_wait3A_1027] : memref<16777216xf32, #tpu.memory_space<hbm>> -> memref<16777216xf32, #tpu.memory_space<hbm>>
          tpu.wait_indirect_dma semaphore(%arg21 : memref<!tpu.dma_semaphore, #tpu.memory_space<semaphore_mem>>) src(%dma_wait3A_1028 : memref<16777216xf32, #tpu.memory_space<hbm>>) dst(%dma_wait3A_1024 : memref<128xf32, #tpu.memory_space<vmem>>)
          %dma_wait3A_1029 = arith.constant 1664 : i32
          %dma_wait3A_1030 = tpu.memref_slice %arg14[%dma_wait3A_1029] : memref<16384xf32, #tpu.memory_space<vmem>> -> memref<128xf32, #tpu.memory_space<vmem>>
          %dma_wait3A_1031 = arith.constant 1664 : i32
          %dma_wait3A_1032 = tpu.memref_slice %arg12[%dma_wait3A_1031] : memref<16384xi32, #tpu.memory_space<vmem>> -> memref<128xi32, #tpu.memory_space<vmem>>
          %dma_wait3A_1033 = arith.constant 0 : i32
          %dma_wait3A_1034 = tpu.memref_slice %arg5[%dma_wait3A_1033] : memref<16777216xf32, #tpu.memory_space<hbm>> -> memref<16777216xf32, #tpu.memory_space<hbm>>
          tpu.wait_indirect_dma semaphore(%arg21 : memref<!tpu.dma_semaphore, #tpu.memory_space<semaphore_mem>>) src(%dma_wait3A_1034 : memref<16777216xf32, #tpu.memory_space<hbm>>) dst(%dma_wait3A_1030 : memref<128xf32, #tpu.memory_space<vmem>>)
          %dma_wait3A_1035 = arith.constant 1792 : i32
          %dma_wait3A_1036 = tpu.memref_slice %arg14[%dma_wait3A_1035] : memref<16384xf32, #tpu.memory_space<vmem>> -> memref<128xf32, #tpu.memory_space<vmem>>
          %dma_wait3A_1037 = arith.constant 1792 : i32
          %dma_wait3A_1038 = tpu.memref_slice %arg12[%dma_wait3A_1037] : memref<16384xi32, #tpu.memory_space<vmem>> -> memref<128xi32, #tpu.memory_space<vmem>>
          %dma_wait3A_1039 = arith.constant 0 : i32
          %dma_wait3A_1040 = tpu.memref_slice %arg5[%dma_wait3A_1039] : memref<16777216xf32, #tpu.memory_space<hbm>> -> memref<16777216xf32, #tpu.memory_space<hbm>>
          tpu.wait_indirect_dma semaphore(%arg21 : memref<!tpu.dma_semaphore, #tpu.memory_space<semaphore_mem>>) src(%dma_wait3A_1040 : memref<16777216xf32, #tpu.memory_space<hbm>>) dst(%dma_wait3A_1036 : memref<128xf32, #tpu.memory_space<vmem>>)
          %dma_wait3A_1041 = arith.constant 1920 : i32
          %dma_wait3A_1042 = tpu.memref_slice %arg14[%dma_wait3A_1041] : memref<16384xf32, #tpu.memory_space<vmem>> -> memref<128xf32, #tpu.memory_space<vmem>>
          %dma_wait3A_1043 = arith.constant 1920 : i32
          %dma_wait3A_1044 = tpu.memref_slice %arg12[%dma_wait3A_1043] : memref<16384xi32, #tpu.memory_space<vmem>> -> memref<128xi32, #tpu.memory_space<vmem>>
          %dma_wait3A_1045 = arith.constant 0 : i32
          %dma_wait3A_1046 = tpu.memref_slice %arg5[%dma_wait3A_1045] : memref<16777216xf32, #tpu.memory_space<hbm>> -> memref<16777216xf32, #tpu.memory_space<hbm>>
          tpu.wait_indirect_dma semaphore(%arg21 : memref<!tpu.dma_semaphore, #tpu.memory_space<semaphore_mem>>) src(%dma_wait3A_1046 : memref<16777216xf32, #tpu.memory_space<hbm>>) dst(%dma_wait3A_1042 : memref<128xf32, #tpu.memory_space<vmem>>)
          %dma_wait3A_1047 = arith.constant 2048 : i32
          %dma_wait3A_1048 = tpu.memref_slice %arg14[%dma_wait3A_1047] : memref<16384xf32, #tpu.memory_space<vmem>> -> memref<128xf32, #tpu.memory_space<vmem>>
          %dma_wait3A_1049 = arith.constant 2048 : i32
          %dma_wait3A_1050 = tpu.memref_slice %arg12[%dma_wait3A_1049] : memref<16384xi32, #tpu.memory_space<vmem>> -> memref<128xi32, #tpu.memory_space<vmem>>
          %dma_wait3A_1051 = arith.constant 0 : i32
          %dma_wait3A_1052 = tpu.memref_slice %arg5[%dma_wait3A_1051] : memref<16777216xf32, #tpu.memory_space<hbm>> -> memref<16777216xf32, #tpu.memory_space<hbm>>
          tpu.wait_indirect_dma semaphore(%arg21 : memref<!tpu.dma_semaphore, #tpu.memory_space<semaphore_mem>>) src(%dma_wait3A_1052 : memref<16777216xf32, #tpu.memory_space<hbm>>) dst(%dma_wait3A_1048 : memref<128xf32, #tpu.memory_space<vmem>>)
          %dma_wait3A_1053 = arith.constant 2176 : i32
          %dma_wait3A_1054 = tpu.memref_slice %arg14[%dma_wait3A_1053] : memref<16384xf32, #tpu.memory_space<vmem>> -> memref<128xf32, #tpu.memory_space<vmem>>
          %dma_wait3A_1055 = arith.constant 2176 : i32
          %dma_wait3A_1056 = tpu.memref_slice %arg12[%dma_wait3A_1055] : memref<16384xi32, #tpu.memory_space<vmem>> -> memref<128xi32, #tpu.memory_space<vmem>>
          %dma_wait3A_1057 = arith.constant 0 : i32
          %dma_wait3A_1058 = tpu.memref_slice %arg5[%dma_wait3A_1057] : memref<16777216xf32, #tpu.memory_space<hbm>> -> memref<16777216xf32, #tpu.memory_space<hbm>>
          tpu.wait_indirect_dma semaphore(%arg21 : memref<!tpu.dma_semaphore, #tpu.memory_space<semaphore_mem>>) src(%dma_wait3A_1058 : memref<16777216xf32, #tpu.memory_space<hbm>>) dst(%dma_wait3A_1054 : memref<128xf32, #tpu.memory_space<vmem>>)
          %dma_wait3A_1059 = arith.constant 2304 : i32
          %dma_wait3A_1060 = tpu.memref_slice %arg14[%dma_wait3A_1059] : memref<16384xf32, #tpu.memory_space<vmem>> -> memref<128xf32, #tpu.memory_space<vmem>>
          %dma_wait3A_1061 = arith.constant 2304 : i32
          %dma_wait3A_1062 = tpu.memref_slice %arg12[%dma_wait3A_1061] : memref<16384xi32, #tpu.memory_space<vmem>> -> memref<128xi32, #tpu.memory_space<vmem>>
          %dma_wait3A_1063 = arith.constant 0 : i32
          %dma_wait3A_1064 = tpu.memref_slice %arg5[%dma_wait3A_1063] : memref<16777216xf32, #tpu.memory_space<hbm>> -> memref<16777216xf32, #tpu.memory_space<hbm>>
          tpu.wait_indirect_dma semaphore(%arg21 : memref<!tpu.dma_semaphore, #tpu.memory_space<semaphore_mem>>) src(%dma_wait3A_1064 : memref<16777216xf32, #tpu.memory_space<hbm>>) dst(%dma_wait3A_1060 : memref<128xf32, #tpu.memory_space<vmem>>)
          %dma_wait3A_1065 = arith.constant 2432 : i32
          %dma_wait3A_1066 = tpu.memref_slice %arg14[%dma_wait3A_1065] : memref<16384xf32, #tpu.memory_space<vmem>> -> memref<128xf32, #tpu.memory_space<vmem>>
          %dma_wait3A_1067 = arith.constant 2432 : i32
          %dma_wait3A_1068 = tpu.memref_slice %arg12[%dma_wait3A_1067] : memref<16384xi32, #tpu.memory_space<vmem>> -> memref<128xi32, #tpu.memory_space<vmem>>
          %dma_wait3A_1069 = arith.constant 0 : i32
          %dma_wait3A_1070 = tpu.memref_slice %arg5[%dma_wait3A_1069] : memref<16777216xf32, #tpu.memory_space<hbm>> -> memref<16777216xf32, #tpu.memory_space<hbm>>
          tpu.wait_indirect_dma semaphore(%arg21 : memref<!tpu.dma_semaphore, #tpu.memory_space<semaphore_mem>>) src(%dma_wait3A_1070 : memref<16777216xf32, #tpu.memory_space<hbm>>) dst(%dma_wait3A_1066 : memref<128xf32, #tpu.memory_space<vmem>>)
          %dma_wait3A_1071 = arith.constant 2560 : i32
          %dma_wait3A_1072 = tpu.memref_slice %arg14[%dma_wait3A_1071] : memref<16384xf32, #tpu.memory_space<vmem>> -> memref<128xf32, #tpu.memory_space<vmem>>
          %dma_wait3A_1073 = arith.constant 2560 : i32
          %dma_wait3A_1074 = tpu.memref_slice %arg12[%dma_wait3A_1073] : memref<16384xi32, #tpu.memory_space<vmem>> -> memref<128xi32, #tpu.memory_space<vmem>>
          %dma_wait3A_1075 = arith.constant 0 : i32
          %dma_wait3A_1076 = tpu.memref_slice %arg5[%dma_wait3A_1075] : memref<16777216xf32, #tpu.memory_space<hbm>> -> memref<16777216xf32, #tpu.memory_space<hbm>>
          tpu.wait_indirect_dma semaphore(%arg21 : memref<!tpu.dma_semaphore, #tpu.memory_space<semaphore_mem>>) src(%dma_wait3A_1076 : memref<16777216xf32, #tpu.memory_space<hbm>>) dst(%dma_wait3A_1072 : memref<128xf32, #tpu.memory_space<vmem>>)
          %dma_wait3A_1077 = arith.constant 2688 : i32
          %dma_wait3A_1078 = tpu.memref_slice %arg14[%dma_wait3A_1077] : memref<16384xf32, #tpu.memory_space<vmem>> -> memref<128xf32, #tpu.memory_space<vmem>>
          %dma_wait3A_1079 = arith.constant 2688 : i32
          %dma_wait3A_1080 = tpu.memref_slice %arg12[%dma_wait3A_1079] : memref<16384xi32, #tpu.memory_space<vmem>> -> memref<128xi32, #tpu.memory_space<vmem>>
          %dma_wait3A_1081 = arith.constant 0 : i32
          %dma_wait3A_1082 = tpu.memref_slice %arg5[%dma_wait3A_1081] : memref<16777216xf32, #tpu.memory_space<hbm>> -> memref<16777216xf32, #tpu.memory_space<hbm>>
          tpu.wait_indirect_dma semaphore(%arg21 : memref<!tpu.dma_semaphore, #tpu.memory_space<semaphore_mem>>) src(%dma_wait3A_1082 : memref<16777216xf32, #tpu.memory_space<hbm>>) dst(%dma_wait3A_1078 : memref<128xf32, #tpu.memory_space<vmem>>)
          %dma_wait3A_1083 = arith.constant 2816 : i32
          %dma_wait3A_1084 = tpu.memref_slice %arg14[%dma_wait3A_1083] : memref<16384xf32, #tpu.memory_space<vmem>> -> memref<128xf32, #tpu.memory_space<vmem>>
          %dma_wait3A_1085 = arith.constant 2816 : i32
          %dma_wait3A_1086 = tpu.memref_slice %arg12[%dma_wait3A_1085] : memref<16384xi32, #tpu.memory_space<vmem>> -> memref<128xi32, #tpu.memory_space<vmem>>
          %dma_wait3A_1087 = arith.constant 0 : i32
          %dma_wait3A_1088 = tpu.memref_slice %arg5[%dma_wait3A_1087] : memref<16777216xf32, #tpu.memory_space<hbm>> -> memref<16777216xf32, #tpu.memory_space<hbm>>
          tpu.wait_indirect_dma semaphore(%arg21 : memref<!tpu.dma_semaphore, #tpu.memory_space<semaphore_mem>>) src(%dma_wait3A_1088 : memref<16777216xf32, #tpu.memory_space<hbm>>) dst(%dma_wait3A_1084 : memref<128xf32, #tpu.memory_space<vmem>>)
          %dma_wait3A_1089 = arith.constant 2944 : i32
          %dma_wait3A_1090 = tpu.memref_slice %arg14[%dma_wait3A_1089] : memref<16384xf32, #tpu.memory_space<vmem>> -> memref<128xf32, #tpu.memory_space<vmem>>
          %dma_wait3A_1091 = arith.constant 2944 : i32
          %dma_wait3A_1092 = tpu.memref_slice %arg12[%dma_wait3A_1091] : memref<16384xi32, #tpu.memory_space<vmem>> -> memref<128xi32, #tpu.memory_space<vmem>>
          %dma_wait3A_1093 = arith.constant 0 : i32
          %dma_wait3A_1094 = tpu.memref_slice %arg5[%dma_wait3A_1093] : memref<16777216xf32, #tpu.memory_space<hbm>> -> memref<16777216xf32, #tpu.memory_space<hbm>>
          tpu.wait_indirect_dma semaphore(%arg21 : memref<!tpu.dma_semaphore, #tpu.memory_space<semaphore_mem>>) src(%dma_wait3A_1094 : memref<16777216xf32, #tpu.memory_space<hbm>>) dst(%dma_wait3A_1090 : memref<128xf32, #tpu.memory_space<vmem>>)
          %dma_wait3A_1095 = arith.constant 3072 : i32
          %dma_wait3A_1096 = tpu.memref_slice %arg14[%dma_wait3A_1095] : memref<16384xf32, #tpu.memory_space<vmem>> -> memref<128xf32, #tpu.memory_space<vmem>>
          %dma_wait3A_1097 = arith.constant 3072 : i32
          %dma_wait3A_1098 = tpu.memref_slice %arg12[%dma_wait3A_1097] : memref<16384xi32, #tpu.memory_space<vmem>> -> memref<128xi32, #tpu.memory_space<vmem>>
          %dma_wait3A_1099 = arith.constant 0 : i32
          %dma_wait3A_1100 = tpu.memref_slice %arg5[%dma_wait3A_1099] : memref<16777216xf32, #tpu.memory_space<hbm>> -> memref<16777216xf32, #tpu.memory_space<hbm>>
          tpu.wait_indirect_dma semaphore(%arg21 : memref<!tpu.dma_semaphore, #tpu.memory_space<semaphore_mem>>) src(%dma_wait3A_1100 : memref<16777216xf32, #tpu.memory_space<hbm>>) dst(%dma_wait3A_1096 : memref<128xf32, #tpu.memory_space<vmem>>)
          %dma_wait3A_1101 = arith.constant 3200 : i32
          %dma_wait3A_1102 = tpu.memref_slice %arg14[%dma_wait3A_1101] : memref<16384xf32, #tpu.memory_space<vmem>> -> memref<128xf32, #tpu.memory_space<vmem>>
          %dma_wait3A_1103 = arith.constant 3200 : i32
          %dma_wait3A_1104 = tpu.memref_slice %arg12[%dma_wait3A_1103] : memref<16384xi32, #tpu.memory_space<vmem>> -> memref<128xi32, #tpu.memory_space<vmem>>
          %dma_wait3A_1105 = arith.constant 0 : i32
          %dma_wait3A_1106 = tpu.memref_slice %arg5[%dma_wait3A_1105] : memref<16777216xf32, #tpu.memory_space<hbm>> -> memref<16777216xf32, #tpu.memory_space<hbm>>
          tpu.wait_indirect_dma semaphore(%arg21 : memref<!tpu.dma_semaphore, #tpu.memory_space<semaphore_mem>>) src(%dma_wait3A_1106 : memref<16777216xf32, #tpu.memory_space<hbm>>) dst(%dma_wait3A_1102 : memref<128xf32, #tpu.memory_space<vmem>>)
          %dma_wait3A_1107 = arith.constant 3328 : i32
          %dma_wait3A_1108 = tpu.memref_slice %arg14[%dma_wait3A_1107] : memref<16384xf32, #tpu.memory_space<vmem>> -> memref<128xf32, #tpu.memory_space<vmem>>
          %dma_wait3A_1109 = arith.constant 3328 : i32
          %dma_wait3A_1110 = tpu.memref_slice %arg12[%dma_wait3A_1109] : memref<16384xi32, #tpu.memory_space<vmem>> -> memref<128xi32, #tpu.memory_space<vmem>>
          %dma_wait3A_1111 = arith.constant 0 : i32
          %dma_wait3A_1112 = tpu.memref_slice %arg5[%dma_wait3A_1111] : memref<16777216xf32, #tpu.memory_space<hbm>> -> memref<16777216xf32, #tpu.memory_space<hbm>>
          tpu.wait_indirect_dma semaphore(%arg21 : memref<!tpu.dma_semaphore, #tpu.memory_space<semaphore_mem>>) src(%dma_wait3A_1112 : memref<16777216xf32, #tpu.memory_space<hbm>>) dst(%dma_wait3A_1108 : memref<128xf32, #tpu.memory_space<vmem>>)
          %dma_wait3A_1113 = arith.constant 3456 : i32
          %dma_wait3A_1114 = tpu.memref_slice %arg14[%dma_wait3A_1113] : memref<16384xf32, #tpu.memory_space<vmem>> -> memref<128xf32, #tpu.memory_space<vmem>>
          %dma_wait3A_1115 = arith.constant 3456 : i32
          %dma_wait3A_1116 = tpu.memref_slice %arg12[%dma_wait3A_1115] : memref<16384xi32, #tpu.memory_space<vmem>> -> memref<128xi32, #tpu.memory_space<vmem>>
          %dma_wait3A_1117 = arith.constant 0 : i32
          %dma_wait3A_1118 = tpu.memref_slice %arg5[%dma_wait3A_1117] : memref<16777216xf32, #tpu.memory_space<hbm>> -> memref<16777216xf32, #tpu.memory_space<hbm>>
          tpu.wait_indirect_dma semaphore(%arg21 : memref<!tpu.dma_semaphore, #tpu.memory_space<semaphore_mem>>) src(%dma_wait3A_1118 : memref<16777216xf32, #tpu.memory_space<hbm>>) dst(%dma_wait3A_1114 : memref<128xf32, #tpu.memory_space<vmem>>)
          %dma_wait3A_1119 = arith.constant 3584 : i32
          %dma_wait3A_1120 = tpu.memref_slice %arg14[%dma_wait3A_1119] : memref<16384xf32, #tpu.memory_space<vmem>> -> memref<128xf32, #tpu.memory_space<vmem>>
          %dma_wait3A_1121 = arith.constant 3584 : i32
          %dma_wait3A_1122 = tpu.memref_slice %arg12[%dma_wait3A_1121] : memref<16384xi32, #tpu.memory_space<vmem>> -> memref<128xi32, #tpu.memory_space<vmem>>
          %dma_wait3A_1123 = arith.constant 0 : i32
          %dma_wait3A_1124 = tpu.memref_slice %arg5[%dma_wait3A_1123] : memref<16777216xf32, #tpu.memory_space<hbm>> -> memref<16777216xf32, #tpu.memory_space<hbm>>
          tpu.wait_indirect_dma semaphore(%arg21 : memref<!tpu.dma_semaphore, #tpu.memory_space<semaphore_mem>>) src(%dma_wait3A_1124 : memref<16777216xf32, #tpu.memory_space<hbm>>) dst(%dma_wait3A_1120 : memref<128xf32, #tpu.memory_space<vmem>>)
          %dma_wait3A_1125 = arith.constant 3712 : i32
          %dma_wait3A_1126 = tpu.memref_slice %arg14[%dma_wait3A_1125] : memref<16384xf32, #tpu.memory_space<vmem>> -> memref<128xf32, #tpu.memory_space<vmem>>
          %dma_wait3A_1127 = arith.constant 3712 : i32
          %dma_wait3A_1128 = tpu.memref_slice %arg12[%dma_wait3A_1127] : memref<16384xi32, #tpu.memory_space<vmem>> -> memref<128xi32, #tpu.memory_space<vmem>>
          %dma_wait3A_1129 = arith.constant 0 : i32
          %dma_wait3A_1130 = tpu.memref_slice %arg5[%dma_wait3A_1129] : memref<16777216xf32, #tpu.memory_space<hbm>> -> memref<16777216xf32, #tpu.memory_space<hbm>>
          tpu.wait_indirect_dma semaphore(%arg21 : memref<!tpu.dma_semaphore, #tpu.memory_space<semaphore_mem>>) src(%dma_wait3A_1130 : memref<16777216xf32, #tpu.memory_space<hbm>>) dst(%dma_wait3A_1126 : memref<128xf32, #tpu.memory_space<vmem>>)
          %dma_wait3A_1131 = arith.constant 3840 : i32
          %dma_wait3A_1132 = tpu.memref_slice %arg14[%dma_wait3A_1131] : memref<16384xf32, #tpu.memory_space<vmem>> -> memref<128xf32, #tpu.memory_space<vmem>>
          %dma_wait3A_1133 = arith.constant 3840 : i32
          %dma_wait3A_1134 = tpu.memref_slice %arg12[%dma_wait3A_1133] : memref<16384xi32, #tpu.memory_space<vmem>> -> memref<128xi32, #tpu.memory_space<vmem>>
          %dma_wait3A_1135 = arith.constant 0 : i32
          %dma_wait3A_1136 = tpu.memref_slice %arg5[%dma_wait3A_1135] : memref<16777216xf32, #tpu.memory_space<hbm>> -> memref<16777216xf32, #tpu.memory_space<hbm>>
          tpu.wait_indirect_dma semaphore(%arg21 : memref<!tpu.dma_semaphore, #tpu.memory_space<semaphore_mem>>) src(%dma_wait3A_1136 : memref<16777216xf32, #tpu.memory_space<hbm>>) dst(%dma_wait3A_1132 : memref<128xf32, #tpu.memory_space<vmem>>)
          %dma_wait3A_1137 = arith.constant 3968 : i32
          %dma_wait3A_1138 = tpu.memref_slice %arg14[%dma_wait3A_1137] : memref<16384xf32, #tpu.memory_space<vmem>> -> memref<128xf32, #tpu.memory_space<vmem>>
          %dma_wait3A_1139 = arith.constant 3968 : i32
          %dma_wait3A_1140 = tpu.memref_slice %arg12[%dma_wait3A_1139] : memref<16384xi32, #tpu.memory_space<vmem>> -> memref<128xi32, #tpu.memory_space<vmem>>
          %dma_wait3A_1141 = arith.constant 0 : i32
          %dma_wait3A_1142 = tpu.memref_slice %arg5[%dma_wait3A_1141] : memref<16777216xf32, #tpu.memory_space<hbm>> -> memref<16777216xf32, #tpu.memory_space<hbm>>
          tpu.wait_indirect_dma semaphore(%arg21 : memref<!tpu.dma_semaphore, #tpu.memory_space<semaphore_mem>>) src(%dma_wait3A_1142 : memref<16777216xf32, #tpu.memory_space<hbm>>) dst(%dma_wait3A_1138 : memref<128xf32, #tpu.memory_space<vmem>>)
          %dma_wait3A_1143 = arith.constant 4096 : i32
          %dma_wait3A_1144 = tpu.memref_slice %arg14[%dma_wait3A_1143] : memref<16384xf32, #tpu.memory_space<vmem>> -> memref<128xf32, #tpu.memory_space<vmem>>
          %dma_wait3A_1145 = arith.constant 4096 : i32
          %dma_wait3A_1146 = tpu.memref_slice %arg12[%dma_wait3A_1145] : memref<16384xi32, #tpu.memory_space<vmem>> -> memref<128xi32, #tpu.memory_space<vmem>>
          %dma_wait3A_1147 = arith.constant 0 : i32
          %dma_wait3A_1148 = tpu.memref_slice %arg5[%dma_wait3A_1147] : memref<16777216xf32, #tpu.memory_space<hbm>> -> memref<16777216xf32, #tpu.memory_space<hbm>>
          tpu.wait_indirect_dma semaphore(%arg21 : memref<!tpu.dma_semaphore, #tpu.memory_space<semaphore_mem>>) src(%dma_wait3A_1148 : memref<16777216xf32, #tpu.memory_space<hbm>>) dst(%dma_wait3A_1144 : memref<128xf32, #tpu.memory_space<vmem>>)
          %dma_wait3A_1149 = arith.constant 4224 : i32
          %dma_wait3A_1150 = tpu.memref_slice %arg14[%dma_wait3A_1149] : memref<16384xf32, #tpu.memory_space<vmem>> -> memref<128xf32, #tpu.memory_space<vmem>>
          %dma_wait3A_1151 = arith.constant 4224 : i32
          %dma_wait3A_1152 = tpu.memref_slice %arg12[%dma_wait3A_1151] : memref<16384xi32, #tpu.memory_space<vmem>> -> memref<128xi32, #tpu.memory_space<vmem>>
          %dma_wait3A_1153 = arith.constant 0 : i32
          %dma_wait3A_1154 = tpu.memref_slice %arg5[%dma_wait3A_1153] : memref<16777216xf32, #tpu.memory_space<hbm>> -> memref<16777216xf32, #tpu.memory_space<hbm>>
          tpu.wait_indirect_dma semaphore(%arg21 : memref<!tpu.dma_semaphore, #tpu.memory_space<semaphore_mem>>) src(%dma_wait3A_1154 : memref<16777216xf32, #tpu.memory_space<hbm>>) dst(%dma_wait3A_1150 : memref<128xf32, #tpu.memory_space<vmem>>)
          %dma_wait3A_1155 = arith.constant 4352 : i32
          %dma_wait3A_1156 = tpu.memref_slice %arg14[%dma_wait3A_1155] : memref<16384xf32, #tpu.memory_space<vmem>> -> memref<128xf32, #tpu.memory_space<vmem>>
          %dma_wait3A_1157 = arith.constant 4352 : i32
          %dma_wait3A_1158 = tpu.memref_slice %arg12[%dma_wait3A_1157] : memref<16384xi32, #tpu.memory_space<vmem>> -> memref<128xi32, #tpu.memory_space<vmem>>
          %dma_wait3A_1159 = arith.constant 0 : i32
          %dma_wait3A_1160 = tpu.memref_slice %arg5[%dma_wait3A_1159] : memref<16777216xf32, #tpu.memory_space<hbm>> -> memref<16777216xf32, #tpu.memory_space<hbm>>
          tpu.wait_indirect_dma semaphore(%arg21 : memref<!tpu.dma_semaphore, #tpu.memory_space<semaphore_mem>>) src(%dma_wait3A_1160 : memref<16777216xf32, #tpu.memory_space<hbm>>) dst(%dma_wait3A_1156 : memref<128xf32, #tpu.memory_space<vmem>>)
          %dma_wait3A_1161 = arith.constant 4480 : i32
          %dma_wait3A_1162 = tpu.memref_slice %arg14[%dma_wait3A_1161] : memref<16384xf32, #tpu.memory_space<vmem>> -> memref<128xf32, #tpu.memory_space<vmem>>
          %dma_wait3A_1163 = arith.constant 4480 : i32
          %dma_wait3A_1164 = tpu.memref_slice %arg12[%dma_wait3A_1163] : memref<16384xi32, #tpu.memory_space<vmem>> -> memref<128xi32, #tpu.memory_space<vmem>>
          %dma_wait3A_1165 = arith.constant 0 : i32
          %dma_wait3A_1166 = tpu.memref_slice %arg5[%dma_wait3A_1165] : memref<16777216xf32, #tpu.memory_space<hbm>> -> memref<16777216xf32, #tpu.memory_space<hbm>>
          tpu.wait_indirect_dma semaphore(%arg21 : memref<!tpu.dma_semaphore, #tpu.memory_space<semaphore_mem>>) src(%dma_wait3A_1166 : memref<16777216xf32, #tpu.memory_space<hbm>>) dst(%dma_wait3A_1162 : memref<128xf32, #tpu.memory_space<vmem>>)
          %dma_wait3A_1167 = arith.constant 4608 : i32
          %dma_wait3A_1168 = tpu.memref_slice %arg14[%dma_wait3A_1167] : memref<16384xf32, #tpu.memory_space<vmem>> -> memref<128xf32, #tpu.memory_space<vmem>>
          %dma_wait3A_1169 = arith.constant 4608 : i32
          %dma_wait3A_1170 = tpu.memref_slice %arg12[%dma_wait3A_1169] : memref<16384xi32, #tpu.memory_space<vmem>> -> memref<128xi32, #tpu.memory_space<vmem>>
          %dma_wait3A_1171 = arith.constant 0 : i32
          %dma_wait3A_1172 = tpu.memref_slice %arg5[%dma_wait3A_1171] : memref<16777216xf32, #tpu.memory_space<hbm>> -> memref<16777216xf32, #tpu.memory_space<hbm>>
          tpu.wait_indirect_dma semaphore(%arg21 : memref<!tpu.dma_semaphore, #tpu.memory_space<semaphore_mem>>) src(%dma_wait3A_1172 : memref<16777216xf32, #tpu.memory_space<hbm>>) dst(%dma_wait3A_1168 : memref<128xf32, #tpu.memory_space<vmem>>)
          %dma_wait3A_1173 = arith.constant 4736 : i32
          %dma_wait3A_1174 = tpu.memref_slice %arg14[%dma_wait3A_1173] : memref<16384xf32, #tpu.memory_space<vmem>> -> memref<128xf32, #tpu.memory_space<vmem>>
          %dma_wait3A_1175 = arith.constant 4736 : i32
          %dma_wait3A_1176 = tpu.memref_slice %arg12[%dma_wait3A_1175] : memref<16384xi32, #tpu.memory_space<vmem>> -> memref<128xi32, #tpu.memory_space<vmem>>
          %dma_wait3A_1177 = arith.constant 0 : i32
          %dma_wait3A_1178 = tpu.memref_slice %arg5[%dma_wait3A_1177] : memref<16777216xf32, #tpu.memory_space<hbm>> -> memref<16777216xf32, #tpu.memory_space<hbm>>
          tpu.wait_indirect_dma semaphore(%arg21 : memref<!tpu.dma_semaphore, #tpu.memory_space<semaphore_mem>>) src(%dma_wait3A_1178 : memref<16777216xf32, #tpu.memory_space<hbm>>) dst(%dma_wait3A_1174 : memref<128xf32, #tpu.memory_space<vmem>>)
          %dma_wait3A_1179 = arith.constant 4864 : i32
          %dma_wait3A_1180 = tpu.memref_slice %arg14[%dma_wait3A_1179] : memref<16384xf32, #tpu.memory_space<vmem>> -> memref<128xf32, #tpu.memory_space<vmem>>
          %dma_wait3A_1181 = arith.constant 4864 : i32
          %dma_wait3A_1182 = tpu.memref_slice %arg12[%dma_wait3A_1181] : memref<16384xi32, #tpu.memory_space<vmem>> -> memref<128xi32, #tpu.memory_space<vmem>>
          %dma_wait3A_1183 = arith.constant 0 : i32
          %dma_wait3A_1184 = tpu.memref_slice %arg5[%dma_wait3A_1183] : memref<16777216xf32, #tpu.memory_space<hbm>> -> memref<16777216xf32, #tpu.memory_space<hbm>>
          tpu.wait_indirect_dma semaphore(%arg21 : memref<!tpu.dma_semaphore, #tpu.memory_space<semaphore_mem>>) src(%dma_wait3A_1184 : memref<16777216xf32, #tpu.memory_space<hbm>>) dst(%dma_wait3A_1180 : memref<128xf32, #tpu.memory_space<vmem>>)
          %dma_wait3A_1185 = arith.constant 4992 : i32
          %dma_wait3A_1186 = tpu.memref_slice %arg14[%dma_wait3A_1185] : memref<16384xf32, #tpu.memory_space<vmem>> -> memref<128xf32, #tpu.memory_space<vmem>>
          %dma_wait3A_1187 = arith.constant 4992 : i32
          %dma_wait3A_1188 = tpu.memref_slice %arg12[%dma_wait3A_1187] : memref<16384xi32, #tpu.memory_space<vmem>> -> memref<128xi32, #tpu.memory_space<vmem>>
          %dma_wait3A_1189 = arith.constant 0 : i32
          %dma_wait3A_1190 = tpu.memref_slice %arg5[%dma_wait3A_1189] : memref<16777216xf32, #tpu.memory_space<hbm>> -> memref<16777216xf32, #tpu.memory_space<hbm>>
          tpu.wait_indirect_dma semaphore(%arg21 : memref<!tpu.dma_semaphore, #tpu.memory_space<semaphore_mem>>) src(%dma_wait3A_1190 : memref<16777216xf32, #tpu.memory_space<hbm>>) dst(%dma_wait3A_1186 : memref<128xf32, #tpu.memory_space<vmem>>)
          %dma_wait3A_1191 = arith.constant 5120 : i32
          %dma_wait3A_1192 = tpu.memref_slice %arg14[%dma_wait3A_1191] : memref<16384xf32, #tpu.memory_space<vmem>> -> memref<128xf32, #tpu.memory_space<vmem>>
          %dma_wait3A_1193 = arith.constant 5120 : i32
          %dma_wait3A_1194 = tpu.memref_slice %arg12[%dma_wait3A_1193] : memref<16384xi32, #tpu.memory_space<vmem>> -> memref<128xi32, #tpu.memory_space<vmem>>
          %dma_wait3A_1195 = arith.constant 0 : i32
          %dma_wait3A_1196 = tpu.memref_slice %arg5[%dma_wait3A_1195] : memref<16777216xf32, #tpu.memory_space<hbm>> -> memref<16777216xf32, #tpu.memory_space<hbm>>
          tpu.wait_indirect_dma semaphore(%arg21 : memref<!tpu.dma_semaphore, #tpu.memory_space<semaphore_mem>>) src(%dma_wait3A_1196 : memref<16777216xf32, #tpu.memory_space<hbm>>) dst(%dma_wait3A_1192 : memref<128xf32, #tpu.memory_space<vmem>>)
          %dma_wait3A_1197 = arith.constant 5248 : i32
          %dma_wait3A_1198 = tpu.memref_slice %arg14[%dma_wait3A_1197] : memref<16384xf32, #tpu.memory_space<vmem>> -> memref<128xf32, #tpu.memory_space<vmem>>
          %dma_wait3A_1199 = arith.constant 5248 : i32
          %dma_wait3A_1200 = tpu.memref_slice %arg12[%dma_wait3A_1199] : memref<16384xi32, #tpu.memory_space<vmem>> -> memref<128xi32, #tpu.memory_space<vmem>>
          %dma_wait3A_1201 = arith.constant 0 : i32
          %dma_wait3A_1202 = tpu.memref_slice %arg5[%dma_wait3A_1201] : memref<16777216xf32, #tpu.memory_space<hbm>> -> memref<16777216xf32, #tpu.memory_space<hbm>>
          tpu.wait_indirect_dma semaphore(%arg21 : memref<!tpu.dma_semaphore, #tpu.memory_space<semaphore_mem>>) src(%dma_wait3A_1202 : memref<16777216xf32, #tpu.memory_space<hbm>>) dst(%dma_wait3A_1198 : memref<128xf32, #tpu.memory_space<vmem>>)
          %dma_wait3A_1203 = arith.constant 5376 : i32
          %dma_wait3A_1204 = tpu.memref_slice %arg14[%dma_wait3A_1203] : memref<16384xf32, #tpu.memory_space<vmem>> -> memref<128xf32, #tpu.memory_space<vmem>>
          %dma_wait3A_1205 = arith.constant 5376 : i32
          %dma_wait3A_1206 = tpu.memref_slice %arg12[%dma_wait3A_1205] : memref<16384xi32, #tpu.memory_space<vmem>> -> memref<128xi32, #tpu.memory_space<vmem>>
          %dma_wait3A_1207 = arith.constant 0 : i32
          %dma_wait3A_1208 = tpu.memref_slice %arg5[%dma_wait3A_1207] : memref<16777216xf32, #tpu.memory_space<hbm>> -> memref<16777216xf32, #tpu.memory_space<hbm>>
          tpu.wait_indirect_dma semaphore(%arg21 : memref<!tpu.dma_semaphore, #tpu.memory_space<semaphore_mem>>) src(%dma_wait3A_1208 : memref<16777216xf32, #tpu.memory_space<hbm>>) dst(%dma_wait3A_1204 : memref<128xf32, #tpu.memory_space<vmem>>)
          %dma_wait3A_1209 = arith.constant 5504 : i32
          %dma_wait3A_1210 = tpu.memref_slice %arg14[%dma_wait3A_1209] : memref<16384xf32, #tpu.memory_space<vmem>> -> memref<128xf32, #tpu.memory_space<vmem>>
          %dma_wait3A_1211 = arith.constant 5504 : i32
          %dma_wait3A_1212 = tpu.memref_slice %arg12[%dma_wait3A_1211] : memref<16384xi32, #tpu.memory_space<vmem>> -> memref<128xi32, #tpu.memory_space<vmem>>
          %dma_wait3A_1213 = arith.constant 0 : i32
          %dma_wait3A_1214 = tpu.memref_slice %arg5[%dma_wait3A_1213] : memref<16777216xf32, #tpu.memory_space<hbm>> -> memref<16777216xf32, #tpu.memory_space<hbm>>
          tpu.wait_indirect_dma semaphore(%arg21 : memref<!tpu.dma_semaphore, #tpu.memory_space<semaphore_mem>>) src(%dma_wait3A_1214 : memref<16777216xf32, #tpu.memory_space<hbm>>) dst(%dma_wait3A_1210 : memref<128xf32, #tpu.memory_space<vmem>>)
          %dma_wait3A_1215 = arith.constant 5632 : i32
          %dma_wait3A_1216 = tpu.memref_slice %arg14[%dma_wait3A_1215] : memref<16384xf32, #tpu.memory_space<vmem>> -> memref<128xf32, #tpu.memory_space<vmem>>
          %dma_wait3A_1217 = arith.constant 5632 : i32
          %dma_wait3A_1218 = tpu.memref_slice %arg12[%dma_wait3A_1217] : memref<16384xi32, #tpu.memory_space<vmem>> -> memref<128xi32, #tpu.memory_space<vmem>>
          %dma_wait3A_1219 = arith.constant 0 : i32
          %dma_wait3A_1220 = tpu.memref_slice %arg5[%dma_wait3A_1219] : memref<16777216xf32, #tpu.memory_space<hbm>> -> memref<16777216xf32, #tpu.memory_space<hbm>>
          tpu.wait_indirect_dma semaphore(%arg21 : memref<!tpu.dma_semaphore, #tpu.memory_space<semaphore_mem>>) src(%dma_wait3A_1220 : memref<16777216xf32, #tpu.memory_space<hbm>>) dst(%dma_wait3A_1216 : memref<128xf32, #tpu.memory_space<vmem>>)
          %dma_wait3A_1221 = arith.constant 5760 : i32
          %dma_wait3A_1222 = tpu.memref_slice %arg14[%dma_wait3A_1221] : memref<16384xf32, #tpu.memory_space<vmem>> -> memref<128xf32, #tpu.memory_space<vmem>>
          %dma_wait3A_1223 = arith.constant 5760 : i32
          %dma_wait3A_1224 = tpu.memref_slice %arg12[%dma_wait3A_1223] : memref<16384xi32, #tpu.memory_space<vmem>> -> memref<128xi32, #tpu.memory_space<vmem>>
          %dma_wait3A_1225 = arith.constant 0 : i32
          %dma_wait3A_1226 = tpu.memref_slice %arg5[%dma_wait3A_1225] : memref<16777216xf32, #tpu.memory_space<hbm>> -> memref<16777216xf32, #tpu.memory_space<hbm>>
          tpu.wait_indirect_dma semaphore(%arg21 : memref<!tpu.dma_semaphore, #tpu.memory_space<semaphore_mem>>) src(%dma_wait3A_1226 : memref<16777216xf32, #tpu.memory_space<hbm>>) dst(%dma_wait3A_1222 : memref<128xf32, #tpu.memory_space<vmem>>)
          %dma_wait3A_1227 = arith.constant 5888 : i32
          %dma_wait3A_1228 = tpu.memref_slice %arg14[%dma_wait3A_1227] : memref<16384xf32, #tpu.memory_space<vmem>> -> memref<128xf32, #tpu.memory_space<vmem>>
          %dma_wait3A_1229 = arith.constant 5888 : i32
          %dma_wait3A_1230 = tpu.memref_slice %arg12[%dma_wait3A_1229] : memref<16384xi32, #tpu.memory_space<vmem>> -> memref<128xi32, #tpu.memory_space<vmem>>
          %dma_wait3A_1231 = arith.constant 0 : i32
          %dma_wait3A_1232 = tpu.memref_slice %arg5[%dma_wait3A_1231] : memref<16777216xf32, #tpu.memory_space<hbm>> -> memref<16777216xf32, #tpu.memory_space<hbm>>
          tpu.wait_indirect_dma semaphore(%arg21 : memref<!tpu.dma_semaphore, #tpu.memory_space<semaphore_mem>>) src(%dma_wait3A_1232 : memref<16777216xf32, #tpu.memory_space<hbm>>) dst(%dma_wait3A_1228 : memref<128xf32, #tpu.memory_space<vmem>>)
          %dma_wait3A_1233 = arith.constant 6016 : i32
          %dma_wait3A_1234 = tpu.memref_slice %arg14[%dma_wait3A_1233] : memref<16384xf32, #tpu.memory_space<vmem>> -> memref<128xf32, #tpu.memory_space<vmem>>
          %dma_wait3A_1235 = arith.constant 6016 : i32
          %dma_wait3A_1236 = tpu.memref_slice %arg12[%dma_wait3A_1235] : memref<16384xi32, #tpu.memory_space<vmem>> -> memref<128xi32, #tpu.memory_space<vmem>>
          %dma_wait3A_1237 = arith.constant 0 : i32
          %dma_wait3A_1238 = tpu.memref_slice %arg5[%dma_wait3A_1237] : memref<16777216xf32, #tpu.memory_space<hbm>> -> memref<16777216xf32, #tpu.memory_space<hbm>>
          tpu.wait_indirect_dma semaphore(%arg21 : memref<!tpu.dma_semaphore, #tpu.memory_space<semaphore_mem>>) src(%dma_wait3A_1238 : memref<16777216xf32, #tpu.memory_space<hbm>>) dst(%dma_wait3A_1234 : memref<128xf32, #tpu.memory_space<vmem>>)
          %dma_wait3A_1239 = arith.constant 6144 : i32
          %dma_wait3A_1240 = tpu.memref_slice %arg14[%dma_wait3A_1239] : memref<16384xf32, #tpu.memory_space<vmem>> -> memref<128xf32, #tpu.memory_space<vmem>>
          %dma_wait3A_1241 = arith.constant 6144 : i32
          %dma_wait3A_1242 = tpu.memref_slice %arg12[%dma_wait3A_1241] : memref<16384xi32, #tpu.memory_space<vmem>> -> memref<128xi32, #tpu.memory_space<vmem>>
          %dma_wait3A_1243 = arith.constant 0 : i32
          %dma_wait3A_1244 = tpu.memref_slice %arg5[%dma_wait3A_1243] : memref<16777216xf32, #tpu.memory_space<hbm>> -> memref<16777216xf32, #tpu.memory_space<hbm>>
          tpu.wait_indirect_dma semaphore(%arg21 : memref<!tpu.dma_semaphore, #tpu.memory_space<semaphore_mem>>) src(%dma_wait3A_1244 : memref<16777216xf32, #tpu.memory_space<hbm>>) dst(%dma_wait3A_1240 : memref<128xf32, #tpu.memory_space<vmem>>)
          %dma_wait3A_1245 = arith.constant 6272 : i32
          %dma_wait3A_1246 = tpu.memref_slice %arg14[%dma_wait3A_1245] : memref<16384xf32, #tpu.memory_space<vmem>> -> memref<128xf32, #tpu.memory_space<vmem>>
          %dma_wait3A_1247 = arith.constant 6272 : i32
          %dma_wait3A_1248 = tpu.memref_slice %arg12[%dma_wait3A_1247] : memref<16384xi32, #tpu.memory_space<vmem>> -> memref<128xi32, #tpu.memory_space<vmem>>
          %dma_wait3A_1249 = arith.constant 0 : i32
          %dma_wait3A_1250 = tpu.memref_slice %arg5[%dma_wait3A_1249] : memref<16777216xf32, #tpu.memory_space<hbm>> -> memref<16777216xf32, #tpu.memory_space<hbm>>
          tpu.wait_indirect_dma semaphore(%arg21 : memref<!tpu.dma_semaphore, #tpu.memory_space<semaphore_mem>>) src(%dma_wait3A_1250 : memref<16777216xf32, #tpu.memory_space<hbm>>) dst(%dma_wait3A_1246 : memref<128xf32, #tpu.memory_space<vmem>>)
          %dma_wait3A_1251 = arith.constant 6400 : i32
          %dma_wait3A_1252 = tpu.memref_slice %arg14[%dma_wait3A_1251] : memref<16384xf32, #tpu.memory_space<vmem>> -> memref<128xf32, #tpu.memory_space<vmem>>
          %dma_wait3A_1253 = arith.constant 6400 : i32
          %dma_wait3A_1254 = tpu.memref_slice %arg12[%dma_wait3A_1253] : memref<16384xi32, #tpu.memory_space<vmem>> -> memref<128xi32, #tpu.memory_space<vmem>>
          %dma_wait3A_1255 = arith.constant 0 : i32
          %dma_wait3A_1256 = tpu.memref_slice %arg5[%dma_wait3A_1255] : memref<16777216xf32, #tpu.memory_space<hbm>> -> memref<16777216xf32, #tpu.memory_space<hbm>>
          tpu.wait_indirect_dma semaphore(%arg21 : memref<!tpu.dma_semaphore, #tpu.memory_space<semaphore_mem>>) src(%dma_wait3A_1256 : memref<16777216xf32, #tpu.memory_space<hbm>>) dst(%dma_wait3A_1252 : memref<128xf32, #tpu.memory_space<vmem>>)
          %dma_wait3A_1257 = arith.constant 6528 : i32
          %dma_wait3A_1258 = tpu.memref_slice %arg14[%dma_wait3A_1257] : memref<16384xf32, #tpu.memory_space<vmem>> -> memref<128xf32, #tpu.memory_space<vmem>>
          %dma_wait3A_1259 = arith.constant 6528 : i32
          %dma_wait3A_1260 = tpu.memref_slice %arg12[%dma_wait3A_1259] : memref<16384xi32, #tpu.memory_space<vmem>> -> memref<128xi32, #tpu.memory_space<vmem>>
          %dma_wait3A_1261 = arith.constant 0 : i32
          %dma_wait3A_1262 = tpu.memref_slice %arg5[%dma_wait3A_1261] : memref<16777216xf32, #tpu.memory_space<hbm>> -> memref<16777216xf32, #tpu.memory_space<hbm>>
          tpu.wait_indirect_dma semaphore(%arg21 : memref<!tpu.dma_semaphore, #tpu.memory_space<semaphore_mem>>) src(%dma_wait3A_1262 : memref<16777216xf32, #tpu.memory_space<hbm>>) dst(%dma_wait3A_1258 : memref<128xf32, #tpu.memory_space<vmem>>)
          %dma_wait3A_1263 = arith.constant 6656 : i32
          %dma_wait3A_1264 = tpu.memref_slice %arg14[%dma_wait3A_1263] : memref<16384xf32, #tpu.memory_space<vmem>> -> memref<128xf32, #tpu.memory_space<vmem>>
          %dma_wait3A_1265 = arith.constant 6656 : i32
          %dma_wait3A_1266 = tpu.memref_slice %arg12[%dma_wait3A_1265] : memref<16384xi32, #tpu.memory_space<vmem>> -> memref<128xi32, #tpu.memory_space<vmem>>
          %dma_wait3A_1267 = arith.constant 0 : i32
          %dma_wait3A_1268 = tpu.memref_slice %arg5[%dma_wait3A_1267] : memref<16777216xf32, #tpu.memory_space<hbm>> -> memref<16777216xf32, #tpu.memory_space<hbm>>
          tpu.wait_indirect_dma semaphore(%arg21 : memref<!tpu.dma_semaphore, #tpu.memory_space<semaphore_mem>>) src(%dma_wait3A_1268 : memref<16777216xf32, #tpu.memory_space<hbm>>) dst(%dma_wait3A_1264 : memref<128xf32, #tpu.memory_space<vmem>>)
          %dma_wait3A_1269 = arith.constant 6784 : i32
          %dma_wait3A_1270 = tpu.memref_slice %arg14[%dma_wait3A_1269] : memref<16384xf32, #tpu.memory_space<vmem>> -> memref<128xf32, #tpu.memory_space<vmem>>
          %dma_wait3A_1271 = arith.constant 6784 : i32
          %dma_wait3A_1272 = tpu.memref_slice %arg12[%dma_wait3A_1271] : memref<16384xi32, #tpu.memory_space<vmem>> -> memref<128xi32, #tpu.memory_space<vmem>>
          %dma_wait3A_1273 = arith.constant 0 : i32
          %dma_wait3A_1274 = tpu.memref_slice %arg5[%dma_wait3A_1273] : memref<16777216xf32, #tpu.memory_space<hbm>> -> memref<16777216xf32, #tpu.memory_space<hbm>>
          tpu.wait_indirect_dma semaphore(%arg21 : memref<!tpu.dma_semaphore, #tpu.memory_space<semaphore_mem>>) src(%dma_wait3A_1274 : memref<16777216xf32, #tpu.memory_space<hbm>>) dst(%dma_wait3A_1270 : memref<128xf32, #tpu.memory_space<vmem>>)
          %dma_wait3A_1275 = arith.constant 6912 : i32
          %dma_wait3A_1276 = tpu.memref_slice %arg14[%dma_wait3A_1275] : memref<16384xf32, #tpu.memory_space<vmem>> -> memref<128xf32, #tpu.memory_space<vmem>>
          %dma_wait3A_1277 = arith.constant 6912 : i32
          %dma_wait3A_1278 = tpu.memref_slice %arg12[%dma_wait3A_1277] : memref<16384xi32, #tpu.memory_space<vmem>> -> memref<128xi32, #tpu.memory_space<vmem>>
          %dma_wait3A_1279 = arith.constant 0 : i32
          %dma_wait3A_1280 = tpu.memref_slice %arg5[%dma_wait3A_1279] : memref<16777216xf32, #tpu.memory_space<hbm>> -> memref<16777216xf32, #tpu.memory_space<hbm>>
          tpu.wait_indirect_dma semaphore(%arg21 : memref<!tpu.dma_semaphore, #tpu.memory_space<semaphore_mem>>) src(%dma_wait3A_1280 : memref<16777216xf32, #tpu.memory_space<hbm>>) dst(%dma_wait3A_1276 : memref<128xf32, #tpu.memory_space<vmem>>)
          %dma_wait3A_1281 = arith.constant 7040 : i32
          %dma_wait3A_1282 = tpu.memref_slice %arg14[%dma_wait3A_1281] : memref<16384xf32, #tpu.memory_space<vmem>> -> memref<128xf32, #tpu.memory_space<vmem>>
          %dma_wait3A_1283 = arith.constant 7040 : i32
          %dma_wait3A_1284 = tpu.memref_slice %arg12[%dma_wait3A_1283] : memref<16384xi32, #tpu.memory_space<vmem>> -> memref<128xi32, #tpu.memory_space<vmem>>
          %dma_wait3A_1285 = arith.constant 0 : i32
          %dma_wait3A_1286 = tpu.memref_slice %arg5[%dma_wait3A_1285] : memref<16777216xf32, #tpu.memory_space<hbm>> -> memref<16777216xf32, #tpu.memory_space<hbm>>
          tpu.wait_indirect_dma semaphore(%arg21 : memref<!tpu.dma_semaphore, #tpu.memory_space<semaphore_mem>>) src(%dma_wait3A_1286 : memref<16777216xf32, #tpu.memory_space<hbm>>) dst(%dma_wait3A_1282 : memref<128xf32, #tpu.memory_space<vmem>>)
          %dma_wait3A_1287 = arith.constant 7168 : i32
          %dma_wait3A_1288 = tpu.memref_slice %arg14[%dma_wait3A_1287] : memref<16384xf32, #tpu.memory_space<vmem>> -> memref<128xf32, #tpu.memory_space<vmem>>
          %dma_wait3A_1289 = arith.constant 7168 : i32
          %dma_wait3A_1290 = tpu.memref_slice %arg12[%dma_wait3A_1289] : memref<16384xi32, #tpu.memory_space<vmem>> -> memref<128xi32, #tpu.memory_space<vmem>>
          %dma_wait3A_1291 = arith.constant 0 : i32
          %dma_wait3A_1292 = tpu.memref_slice %arg5[%dma_wait3A_1291] : memref<16777216xf32, #tpu.memory_space<hbm>> -> memref<16777216xf32, #tpu.memory_space<hbm>>
          tpu.wait_indirect_dma semaphore(%arg21 : memref<!tpu.dma_semaphore, #tpu.memory_space<semaphore_mem>>) src(%dma_wait3A_1292 : memref<16777216xf32, #tpu.memory_space<hbm>>) dst(%dma_wait3A_1288 : memref<128xf32, #tpu.memory_space<vmem>>)
          %dma_wait3A_1293 = arith.constant 7296 : i32
          %dma_wait3A_1294 = tpu.memref_slice %arg14[%dma_wait3A_1293] : memref<16384xf32, #tpu.memory_space<vmem>> -> memref<128xf32, #tpu.memory_space<vmem>>
          %dma_wait3A_1295 = arith.constant 7296 : i32
          %dma_wait3A_1296 = tpu.memref_slice %arg12[%dma_wait3A_1295] : memref<16384xi32, #tpu.memory_space<vmem>> -> memref<128xi32, #tpu.memory_space<vmem>>
          %dma_wait3A_1297 = arith.constant 0 : i32
          %dma_wait3A_1298 = tpu.memref_slice %arg5[%dma_wait3A_1297] : memref<16777216xf32, #tpu.memory_space<hbm>> -> memref<16777216xf32, #tpu.memory_space<hbm>>
          tpu.wait_indirect_dma semaphore(%arg21 : memref<!tpu.dma_semaphore, #tpu.memory_space<semaphore_mem>>) src(%dma_wait3A_1298 : memref<16777216xf32, #tpu.memory_space<hbm>>) dst(%dma_wait3A_1294 : memref<128xf32, #tpu.memory_space<vmem>>)
          %dma_wait3A_1299 = arith.constant 7424 : i32
          %dma_wait3A_1300 = tpu.memref_slice %arg14[%dma_wait3A_1299] : memref<16384xf32, #tpu.memory_space<vmem>> -> memref<128xf32, #tpu.memory_space<vmem>>
          %dma_wait3A_1301 = arith.constant 7424 : i32
          %dma_wait3A_1302 = tpu.memref_slice %arg12[%dma_wait3A_1301] : memref<16384xi32, #tpu.memory_space<vmem>> -> memref<128xi32, #tpu.memory_space<vmem>>
          %dma_wait3A_1303 = arith.constant 0 : i32
          %dma_wait3A_1304 = tpu.memref_slice %arg5[%dma_wait3A_1303] : memref<16777216xf32, #tpu.memory_space<hbm>> -> memref<16777216xf32, #tpu.memory_space<hbm>>
          tpu.wait_indirect_dma semaphore(%arg21 : memref<!tpu.dma_semaphore, #tpu.memory_space<semaphore_mem>>) src(%dma_wait3A_1304 : memref<16777216xf32, #tpu.memory_space<hbm>>) dst(%dma_wait3A_1300 : memref<128xf32, #tpu.memory_space<vmem>>)
          %dma_wait3A_1305 = arith.constant 7552 : i32
          %dma_wait3A_1306 = tpu.memref_slice %arg14[%dma_wait3A_1305] : memref<16384xf32, #tpu.memory_space<vmem>> -> memref<128xf32, #tpu.memory_space<vmem>>
          %dma_wait3A_1307 = arith.constant 7552 : i32
          %dma_wait3A_1308 = tpu.memref_slice %arg12[%dma_wait3A_1307] : memref<16384xi32, #tpu.memory_space<vmem>> -> memref<128xi32, #tpu.memory_space<vmem>>
          %dma_wait3A_1309 = arith.constant 0 : i32
          %dma_wait3A_1310 = tpu.memref_slice %arg5[%dma_wait3A_1309] : memref<16777216xf32, #tpu.memory_space<hbm>> -> memref<16777216xf32, #tpu.memory_space<hbm>>
          tpu.wait_indirect_dma semaphore(%arg21 : memref<!tpu.dma_semaphore, #tpu.memory_space<semaphore_mem>>) src(%dma_wait3A_1310 : memref<16777216xf32, #tpu.memory_space<hbm>>) dst(%dma_wait3A_1306 : memref<128xf32, #tpu.memory_space<vmem>>)
          %dma_wait3A_1311 = arith.constant 7680 : i32
          %dma_wait3A_1312 = tpu.memref_slice %arg14[%dma_wait3A_1311] : memref<16384xf32, #tpu.memory_space<vmem>> -> memref<128xf32, #tpu.memory_space<vmem>>
          %dma_wait3A_1313 = arith.constant 7680 : i32
          %dma_wait3A_1314 = tpu.memref_slice %arg12[%dma_wait3A_1313] : memref<16384xi32, #tpu.memory_space<vmem>> -> memref<128xi32, #tpu.memory_space<vmem>>
          %dma_wait3A_1315 = arith.constant 0 : i32
          %dma_wait3A_1316 = tpu.memref_slice %arg5[%dma_wait3A_1315] : memref<16777216xf32, #tpu.memory_space<hbm>> -> memref<16777216xf32, #tpu.memory_space<hbm>>
          tpu.wait_indirect_dma semaphore(%arg21 : memref<!tpu.dma_semaphore, #tpu.memory_space<semaphore_mem>>) src(%dma_wait3A_1316 : memref<16777216xf32, #tpu.memory_space<hbm>>) dst(%dma_wait3A_1312 : memref<128xf32, #tpu.memory_space<vmem>>)
          %dma_wait3A_1317 = arith.constant 7808 : i32
          %dma_wait3A_1318 = tpu.memref_slice %arg14[%dma_wait3A_1317] : memref<16384xf32, #tpu.memory_space<vmem>> -> memref<128xf32, #tpu.memory_space<vmem>>
          %dma_wait3A_1319 = arith.constant 7808 : i32
          %dma_wait3A_1320 = tpu.memref_slice %arg12[%dma_wait3A_1319] : memref<16384xi32, #tpu.memory_space<vmem>> -> memref<128xi32, #tpu.memory_space<vmem>>
          %dma_wait3A_1321 = arith.constant 0 : i32
          %dma_wait3A_1322 = tpu.memref_slice %arg5[%dma_wait3A_1321] : memref<16777216xf32, #tpu.memory_space<hbm>> -> memref<16777216xf32, #tpu.memory_space<hbm>>
          tpu.wait_indirect_dma semaphore(%arg21 : memref<!tpu.dma_semaphore, #tpu.memory_space<semaphore_mem>>) src(%dma_wait3A_1322 : memref<16777216xf32, #tpu.memory_space<hbm>>) dst(%dma_wait3A_1318 : memref<128xf32, #tpu.memory_space<vmem>>)
          %dma_wait3A_1323 = arith.constant 7936 : i32
          %dma_wait3A_1324 = tpu.memref_slice %arg14[%dma_wait3A_1323] : memref<16384xf32, #tpu.memory_space<vmem>> -> memref<128xf32, #tpu.memory_space<vmem>>
          %dma_wait3A_1325 = arith.constant 7936 : i32
          %dma_wait3A_1326 = tpu.memref_slice %arg12[%dma_wait3A_1325] : memref<16384xi32, #tpu.memory_space<vmem>> -> memref<128xi32, #tpu.memory_space<vmem>>
          %dma_wait3A_1327 = arith.constant 0 : i32
          %dma_wait3A_1328 = tpu.memref_slice %arg5[%dma_wait3A_1327] : memref<16777216xf32, #tpu.memory_space<hbm>> -> memref<16777216xf32, #tpu.memory_space<hbm>>
          tpu.wait_indirect_dma semaphore(%arg21 : memref<!tpu.dma_semaphore, #tpu.memory_space<semaphore_mem>>) src(%dma_wait3A_1328 : memref<16777216xf32, #tpu.memory_space<hbm>>) dst(%dma_wait3A_1324 : memref<128xf32, #tpu.memory_space<vmem>>)
          %dma_wait3A_1329 = arith.constant 8064 : i32
          %dma_wait3A_1330 = tpu.memref_slice %arg14[%dma_wait3A_1329] : memref<16384xf32, #tpu.memory_space<vmem>> -> memref<128xf32, #tpu.memory_space<vmem>>
          %dma_wait3A_1331 = arith.constant 8064 : i32
          %dma_wait3A_1332 = tpu.memref_slice %arg12[%dma_wait3A_1331] : memref<16384xi32, #tpu.memory_space<vmem>> -> memref<128xi32, #tpu.memory_space<vmem>>
          %dma_wait3A_1333 = arith.constant 0 : i32
          %dma_wait3A_1334 = tpu.memref_slice %arg5[%dma_wait3A_1333] : memref<16777216xf32, #tpu.memory_space<hbm>> -> memref<16777216xf32, #tpu.memory_space<hbm>>
          tpu.wait_indirect_dma semaphore(%arg21 : memref<!tpu.dma_semaphore, #tpu.memory_space<semaphore_mem>>) src(%dma_wait3A_1334 : memref<16777216xf32, #tpu.memory_space<hbm>>) dst(%dma_wait3A_1330 : memref<128xf32, #tpu.memory_space<vmem>>)
          %dma_wait3A_1335 = arith.constant 8192 : i32
          %dma_wait3A_1336 = tpu.memref_slice %arg14[%dma_wait3A_1335] : memref<16384xf32, #tpu.memory_space<vmem>> -> memref<128xf32, #tpu.memory_space<vmem>>
          %dma_wait3A_1337 = arith.constant 8192 : i32
          %dma_wait3A_1338 = tpu.memref_slice %arg12[%dma_wait3A_1337] : memref<16384xi32, #tpu.memory_space<vmem>> -> memref<128xi32, #tpu.memory_space<vmem>>
          %dma_wait3A_1339 = arith.constant 0 : i32
          %dma_wait3A_1340 = tpu.memref_slice %arg5[%dma_wait3A_1339] : memref<16777216xf32, #tpu.memory_space<hbm>> -> memref<16777216xf32, #tpu.memory_space<hbm>>
          tpu.wait_indirect_dma semaphore(%arg21 : memref<!tpu.dma_semaphore, #tpu.memory_space<semaphore_mem>>) src(%dma_wait3A_1340 : memref<16777216xf32, #tpu.memory_space<hbm>>) dst(%dma_wait3A_1336 : memref<128xf32, #tpu.memory_space<vmem>>)
          %dma_wait3A_1341 = arith.constant 8320 : i32
          %dma_wait3A_1342 = tpu.memref_slice %arg14[%dma_wait3A_1341] : memref<16384xf32, #tpu.memory_space<vmem>> -> memref<128xf32, #tpu.memory_space<vmem>>
          %dma_wait3A_1343 = arith.constant 8320 : i32
          %dma_wait3A_1344 = tpu.memref_slice %arg12[%dma_wait3A_1343] : memref<16384xi32, #tpu.memory_space<vmem>> -> memref<128xi32, #tpu.memory_space<vmem>>
          %dma_wait3A_1345 = arith.constant 0 : i32
          %dma_wait3A_1346 = tpu.memref_slice %arg5[%dma_wait3A_1345] : memref<16777216xf32, #tpu.memory_space<hbm>> -> memref<16777216xf32, #tpu.memory_space<hbm>>
          tpu.wait_indirect_dma semaphore(%arg21 : memref<!tpu.dma_semaphore, #tpu.memory_space<semaphore_mem>>) src(%dma_wait3A_1346 : memref<16777216xf32, #tpu.memory_space<hbm>>) dst(%dma_wait3A_1342 : memref<128xf32, #tpu.memory_space<vmem>>)
          %dma_wait3A_1347 = arith.constant 8448 : i32
          %dma_wait3A_1348 = tpu.memref_slice %arg14[%dma_wait3A_1347] : memref<16384xf32, #tpu.memory_space<vmem>> -> memref<128xf32, #tpu.memory_space<vmem>>
          %dma_wait3A_1349 = arith.constant 8448 : i32
          %dma_wait3A_1350 = tpu.memref_slice %arg12[%dma_wait3A_1349] : memref<16384xi32, #tpu.memory_space<vmem>> -> memref<128xi32, #tpu.memory_space<vmem>>
          %dma_wait3A_1351 = arith.constant 0 : i32
          %dma_wait3A_1352 = tpu.memref_slice %arg5[%dma_wait3A_1351] : memref<16777216xf32, #tpu.memory_space<hbm>> -> memref<16777216xf32, #tpu.memory_space<hbm>>
          tpu.wait_indirect_dma semaphore(%arg21 : memref<!tpu.dma_semaphore, #tpu.memory_space<semaphore_mem>>) src(%dma_wait3A_1352 : memref<16777216xf32, #tpu.memory_space<hbm>>) dst(%dma_wait3A_1348 : memref<128xf32, #tpu.memory_space<vmem>>)
          %dma_wait3A_1353 = arith.constant 8576 : i32
          %dma_wait3A_1354 = tpu.memref_slice %arg14[%dma_wait3A_1353] : memref<16384xf32, #tpu.memory_space<vmem>> -> memref<128xf32, #tpu.memory_space<vmem>>
          %dma_wait3A_1355 = arith.constant 8576 : i32
          %dma_wait3A_1356 = tpu.memref_slice %arg12[%dma_wait3A_1355] : memref<16384xi32, #tpu.memory_space<vmem>> -> memref<128xi32, #tpu.memory_space<vmem>>
          %dma_wait3A_1357 = arith.constant 0 : i32
          %dma_wait3A_1358 = tpu.memref_slice %arg5[%dma_wait3A_1357] : memref<16777216xf32, #tpu.memory_space<hbm>> -> memref<16777216xf32, #tpu.memory_space<hbm>>
          tpu.wait_indirect_dma semaphore(%arg21 : memref<!tpu.dma_semaphore, #tpu.memory_space<semaphore_mem>>) src(%dma_wait3A_1358 : memref<16777216xf32, #tpu.memory_space<hbm>>) dst(%dma_wait3A_1354 : memref<128xf32, #tpu.memory_space<vmem>>)
          %dma_wait3A_1359 = arith.constant 8704 : i32
          %dma_wait3A_1360 = tpu.memref_slice %arg14[%dma_wait3A_1359] : memref<16384xf32, #tpu.memory_space<vmem>> -> memref<128xf32, #tpu.memory_space<vmem>>
          %dma_wait3A_1361 = arith.constant 8704 : i32
          %dma_wait3A_1362 = tpu.memref_slice %arg12[%dma_wait3A_1361] : memref<16384xi32, #tpu.memory_space<vmem>> -> memref<128xi32, #tpu.memory_space<vmem>>
          %dma_wait3A_1363 = arith.constant 0 : i32
          %dma_wait3A_1364 = tpu.memref_slice %arg5[%dma_wait3A_1363] : memref<16777216xf32, #tpu.memory_space<hbm>> -> memref<16777216xf32, #tpu.memory_space<hbm>>
          tpu.wait_indirect_dma semaphore(%arg21 : memref<!tpu.dma_semaphore, #tpu.memory_space<semaphore_mem>>) src(%dma_wait3A_1364 : memref<16777216xf32, #tpu.memory_space<hbm>>) dst(%dma_wait3A_1360 : memref<128xf32, #tpu.memory_space<vmem>>)
          %dma_wait3A_1365 = arith.constant 8832 : i32
          %dma_wait3A_1366 = tpu.memref_slice %arg14[%dma_wait3A_1365] : memref<16384xf32, #tpu.memory_space<vmem>> -> memref<128xf32, #tpu.memory_space<vmem>>
          %dma_wait3A_1367 = arith.constant 8832 : i32
          %dma_wait3A_1368 = tpu.memref_slice %arg12[%dma_wait3A_1367] : memref<16384xi32, #tpu.memory_space<vmem>> -> memref<128xi32, #tpu.memory_space<vmem>>
          %dma_wait3A_1369 = arith.constant 0 : i32
          %dma_wait3A_1370 = tpu.memref_slice %arg5[%dma_wait3A_1369] : memref<16777216xf32, #tpu.memory_space<hbm>> -> memref<16777216xf32, #tpu.memory_space<hbm>>
          tpu.wait_indirect_dma semaphore(%arg21 : memref<!tpu.dma_semaphore, #tpu.memory_space<semaphore_mem>>) src(%dma_wait3A_1370 : memref<16777216xf32, #tpu.memory_space<hbm>>) dst(%dma_wait3A_1366 : memref<128xf32, #tpu.memory_space<vmem>>)
          %dma_wait3A_1371 = arith.constant 8960 : i32
          %dma_wait3A_1372 = tpu.memref_slice %arg14[%dma_wait3A_1371] : memref<16384xf32, #tpu.memory_space<vmem>> -> memref<128xf32, #tpu.memory_space<vmem>>
          %dma_wait3A_1373 = arith.constant 8960 : i32
          %dma_wait3A_1374 = tpu.memref_slice %arg12[%dma_wait3A_1373] : memref<16384xi32, #tpu.memory_space<vmem>> -> memref<128xi32, #tpu.memory_space<vmem>>
          %dma_wait3A_1375 = arith.constant 0 : i32
          %dma_wait3A_1376 = tpu.memref_slice %arg5[%dma_wait3A_1375] : memref<16777216xf32, #tpu.memory_space<hbm>> -> memref<16777216xf32, #tpu.memory_space<hbm>>
          tpu.wait_indirect_dma semaphore(%arg21 : memref<!tpu.dma_semaphore, #tpu.memory_space<semaphore_mem>>) src(%dma_wait3A_1376 : memref<16777216xf32, #tpu.memory_space<hbm>>) dst(%dma_wait3A_1372 : memref<128xf32, #tpu.memory_space<vmem>>)
          %dma_wait3A_1377 = arith.constant 9088 : i32
          %dma_wait3A_1378 = tpu.memref_slice %arg14[%dma_wait3A_1377] : memref<16384xf32, #tpu.memory_space<vmem>> -> memref<128xf32, #tpu.memory_space<vmem>>
          %dma_wait3A_1379 = arith.constant 9088 : i32
          %dma_wait3A_1380 = tpu.memref_slice %arg12[%dma_wait3A_1379] : memref<16384xi32, #tpu.memory_space<vmem>> -> memref<128xi32, #tpu.memory_space<vmem>>
          %dma_wait3A_1381 = arith.constant 0 : i32
          %dma_wait3A_1382 = tpu.memref_slice %arg5[%dma_wait3A_1381] : memref<16777216xf32, #tpu.memory_space<hbm>> -> memref<16777216xf32, #tpu.memory_space<hbm>>
          tpu.wait_indirect_dma semaphore(%arg21 : memref<!tpu.dma_semaphore, #tpu.memory_space<semaphore_mem>>) src(%dma_wait3A_1382 : memref<16777216xf32, #tpu.memory_space<hbm>>) dst(%dma_wait3A_1378 : memref<128xf32, #tpu.memory_space<vmem>>)
          %dma_wait3A_1383 = arith.constant 9216 : i32
          %dma_wait3A_1384 = tpu.memref_slice %arg14[%dma_wait3A_1383] : memref<16384xf32, #tpu.memory_space<vmem>> -> memref<128xf32, #tpu.memory_space<vmem>>
          %dma_wait3A_1385 = arith.constant 9216 : i32
          %dma_wait3A_1386 = tpu.memref_slice %arg12[%dma_wait3A_1385] : memref<16384xi32, #tpu.memory_space<vmem>> -> memref<128xi32, #tpu.memory_space<vmem>>
          %dma_wait3A_1387 = arith.constant 0 : i32
          %dma_wait3A_1388 = tpu.memref_slice %arg5[%dma_wait3A_1387] : memref<16777216xf32, #tpu.memory_space<hbm>> -> memref<16777216xf32, #tpu.memory_space<hbm>>
          tpu.wait_indirect_dma semaphore(%arg21 : memref<!tpu.dma_semaphore, #tpu.memory_space<semaphore_mem>>) src(%dma_wait3A_1388 : memref<16777216xf32, #tpu.memory_space<hbm>>) dst(%dma_wait3A_1384 : memref<128xf32, #tpu.memory_space<vmem>>)
          %dma_wait3A_1389 = arith.constant 9344 : i32
          %dma_wait3A_1390 = tpu.memref_slice %arg14[%dma_wait3A_1389] : memref<16384xf32, #tpu.memory_space<vmem>> -> memref<128xf32, #tpu.memory_space<vmem>>
          %dma_wait3A_1391 = arith.constant 9344 : i32
          %dma_wait3A_1392 = tpu.memref_slice %arg12[%dma_wait3A_1391] : memref<16384xi32, #tpu.memory_space<vmem>> -> memref<128xi32, #tpu.memory_space<vmem>>
          %dma_wait3A_1393 = arith.constant 0 : i32
          %dma_wait3A_1394 = tpu.memref_slice %arg5[%dma_wait3A_1393] : memref<16777216xf32, #tpu.memory_space<hbm>> -> memref<16777216xf32, #tpu.memory_space<hbm>>
          tpu.wait_indirect_dma semaphore(%arg21 : memref<!tpu.dma_semaphore, #tpu.memory_space<semaphore_mem>>) src(%dma_wait3A_1394 : memref<16777216xf32, #tpu.memory_space<hbm>>) dst(%dma_wait3A_1390 : memref<128xf32, #tpu.memory_space<vmem>>)
          %dma_wait3A_1395 = arith.constant 9472 : i32
          %dma_wait3A_1396 = tpu.memref_slice %arg14[%dma_wait3A_1395] : memref<16384xf32, #tpu.memory_space<vmem>> -> memref<128xf32, #tpu.memory_space<vmem>>
          %dma_wait3A_1397 = arith.constant 9472 : i32
          %dma_wait3A_1398 = tpu.memref_slice %arg12[%dma_wait3A_1397] : memref<16384xi32, #tpu.memory_space<vmem>> -> memref<128xi32, #tpu.memory_space<vmem>>
          %dma_wait3A_1399 = arith.constant 0 : i32
          %dma_wait3A_1400 = tpu.memref_slice %arg5[%dma_wait3A_1399] : memref<16777216xf32, #tpu.memory_space<hbm>> -> memref<16777216xf32, #tpu.memory_space<hbm>>
          tpu.wait_indirect_dma semaphore(%arg21 : memref<!tpu.dma_semaphore, #tpu.memory_space<semaphore_mem>>) src(%dma_wait3A_1400 : memref<16777216xf32, #tpu.memory_space<hbm>>) dst(%dma_wait3A_1396 : memref<128xf32, #tpu.memory_space<vmem>>)
          %dma_wait3A_1401 = arith.constant 9600 : i32
          %dma_wait3A_1402 = tpu.memref_slice %arg14[%dma_wait3A_1401] : memref<16384xf32, #tpu.memory_space<vmem>> -> memref<128xf32, #tpu.memory_space<vmem>>
          %dma_wait3A_1403 = arith.constant 9600 : i32
          %dma_wait3A_1404 = tpu.memref_slice %arg12[%dma_wait3A_1403] : memref<16384xi32, #tpu.memory_space<vmem>> -> memref<128xi32, #tpu.memory_space<vmem>>
          %dma_wait3A_1405 = arith.constant 0 : i32
          %dma_wait3A_1406 = tpu.memref_slice %arg5[%dma_wait3A_1405] : memref<16777216xf32, #tpu.memory_space<hbm>> -> memref<16777216xf32, #tpu.memory_space<hbm>>
          tpu.wait_indirect_dma semaphore(%arg21 : memref<!tpu.dma_semaphore, #tpu.memory_space<semaphore_mem>>) src(%dma_wait3A_1406 : memref<16777216xf32, #tpu.memory_space<hbm>>) dst(%dma_wait3A_1402 : memref<128xf32, #tpu.memory_space<vmem>>)
          %dma_wait3A_1407 = arith.constant 9728 : i32
          %dma_wait3A_1408 = tpu.memref_slice %arg14[%dma_wait3A_1407] : memref<16384xf32, #tpu.memory_space<vmem>> -> memref<128xf32, #tpu.memory_space<vmem>>
          %dma_wait3A_1409 = arith.constant 9728 : i32
          %dma_wait3A_1410 = tpu.memref_slice %arg12[%dma_wait3A_1409] : memref<16384xi32, #tpu.memory_space<vmem>> -> memref<128xi32, #tpu.memory_space<vmem>>
          %dma_wait3A_1411 = arith.constant 0 : i32
          %dma_wait3A_1412 = tpu.memref_slice %arg5[%dma_wait3A_1411] : memref<16777216xf32, #tpu.memory_space<hbm>> -> memref<16777216xf32, #tpu.memory_space<hbm>>
          tpu.wait_indirect_dma semaphore(%arg21 : memref<!tpu.dma_semaphore, #tpu.memory_space<semaphore_mem>>) src(%dma_wait3A_1412 : memref<16777216xf32, #tpu.memory_space<hbm>>) dst(%dma_wait3A_1408 : memref<128xf32, #tpu.memory_space<vmem>>)
          %dma_wait3A_1413 = arith.constant 9856 : i32
          %dma_wait3A_1414 = tpu.memref_slice %arg14[%dma_wait3A_1413] : memref<16384xf32, #tpu.memory_space<vmem>> -> memref<128xf32, #tpu.memory_space<vmem>>
          %dma_wait3A_1415 = arith.constant 9856 : i32
          %dma_wait3A_1416 = tpu.memref_slice %arg12[%dma_wait3A_1415] : memref<16384xi32, #tpu.memory_space<vmem>> -> memref<128xi32, #tpu.memory_space<vmem>>
          %dma_wait3A_1417 = arith.constant 0 : i32
          %dma_wait3A_1418 = tpu.memref_slice %arg5[%dma_wait3A_1417] : memref<16777216xf32, #tpu.memory_space<hbm>> -> memref<16777216xf32, #tpu.memory_space<hbm>>
          tpu.wait_indirect_dma semaphore(%arg21 : memref<!tpu.dma_semaphore, #tpu.memory_space<semaphore_mem>>) src(%dma_wait3A_1418 : memref<16777216xf32, #tpu.memory_space<hbm>>) dst(%dma_wait3A_1414 : memref<128xf32, #tpu.memory_space<vmem>>)
          %dma_wait3A_1419 = arith.constant 9984 : i32
          %dma_wait3A_1420 = tpu.memref_slice %arg14[%dma_wait3A_1419] : memref<16384xf32, #tpu.memory_space<vmem>> -> memref<128xf32, #tpu.memory_space<vmem>>
          %dma_wait3A_1421 = arith.constant 9984 : i32
          %dma_wait3A_1422 = tpu.memref_slice %arg12[%dma_wait3A_1421] : memref<16384xi32, #tpu.memory_space<vmem>> -> memref<128xi32, #tpu.memory_space<vmem>>
          %dma_wait3A_1423 = arith.constant 0 : i32
          %dma_wait3A_1424 = tpu.memref_slice %arg5[%dma_wait3A_1423] : memref<16777216xf32, #tpu.memory_space<hbm>> -> memref<16777216xf32, #tpu.memory_space<hbm>>
          tpu.wait_indirect_dma semaphore(%arg21 : memref<!tpu.dma_semaphore, #tpu.memory_space<semaphore_mem>>) src(%dma_wait3A_1424 : memref<16777216xf32, #tpu.memory_space<hbm>>) dst(%dma_wait3A_1420 : memref<128xf32, #tpu.memory_space<vmem>>)
          %dma_wait3A_1425 = arith.constant 10112 : i32
          %dma_wait3A_1426 = tpu.memref_slice %arg14[%dma_wait3A_1425] : memref<16384xf32, #tpu.memory_space<vmem>> -> memref<128xf32, #tpu.memory_space<vmem>>
          %dma_wait3A_1427 = arith.constant 10112 : i32
          %dma_wait3A_1428 = tpu.memref_slice %arg12[%dma_wait3A_1427] : memref<16384xi32, #tpu.memory_space<vmem>> -> memref<128xi32, #tpu.memory_space<vmem>>
          %dma_wait3A_1429 = arith.constant 0 : i32
          %dma_wait3A_1430 = tpu.memref_slice %arg5[%dma_wait3A_1429] : memref<16777216xf32, #tpu.memory_space<hbm>> -> memref<16777216xf32, #tpu.memory_space<hbm>>
          tpu.wait_indirect_dma semaphore(%arg21 : memref<!tpu.dma_semaphore, #tpu.memory_space<semaphore_mem>>) src(%dma_wait3A_1430 : memref<16777216xf32, #tpu.memory_space<hbm>>) dst(%dma_wait3A_1426 : memref<128xf32, #tpu.memory_space<vmem>>)
          %dma_wait3A_1431 = arith.constant 10240 : i32
          %dma_wait3A_1432 = tpu.memref_slice %arg14[%dma_wait3A_1431] : memref<16384xf32, #tpu.memory_space<vmem>> -> memref<128xf32, #tpu.memory_space<vmem>>
          %dma_wait3A_1433 = arith.constant 10240 : i32
          %dma_wait3A_1434 = tpu.memref_slice %arg12[%dma_wait3A_1433] : memref<16384xi32, #tpu.memory_space<vmem>> -> memref<128xi32, #tpu.memory_space<vmem>>
          %dma_wait3A_1435 = arith.constant 0 : i32
          %dma_wait3A_1436 = tpu.memref_slice %arg5[%dma_wait3A_1435] : memref<16777216xf32, #tpu.memory_space<hbm>> -> memref<16777216xf32, #tpu.memory_space<hbm>>
          tpu.wait_indirect_dma semaphore(%arg21 : memref<!tpu.dma_semaphore, #tpu.memory_space<semaphore_mem>>) src(%dma_wait3A_1436 : memref<16777216xf32, #tpu.memory_space<hbm>>) dst(%dma_wait3A_1432 : memref<128xf32, #tpu.memory_space<vmem>>)
          %dma_wait3A_1437 = arith.constant 10368 : i32
          %dma_wait3A_1438 = tpu.memref_slice %arg14[%dma_wait3A_1437] : memref<16384xf32, #tpu.memory_space<vmem>> -> memref<128xf32, #tpu.memory_space<vmem>>
          %dma_wait3A_1439 = arith.constant 10368 : i32
          %dma_wait3A_1440 = tpu.memref_slice %arg12[%dma_wait3A_1439] : memref<16384xi32, #tpu.memory_space<vmem>> -> memref<128xi32, #tpu.memory_space<vmem>>
          %dma_wait3A_1441 = arith.constant 0 : i32
          %dma_wait3A_1442 = tpu.memref_slice %arg5[%dma_wait3A_1441] : memref<16777216xf32, #tpu.memory_space<hbm>> -> memref<16777216xf32, #tpu.memory_space<hbm>>
          tpu.wait_indirect_dma semaphore(%arg21 : memref<!tpu.dma_semaphore, #tpu.memory_space<semaphore_mem>>) src(%dma_wait3A_1442 : memref<16777216xf32, #tpu.memory_space<hbm>>) dst(%dma_wait3A_1438 : memref<128xf32, #tpu.memory_space<vmem>>)
          %dma_wait3A_1443 = arith.constant 10496 : i32
          %dma_wait3A_1444 = tpu.memref_slice %arg14[%dma_wait3A_1443] : memref<16384xf32, #tpu.memory_space<vmem>> -> memref<128xf32, #tpu.memory_space<vmem>>
          %dma_wait3A_1445 = arith.constant 10496 : i32
          %dma_wait3A_1446 = tpu.memref_slice %arg12[%dma_wait3A_1445] : memref<16384xi32, #tpu.memory_space<vmem>> -> memref<128xi32, #tpu.memory_space<vmem>>
          %dma_wait3A_1447 = arith.constant 0 : i32
          %dma_wait3A_1448 = tpu.memref_slice %arg5[%dma_wait3A_1447] : memref<16777216xf32, #tpu.memory_space<hbm>> -> memref<16777216xf32, #tpu.memory_space<hbm>>
          tpu.wait_indirect_dma semaphore(%arg21 : memref<!tpu.dma_semaphore, #tpu.memory_space<semaphore_mem>>) src(%dma_wait3A_1448 : memref<16777216xf32, #tpu.memory_space<hbm>>) dst(%dma_wait3A_1444 : memref<128xf32, #tpu.memory_space<vmem>>)
          %dma_wait3A_1449 = arith.constant 10624 : i32
          %dma_wait3A_1450 = tpu.memref_slice %arg14[%dma_wait3A_1449] : memref<16384xf32, #tpu.memory_space<vmem>> -> memref<128xf32, #tpu.memory_space<vmem>>
          %dma_wait3A_1451 = arith.constant 10624 : i32
          %dma_wait3A_1452 = tpu.memref_slice %arg12[%dma_wait3A_1451] : memref<16384xi32, #tpu.memory_space<vmem>> -> memref<128xi32, #tpu.memory_space<vmem>>
          %dma_wait3A_1453 = arith.constant 0 : i32
          %dma_wait3A_1454 = tpu.memref_slice %arg5[%dma_wait3A_1453] : memref<16777216xf32, #tpu.memory_space<hbm>> -> memref<16777216xf32, #tpu.memory_space<hbm>>
          tpu.wait_indirect_dma semaphore(%arg21 : memref<!tpu.dma_semaphore, #tpu.memory_space<semaphore_mem>>) src(%dma_wait3A_1454 : memref<16777216xf32, #tpu.memory_space<hbm>>) dst(%dma_wait3A_1450 : memref<128xf32, #tpu.memory_space<vmem>>)
          %dma_wait3A_1455 = arith.constant 10752 : i32
          %dma_wait3A_1456 = tpu.memref_slice %arg14[%dma_wait3A_1455] : memref<16384xf32, #tpu.memory_space<vmem>> -> memref<128xf32, #tpu.memory_space<vmem>>
          %dma_wait3A_1457 = arith.constant 10752 : i32
          %dma_wait3A_1458 = tpu.memref_slice %arg12[%dma_wait3A_1457] : memref<16384xi32, #tpu.memory_space<vmem>> -> memref<128xi32, #tpu.memory_space<vmem>>
          %dma_wait3A_1459 = arith.constant 0 : i32
          %dma_wait3A_1460 = tpu.memref_slice %arg5[%dma_wait3A_1459] : memref<16777216xf32, #tpu.memory_space<hbm>> -> memref<16777216xf32, #tpu.memory_space<hbm>>
          tpu.wait_indirect_dma semaphore(%arg21 : memref<!tpu.dma_semaphore, #tpu.memory_space<semaphore_mem>>) src(%dma_wait3A_1460 : memref<16777216xf32, #tpu.memory_space<hbm>>) dst(%dma_wait3A_1456 : memref<128xf32, #tpu.memory_space<vmem>>)
          %dma_wait3A_1461 = arith.constant 10880 : i32
          %dma_wait3A_1462 = tpu.memref_slice %arg14[%dma_wait3A_1461] : memref<16384xf32, #tpu.memory_space<vmem>> -> memref<128xf32, #tpu.memory_space<vmem>>
          %dma_wait3A_1463 = arith.constant 10880 : i32
          %dma_wait3A_1464 = tpu.memref_slice %arg12[%dma_wait3A_1463] : memref<16384xi32, #tpu.memory_space<vmem>> -> memref<128xi32, #tpu.memory_space<vmem>>
          %dma_wait3A_1465 = arith.constant 0 : i32
          %dma_wait3A_1466 = tpu.memref_slice %arg5[%dma_wait3A_1465] : memref<16777216xf32, #tpu.memory_space<hbm>> -> memref<16777216xf32, #tpu.memory_space<hbm>>
          tpu.wait_indirect_dma semaphore(%arg21 : memref<!tpu.dma_semaphore, #tpu.memory_space<semaphore_mem>>) src(%dma_wait3A_1466 : memref<16777216xf32, #tpu.memory_space<hbm>>) dst(%dma_wait3A_1462 : memref<128xf32, #tpu.memory_space<vmem>>)
          %dma_wait3A_1467 = arith.constant 11008 : i32
          %dma_wait3A_1468 = tpu.memref_slice %arg14[%dma_wait3A_1467] : memref<16384xf32, #tpu.memory_space<vmem>> -> memref<128xf32, #tpu.memory_space<vmem>>
          %dma_wait3A_1469 = arith.constant 11008 : i32
          %dma_wait3A_1470 = tpu.memref_slice %arg12[%dma_wait3A_1469] : memref<16384xi32, #tpu.memory_space<vmem>> -> memref<128xi32, #tpu.memory_space<vmem>>
          %dma_wait3A_1471 = arith.constant 0 : i32
          %dma_wait3A_1472 = tpu.memref_slice %arg5[%dma_wait3A_1471] : memref<16777216xf32, #tpu.memory_space<hbm>> -> memref<16777216xf32, #tpu.memory_space<hbm>>
          tpu.wait_indirect_dma semaphore(%arg21 : memref<!tpu.dma_semaphore, #tpu.memory_space<semaphore_mem>>) src(%dma_wait3A_1472 : memref<16777216xf32, #tpu.memory_space<hbm>>) dst(%dma_wait3A_1468 : memref<128xf32, #tpu.memory_space<vmem>>)
          %dma_wait3A_1473 = arith.constant 11136 : i32
          %dma_wait3A_1474 = tpu.memref_slice %arg14[%dma_wait3A_1473] : memref<16384xf32, #tpu.memory_space<vmem>> -> memref<128xf32, #tpu.memory_space<vmem>>
          %dma_wait3A_1475 = arith.constant 11136 : i32
          %dma_wait3A_1476 = tpu.memref_slice %arg12[%dma_wait3A_1475] : memref<16384xi32, #tpu.memory_space<vmem>> -> memref<128xi32, #tpu.memory_space<vmem>>
          %dma_wait3A_1477 = arith.constant 0 : i32
          %dma_wait3A_1478 = tpu.memref_slice %arg5[%dma_wait3A_1477] : memref<16777216xf32, #tpu.memory_space<hbm>> -> memref<16777216xf32, #tpu.memory_space<hbm>>
          tpu.wait_indirect_dma semaphore(%arg21 : memref<!tpu.dma_semaphore, #tpu.memory_space<semaphore_mem>>) src(%dma_wait3A_1478 : memref<16777216xf32, #tpu.memory_space<hbm>>) dst(%dma_wait3A_1474 : memref<128xf32, #tpu.memory_space<vmem>>)
          %dma_wait3A_1479 = arith.constant 11264 : i32
          %dma_wait3A_1480 = tpu.memref_slice %arg14[%dma_wait3A_1479] : memref<16384xf32, #tpu.memory_space<vmem>> -> memref<128xf32, #tpu.memory_space<vmem>>
          %dma_wait3A_1481 = arith.constant 11264 : i32
          %dma_wait3A_1482 = tpu.memref_slice %arg12[%dma_wait3A_1481] : memref<16384xi32, #tpu.memory_space<vmem>> -> memref<128xi32, #tpu.memory_space<vmem>>
          %dma_wait3A_1483 = arith.constant 0 : i32
          %dma_wait3A_1484 = tpu.memref_slice %arg5[%dma_wait3A_1483] : memref<16777216xf32, #tpu.memory_space<hbm>> -> memref<16777216xf32, #tpu.memory_space<hbm>>
          tpu.wait_indirect_dma semaphore(%arg21 : memref<!tpu.dma_semaphore, #tpu.memory_space<semaphore_mem>>) src(%dma_wait3A_1484 : memref<16777216xf32, #tpu.memory_space<hbm>>) dst(%dma_wait3A_1480 : memref<128xf32, #tpu.memory_space<vmem>>)
          %dma_wait3A_1485 = arith.constant 11392 : i32
          %dma_wait3A_1486 = tpu.memref_slice %arg14[%dma_wait3A_1485] : memref<16384xf32, #tpu.memory_space<vmem>> -> memref<128xf32, #tpu.memory_space<vmem>>
          %dma_wait3A_1487 = arith.constant 11392 : i32
          %dma_wait3A_1488 = tpu.memref_slice %arg12[%dma_wait3A_1487] : memref<16384xi32, #tpu.memory_space<vmem>> -> memref<128xi32, #tpu.memory_space<vmem>>
          %dma_wait3A_1489 = arith.constant 0 : i32
          %dma_wait3A_1490 = tpu.memref_slice %arg5[%dma_wait3A_1489] : memref<16777216xf32, #tpu.memory_space<hbm>> -> memref<16777216xf32, #tpu.memory_space<hbm>>
          tpu.wait_indirect_dma semaphore(%arg21 : memref<!tpu.dma_semaphore, #tpu.memory_space<semaphore_mem>>) src(%dma_wait3A_1490 : memref<16777216xf32, #tpu.memory_space<hbm>>) dst(%dma_wait3A_1486 : memref<128xf32, #tpu.memory_space<vmem>>)
          %dma_wait3A_1491 = arith.constant 11520 : i32
          %dma_wait3A_1492 = tpu.memref_slice %arg14[%dma_wait3A_1491] : memref<16384xf32, #tpu.memory_space<vmem>> -> memref<128xf32, #tpu.memory_space<vmem>>
          %dma_wait3A_1493 = arith.constant 11520 : i32
          %dma_wait3A_1494 = tpu.memref_slice %arg12[%dma_wait3A_1493] : memref<16384xi32, #tpu.memory_space<vmem>> -> memref<128xi32, #tpu.memory_space<vmem>>
          %dma_wait3A_1495 = arith.constant 0 : i32
          %dma_wait3A_1496 = tpu.memref_slice %arg5[%dma_wait3A_1495] : memref<16777216xf32, #tpu.memory_space<hbm>> -> memref<16777216xf32, #tpu.memory_space<hbm>>
          tpu.wait_indirect_dma semaphore(%arg21 : memref<!tpu.dma_semaphore, #tpu.memory_space<semaphore_mem>>) src(%dma_wait3A_1496 : memref<16777216xf32, #tpu.memory_space<hbm>>) dst(%dma_wait3A_1492 : memref<128xf32, #tpu.memory_space<vmem>>)
          %dma_wait3A_1497 = arith.constant 11648 : i32
          %dma_wait3A_1498 = tpu.memref_slice %arg14[%dma_wait3A_1497] : memref<16384xf32, #tpu.memory_space<vmem>> -> memref<128xf32, #tpu.memory_space<vmem>>
          %dma_wait3A_1499 = arith.constant 11648 : i32
          %dma_wait3A_1500 = tpu.memref_slice %arg12[%dma_wait3A_1499] : memref<16384xi32, #tpu.memory_space<vmem>> -> memref<128xi32, #tpu.memory_space<vmem>>
          %dma_wait3A_1501 = arith.constant 0 : i32
          %dma_wait3A_1502 = tpu.memref_slice %arg5[%dma_wait3A_1501] : memref<16777216xf32, #tpu.memory_space<hbm>> -> memref<16777216xf32, #tpu.memory_space<hbm>>
          tpu.wait_indirect_dma semaphore(%arg21 : memref<!tpu.dma_semaphore, #tpu.memory_space<semaphore_mem>>) src(%dma_wait3A_1502 : memref<16777216xf32, #tpu.memory_space<hbm>>) dst(%dma_wait3A_1498 : memref<128xf32, #tpu.memory_space<vmem>>)
          %dma_wait3A_1503 = arith.constant 11776 : i32
          %dma_wait3A_1504 = tpu.memref_slice %arg14[%dma_wait3A_1503] : memref<16384xf32, #tpu.memory_space<vmem>> -> memref<128xf32, #tpu.memory_space<vmem>>
          %dma_wait3A_1505 = arith.constant 11776 : i32
          %dma_wait3A_1506 = tpu.memref_slice %arg12[%dma_wait3A_1505] : memref<16384xi32, #tpu.memory_space<vmem>> -> memref<128xi32, #tpu.memory_space<vmem>>
          %dma_wait3A_1507 = arith.constant 0 : i32
          %dma_wait3A_1508 = tpu.memref_slice %arg5[%dma_wait3A_1507] : memref<16777216xf32, #tpu.memory_space<hbm>> -> memref<16777216xf32, #tpu.memory_space<hbm>>
          tpu.wait_indirect_dma semaphore(%arg21 : memref<!tpu.dma_semaphore, #tpu.memory_space<semaphore_mem>>) src(%dma_wait3A_1508 : memref<16777216xf32, #tpu.memory_space<hbm>>) dst(%dma_wait3A_1504 : memref<128xf32, #tpu.memory_space<vmem>>)
          %dma_wait3A_1509 = arith.constant 11904 : i32
          %dma_wait3A_1510 = tpu.memref_slice %arg14[%dma_wait3A_1509] : memref<16384xf32, #tpu.memory_space<vmem>> -> memref<128xf32, #tpu.memory_space<vmem>>
          %dma_wait3A_1511 = arith.constant 11904 : i32
          %dma_wait3A_1512 = tpu.memref_slice %arg12[%dma_wait3A_1511] : memref<16384xi32, #tpu.memory_space<vmem>> -> memref<128xi32, #tpu.memory_space<vmem>>
          %dma_wait3A_1513 = arith.constant 0 : i32
          %dma_wait3A_1514 = tpu.memref_slice %arg5[%dma_wait3A_1513] : memref<16777216xf32, #tpu.memory_space<hbm>> -> memref<16777216xf32, #tpu.memory_space<hbm>>
          tpu.wait_indirect_dma semaphore(%arg21 : memref<!tpu.dma_semaphore, #tpu.memory_space<semaphore_mem>>) src(%dma_wait3A_1514 : memref<16777216xf32, #tpu.memory_space<hbm>>) dst(%dma_wait3A_1510 : memref<128xf32, #tpu.memory_space<vmem>>)
          %dma_wait3A_1515 = arith.constant 12032 : i32
          %dma_wait3A_1516 = tpu.memref_slice %arg14[%dma_wait3A_1515] : memref<16384xf32, #tpu.memory_space<vmem>> -> memref<128xf32, #tpu.memory_space<vmem>>
          %dma_wait3A_1517 = arith.constant 12032 : i32
          %dma_wait3A_1518 = tpu.memref_slice %arg12[%dma_wait3A_1517] : memref<16384xi32, #tpu.memory_space<vmem>> -> memref<128xi32, #tpu.memory_space<vmem>>
          %dma_wait3A_1519 = arith.constant 0 : i32
          %dma_wait3A_1520 = tpu.memref_slice %arg5[%dma_wait3A_1519] : memref<16777216xf32, #tpu.memory_space<hbm>> -> memref<16777216xf32, #tpu.memory_space<hbm>>
          tpu.wait_indirect_dma semaphore(%arg21 : memref<!tpu.dma_semaphore, #tpu.memory_space<semaphore_mem>>) src(%dma_wait3A_1520 : memref<16777216xf32, #tpu.memory_space<hbm>>) dst(%dma_wait3A_1516 : memref<128xf32, #tpu.memory_space<vmem>>)
          %dma_wait3A_1521 = arith.constant 12160 : i32
          %dma_wait3A_1522 = tpu.memref_slice %arg14[%dma_wait3A_1521] : memref<16384xf32, #tpu.memory_space<vmem>> -> memref<128xf32, #tpu.memory_space<vmem>>
          %dma_wait3A_1523 = arith.constant 12160 : i32
          %dma_wait3A_1524 = tpu.memref_slice %arg12[%dma_wait3A_1523] : memref<16384xi32, #tpu.memory_space<vmem>> -> memref<128xi32, #tpu.memory_space<vmem>>
          %dma_wait3A_1525 = arith.constant 0 : i32
          %dma_wait3A_1526 = tpu.memref_slice %arg5[%dma_wait3A_1525] : memref<16777216xf32, #tpu.memory_space<hbm>> -> memref<16777216xf32, #tpu.memory_space<hbm>>
          tpu.wait_indirect_dma semaphore(%arg21 : memref<!tpu.dma_semaphore, #tpu.memory_space<semaphore_mem>>) src(%dma_wait3A_1526 : memref<16777216xf32, #tpu.memory_space<hbm>>) dst(%dma_wait3A_1522 : memref<128xf32, #tpu.memory_space<vmem>>)
          %dma_wait3A_1527 = arith.constant 12288 : i32
          %dma_wait3A_1528 = tpu.memref_slice %arg14[%dma_wait3A_1527] : memref<16384xf32, #tpu.memory_space<vmem>> -> memref<128xf32, #tpu.memory_space<vmem>>
          %dma_wait3A_1529 = arith.constant 12288 : i32
          %dma_wait3A_1530 = tpu.memref_slice %arg12[%dma_wait3A_1529] : memref<16384xi32, #tpu.memory_space<vmem>> -> memref<128xi32, #tpu.memory_space<vmem>>
          %dma_wait3A_1531 = arith.constant 0 : i32
          %dma_wait3A_1532 = tpu.memref_slice %arg5[%dma_wait3A_1531] : memref<16777216xf32, #tpu.memory_space<hbm>> -> memref<16777216xf32, #tpu.memory_space<hbm>>
          tpu.wait_indirect_dma semaphore(%arg21 : memref<!tpu.dma_semaphore, #tpu.memory_space<semaphore_mem>>) src(%dma_wait3A_1532 : memref<16777216xf32, #tpu.memory_space<hbm>>) dst(%dma_wait3A_1528 : memref<128xf32, #tpu.memory_space<vmem>>)
          %dma_wait3A_1533 = arith.constant 12416 : i32
          %dma_wait3A_1534 = tpu.memref_slice %arg14[%dma_wait3A_1533] : memref<16384xf32, #tpu.memory_space<vmem>> -> memref<128xf32, #tpu.memory_space<vmem>>
          %dma_wait3A_1535 = arith.constant 12416 : i32
          %dma_wait3A_1536 = tpu.memref_slice %arg12[%dma_wait3A_1535] : memref<16384xi32, #tpu.memory_space<vmem>> -> memref<128xi32, #tpu.memory_space<vmem>>
          %dma_wait3A_1537 = arith.constant 0 : i32
          %dma_wait3A_1538 = tpu.memref_slice %arg5[%dma_wait3A_1537] : memref<16777216xf32, #tpu.memory_space<hbm>> -> memref<16777216xf32, #tpu.memory_space<hbm>>
          tpu.wait_indirect_dma semaphore(%arg21 : memref<!tpu.dma_semaphore, #tpu.memory_space<semaphore_mem>>) src(%dma_wait3A_1538 : memref<16777216xf32, #tpu.memory_space<hbm>>) dst(%dma_wait3A_1534 : memref<128xf32, #tpu.memory_space<vmem>>)
          %dma_wait3A_1539 = arith.constant 12544 : i32
          %dma_wait3A_1540 = tpu.memref_slice %arg14[%dma_wait3A_1539] : memref<16384xf32, #tpu.memory_space<vmem>> -> memref<128xf32, #tpu.memory_space<vmem>>
          %dma_wait3A_1541 = arith.constant 12544 : i32
          %dma_wait3A_1542 = tpu.memref_slice %arg12[%dma_wait3A_1541] : memref<16384xi32, #tpu.memory_space<vmem>> -> memref<128xi32, #tpu.memory_space<vmem>>
          %dma_wait3A_1543 = arith.constant 0 : i32
          %dma_wait3A_1544 = tpu.memref_slice %arg5[%dma_wait3A_1543] : memref<16777216xf32, #tpu.memory_space<hbm>> -> memref<16777216xf32, #tpu.memory_space<hbm>>
          tpu.wait_indirect_dma semaphore(%arg21 : memref<!tpu.dma_semaphore, #tpu.memory_space<semaphore_mem>>) src(%dma_wait3A_1544 : memref<16777216xf32, #tpu.memory_space<hbm>>) dst(%dma_wait3A_1540 : memref<128xf32, #tpu.memory_space<vmem>>)
          %dma_wait3A_1545 = arith.constant 12672 : i32
          %dma_wait3A_1546 = tpu.memref_slice %arg14[%dma_wait3A_1545] : memref<16384xf32, #tpu.memory_space<vmem>> -> memref<128xf32, #tpu.memory_space<vmem>>
          %dma_wait3A_1547 = arith.constant 12672 : i32
          %dma_wait3A_1548 = tpu.memref_slice %arg12[%dma_wait3A_1547] : memref<16384xi32, #tpu.memory_space<vmem>> -> memref<128xi32, #tpu.memory_space<vmem>>
          %dma_wait3A_1549 = arith.constant 0 : i32
          %dma_wait3A_1550 = tpu.memref_slice %arg5[%dma_wait3A_1549] : memref<16777216xf32, #tpu.memory_space<hbm>> -> memref<16777216xf32, #tpu.memory_space<hbm>>
          tpu.wait_indirect_dma semaphore(%arg21 : memref<!tpu.dma_semaphore, #tpu.memory_space<semaphore_mem>>) src(%dma_wait3A_1550 : memref<16777216xf32, #tpu.memory_space<hbm>>) dst(%dma_wait3A_1546 : memref<128xf32, #tpu.memory_space<vmem>>)
          %dma_wait3A_1551 = arith.constant 12800 : i32
          %dma_wait3A_1552 = tpu.memref_slice %arg14[%dma_wait3A_1551] : memref<16384xf32, #tpu.memory_space<vmem>> -> memref<128xf32, #tpu.memory_space<vmem>>
          %dma_wait3A_1553 = arith.constant 12800 : i32
          %dma_wait3A_1554 = tpu.memref_slice %arg12[%dma_wait3A_1553] : memref<16384xi32, #tpu.memory_space<vmem>> -> memref<128xi32, #tpu.memory_space<vmem>>
          %dma_wait3A_1555 = arith.constant 0 : i32
          %dma_wait3A_1556 = tpu.memref_slice %arg5[%dma_wait3A_1555] : memref<16777216xf32, #tpu.memory_space<hbm>> -> memref<16777216xf32, #tpu.memory_space<hbm>>
          tpu.wait_indirect_dma semaphore(%arg21 : memref<!tpu.dma_semaphore, #tpu.memory_space<semaphore_mem>>) src(%dma_wait3A_1556 : memref<16777216xf32, #tpu.memory_space<hbm>>) dst(%dma_wait3A_1552 : memref<128xf32, #tpu.memory_space<vmem>>)
          %dma_wait3A_1557 = arith.constant 12928 : i32
          %dma_wait3A_1558 = tpu.memref_slice %arg14[%dma_wait3A_1557] : memref<16384xf32, #tpu.memory_space<vmem>> -> memref<128xf32, #tpu.memory_space<vmem>>
          %dma_wait3A_1559 = arith.constant 12928 : i32
          %dma_wait3A_1560 = tpu.memref_slice %arg12[%dma_wait3A_1559] : memref<16384xi32, #tpu.memory_space<vmem>> -> memref<128xi32, #tpu.memory_space<vmem>>
          %dma_wait3A_1561 = arith.constant 0 : i32
          %dma_wait3A_1562 = tpu.memref_slice %arg5[%dma_wait3A_1561] : memref<16777216xf32, #tpu.memory_space<hbm>> -> memref<16777216xf32, #tpu.memory_space<hbm>>
          tpu.wait_indirect_dma semaphore(%arg21 : memref<!tpu.dma_semaphore, #tpu.memory_space<semaphore_mem>>) src(%dma_wait3A_1562 : memref<16777216xf32, #tpu.memory_space<hbm>>) dst(%dma_wait3A_1558 : memref<128xf32, #tpu.memory_space<vmem>>)
          %dma_wait3A_1563 = arith.constant 13056 : i32
          %dma_wait3A_1564 = tpu.memref_slice %arg14[%dma_wait3A_1563] : memref<16384xf32, #tpu.memory_space<vmem>> -> memref<128xf32, #tpu.memory_space<vmem>>
          %dma_wait3A_1565 = arith.constant 13056 : i32
          %dma_wait3A_1566 = tpu.memref_slice %arg12[%dma_wait3A_1565] : memref<16384xi32, #tpu.memory_space<vmem>> -> memref<128xi32, #tpu.memory_space<vmem>>
          %dma_wait3A_1567 = arith.constant 0 : i32
          %dma_wait3A_1568 = tpu.memref_slice %arg5[%dma_wait3A_1567] : memref<16777216xf32, #tpu.memory_space<hbm>> -> memref<16777216xf32, #tpu.memory_space<hbm>>
          tpu.wait_indirect_dma semaphore(%arg21 : memref<!tpu.dma_semaphore, #tpu.memory_space<semaphore_mem>>) src(%dma_wait3A_1568 : memref<16777216xf32, #tpu.memory_space<hbm>>) dst(%dma_wait3A_1564 : memref<128xf32, #tpu.memory_space<vmem>>)
          %dma_wait3A_1569 = arith.constant 13184 : i32
          %dma_wait3A_1570 = tpu.memref_slice %arg14[%dma_wait3A_1569] : memref<16384xf32, #tpu.memory_space<vmem>> -> memref<128xf32, #tpu.memory_space<vmem>>
          %dma_wait3A_1571 = arith.constant 13184 : i32
          %dma_wait3A_1572 = tpu.memref_slice %arg12[%dma_wait3A_1571] : memref<16384xi32, #tpu.memory_space<vmem>> -> memref<128xi32, #tpu.memory_space<vmem>>
          %dma_wait3A_1573 = arith.constant 0 : i32
          %dma_wait3A_1574 = tpu.memref_slice %arg5[%dma_wait3A_1573] : memref<16777216xf32, #tpu.memory_space<hbm>> -> memref<16777216xf32, #tpu.memory_space<hbm>>
          tpu.wait_indirect_dma semaphore(%arg21 : memref<!tpu.dma_semaphore, #tpu.memory_space<semaphore_mem>>) src(%dma_wait3A_1574 : memref<16777216xf32, #tpu.memory_space<hbm>>) dst(%dma_wait3A_1570 : memref<128xf32, #tpu.memory_space<vmem>>)
          %dma_wait3A_1575 = arith.constant 13312 : i32
          %dma_wait3A_1576 = tpu.memref_slice %arg14[%dma_wait3A_1575] : memref<16384xf32, #tpu.memory_space<vmem>> -> memref<128xf32, #tpu.memory_space<vmem>>
          %dma_wait3A_1577 = arith.constant 13312 : i32
          %dma_wait3A_1578 = tpu.memref_slice %arg12[%dma_wait3A_1577] : memref<16384xi32, #tpu.memory_space<vmem>> -> memref<128xi32, #tpu.memory_space<vmem>>
          %dma_wait3A_1579 = arith.constant 0 : i32
          %dma_wait3A_1580 = tpu.memref_slice %arg5[%dma_wait3A_1579] : memref<16777216xf32, #tpu.memory_space<hbm>> -> memref<16777216xf32, #tpu.memory_space<hbm>>
          tpu.wait_indirect_dma semaphore(%arg21 : memref<!tpu.dma_semaphore, #tpu.memory_space<semaphore_mem>>) src(%dma_wait3A_1580 : memref<16777216xf32, #tpu.memory_space<hbm>>) dst(%dma_wait3A_1576 : memref<128xf32, #tpu.memory_space<vmem>>)
          %dma_wait3A_1581 = arith.constant 13440 : i32
          %dma_wait3A_1582 = tpu.memref_slice %arg14[%dma_wait3A_1581] : memref<16384xf32, #tpu.memory_space<vmem>> -> memref<128xf32, #tpu.memory_space<vmem>>
          %dma_wait3A_1583 = arith.constant 13440 : i32
          %dma_wait3A_1584 = tpu.memref_slice %arg12[%dma_wait3A_1583] : memref<16384xi32, #tpu.memory_space<vmem>> -> memref<128xi32, #tpu.memory_space<vmem>>
          %dma_wait3A_1585 = arith.constant 0 : i32
          %dma_wait3A_1586 = tpu.memref_slice %arg5[%dma_wait3A_1585] : memref<16777216xf32, #tpu.memory_space<hbm>> -> memref<16777216xf32, #tpu.memory_space<hbm>>
          tpu.wait_indirect_dma semaphore(%arg21 : memref<!tpu.dma_semaphore, #tpu.memory_space<semaphore_mem>>) src(%dma_wait3A_1586 : memref<16777216xf32, #tpu.memory_space<hbm>>) dst(%dma_wait3A_1582 : memref<128xf32, #tpu.memory_space<vmem>>)
          %dma_wait3A_1587 = arith.constant 13568 : i32
          %dma_wait3A_1588 = tpu.memref_slice %arg14[%dma_wait3A_1587] : memref<16384xf32, #tpu.memory_space<vmem>> -> memref<128xf32, #tpu.memory_space<vmem>>
          %dma_wait3A_1589 = arith.constant 13568 : i32
          %dma_wait3A_1590 = tpu.memref_slice %arg12[%dma_wait3A_1589] : memref<16384xi32, #tpu.memory_space<vmem>> -> memref<128xi32, #tpu.memory_space<vmem>>
          %dma_wait3A_1591 = arith.constant 0 : i32
          %dma_wait3A_1592 = tpu.memref_slice %arg5[%dma_wait3A_1591] : memref<16777216xf32, #tpu.memory_space<hbm>> -> memref<16777216xf32, #tpu.memory_space<hbm>>
          tpu.wait_indirect_dma semaphore(%arg21 : memref<!tpu.dma_semaphore, #tpu.memory_space<semaphore_mem>>) src(%dma_wait3A_1592 : memref<16777216xf32, #tpu.memory_space<hbm>>) dst(%dma_wait3A_1588 : memref<128xf32, #tpu.memory_space<vmem>>)
          %dma_wait3A_1593 = arith.constant 13696 : i32
          %dma_wait3A_1594 = tpu.memref_slice %arg14[%dma_wait3A_1593] : memref<16384xf32, #tpu.memory_space<vmem>> -> memref<128xf32, #tpu.memory_space<vmem>>
          %dma_wait3A_1595 = arith.constant 13696 : i32
          %dma_wait3A_1596 = tpu.memref_slice %arg12[%dma_wait3A_1595] : memref<16384xi32, #tpu.memory_space<vmem>> -> memref<128xi32, #tpu.memory_space<vmem>>
          %dma_wait3A_1597 = arith.constant 0 : i32
          %dma_wait3A_1598 = tpu.memref_slice %arg5[%dma_wait3A_1597] : memref<16777216xf32, #tpu.memory_space<hbm>> -> memref<16777216xf32, #tpu.memory_space<hbm>>
          tpu.wait_indirect_dma semaphore(%arg21 : memref<!tpu.dma_semaphore, #tpu.memory_space<semaphore_mem>>) src(%dma_wait3A_1598 : memref<16777216xf32, #tpu.memory_space<hbm>>) dst(%dma_wait3A_1594 : memref<128xf32, #tpu.memory_space<vmem>>)
          %dma_wait3A_1599 = arith.constant 13824 : i32
          %dma_wait3A_1600 = tpu.memref_slice %arg14[%dma_wait3A_1599] : memref<16384xf32, #tpu.memory_space<vmem>> -> memref<128xf32, #tpu.memory_space<vmem>>
          %dma_wait3A_1601 = arith.constant 13824 : i32
          %dma_wait3A_1602 = tpu.memref_slice %arg12[%dma_wait3A_1601] : memref<16384xi32, #tpu.memory_space<vmem>> -> memref<128xi32, #tpu.memory_space<vmem>>
          %dma_wait3A_1603 = arith.constant 0 : i32
          %dma_wait3A_1604 = tpu.memref_slice %arg5[%dma_wait3A_1603] : memref<16777216xf32, #tpu.memory_space<hbm>> -> memref<16777216xf32, #tpu.memory_space<hbm>>
          tpu.wait_indirect_dma semaphore(%arg21 : memref<!tpu.dma_semaphore, #tpu.memory_space<semaphore_mem>>) src(%dma_wait3A_1604 : memref<16777216xf32, #tpu.memory_space<hbm>>) dst(%dma_wait3A_1600 : memref<128xf32, #tpu.memory_space<vmem>>)
          %dma_wait3A_1605 = arith.constant 13952 : i32
          %dma_wait3A_1606 = tpu.memref_slice %arg14[%dma_wait3A_1605] : memref<16384xf32, #tpu.memory_space<vmem>> -> memref<128xf32, #tpu.memory_space<vmem>>
          %dma_wait3A_1607 = arith.constant 13952 : i32
          %dma_wait3A_1608 = tpu.memref_slice %arg12[%dma_wait3A_1607] : memref<16384xi32, #tpu.memory_space<vmem>> -> memref<128xi32, #tpu.memory_space<vmem>>
          %dma_wait3A_1609 = arith.constant 0 : i32
          %dma_wait3A_1610 = tpu.memref_slice %arg5[%dma_wait3A_1609] : memref<16777216xf32, #tpu.memory_space<hbm>> -> memref<16777216xf32, #tpu.memory_space<hbm>>
          tpu.wait_indirect_dma semaphore(%arg21 : memref<!tpu.dma_semaphore, #tpu.memory_space<semaphore_mem>>) src(%dma_wait3A_1610 : memref<16777216xf32, #tpu.memory_space<hbm>>) dst(%dma_wait3A_1606 : memref<128xf32, #tpu.memory_space<vmem>>)
          %dma_wait3A_1611 = arith.constant 14080 : i32
          %dma_wait3A_1612 = tpu.memref_slice %arg14[%dma_wait3A_1611] : memref<16384xf32, #tpu.memory_space<vmem>> -> memref<128xf32, #tpu.memory_space<vmem>>
          %dma_wait3A_1613 = arith.constant 14080 : i32
          %dma_wait3A_1614 = tpu.memref_slice %arg12[%dma_wait3A_1613] : memref<16384xi32, #tpu.memory_space<vmem>> -> memref<128xi32, #tpu.memory_space<vmem>>
          %dma_wait3A_1615 = arith.constant 0 : i32
          %dma_wait3A_1616 = tpu.memref_slice %arg5[%dma_wait3A_1615] : memref<16777216xf32, #tpu.memory_space<hbm>> -> memref<16777216xf32, #tpu.memory_space<hbm>>
          tpu.wait_indirect_dma semaphore(%arg21 : memref<!tpu.dma_semaphore, #tpu.memory_space<semaphore_mem>>) src(%dma_wait3A_1616 : memref<16777216xf32, #tpu.memory_space<hbm>>) dst(%dma_wait3A_1612 : memref<128xf32, #tpu.memory_space<vmem>>)
          %dma_wait3A_1617 = arith.constant 14208 : i32
          %dma_wait3A_1618 = tpu.memref_slice %arg14[%dma_wait3A_1617] : memref<16384xf32, #tpu.memory_space<vmem>> -> memref<128xf32, #tpu.memory_space<vmem>>
          %dma_wait3A_1619 = arith.constant 14208 : i32
          %dma_wait3A_1620 = tpu.memref_slice %arg12[%dma_wait3A_1619] : memref<16384xi32, #tpu.memory_space<vmem>> -> memref<128xi32, #tpu.memory_space<vmem>>
          %dma_wait3A_1621 = arith.constant 0 : i32
          %dma_wait3A_1622 = tpu.memref_slice %arg5[%dma_wait3A_1621] : memref<16777216xf32, #tpu.memory_space<hbm>> -> memref<16777216xf32, #tpu.memory_space<hbm>>
          tpu.wait_indirect_dma semaphore(%arg21 : memref<!tpu.dma_semaphore, #tpu.memory_space<semaphore_mem>>) src(%dma_wait3A_1622 : memref<16777216xf32, #tpu.memory_space<hbm>>) dst(%dma_wait3A_1618 : memref<128xf32, #tpu.memory_space<vmem>>)
          %dma_wait3A_1623 = arith.constant 14336 : i32
          %dma_wait3A_1624 = tpu.memref_slice %arg14[%dma_wait3A_1623] : memref<16384xf32, #tpu.memory_space<vmem>> -> memref<128xf32, #tpu.memory_space<vmem>>
          %dma_wait3A_1625 = arith.constant 14336 : i32
          %dma_wait3A_1626 = tpu.memref_slice %arg12[%dma_wait3A_1625] : memref<16384xi32, #tpu.memory_space<vmem>> -> memref<128xi32, #tpu.memory_space<vmem>>
          %dma_wait3A_1627 = arith.constant 0 : i32
          %dma_wait3A_1628 = tpu.memref_slice %arg5[%dma_wait3A_1627] : memref<16777216xf32, #tpu.memory_space<hbm>> -> memref<16777216xf32, #tpu.memory_space<hbm>>
          tpu.wait_indirect_dma semaphore(%arg21 : memref<!tpu.dma_semaphore, #tpu.memory_space<semaphore_mem>>) src(%dma_wait3A_1628 : memref<16777216xf32, #tpu.memory_space<hbm>>) dst(%dma_wait3A_1624 : memref<128xf32, #tpu.memory_space<vmem>>)
          %dma_wait3A_1629 = arith.constant 14464 : i32
          %dma_wait3A_1630 = tpu.memref_slice %arg14[%dma_wait3A_1629] : memref<16384xf32, #tpu.memory_space<vmem>> -> memref<128xf32, #tpu.memory_space<vmem>>
          %dma_wait3A_1631 = arith.constant 14464 : i32
          %dma_wait3A_1632 = tpu.memref_slice %arg12[%dma_wait3A_1631] : memref<16384xi32, #tpu.memory_space<vmem>> -> memref<128xi32, #tpu.memory_space<vmem>>
          %dma_wait3A_1633 = arith.constant 0 : i32
          %dma_wait3A_1634 = tpu.memref_slice %arg5[%dma_wait3A_1633] : memref<16777216xf32, #tpu.memory_space<hbm>> -> memref<16777216xf32, #tpu.memory_space<hbm>>
          tpu.wait_indirect_dma semaphore(%arg21 : memref<!tpu.dma_semaphore, #tpu.memory_space<semaphore_mem>>) src(%dma_wait3A_1634 : memref<16777216xf32, #tpu.memory_space<hbm>>) dst(%dma_wait3A_1630 : memref<128xf32, #tpu.memory_space<vmem>>)
          %dma_wait3A_1635 = arith.constant 14592 : i32
          %dma_wait3A_1636 = tpu.memref_slice %arg14[%dma_wait3A_1635] : memref<16384xf32, #tpu.memory_space<vmem>> -> memref<128xf32, #tpu.memory_space<vmem>>
          %dma_wait3A_1637 = arith.constant 14592 : i32
          %dma_wait3A_1638 = tpu.memref_slice %arg12[%dma_wait3A_1637] : memref<16384xi32, #tpu.memory_space<vmem>> -> memref<128xi32, #tpu.memory_space<vmem>>
          %dma_wait3A_1639 = arith.constant 0 : i32
          %dma_wait3A_1640 = tpu.memref_slice %arg5[%dma_wait3A_1639] : memref<16777216xf32, #tpu.memory_space<hbm>> -> memref<16777216xf32, #tpu.memory_space<hbm>>
          tpu.wait_indirect_dma semaphore(%arg21 : memref<!tpu.dma_semaphore, #tpu.memory_space<semaphore_mem>>) src(%dma_wait3A_1640 : memref<16777216xf32, #tpu.memory_space<hbm>>) dst(%dma_wait3A_1636 : memref<128xf32, #tpu.memory_space<vmem>>)
          %dma_wait3A_1641 = arith.constant 14720 : i32
          %dma_wait3A_1642 = tpu.memref_slice %arg14[%dma_wait3A_1641] : memref<16384xf32, #tpu.memory_space<vmem>> -> memref<128xf32, #tpu.memory_space<vmem>>
          %dma_wait3A_1643 = arith.constant 14720 : i32
          %dma_wait3A_1644 = tpu.memref_slice %arg12[%dma_wait3A_1643] : memref<16384xi32, #tpu.memory_space<vmem>> -> memref<128xi32, #tpu.memory_space<vmem>>
          %dma_wait3A_1645 = arith.constant 0 : i32
          %dma_wait3A_1646 = tpu.memref_slice %arg5[%dma_wait3A_1645] : memref<16777216xf32, #tpu.memory_space<hbm>> -> memref<16777216xf32, #tpu.memory_space<hbm>>
          tpu.wait_indirect_dma semaphore(%arg21 : memref<!tpu.dma_semaphore, #tpu.memory_space<semaphore_mem>>) src(%dma_wait3A_1646 : memref<16777216xf32, #tpu.memory_space<hbm>>) dst(%dma_wait3A_1642 : memref<128xf32, #tpu.memory_space<vmem>>)
          %dma_wait3A_1647 = arith.constant 14848 : i32
          %dma_wait3A_1648 = tpu.memref_slice %arg14[%dma_wait3A_1647] : memref<16384xf32, #tpu.memory_space<vmem>> -> memref<128xf32, #tpu.memory_space<vmem>>
          %dma_wait3A_1649 = arith.constant 14848 : i32
          %dma_wait3A_1650 = tpu.memref_slice %arg12[%dma_wait3A_1649] : memref<16384xi32, #tpu.memory_space<vmem>> -> memref<128xi32, #tpu.memory_space<vmem>>
          %dma_wait3A_1651 = arith.constant 0 : i32
          %dma_wait3A_1652 = tpu.memref_slice %arg5[%dma_wait3A_1651] : memref<16777216xf32, #tpu.memory_space<hbm>> -> memref<16777216xf32, #tpu.memory_space<hbm>>
          tpu.wait_indirect_dma semaphore(%arg21 : memref<!tpu.dma_semaphore, #tpu.memory_space<semaphore_mem>>) src(%dma_wait3A_1652 : memref<16777216xf32, #tpu.memory_space<hbm>>) dst(%dma_wait3A_1648 : memref<128xf32, #tpu.memory_space<vmem>>)
          %dma_wait3A_1653 = arith.constant 14976 : i32
          %dma_wait3A_1654 = tpu.memref_slice %arg14[%dma_wait3A_1653] : memref<16384xf32, #tpu.memory_space<vmem>> -> memref<128xf32, #tpu.memory_space<vmem>>
          %dma_wait3A_1655 = arith.constant 14976 : i32
          %dma_wait3A_1656 = tpu.memref_slice %arg12[%dma_wait3A_1655] : memref<16384xi32, #tpu.memory_space<vmem>> -> memref<128xi32, #tpu.memory_space<vmem>>
          %dma_wait3A_1657 = arith.constant 0 : i32
          %dma_wait3A_1658 = tpu.memref_slice %arg5[%dma_wait3A_1657] : memref<16777216xf32, #tpu.memory_space<hbm>> -> memref<16777216xf32, #tpu.memory_space<hbm>>
          tpu.wait_indirect_dma semaphore(%arg21 : memref<!tpu.dma_semaphore, #tpu.memory_space<semaphore_mem>>) src(%dma_wait3A_1658 : memref<16777216xf32, #tpu.memory_space<hbm>>) dst(%dma_wait3A_1654 : memref<128xf32, #tpu.memory_space<vmem>>)
          %dma_wait3A_1659 = arith.constant 15104 : i32
          %dma_wait3A_1660 = tpu.memref_slice %arg14[%dma_wait3A_1659] : memref<16384xf32, #tpu.memory_space<vmem>> -> memref<128xf32, #tpu.memory_space<vmem>>
          %dma_wait3A_1661 = arith.constant 15104 : i32
          %dma_wait3A_1662 = tpu.memref_slice %arg12[%dma_wait3A_1661] : memref<16384xi32, #tpu.memory_space<vmem>> -> memref<128xi32, #tpu.memory_space<vmem>>
          %dma_wait3A_1663 = arith.constant 0 : i32
          %dma_wait3A_1664 = tpu.memref_slice %arg5[%dma_wait3A_1663] : memref<16777216xf32, #tpu.memory_space<hbm>> -> memref<16777216xf32, #tpu.memory_space<hbm>>
          tpu.wait_indirect_dma semaphore(%arg21 : memref<!tpu.dma_semaphore, #tpu.memory_space<semaphore_mem>>) src(%dma_wait3A_1664 : memref<16777216xf32, #tpu.memory_space<hbm>>) dst(%dma_wait3A_1660 : memref<128xf32, #tpu.memory_space<vmem>>)
          %dma_wait3A_1665 = arith.constant 15232 : i32
          %dma_wait3A_1666 = tpu.memref_slice %arg14[%dma_wait3A_1665] : memref<16384xf32, #tpu.memory_space<vmem>> -> memref<128xf32, #tpu.memory_space<vmem>>
          %dma_wait3A_1667 = arith.constant 15232 : i32
          %dma_wait3A_1668 = tpu.memref_slice %arg12[%dma_wait3A_1667] : memref<16384xi32, #tpu.memory_space<vmem>> -> memref<128xi32, #tpu.memory_space<vmem>>
          %dma_wait3A_1669 = arith.constant 0 : i32
          %dma_wait3A_1670 = tpu.memref_slice %arg5[%dma_wait3A_1669] : memref<16777216xf32, #tpu.memory_space<hbm>> -> memref<16777216xf32, #tpu.memory_space<hbm>>
          tpu.wait_indirect_dma semaphore(%arg21 : memref<!tpu.dma_semaphore, #tpu.memory_space<semaphore_mem>>) src(%dma_wait3A_1670 : memref<16777216xf32, #tpu.memory_space<hbm>>) dst(%dma_wait3A_1666 : memref<128xf32, #tpu.memory_space<vmem>>)
          %dma_wait3A_1671 = arith.constant 15360 : i32
          %dma_wait3A_1672 = tpu.memref_slice %arg14[%dma_wait3A_1671] : memref<16384xf32, #tpu.memory_space<vmem>> -> memref<128xf32, #tpu.memory_space<vmem>>
          %dma_wait3A_1673 = arith.constant 15360 : i32
          %dma_wait3A_1674 = tpu.memref_slice %arg12[%dma_wait3A_1673] : memref<16384xi32, #tpu.memory_space<vmem>> -> memref<128xi32, #tpu.memory_space<vmem>>
          %dma_wait3A_1675 = arith.constant 0 : i32
          %dma_wait3A_1676 = tpu.memref_slice %arg5[%dma_wait3A_1675] : memref<16777216xf32, #tpu.memory_space<hbm>> -> memref<16777216xf32, #tpu.memory_space<hbm>>
          tpu.wait_indirect_dma semaphore(%arg21 : memref<!tpu.dma_semaphore, #tpu.memory_space<semaphore_mem>>) src(%dma_wait3A_1676 : memref<16777216xf32, #tpu.memory_space<hbm>>) dst(%dma_wait3A_1672 : memref<128xf32, #tpu.memory_space<vmem>>)
          %dma_wait3A_1677 = arith.constant 15488 : i32
          %dma_wait3A_1678 = tpu.memref_slice %arg14[%dma_wait3A_1677] : memref<16384xf32, #tpu.memory_space<vmem>> -> memref<128xf32, #tpu.memory_space<vmem>>
          %dma_wait3A_1679 = arith.constant 15488 : i32
          %dma_wait3A_1680 = tpu.memref_slice %arg12[%dma_wait3A_1679] : memref<16384xi32, #tpu.memory_space<vmem>> -> memref<128xi32, #tpu.memory_space<vmem>>
          %dma_wait3A_1681 = arith.constant 0 : i32
          %dma_wait3A_1682 = tpu.memref_slice %arg5[%dma_wait3A_1681] : memref<16777216xf32, #tpu.memory_space<hbm>> -> memref<16777216xf32, #tpu.memory_space<hbm>>
          tpu.wait_indirect_dma semaphore(%arg21 : memref<!tpu.dma_semaphore, #tpu.memory_space<semaphore_mem>>) src(%dma_wait3A_1682 : memref<16777216xf32, #tpu.memory_space<hbm>>) dst(%dma_wait3A_1678 : memref<128xf32, #tpu.memory_space<vmem>>)
          %dma_wait3A_1683 = arith.constant 15616 : i32
          %dma_wait3A_1684 = tpu.memref_slice %arg14[%dma_wait3A_1683] : memref<16384xf32, #tpu.memory_space<vmem>> -> memref<128xf32, #tpu.memory_space<vmem>>
          %dma_wait3A_1685 = arith.constant 15616 : i32
          %dma_wait3A_1686 = tpu.memref_slice %arg12[%dma_wait3A_1685] : memref<16384xi32, #tpu.memory_space<vmem>> -> memref<128xi32, #tpu.memory_space<vmem>>
          %dma_wait3A_1687 = arith.constant 0 : i32
          %dma_wait3A_1688 = tpu.memref_slice %arg5[%dma_wait3A_1687] : memref<16777216xf32, #tpu.memory_space<hbm>> -> memref<16777216xf32, #tpu.memory_space<hbm>>
          tpu.wait_indirect_dma semaphore(%arg21 : memref<!tpu.dma_semaphore, #tpu.memory_space<semaphore_mem>>) src(%dma_wait3A_1688 : memref<16777216xf32, #tpu.memory_space<hbm>>) dst(%dma_wait3A_1684 : memref<128xf32, #tpu.memory_space<vmem>>)
          %dma_wait3A_1689 = arith.constant 15744 : i32
          %dma_wait3A_1690 = tpu.memref_slice %arg14[%dma_wait3A_1689] : memref<16384xf32, #tpu.memory_space<vmem>> -> memref<128xf32, #tpu.memory_space<vmem>>
          %dma_wait3A_1691 = arith.constant 15744 : i32
          %dma_wait3A_1692 = tpu.memref_slice %arg12[%dma_wait3A_1691] : memref<16384xi32, #tpu.memory_space<vmem>> -> memref<128xi32, #tpu.memory_space<vmem>>
          %dma_wait3A_1693 = arith.constant 0 : i32
          %dma_wait3A_1694 = tpu.memref_slice %arg5[%dma_wait3A_1693] : memref<16777216xf32, #tpu.memory_space<hbm>> -> memref<16777216xf32, #tpu.memory_space<hbm>>
          tpu.wait_indirect_dma semaphore(%arg21 : memref<!tpu.dma_semaphore, #tpu.memory_space<semaphore_mem>>) src(%dma_wait3A_1694 : memref<16777216xf32, #tpu.memory_space<hbm>>) dst(%dma_wait3A_1690 : memref<128xf32, #tpu.memory_space<vmem>>)
          %dma_wait3A_1695 = arith.constant 15872 : i32
          %dma_wait3A_1696 = tpu.memref_slice %arg14[%dma_wait3A_1695] : memref<16384xf32, #tpu.memory_space<vmem>> -> memref<128xf32, #tpu.memory_space<vmem>>
          %dma_wait3A_1697 = arith.constant 15872 : i32
          %dma_wait3A_1698 = tpu.memref_slice %arg12[%dma_wait3A_1697] : memref<16384xi32, #tpu.memory_space<vmem>> -> memref<128xi32, #tpu.memory_space<vmem>>
          %dma_wait3A_1699 = arith.constant 0 : i32
          %dma_wait3A_1700 = tpu.memref_slice %arg5[%dma_wait3A_1699] : memref<16777216xf32, #tpu.memory_space<hbm>> -> memref<16777216xf32, #tpu.memory_space<hbm>>
          tpu.wait_indirect_dma semaphore(%arg21 : memref<!tpu.dma_semaphore, #tpu.memory_space<semaphore_mem>>) src(%dma_wait3A_1700 : memref<16777216xf32, #tpu.memory_space<hbm>>) dst(%dma_wait3A_1696 : memref<128xf32, #tpu.memory_space<vmem>>)
          %dma_wait3A_1701 = arith.constant 16000 : i32
          %dma_wait3A_1702 = tpu.memref_slice %arg14[%dma_wait3A_1701] : memref<16384xf32, #tpu.memory_space<vmem>> -> memref<128xf32, #tpu.memory_space<vmem>>
          %dma_wait3A_1703 = arith.constant 16000 : i32
          %dma_wait3A_1704 = tpu.memref_slice %arg12[%dma_wait3A_1703] : memref<16384xi32, #tpu.memory_space<vmem>> -> memref<128xi32, #tpu.memory_space<vmem>>
          %dma_wait3A_1705 = arith.constant 0 : i32
          %dma_wait3A_1706 = tpu.memref_slice %arg5[%dma_wait3A_1705] : memref<16777216xf32, #tpu.memory_space<hbm>> -> memref<16777216xf32, #tpu.memory_space<hbm>>
          tpu.wait_indirect_dma semaphore(%arg21 : memref<!tpu.dma_semaphore, #tpu.memory_space<semaphore_mem>>) src(%dma_wait3A_1706 : memref<16777216xf32, #tpu.memory_space<hbm>>) dst(%dma_wait3A_1702 : memref<128xf32, #tpu.memory_space<vmem>>)
          %dma_wait3A_1707 = arith.constant 16128 : i32
          %dma_wait3A_1708 = tpu.memref_slice %arg14[%dma_wait3A_1707] : memref<16384xf32, #tpu.memory_space<vmem>> -> memref<128xf32, #tpu.memory_space<vmem>>
          %dma_wait3A_1709 = arith.constant 16128 : i32
          %dma_wait3A_1710 = tpu.memref_slice %arg12[%dma_wait3A_1709] : memref<16384xi32, #tpu.memory_space<vmem>> -> memref<128xi32, #tpu.memory_space<vmem>>
          %dma_wait3A_1711 = arith.constant 0 : i32
          %dma_wait3A_1712 = tpu.memref_slice %arg5[%dma_wait3A_1711] : memref<16777216xf32, #tpu.memory_space<hbm>> -> memref<16777216xf32, #tpu.memory_space<hbm>>
          tpu.wait_indirect_dma semaphore(%arg21 : memref<!tpu.dma_semaphore, #tpu.memory_space<semaphore_mem>>) src(%dma_wait3A_1712 : memref<16777216xf32, #tpu.memory_space<hbm>>) dst(%dma_wait3A_1708 : memref<128xf32, #tpu.memory_space<vmem>>)
          %dma_wait3A_1713 = arith.constant 16256 : i32
          %dma_wait3A_1714 = tpu.memref_slice %arg14[%dma_wait3A_1713] : memref<16384xf32, #tpu.memory_space<vmem>> -> memref<128xf32, #tpu.memory_space<vmem>>
          %dma_wait3A_1715 = arith.constant 16256 : i32
          %dma_wait3A_1716 = tpu.memref_slice %arg12[%dma_wait3A_1715] : memref<16384xi32, #tpu.memory_space<vmem>> -> memref<128xi32, #tpu.memory_space<vmem>>
          %dma_wait3A_1717 = arith.constant 0 : i32
          %dma_wait3A_1718 = tpu.memref_slice %arg5[%dma_wait3A_1717] : memref<16777216xf32, #tpu.memory_space<hbm>> -> memref<16777216xf32, #tpu.memory_space<hbm>>
          tpu.wait_indirect_dma semaphore(%arg21 : memref<!tpu.dma_semaphore, #tpu.memory_space<semaphore_mem>>) src(%dma_wait3A_1718 : memref<16777216xf32, #tpu.memory_space<hbm>>) dst(%dma_wait3A_1714 : memref<128xf32, #tpu.memory_space<vmem>>)
          %eq3A = arith.constant 0 : i32
          %eq3A_1719 = vector.broadcast %eq3A : i32 to vector<16xi32>
          %eq3A_1720 = arith.cmpi eq, %and3A_4, %eq3A_1719 : vector<16xi32>
          %broadcast_in_dim3A_1721 = vector.broadcast %squeeze3A_149 : f32 to vector<16xf32>
          %broadcast_in_dim3A_1722 = vector.broadcast %squeeze3A_151 : f32 to vector<16xf32>
          %select_n3A = arith.select %eq3A_1720, %broadcast_in_dim3A_1721, %broadcast_in_dim3A_1722 : vector<16xi1>, vector<16xf32>
          %scan3A_1723 = arith.constant 0 : i32
          %scan3A_1724 = arith.constant 0 : i32
          %scan3A_1725 = arith.constant 128 : i32
          %scan3A_1726 = arith.addi %scan3A_1724, %scan3A_1725 : i32
          %scan3A_1727 = arith.constant 1 : i32
          %scan3A_1728 = scf.for %scan3A_1730 = %scan3A_1724 to %scan3A_1726 step %scan3A_1727 iter_args(%scan3A_1731 = %scan3A_1723) -> (i32)  : i32 {
            %mul3A_1732 = arith.constant 8 : i32
            %mul3A_1733 = arith.muli %scan3A_1730, %mul3A_1732 : i32
            %add3A_1734 = vector.broadcast %mul3A_1733 : i32 to vector<16xi32>
            %add3A_1735 = arith.addi %add3A_1734, %shift_right_arithmetic3A_2 : vector<16xi32>
            %add3A_1736 = arith.constant 0 : i32
            %add3A_1737 = vector.broadcast %add3A_1736 : i32 to vector<16xi32>
            %add3A_1738 = arith.addi %add3A_1737, %add3A_1735 : vector<16xi32>
            %gather3A = tpu.vector_load_idx %arg13[%add3A_1738] : memref<8192xf32, #tpu.memory_space<vmem>>[vector<16xi32>], vector<16xf32>,
            %mul3A_1739 = arith.constant 16 : i32
            %mul3A_1740 = arith.muli %scan3A_1730, %mul3A_1739 : i32
            %add3A_1741 = arith.constant 0 : i32
            %add3A_1742 = arith.addi %add3A_1741, %mul3A_1740 : i32
            %get3A_1743 = arith.index_cast %add3A_1742 : i32 to index
            %get3A_1744 = tpu.vector_load %arg14[%get3A_1743] {strides = array<i32>} : memref<16384xf32, #tpu.memory_space<vmem>>, vector<16xf32>,
            %mul3A_1745 = arith.mulf %gather3A, %get3A_1744 : vector<16xf32>
            %add3A_1746 = arith.addf %broadcast_in_dim3A_5, %mul3A_1745 : vector<16xf32>
            %add3A_1747 = arith.constant 1024 : i32
            %add3A_1748 = vector.broadcast %add3A_1747 : i32 to vector<16xi32>
            %add3A_1749 = arith.addi %add3A_1748, %add3A_1735 : vector<16xi32>
            %gather3A_1750 = tpu.vector_load_idx %arg13[%add3A_1749] : memref<8192xf32, #tpu.memory_space<vmem>>[vector<16xi32>], vector<16xf32>,
            %mul3A_1751 = arith.constant 16 : i32
            %mul3A_1752 = arith.muli %scan3A_1730, %mul3A_1751 : i32
            %add3A_1753 = arith.constant 2048 : i32
            %add3A_1754 = arith.addi %add3A_1753, %mul3A_1752 : i32
            %get3A_1755 = arith.index_cast %add3A_1754 : i32 to index
            %get3A_1756 = tpu.vector_load %arg14[%get3A_1755] {strides = array<i32>} : memref<16384xf32, #tpu.memory_space<vmem>>, vector<16xf32>,
            %mul3A_1757 = arith.mulf %gather3A_1750, %get3A_1756 : vector<16xf32>
            %add3A_1758 = arith.addf %add3A_1746, %mul3A_1757 : vector<16xf32>
            %add3A_1759 = arith.constant 2048 : i32
            %add3A_1760 = vector.broadcast %add3A_1759 : i32 to vector<16xi32>
            %add3A_1761 = arith.addi %add3A_1760, %add3A_1735 : vector<16xi32>
            %gather3A_1762 = tpu.vector_load_idx %arg13[%add3A_1761] : memref<8192xf32, #tpu.memory_space<vmem>>[vector<16xi32>], vector<16xf32>,
            %mul3A_1763 = arith.constant 16 : i32
            %mul3A_1764 = arith.muli %scan3A_1730, %mul3A_1763 : i32
            %add3A_1765 = arith.constant 4096 : i32
            %add3A_1766 = arith.addi %add3A_1765, %mul3A_1764 : i32
            %get3A_1767 = arith.index_cast %add3A_1766 : i32 to index
            %get3A_1768 = tpu.vector_load %arg14[%get3A_1767] {strides = array<i32>} : memref<16384xf32, #tpu.memory_space<vmem>>, vector<16xf32>,
            %mul3A_1769 = arith.mulf %gather3A_1762, %get3A_1768 : vector<16xf32>
            %add3A_1770 = arith.addf %add3A_1758, %mul3A_1769 : vector<16xf32>
            %add3A_1771 = arith.constant 3072 : i32
            %add3A_1772 = vector.broadcast %add3A_1771 : i32 to vector<16xi32>
            %add3A_1773 = arith.addi %add3A_1772, %add3A_1735 : vector<16xi32>
            %gather3A_1774 = tpu.vector_load_idx %arg13[%add3A_1773] : memref<8192xf32, #tpu.memory_space<vmem>>[vector<16xi32>], vector<16xf32>,
            %mul3A_1775 = arith.constant 16 : i32
            %mul3A_1776 = arith.muli %scan3A_1730, %mul3A_1775 : i32
            %add3A_1777 = arith.constant 6144 : i32
            %add3A_1778 = arith.addi %add3A_1777, %mul3A_1776 : i32
            %get3A_1779 = arith.index_cast %add3A_1778 : i32 to index
            %get3A_1780 = tpu.vector_load %arg14[%get3A_1779] {strides = array<i32>} : memref<16384xf32, #tpu.memory_space<vmem>>, vector<16xf32>,
            %mul3A_1781 = arith.mulf %gather3A_1774, %get3A_1780 : vector<16xf32>
            %add3A_1782 = arith.addf %add3A_1770, %mul3A_1781 : vector<16xf32>
            %add3A_1783 = arith.constant 4096 : i32
            %add3A_1784 = vector.broadcast %add3A_1783 : i32 to vector<16xi32>
            %add3A_1785 = arith.addi %add3A_1784, %add3A_1735 : vector<16xi32>
            %gather3A_1786 = tpu.vector_load_idx %arg13[%add3A_1785] : memref<8192xf32, #tpu.memory_space<vmem>>[vector<16xi32>], vector<16xf32>,
            %mul3A_1787 = arith.constant 16 : i32
            %mul3A_1788 = arith.muli %scan3A_1730, %mul3A_1787 : i32
            %add3A_1789 = arith.constant 8192 : i32
            %add3A_1790 = arith.addi %add3A_1789, %mul3A_1788 : i32
            %get3A_1791 = arith.index_cast %add3A_1790 : i32 to index
            %get3A_1792 = tpu.vector_load %arg14[%get3A_1791] {strides = array<i32>} : memref<16384xf32, #tpu.memory_space<vmem>>, vector<16xf32>,
            %mul3A_1793 = arith.mulf %gather3A_1786, %get3A_1792 : vector<16xf32>
            %add3A_1794 = arith.addf %add3A_1782, %mul3A_1793 : vector<16xf32>
            %add3A_1795 = arith.constant 5120 : i32
            %add3A_1796 = vector.broadcast %add3A_1795 : i32 to vector<16xi32>
            %add3A_1797 = arith.addi %add3A_1796, %add3A_1735 : vector<16xi32>
            %gather3A_1798 = tpu.vector_load_idx %arg13[%add3A_1797] : memref<8192xf32, #tpu.memory_space<vmem>>[vector<16xi32>], vector<16xf32>,
            %mul3A_1799 = arith.constant 16 : i32
            %mul3A_1800 = arith.muli %scan3A_1730, %mul3A_1799 : i32
            %add3A_1801 = arith.constant 10240 : i32
            %add3A_1802 = arith.addi %add3A_1801, %mul3A_1800 : i32
            %get3A_1803 = arith.index_cast %add3A_1802 : i32 to index
            %get3A_1804 = tpu.vector_load %arg14[%get3A_1803] {strides = array<i32>} : memref<16384xf32, #tpu.memory_space<vmem>>, vector<16xf32>,
            %mul3A_1805 = arith.mulf %gather3A_1798, %get3A_1804 : vector<16xf32>
            %add3A_1806 = arith.addf %add3A_1794, %mul3A_1805 : vector<16xf32>
            %add3A_1807 = arith.constant 6144 : i32
            %add3A_1808 = vector.broadcast %add3A_1807 : i32 to vector<16xi32>
            %add3A_1809 = arith.addi %add3A_1808, %add3A_1735 : vector<16xi32>
            %gather3A_1810 = tpu.vector_load_idx %arg13[%add3A_1809] : memref<8192xf32, #tpu.memory_space<vmem>>[vector<16xi32>], vector<16xf32>,
            %mul3A_1811 = arith.constant 16 : i32
            %mul3A_1812 = arith.muli %scan3A_1730, %mul3A_1811 : i32
            %add3A_1813 = arith.constant 12288 : i32
            %add3A_1814 = arith.addi %add3A_1813, %mul3A_1812 : i32
            %get3A_1815 = arith.index_cast %add3A_1814 : i32 to index
            %get3A_1816 = tpu.vector_load %arg14[%get3A_1815] {strides = array<i32>} : memref<16384xf32, #tpu.memory_space<vmem>>, vector<16xf32>,
            %mul3A_1817 = arith.mulf %gather3A_1810, %get3A_1816 : vector<16xf32>
            %add3A_1818 = arith.addf %add3A_1806, %mul3A_1817 : vector<16xf32>
            %add3A_1819 = arith.constant 7168 : i32
            %add3A_1820 = vector.broadcast %add3A_1819 : i32 to vector<16xi32>
            %add3A_1821 = arith.addi %add3A_1820, %add3A_1735 : vector<16xi32>
            %gather3A_1822 = tpu.vector_load_idx %arg13[%add3A_1821] : memref<8192xf32, #tpu.memory_space<vmem>>[vector<16xi32>], vector<16xf32>,
            %mul3A_1823 = arith.constant 16 : i32
            %mul3A_1824 = arith.muli %scan3A_1730, %mul3A_1823 : i32
            %add3A_1825 = arith.constant 14336 : i32
            %add3A_1826 = arith.addi %add3A_1825, %mul3A_1824 : i32
            %get3A_1827 = arith.index_cast %add3A_1826 : i32 to index
            %get3A_1828 = tpu.vector_load %arg14[%get3A_1827] {strides = array<i32>} : memref<16384xf32, #tpu.memory_space<vmem>>, vector<16xf32>,
            %mul3A_1829 = arith.mulf %gather3A_1822, %get3A_1828 : vector<16xf32>
            %add3A_1830 = arith.addf %add3A_1818, %mul3A_1829 : vector<16xf32>
            %shift_right_arithmetic3A_1831 = arith.constant 7 : i32
            %shift_right_arithmetic3A_1832 = vector.broadcast %shift_right_arithmetic3A_1831 : i32 to vector<16xi32>
            %shift_right_arithmetic3A_1833 = arith.shrsi %add3A_1735, %shift_right_arithmetic3A_1832 : vector<16xi32>
            %shift_left3A_1834 = arith.constant 10 : i32
            %shift_left3A_1835 = vector.broadcast %shift_left3A_1834 : i32 to vector<16xi32>
            %shift_left3A_1836 = arith.shli %shift_right_arithmetic3A_1833, %shift_left3A_1835 : vector<16xi32>
            %add3A_1837 = vector.broadcast %add3A_175 : i32 to vector<16xi32>
            %add3A_1838 = arith.addi %add3A_1837, %shift_left3A_1836 : vector<16xi32>
            %shift_left3A_1839 = arith.constant 7 : i32
            %shift_left3A_1840 = vector.broadcast %shift_left3A_1839 : i32 to vector<16xi32>
            %shift_left3A_1841 = arith.shli %and3A_4, %shift_left3A_1840 : vector<16xi32>
            %add3A_1842 = arith.addi %add3A_1838, %shift_left3A_1841 : vector<16xi32>
            %and3A_1843 = arith.constant 127 : i32
            %and3A_1844 = vector.broadcast %and3A_1843 : i32 to vector<16xi32>
            %and3A_1845 = arith.andi %add3A_1735, %and3A_1844 : vector<16xi32>
            %add3A_1846 = arith.addi %add3A_1842, %and3A_1845 : vector<16xi32>
            %mul3A_1847 = arith.mulf %add3A_1830, %select_n3A : vector<16xf32>
            tpu.vector_store_idx %arg15[%add3A_1846], %mul3A_1847 : memref<65536xf32, #tpu.memory_space<vmem>>[vector<16xi32>], vector<16xf32>,
            %scan3A_1848 = arith.constant 0 : i32
            scf.yield %scan3A_1848 : i32
          }
          %scan3A_1729 = arith.constant 128 : i32
        } else {
        }
        %scan3A_160 = arith.constant 0 : i32
        scf.yield %scan3A_160 : i32
      }
      %scan3A_100 = arith.constant 15 : i32
      %add3A_101 = arith.constant 0 : i32
      %add3A_102 = arith.addi %mul3A_69, %add3A_101 : i32
      %mul3A_103 = arith.constant 8 : i32
      %mul3A_104 = arith.muli %add3A_72, %mul3A_103 : i32
      %add3A_105 = arith.constant 0 : i32
      %add3A_106 = arith.addi %add3A_105, %mul3A_104 : i32
      %dma_start3A_107 = tpu.memref_slice %arg15[%add3A_102] : memref<65536xf32, #tpu.memory_space<vmem>> -> memref<8192xf32, #tpu.memory_space<vmem>>
      %dma_start3A_108 = tpu.memref_slice %arg8[%add3A_106] : memref<8388608xf32, #tpu.memory_space<hbm>> -> memref<8192xf32, #tpu.memory_space<hbm>>
      %dma_start3A_109 = tpu.memref_slice %arg8[%add3A_106] : memref<8388608xf32, #tpu.memory_space<hbm>> -> memref<8192xf32, #tpu.memory_space<hbm>>
      %dma_start3A_110 = tpu.memref_slice %arg15[%add3A_102] : memref<65536xf32, #tpu.memory_space<vmem>> -> memref<8192xf32, #tpu.memory_space<vmem>>
      tpu.enqueue_dma source(%dma_start3A_110 : memref<8192xf32, #tpu.memory_space<vmem>>) target(%dma_start3A_109 : memref<8192xf32, #tpu.memory_space<hbm>>) target_semaphore(%arg23 : memref<!tpu.dma_semaphore, #tpu.memory_space<semaphore_mem>>)
      %add3A_111 = arith.constant 8192 : i32
      %add3A_112 = arith.addi %mul3A_69, %add3A_111 : i32
      %mul3A_113 = arith.constant 8 : i32
      %mul3A_114 = arith.muli %add3A_72, %mul3A_113 : i32
      %add3A_115 = arith.constant 2097152 : i32
      %add3A_116 = arith.addi %add3A_115, %mul3A_114 : i32
      %dma_start3A_117 = tpu.memref_slice %arg15[%add3A_112] : memref<65536xf32, #tpu.memory_space<vmem>> -> memref<8192xf32, #tpu.memory_space<vmem>>
      %dma_start3A_118 = tpu.memref_slice %arg8[%add3A_116] : memref<8388608xf32, #tpu.memory_space<hbm>> -> memref<8192xf32, #tpu.memory_space<hbm>>
      %dma_start3A_119 = tpu.memref_slice %arg8[%add3A_116] : memref<8388608xf32, #tpu.memory_space<hbm>> -> memref<8192xf32, #tpu.memory_space<hbm>>
      %dma_start3A_120 = tpu.memref_slice %arg15[%add3A_112] : memref<65536xf32, #tpu.memory_space<vmem>> -> memref<8192xf32, #tpu.memory_space<vmem>>
      tpu.enqueue_dma source(%dma_start3A_120 : memref<8192xf32, #tpu.memory_space<vmem>>) target(%dma_start3A_119 : memref<8192xf32, #tpu.memory_space<hbm>>) target_semaphore(%arg23 : memref<!tpu.dma_semaphore, #tpu.memory_space<semaphore_mem>>)
      %add3A_121 = arith.constant 16384 : i32
      %add3A_122 = arith.addi %mul3A_69, %add3A_121 : i32
      %mul3A_123 = arith.constant 8 : i32
      %mul3A_124 = arith.muli %add3A_72, %mul3A_123 : i32
      %add3A_125 = arith.constant 4194304 : i32
      %add3A_126 = arith.addi %add3A_125, %mul3A_124 : i32
      %dma_start3A_127 = tpu.memref_slice %arg15[%add3A_122] : memref<65536xf32, #tpu.memory_space<vmem>> -> memref<8192xf32, #tpu.memory_space<vmem>>
      %dma_start3A_128 = tpu.memref_slice %arg8[%add3A_126] : memref<8388608xf32, #tpu.memory_space<hbm>> -> memref<8192xf32, #tpu.memory_space<hbm>>
      %dma_start3A_129 = tpu.memref_slice %arg8[%add3A_126] : memref<8388608xf32, #tpu.memory_space<hbm>> -> memref<8192xf32, #tpu.memory_space<hbm>>
      %dma_start3A_130 = tpu.memref_slice %arg15[%add3A_122] : memref<65536xf32, #tpu.memory_space<vmem>> -> memref<8192xf32, #tpu.memory_space<vmem>>
      tpu.enqueue_dma source(%dma_start3A_130 : memref<8192xf32, #tpu.memory_space<vmem>>) target(%dma_start3A_129 : memref<8192xf32, #tpu.memory_space<hbm>>) target_semaphore(%arg23 : memref<!tpu.dma_semaphore, #tpu.memory_space<semaphore_mem>>)
      %add3A_131 = arith.constant 24576 : i32
      %add3A_132 = arith.addi %mul3A_69, %add3A_131 : i32
      %mul3A_133 = arith.constant 8 : i32
      %mul3A_134 = arith.muli %add3A_72, %mul3A_133 : i32
      %add3A_135 = arith.constant 6291456 : i32
      %add3A_136 = arith.addi %add3A_135, %mul3A_134 : i32
      %dma_start3A_137 = tpu.memref_slice %arg15[%add3A_132] : memref<65536xf32, #tpu.memory_space<vmem>> -> memref<8192xf32, #tpu.memory_space<vmem>>
      %dma_start3A_138 = tpu.memref_slice %arg8[%add3A_136] : memref<8388608xf32, #tpu.memory_space<hbm>> -> memref<8192xf32, #tpu.memory_space<hbm>>
      %dma_start3A_139 = tpu.memref_slice %arg8[%add3A_136] : memref<8388608xf32, #tpu.memory_space<hbm>> -> memref<8192xf32, #tpu.memory_space<hbm>>
      %dma_start3A_140 = tpu.memref_slice %arg15[%add3A_132] : memref<65536xf32, #tpu.memory_space<vmem>> -> memref<8192xf32, #tpu.memory_space<vmem>>
      tpu.enqueue_dma source(%dma_start3A_140 : memref<8192xf32, #tpu.memory_space<vmem>>) target(%dma_start3A_139 : memref<8192xf32, #tpu.memory_space<hbm>>) target_semaphore(%arg23 : memref<!tpu.dma_semaphore, #tpu.memory_space<semaphore_mem>>)
      %scan3A_141 = arith.constant 0 : i32
      scf.yield %scan3A_141 : i32
    }
    %scan3A_44 = arith.constant 8 : i32
    %dma_wait3A = arith.constant 0 : i32
    %dma_wait3A_45 = tpu.memref_slice %arg15[%dma_wait3A] : memref<65536xf32, #tpu.memory_space<vmem>> -> memref<32768xf32, #tpu.memory_space<vmem>>
    %dma_wait3A_46 = arith.constant 0 : i32
    %dma_wait3A_47 = tpu.memref_slice %arg8[%dma_wait3A_46] : memref<8388608xf32, #tpu.memory_space<hbm>> -> memref<32768xf32, #tpu.memory_space<hbm>>
    %dma_wait3A_48 = arith.constant 0 : i32
    %dma_wait3A_49 = tpu.memref_slice %arg15[%dma_wait3A_48] : memref<65536xf32, #tpu.memory_space<vmem>> -> memref<32768xf32, #tpu.memory_space<vmem>>
    %dma_wait3A_50 = arith.constant 0 : i32
    %dma_wait3A_51 = tpu.memref_slice %arg8[%dma_wait3A_50] : memref<8388608xf32, #tpu.memory_space<hbm>> -> memref<32768xf32, #tpu.memory_space<hbm>>
    tpu.wait_dma2 semaphore(%arg23 : memref<!tpu.dma_semaphore, #tpu.memory_space<semaphore_mem>>) src(%dma_wait3A_51 : memref<32768xf32, #tpu.memory_space<hbm>>) dst(%dma_wait3A_49 : memref<32768xf32, #tpu.memory_space<vmem>>)
    %dma_wait3A_52 = arith.constant 0 : i32
    %dma_wait3A_53 = tpu.memref_slice %arg15[%dma_wait3A_52] : memref<65536xf32, #tpu.memory_space<vmem>> -> memref<32768xf32, #tpu.memory_space<vmem>>
    %dma_wait3A_54 = arith.constant 0 : i32
    %dma_wait3A_55 = tpu.memref_slice %arg8[%dma_wait3A_54] : memref<8388608xf32, #tpu.memory_space<hbm>> -> memref<32768xf32, #tpu.memory_space<hbm>>
    %dma_wait3A_56 = arith.constant 0 : i32
    %dma_wait3A_57 = tpu.memref_slice %arg15[%dma_wait3A_56] : memref<65536xf32, #tpu.memory_space<vmem>> -> memref<32768xf32, #tpu.memory_space<vmem>>
    %dma_wait3A_58 = arith.constant 0 : i32
    %dma_wait3A_59 = tpu.memref_slice %arg8[%dma_wait3A_58] : memref<8388608xf32, #tpu.memory_space<hbm>> -> memref<32768xf32, #tpu.memory_space<hbm>>
    tpu.wait_dma2 semaphore(%arg23 : memref<!tpu.dma_semaphore, #tpu.memory_space<semaphore_mem>>) src(%dma_wait3A_59 : memref<32768xf32, #tpu.memory_space<hbm>>) dst(%dma_wait3A_57 : memref<32768xf32, #tpu.memory_space<vmem>>)
    return
  }
}

</mosaic_0001>

<sc_bundles>
// kernel: kernel.3.cloned.1.call-start
scs
__scs_entry_jumppad:
0x0: {  	(pc) =	sbr.rel $0x88, $3  }
0x1: {  	(tag) =	ssettag $0x0;
	lr =	simm.s32 $0x1  }
0x2: {  	[smem:$0x3F9E] =	sst lr;
	_ =	strace $0xD0000000  }
0x3: {  	_ = 	snop  }
0x4: {  	_ = 	snop  }
0x5: {  	_ = 	snop  }
0x6: {  	_ = 	snop  }
0x7: {  	_ = 	snop  }
__scs_overlays_trampoline_lowered:
0x8: {  	[smem:$0x3FAD] =	sst s0  }
0x9: {  	[smem:$0x3FAE] =	sst s1  }
0xa: {  	[smem:$0x3FAF] =	sst s2  }
0xb: {  	[smem:$0x3FB0] =	sst s3  }
0xc: {  	[smem:$0x3FB1] =	sst s4  }
0xd: {  	[smem:$0x3FB2] =	sst s5  }
0xe: {  	[smem:$0x3FB3] =	sst s6  }
0xf: {  	[smem:$0x3FB4] =	sst s7  }
0x10: {  	[smem:$0x3FB5] =	sst s8  }
0x11: {  	[smem:$0x3FB6] =	sst s9;
	s0 =	simm.s32 @!p0 $0x0  }
0x12: {  	s1 =	sld [smem:$0x3F9C];
	s0 =	simm.s32 @p0 $0x1  }
0x13: {  	[smem:$0x3FB7] =	sst s0;
	s0 =	simm.s32 @!p1 $0x0  }
0x14: {  	s2 =	sld [smem:$0x3F9B];
	s0 =	simm.s32 @p1 $0x1  }
0x15: {  	[smem:$0x3FB8] =	sst s0;
	s0 =	simm.s32 @!p2 $0x0  }
0x16: {  	s3 =	sld [smem:$0x3FDB];
	s0 =	simm.s32 @p2 $0x1  }
0x17: {  	s4 =	simm.s32 $0x1BF5;
	[smem:$0x3FBA] =	sst s0  }
0x18: {  	s0 =	sld [smem:$0x3F9D];
	_ =	swait.ge [sflag:s4], $0x0  }
0x19: {  	s7 =	sld [smem:$0x3F9E]  }
0x1a: {  	s8 =	sadd.s32 $0xFFFFE003, lr  }
0x1b: {  	s9 =	sadd.s32 $0xFFFFFEF7, lr;
	s5 =	simm.s32 $0xFFFFFFFF;
	p2 =	slt.u32 s8, $0xFFFFF086  }
0x1c: {  	p1 =	slt.u32 s9, $0xF7A;
	s5 =	simm.s32 @!p2 $0x0  }
0x1d: {  	s5 =	simm.s32 @p1 $0x1;
	p0 =	seq.s32 s7, s2  }
0x1e: {  	s7 =	smul.u32 @!p0 $0xF7A, s2;
	p2 =	seq.s32 @!p0 s5, $0x0  }
0x1f: {  	s9 =	smul.u32 $0xF7A, s1;
	s8 =	simm.s32 @!p0 $0x1BF5;
	p2 =	por !p2, p0  }
0x20: {  	[sflag:s8] =	ssyncset.s32 @!p0 $0xFFFFF086;
	s6 =	sadd.s32 @!p0 s3, s7;
	s7 =	simm.s32 @!p0 $0x108  }
0x21: {  	s3 =	sadd.s32 s3, s9;
	s6 =	sadd.s32 @!p0 $0x88, s6;
	s7 =	simm.s32 @p2 $0x1082  }
0x22: {  	[simem:s7], [sflag:s8] =	dma.local @!p0 [hbm:s6], $0xF7A  }
0x23: {  	s9 =	sor.u32 $0xD0000000, s2;
	s6 =	simm.s32 $0x108;
	_ =	swait.ge @!p0 [sflag:s8], $0x0  }
0x24: {  	s3 =	sadd.s32 $0x88, s3;
	s6 =	simm.s32 @!p1 $0x1082;
	[sflag:s4] =	ssyncset.s32 $0xFFFFF086  }
0x25: {  	[simem:s6], [sflag:s4] =	dma.local [hbm:s3], $0xF7A  }
0x26: {  	[smem:$0x3F9E] =	sst s1;
	(tag) =	ssettag s2;
	_ =	strace s9  }
0x27: {  	s1 =	sld [smem:$0x3FAE]  }
0x28: {  	s2 =	sld [smem:$0x3FAF]  }
0x29: {  	s4 =	sld [smem:$0x3FB1]  }
0x2a: {  	p0 =	seq.s32 s5, $0x0;
	s5 =	sld [smem:$0x3FB2]  }
0x2b: {  	s6 =	sld [smem:$0x3FB3]  }
0x2c: {  	s7 =	sld [smem:$0x3FB4]  }
0x2d: {  	s3 =	simm.s32 $0x108;
	s8 =	sld [smem:$0x3FB5]  }
0x2e: {  	s3 =	simm.s32 @!p0 $0x1082;
	s9 =	sld [smem:$0x3FB6]  }
0x2f: {  	lr =	sadd.s32 s0, s3;
	s0 =	sld [smem:$0x3FAD]  }
0x30: {  	s3 =	sld [smem:$0x3FB0]  }
0x31: {  	[smem:$0x3FB9] =	sst s10  }
0x32: {  	s10 =	sld [smem:$0x3FB7];
	_ =	sdelay $0x3  }
0x33: {  	p0 =	seq.s32 s10, $0x1;
	s10 =	sld [smem:$0x3FB9];
	_ =	sdelay $0x3  }
0x34: {  	[smem:$0x3FB9] =	sst s10  }
0x35: {  	s10 =	sld [smem:$0x3FB8];
	_ =	sdelay $0x3  }
0x36: {  	p1 =	seq.s32 s10, $0x1;
	s10 =	sld [smem:$0x3FB9];
	_ =	sdelay $0x3  }
0x37: {  	[smem:$0x3FB9] =	sst s10  }
0x38: {  	s10 =	sld [smem:$0x3FBA]  }
0x39: {  	_ = 	snop;
	(pc) =	sbr.ind lr, $3  }
0x3a: {  	_ = 	snop  }
0x3b: {  	_ = 	snop  }
0x3c: {  	p2 =	seq.s32 s10, $0x1;
	s10 =	sld [smem:$0x3FB9]  }
0x3d: {  	_ =	shalt  }
0x3e: {  	_ =	shalt  }
0x3f: {  	_ =	shalt  }
0x40: {  	_ =	shalt  }
0x41: {  	_ =	shalt  }
0x42: {  	_ =	shalt  }
0x43: {  	_ =	shalt  }
0x44: {  	_ =	shalt  }
0x45: {  	_ =	shalt  }
0x46: {  	_ =	shalt  }
0x47: {  	_ =	shalt  }
0x48: {  	_ =	shalt  }
0x49: {  	_ =	shalt  }
0x4a: {  	_ =	shalt  }
0x4b: {  	_ =	shalt  }
0x4c: {  	_ =	shalt  }
0x4d: {  	_ =	shalt  }
0x4e: {  	_ =	shalt  }
0x4f: {  	_ =	shalt  }
0x50: {  	_ =	shalt  }
0x51: {  	_ =	shalt  }
0x52: {  	_ =	shalt  }
0x53: {  	_ =	shalt  }
0x54: {  	_ =	shalt  }
0x55: {  	_ =	shalt  }
0x56: {  	_ =	shalt  }
0x57: {  	_ =	shalt  }
0x58: {  	_ =	shalt  }
0x59: {  	_ =	shalt  }
0x5a: {  	_ =	shalt  }
0x5b: {  	_ =	shalt  }
0x5c: {  	_ =	shalt  }
0x5d: {  	_ =	shalt  }
0x5e: {  	_ =	shalt  }
0x5f: {  	_ =	shalt  }
0x60: {  	_ =	shalt  }
0x61: {  	_ =	shalt  }
0x62: {  	_ =	shalt  }
0x63: {  	_ =	shalt  }
0x64: {  	_ =	shalt  }
0x65: {  	_ =	shalt  }
0x66: {  	_ =	shalt  }
0x67: {  	_ =	shalt  }
0x68: {  	_ =	shalt  }
0x69: {  	_ =	shalt  }
0x6a: {  	_ =	shalt  }
0x6b: {  	_ =	shalt  }
0x6c: {  	_ =	shalt  }
0x6d: {  	_ =	shalt  }
0x6e: {  	_ =	shalt  }
0x6f: {  	_ =	shalt  }
0x70: {  	_ =	shalt  }
0x71: {  	_ =	shalt  }
0x72: {  	_ =	shalt  }
0x73: {  	_ =	shalt  }
0x74: {  	_ =	shalt  }
0x75: {  	_ =	shalt  }
0x76: {  	_ =	shalt  }
0x77: {  	_ =	shalt  }
0x78: {  	_ =	shalt  }
0x79: {  	_ =	shalt  }
0x7a: {  	_ =	shalt  }
0x7b: {  	_ =	shalt  }
0x7c: {  	_ =	shalt  }
0x7d: {  	_ =	shalt  }
0x7e: {  	_ =	shalt  }
0x7f: {  	_ =	shalt  }
0x80: {  	_ =	shalt  }
0x81: {  	_ =	shalt  }
0x82: {  	_ =	shalt  }
0x83: {  	_ =	shalt  }
0x84: {  	_ =	shalt  }
0x85: {  	_ =	shalt  }
0x86: {  	_ =	shalt  }
0x87: {  	_ =	shalt  }
.Lfunc_end0:
.L_simem_size_0:
called_computation_lowered:
.L_overlay_start_0:
0x88: {  	s2 =	sld [smem:$0x3FD9]  }
0x89: {  	s3 =	sld [smem:$0x3FFE];
	_ =	sdelay $0x1  }
0x8a: {  	s1 =	srdreg.scid  }
0x8b: {  	s0 =	sand.u32 $0x1, s1  }
0x8c: {  	s17 =	sshll.u32 s0, $0xA;
	s2 =	sadd.s32 s3, s2  }
0x8d: {  	s2 =	sadd.s32 s2, s17  }
0x8e: {  	[smem:$0x3FC5] =	sst s2  }
0x8f: {  	_ = 	snop  }
0x90: {  	s2 =	sld [smem:$0x3FC8]  }
0x91: {  	s18 =	sld [smem:$0x3FD0];
	(tm) =	ssettm $0x1  }
0x92: {  	s4 =	sld [smem:$0x3FFB];
	_ =	sdelay $0x3  }
0x93: {  	_ =	strace s4  }
0x94: {  	s4 =	sld [smem:$0x3FFC];
	_ =	sdelay $0x3  }
0x95: {  	_ =	strace s4  }
0x96: {  	s4 =	sld [smem:$0x3FFD];
	_ =	sdelay $0x3  }
0x97: {  	_ =	strace s4  }
0x98: {  	_ =	strace $0x8FFFFFFF  }
0x99: {  	s19 =	sld [smem:$0x3FDB];
	_ =	sdelay $0x1  }
0x9a: {  	s5 =	simm.s32 $_scs_section_size  }
0x9b: {  	s6 =	simm.s32 $_size__tile_overlayer_lowered;
	s7 =	simm.s32 $_tile_overlayer_lowered  }
0x9c: {  	s22 =	simm.s32 $0x1BFF;
	s21 =	sshll.u32 s7, $0x1;
	s4 =	sadd.s32 s5, s19  }
0x9d: {  	s8 =	simm.s32 $0x0;
	s20 =	sshll.u32 s6, $0x1;
	s6 =	sadd.s32 s21, s4  }
0x9e: {  	[timem:s8], [sflag:s22] =	dma.local [hbm:s6], s20  }
0x9f: {  	_ =	swait.ge [sflag:s22], s20  }
0xa0: {  	s5 =	ssub.s32 $0x0, s20;
	[sflag:s22] =	ssyncset.done $0x0  }
0xa1: {  	[sflag:s22] =	ssyncadd.s32 s5;
	_ =	sdelay $0x1  }
0xa2: {  	s23 =	simm.s32 $0x1B8B  }
0xa3: {  	_ =	swait.ge [sflag:s23], $0x1  }
0xa4: {  	[sflag:s23] =	ssyncset.done $0x0  }
0xa5: {  	s25 =	simm.s32 $0x1B8E;
	s24 =	sld [smem:$0x3FFE];
	[sflag:s23] =	ssyncadd.s32 $0xFFFFFFFF  }
0xa6: {  	s26 =	simm.s32 $execute0_lowered;
	[smem:$0x3FD2] =	sst s25  }
0xa7: {  	s6 =	sshll.u32 s26, $0x1;
	_ =	strace $0x80000046;
	[dreg:$0x1] =	wrdreg $0xFFFFFFFF  }
0xa8: {  	s28 =	simm.s32 $_size_execute0_lowered;
	s4 =	sadd.s32 s4, s6;
	[dreg:$0x0] =	wrdreg $0x0  }
0xa9: {  	s6 =	sshll.u32 s28, $0x1;
	[dreg:$0x2] =	wrdreg s4  }
0xaa: {  	[dreg:$0x3] =	wrdreg s6  }
0xab: {  	[dreg:$0x4] =	wrdreg $0xC0  }
0xac: {  	_ =	task [dreg:s8], $0x5FFFF  }
0xad: {  	[dreg:$0x1] =	wrdreg $0xFFFFFFFF  }
0xae: {  	[dreg:$0x0] =	wrdreg $0x60  }
0xaf: {  	[dreg:$0x2] =	wrdreg s24  }
0xb0: {  	[dreg:$0x3] =	wrdreg s2  }
0xb1: {  	[dreg:$0x4] =	wrdreg s18  }
0xb2: {  	[dreg:$0x5] =	wrdreg $0x1E9000  }
0xb3: {  	[dreg:$0x6] =	wrdreg $0x9  }
0xb4: {  	_ =	task.clear_ibuf [dreg:s8], $0x7FFFF;
	_ =	strace $0x90000046  }
0xb5: {  	s29 =	simm.s32 $0x9;
	_ =	strace $0x80000048  }
0xb6: {  	_ =	swait.ge [sflag:s29], $0x1  }
0xb7: {  	[sflag:s29] =	ssyncadd.s32 $0xFFFFFFFF  }
0xb8: {  	_ =	strace $0x90000048  }
0xb9: {  	_ =	sfence  }
0xba: {  	s30 =	sld [smem:$0x0];
	_ =	sdelay $0x2  }
0xbb: {  	s31 =	sshll.u32 s1, $0xD;
	s1 =	sshrl.u32 s1, $0x2  }
0xbc: {  	s3 =	sand.u32 $0x4000, s31;
	s1 =	sadd.s32 s1, s30  }
0xbd: {  	s0 =	sor.u32 s3, s0;
	s1 =	sshll.u32 s1, $0x11  }
0xbe: {  	s0 =	sor.u32 s1, s0  }
0xbf: {  	s0 =	sadd.s32 $0x8F2B, s0  }
0xc0: {  	[sflag:s0] =	ssyncadd.remote.s32 $0x1  }
0xc1: {  	_ =	sfence.sel $0xFFFF  }
0xc2: {  	[dreg:$0x0] =	wrdreg $0xFFFFFFFF;
	(pc) =	sbr.abs _section_cstart, $3  }
0xc3: {  	[dreg:$0x1] =	wrdreg $0xFFFFFFFF  }
0xc4: {  	_ =	task.clear_ibuf [dreg:s8], $0x2FFFF;
	_ =	strace $0x9FFFFFFF  }
0xc5: {  	(tm) =	ssettm $0x7FFFFFFF  }
tec
execute0_lowered:
.L_overlay_start_1:
0x0: {  	(tag) =	ssettag $0x1  }
0x1: {  	s0 =	rddreg [dreg:$0x0]  }
0x2: {  	s1 =	rddreg [dreg:$0x1]  }
0x3: {  	s5 =	rddreg [dreg:$0x2]  }
0x4: {  	s6 =	rddreg [dreg:$0x3];
	s2 =	simm.s32 $0x0  }
0x5: {  	s19 =	srdreg.scid;
	s7 =	stileid.u32;
	s16 =	simm.s32 $0x80  }
0x6: {  	s29 =	simm.s32 $0x1800;
	s18 =	simm.s32 $0x1;
	s11 =	simm.s32 $0x1D100  }
0x7: {  	s12 =	simm.s32 $0x5680;
	[smem:$0x7FF] =	sst s2;
	s8 =	sadd.s32 $0x10800, s0  }
0x8: {  	s9 =	sadd.s32 $0x8800, s0;
	s10 =	sadd.s32 $0x800, s0;
	s20 =	sadd.s32 $0x600, s0  }
0x9: {  	s0 =	sadd.s32 $0x18800, s0;
	_ =	strace $0x80000047;
	[dreg:$0x9] =	wrdreg s20  }
0xa: {  	s31 =	simm.s32 $0x5700;
	s2 =	sand.u32 $0x1, s19;
	[dreg:$0xa] =	wrdreg s0  }
0xb: {  	s3 =	sshll.u32 s7, $0xE;
	p0 =	sgt.u32 s7, $0x7;
	[dreg:$0x5] =	wrdreg s8  }
0xc: {  	s23 =	smul.u32 $0x300, s7;
	s25 =	sadd.s32 $0x1800, s6;
	[dreg:$0x6] =	wrdreg s9  }
0xd: {  	s26 =	sadd.s32 $0x40000, s5;
	s28 =	sadd.s32 $0x80000, s5;
	[dreg:$0x7] =	wrdreg s10  }
0xe: {  	s30 =	sadd.s32 $0xC0000, s5;
	s5 =	simm.s32 $0x5780;
	[dreg:$0x10] =	wrdreg s25  }
0xf: {  	s7 =	simm.s32 $0x0;
	s4 =	sshll.u32 s2, $0xD;
	[dreg:$0x11] =	wrdreg s26  }
0x10: {  	s2 =	ssub.s32 $0x2, s2;
	s0 =	simm.s32 $0xFFFFE800;
	[dreg:$0x12] =	wrdreg s28  }
0x11: {  	[dreg:$0x13] =	wrdreg s30;
	s20 =	simm.s32 $0x5600;
	s25 =	simm.s32 $0xB800  }
0x12: {  	s4 =	sor.u32 s4, s3;
	s21 =	sshrl.u32 s2, $0x1;
	s0 =	simm.s32 @!p0 $0x0  }
0x13: {  	vm0 =	vcmask $0xB08;
	vm1 =	vcmask $0x300;
	s3 =	sadd.s32 s23, s6;
	[dreg:$0x8] =	wrdreg s4;
	s4 =	sshrl.u32 s4, $0x3  }
0x14: {  	vm0 =	vmor vm1, vm0;
	vm1 =	vcmask $0x1310;
	s2 =	ssub.s32 s2, s21;
	s0 =	sadd.s32 s23, s0;
	[dreg:$0xf] =	wrdreg s3  }
0x15: {  	vm0 =	vmor vm0, vm1;
	vm1 =	vcmask $0x1B18;
	s21 =	simm.s32 $0xB600;
	s3 =	simm.s32 $0xB780;
	s23 =	simm.s32 $0x5800  }
.Ltmp0:
0x16: {  	vm0 =	vmor vm0, vm1;
	vm1 =	vcmask $0x2320;
	s22 =	sadd.s32 s8, s4;
	[dreg:$0xe] =	wrdreg s0;
	(pc) =	sbr.rel .LBB2_1-.Ltmp0, $4  }
0x17: {  	vm0 =	vmor vm0, vm1;
	vm1 =	vcmask $0x2B28;
	s24 =	sadd.s32 s9, s4;
	s4 =	sadd.s32 s10, s4;
	[dreg:$0xb] =	wrdreg s22  }
0x18: {  	s0 =	simm.s32 $0x80;
	s2 =	smax.u32 s2, $0x1;
	vm0 =	vmor vm0, vm1;
	vm1 =	vcmask $0x3330;
	[dreg:$0xc] =	wrdreg s24  }
0x19: {  	v1 =	vimm.f32 $0.0e+00;
	s10 =	simm.s32 $0x1B900;
	[dreg:$0xd] =	wrdreg s4;
	s0 =	simm.s32 @!p0 $0x0;
	vm0 =	vmor vm0, vm1;
	vm1 =	vcmask $0x3B38  }
0x1a: {  	v2 =	vlaneseq.u32;
	[dreg:$0x14] =	wrdreg s2;
	s4 =	simm.s32 $0xB680;
	v0 =	vmov s0;
	s0 =	simm.s32 $0xB700;
	vm0 =	vmor vm0, vm1  }
.LBB2_20:
0x1b: {  	s6 =	simm.s32 $0x3  }
0x1c: {  	_ =	swait.ge [sflag:s6], $0x8000  }
0x1d: {  	[sflag:s6] =	ssyncset.done $0x0  }
0x1e: {  	[sflag:s6] =	ssyncadd.s32 $0xFFFF8000  }
0x1f: {  	_ =	swait.ge [sflag:s6], $0x8000  }
0x20: {  	s7 =	rddreg [dreg:$0x15]  }
0x21: {  	s2 =	rddreg [dreg:$0x14];
	s7 =	sadd.s32 $0x1, s7  }
0x22: {  	p0 =	sne.s32 s7, s2  }
.Ltmp1:
0x23: {  	_ = 	snop;
	(pc) =	sbr.rel @!p0 .LBB2_21-.Ltmp1, $3  }
0x24: {  	_ =	sdelay $0x1  }
0x25: {  	[sflag:s6] =	ssyncset.done $0x0  }
0x26: {  	[sflag:s6] =	ssyncadd.s32 $0xFFFF8000  }
.LBB2_1:
0x27: {  	[dreg:$0x15] =	wrdreg s7;
	s2 =	simm.s32 $0x0  }
0x28: {  	s6 =	rddreg [dreg:$0x9];
	s15 =	simm.s32 $0x1B800;
	s17 =	simm.s32 $0x4  }
0x29: {  	[tilespmem:s15], [sflag:$0x4] =	stream.linear.gather [hbm4b:s6+s2], $0x20, $0x38;
	[tilespmem:$0x1EC00] =	vst v63  }
0x2a: {  	_ =	swait.ge [sflag:s17], $0x20  }
0x2b: {  	[sflag:s17] =	ssyncset.done $0x0  }
0x2c: {  	s8 =	simm.s32 $0x1B880;
	s19 =	rddreg [dreg:$0xa];
	[sflag:s17] =	ssyncadd.s32 $0xFFFFFFE0  }
0x2d: {  	[tilespmem:s8], [sflag:$0x4] =	stream.linear.gather [hbm4b:s19+s2], $0x10, $0x38;
	[tilespmem:$0x1EC00] =	vst v63  }
0x2e: {  	_ =	swait.ge [sflag:s17], $0x10  }
0x2f: {  	[sflag:s17] =	ssyncset.done $0x0  }
0x30: {  	s22 =	rddreg [dreg:$0xb];
	[sflag:s17] =	ssyncadd.s32 $0xFFFFFFF0  }
0x31: {  	[tilespmem:s2], [sflag:$0x2] =	stream.linear.gather [hbm4b:s22+s2], $0x400, $0x38;
	[tilespmem:$0x1EC00] =	vst v63  }
0x32: {  	s26 =	simm.s32 $0x800;
	s24 =	rddreg [dreg:$0xc]  }
0x33: {  	[tilespmem:s26], [sflag:$0x2] =	stream.linear.gather [hbm4b:s24+s2], $0x400, $0x38;
	[tilespmem:$0x1EC00] =	vst v63  }
0x34: {  	s30 =	simm.s32 $0x1000;
	s28 =	rddreg [dreg:$0xd]  }
0x35: {  	[tilespmem:s30], [sflag:$0x2] =	stream.linear.gather [hbm4b:s28+s2], $0x400, $0x38;
	[tilespmem:$0x1EC00] =	vst v63  }
0x36: {  	s2 =	simm.s32 $0xB840  }
0x37: {  	[tilespmem:s2+$0xFFFFFFC0] =	vst v1  }
0x38: {  	[tilespmem:s2+$0x30] =	vst v1  }
0x39: {  	[tilespmem:s2+$0x20] =	vst v1  }
0x3a: {  	[tilespmem:s2+$0x10] =	vst v1  }
0x3b: {  	[tilespmem:s2+$0x0] =	vst v1  }
0x3c: {  	[tilespmem:s2+$0xFFFFFFF0] =	vst v1  }
0x3d: {  	s6 =	simm.s32 $0x0;
	[tilespmem:s2+$0xFFFFFFE0] =	vst v1  }
.LBB2_2:
0x3e: {  	s6 =	sadd.s32 $0x8, s6;
	[tilespmem:s2+$0xFFFFFFD0] =	vst v1;
	s2 =	sadd.s32 $0x80, s2  }
0x3f: {  	[tilespmem:s2+$0xFFFFFFC0] =	vst v1;
	p0 =	slt.u32 s6, $0xFF8  }
0x40: {  	[tilespmem:s2+$0x30] =	vst v1  }
.Ltmp2:
0x41: {  	[tilespmem:s2+$0x20] =	vst v1;
	(pc) =	sbr.rel @p0 .LBB2_2-.Ltmp2, $4  }
0x42: {  	[tilespmem:s2+$0x10] =	vst v1  }
0x43: {  	[tilespmem:s2+$0x0] =	vst v1  }
0x44: {  	[tilespmem:s2+$0xFFFFFFF0] =	vst v1  }
0x45: {  	[tilespmem:s2+$0xFFFFFFE0] =	vst v1  }
0x46: {  	[tilespmem:s2+$0xFFFFFFD0] =	vst v1  }
0x47: {  	v4 =	vld [tilespmem:$0x1B800];
	_ =	sdelay $0x4  }
0x48: {  	(v2sf) =	vpush v4, $0x0  }
0x49: {  	(v2sf) =	vpush v4, $0x1;
	_ =	sdelay $0xd  }
0x4a: {  	s30 =	spop (v2sf)  }
0x4b: {  	s6 =	spop (v2sf)  }
0x4c: {  	p0 =	slt.f32 s30, $0.0e+00;
	p1 =	sgt.f32 s30, $0.0e+00  }
0x4d: {  	p2 =	slt.f32 s6, $0.0e+00;
	p3 =	sgt.f32 s6, $0.0e+00  }
0x4e: {  	_ = 	snop  }
0x4f: {  	p0 =	por p1, p0;
	p6 =	por p3, p2  }
0x50: {  	p0 =	por p0, p6  }
.Ltmp3:
0x51: {  	_ = 	snop;
	(pc) =	sbr.rel @!p0 .LBB2_7-.Ltmp3, $1  }
0x52: {  	_ =	sdelay $0x3  }
0x53: {  	s7 =	rddreg [dreg:$0xe]  }
0x54: {  	v3 =	vor.u32 s7, v2;
	s2 =	sadd.s32 $0x10, s7  }
0x55: {  	s6 =	sadd.s32 $0x30, s7;
	s30 =	sadd.s32 $0x20, s7;
	v5 =	vmul.u32 $0x1949, v3;
	v6 =	vor.u32 s2, v2  }
0x56: {  	v7 =	vor.u32 s6, v2;
	v9 =	vor.u32 s30, v2;
	v8 =	vmul.u32 $0x1949, v6  }
0x57: {  	v10 =	vmul.u32 $0x1949, v7;
	v11 =	vmul.u32 $0x1949, v9;
	v5 =	vshra.s32 v5, $0x15  }
0x58: {  	v12 =	vmul.u32 $0xFFFFFEBC, v5;
	v8 =	vshra.s32 v8, $0x15  }
0x59: {  	v10 =	vshra.s32 v10, $0x15;
	v11 =	vshra.s32 v11, $0x15;
	v13 =	vmul.u32 $0xFFFFFEBC, v8  }
0x5a: {  	v14 =	vmul.u32 $0xFFFFFEBC, v10;
	v59 =	vmul.u32 $0xFFFFFEBC, v11;
	v3 =	vadd.s32 v3, v12  }
0x5b: {  	v15 =	vmul.u32 $0xE39, v3;
	v6 =	vadd.s32 v6, v13  }
0x5c: {  	v7 =	vadd.s32 v7, v14;
	v9 =	vadd.s32 v9, v59;
	v13 =	vmul.u32 $0xE39, v6  }
0x5d: {  	v60 =	vmul.u32 $0xE39, v7;
	v62 =	vmul.u32 $0xE39, v9;
	v61 =	vshra.s32 v15, $0x10  }
0x5e: {  	v16 =	vmul.u32 $0x7FFEE, v61  }
0x5f: {  	v13 =	vshra.s32 v13, $0x10;
	v12 =	vshra.s32 v60, $0x10;
	v15 =	vshra.s32 v62, $0x10  }
0x60: {  	v14 =	vmul.u32 $0x779B1, v61;
	v17 =	vmul.u32 $0x7FFEE, v13;
	v18 =	vmul.u32 $0x7FFEE, v12  }
0x61: {  	v63 =	vmul.u32 $0x7FFEE, v15;
	v13 =	vmul.u32 $0x779B1, v13;
	v12 =	vmul.u32 $0x779B1, v12  }
0x62: {  	v15 =	vmul.u32 $0x779B1, v15;
	v3 =	vadd.s32 v3, v16;
	v6 =	vadd.s32 v6, v17  }
0x63: {  	v7 =	vadd.s32 v7, v18;
	v9 =	vadd.s32 v9, v63;
	v3 =	vmul.u32 $0x25795, v3  }
0x64: {  	v7 =	vmul.u32 $0x25795, v7;
	v6 =	vmul.u32 $0x25795, v6;
	v9 =	vmul.u32 $0x25795, v9  }
0x65: {  	v3 =	vxor.u32 v3, v14  }
0x66: {  	v7 =	vxor.u32 v7, v12;
	v6 =	vxor.u32 v6, v13;
	v9 =	vxor.u32 v9, v15  }
0x67: {  	v5 =	vxor.u32 v5, v3;
	v7 =	vxor.u32 v10, v7;
	v8 =	vxor.u32 v8, v6  }
0x68: {  	v9 =	vxor.u32 v11, v9;
	v6 =	vshll.u32 v7, $0x1;
	v7 =	vand.u32 $0x7F, v7  }
0x69: {  	v10 =	vshll.u32 v8, $0x1;
	v8 =	vand.u32 $0x7F, v8;
	v6 =	vand.u32 $0xFFF00, v6  }
0x6a: {  	v3 =	vor.u32 v6, v7;
	v6 =	vshll.u32 v5, $0x1;
	v7 =	vshll.u32 v9, $0x1  }
0x6b: {  	s2 =	simm.s32 $0x1820;
	v5 =	vand.u32 $0x7F, v5;
	v9 =	vand.u32 $0x7F, v9;
	v11 =	vor.u32 v0, v3  }
0x6c: {  	s7 =	sadd.s32 $0x40, s7;
	s6 =	simm.s32 $0x0;
	v3 =	vand.u32 $0xFFF00, v6;
	v6 =	vand.u32 $0xFFF00, v10;
	v7 =	vand.u32 $0xFFF00, v7;
	[tilespmem:s2+$0x10] =	vst v11  }
.LBB2_5:
0x6d: {  	v10 =	vor.u32 s7, v2;
	s8 =	sadd.s32 $0x10, s7;
	s9 =	sadd.s32 $0x30, s7;
	s6 =	sadd.s32 $0x4, s6;
	v6 =	vor.u32 v6, v8;
	v7 =	vor.u32 v7, v9  }
0x6e: {  	v8 =	vmul.u32 $0x1949, v10;
	v9 =	vor.u32 s8, v2;
	s8 =	sadd.s32 $0x20, s7;
	v11 =	vor.u32 s9, v2;
	p1 =	slt.u32 s6, $0x2C  }
0x6f: {  	v12 =	vmul.u32 $0x1949, v9;
	v13 =	vor.u32 s8, v2;
	v14 =	vmul.u32 $0x1949, v11  }
0x70: {  	v3 =	vor.u32 v3, v5;
	v8 =	vshra.s32 v8, $0x15;
	v15 =	vmul.u32 $0x1949, v13  }
0x71: {  	v5 =	vmul.u32 $0xFFFFFEBC, v8;
	v12 =	vshra.s32 v12, $0x15;
	v14 =	vshra.s32 v14, $0x15  }
0x72: {  	v16 =	vmul.u32 $0xFFFFFEBC, v12;
	v15 =	vshra.s32 v15, $0x15;
	v17 =	vmul.u32 $0xFFFFFEBC, v14  }
0x73: {  	v6 =	vor.u32 v0, v6;
	v5 =	vadd.s32 v10, v5;
	v10 =	vmul.u32 $0xFFFFFEBC, v15  }
0x74: {  	v18 =	vmul.u32 $0xE39, v5;
	v9 =	vadd.s32 v9, v16;
	v11 =	vadd.s32 v11, v17;
	[tilespmem:s2+$0xFFFFFFF0] =	vst v6  }
0x75: {  	v6 =	vmul.u32 $0xE39, v9;
	v10 =	vadd.s32 v13, v10;
	v13 =	vmul.u32 $0xE39, v11  }
0x76: {  	v7 =	vor.u32 v0, v7;
	v16 =	vshra.s32 v18, $0x10;
	v17 =	vmul.u32 $0xE39, v10  }
0x77: {  	v18 =	vmul.u32 $0x7FFEE, v16;
	v6 =	vshra.s32 v6, $0x10;
	v13 =	vshra.s32 v13, $0x10;
	[tilespmem:s2+$0x0] =	vst v7  }
0x78: {  	v7 =	vmul.u32 $0x7FFEE, v6;
	v17 =	vshra.s32 v17, $0x10;
	v19 =	vmul.u32 $0x7FFEE, v13  }
0x79: {  	v6 =	vmul.u32 $0x779B1, v6;
	v5 =	vadd.s32 v5, v18;
	v18 =	vmul.u32 $0x7FFEE, v17  }
0x7a: {  	v5 =	vmul.u32 $0x25795, v5;
	v7 =	vadd.s32 v9, v7;
	v9 =	vadd.s32 v11, v19  }
0x7b: {  	v11 =	vmul.u32 $0x779B1, v13;
	v10 =	vadd.s32 v10, v18;
	v9 =	vmul.u32 $0x25795, v9  }
0x7c: {  	v13 =	vmul.u32 $0x779B1, v17;
	v7 =	vmul.u32 $0x25795, v7;
	v10 =	vmul.u32 $0x25795, v10  }
0x7d: {  	v3 =	vor.u32 v0, v3;
	v16 =	vmul.u32 $0x779B1, v16;
	v9 =	vxor.u32 v9, v11  }
0x7e: {  	v6 =	vxor.u32 v7, v6;
	v7 =	vxor.u32 v10, v13;
	v9 =	vxor.u32 v14, v9;
	[tilespmem:s2+$0xFFFFFFE0] =	vst v3  }
0x7f: {  	v3 =	vxor.u32 v5, v16;
	v10 =	vxor.u32 v12, v6;
	v5 =	vshll.u32 v9, $0x1  }
.Ltmp4:
0x80: {  	v11 =	vxor.u32 v15, v7;
	v6 =	vand.u32 $0x7F, v9;
	v5 =	vand.u32 $0xFFF00, v5;
	(pc) =	sbr.rel @p1 .LBB2_5-.Ltmp4, $4  }
0x81: {  	v8 =	vxor.u32 v8, v3;
	v7 =	vshll.u32 v10, $0x1;
	v3 =	vor.u32 v5, v6  }
0x82: {  	s2 =	sadd.s32 $0x40, s2;
	v9 =	vshll.u32 v11, $0x1;
	v5 =	vshll.u32 v8, $0x1;
	v12 =	vor.u32 v0, v3  }
0x83: {  	v6 =	vand.u32 $0xFFF00, v7;
	v7 =	vand.u32 $0xFFF00, v9;
	v3 =	vand.u32 $0xFFF00, v5;
	[tilespmem:s2+$0x10] =	vst v12  }
0x84: {  	s7 =	sadd.s32 $0x40, s7;
	v9 =	vand.u32 $0x7F, v11;
	v5 =	vand.u32 $0x7F, v8;
	v8 =	vand.u32 $0x7F, v10  }
0x85: {  	v6 =	vor.u32 v6, v8  }
0x86: {  	v7 =	vor.u32 v7, v9;
	v6 =	vor.u32 v0, v6  }
0x87: {  	v3 =	vor.u32 v3, v5;
	v5 =	vor.u32 v0, v7;
	[tilespmem:s2+$0xFFFFFFF0] =	vst v6  }
0x88: {  	v3 =	vor.u32 v0, v3;
	[tilespmem:s2+$0x0] =	vst v5  }
0x89: {  	s6 =	simm.s32 $0x7800;
	[tilespmem:s2+$0xFFFFFFE0] =	vst v3  }
0x8a: {  	[tilespmem:s6], [sflag:$0x1] =	stream.indirect.gather [hbm4b:s1+s16], $0x1, s29, s16, $0xb8;
	[tilespmem:$0x1EC00] =	vst v63  }
0x8b: {  	s30 =	simm.s32 $0x1880;
	s7 =	simm.s32 $0x7880  }
0x8c: {  	[tilespmem:s7], [sflag:$0x1] =	stream.indirect.gather [hbm4b:s1+s16], $0x1, s30, s16, $0xb8;
	[tilespmem:$0x1EC00] =	vst v63  }
0x8d: {  	s8 =	simm.s32 $0x1900;
	s9 =	simm.s32 $0x7900  }
0x8e: {  	[tilespmem:s9], [sflag:$0x1] =	stream.indirect.gather [hbm4b:s1+s16], $0x1, s8, s16, $0xb8;
	[tilespmem:$0x1EC00] =	vst v63  }
0x8f: {  	s13 =	simm.s32 $0x1980;
	s14 =	simm.s32 $0x7980  }
0x90: {  	[tilespmem:s14], [sflag:$0x1] =	stream.indirect.gather [hbm4b:s1+s16], $0x1, s13, s16, $0xb8;
	[tilespmem:$0x1EC00] =	vst v63  }
0x91: {  	s15 =	simm.s32 $0x1A00;
	s17 =	simm.s32 $0x7A00  }
0x92: {  	[tilespmem:s17], [sflag:$0x1] =	stream.indirect.gather [hbm4b:s1+s16], $0x1, s15, s16, $0xb8;
	[tilespmem:$0x1EC00] =	vst v63  }
0x93: {  	s19 =	simm.s32 $0x1A80;
	s22 =	simm.s32 $0x7A80  }
0x94: {  	[tilespmem:s22], [sflag:$0x1] =	stream.indirect.gather [hbm4b:s1+s16], $0x1, s19, s16, $0xb8;
	[tilespmem:$0x1EC00] =	vst v63  }
0x95: {  	_ =	swait.ge [sflag:s18], $0x80  }
0x96: {  	[sflag:s18] =	ssyncset.done $0x0  }
0x97: {  	[sflag:s18] =	ssyncadd.s32 $0xFFFFFF80  }
0x98: {  	_ =	swait.ge [sflag:s18], $0x80  }
0x99: {  	[sflag:s18] =	ssyncset.done $0x0  }
0x9a: {  	[sflag:s18] =	ssyncadd.s32 $0xFFFFFF80  }
0x9b: {  	_ =	swait.ge [sflag:s18], $0x80  }
0x9c: {  	[sflag:s18] =	ssyncset.done $0x0  }
0x9d: {  	[sflag:s18] =	ssyncadd.s32 $0xFFFFFF80  }
0x9e: {  	_ =	swait.ge [sflag:s18], $0x80  }
0x9f: {  	[sflag:s18] =	ssyncset.done $0x0  }
0xa0: {  	[sflag:s18] =	ssyncadd.s32 $0xFFFFFF80  }
0xa1: {  	_ =	swait.ge [sflag:s18], $0x80  }
0xa2: {  	[sflag:s18] =	ssyncset.done $0x0  }
0xa3: {  	[sflag:s18] =	ssyncadd.s32 $0xFFFFFF80  }
0xa4: {  	_ =	swait.ge [sflag:s18], $0x80  }
0xa5: {  	[sflag:s18] =	ssyncset.done $0x0  }
0xa6: {  	s26 =	simm.s32 $0x4;
	s24 =	rddreg [dreg:$0xf];
	[sflag:s18] =	ssyncadd.s32 $0xFFFFFF80  }
0xa7: {  	[spmem:s24] =	stream.linear.scatter [tilespmem:s6], [sflag:$0x4], $0x300, $0x38;
	[tilespmem:$0x1EC00] =	vst v63  }
0xa8: {  	_ =	swait.ge [sflag:s26], $0x300  }
0xa9: {  	[sflag:s26] =	ssyncset.done $0x0  }
0xaa: {  	[sflag:s26] =	ssyncadd.s32 $0xFFFFFD00  }
0xab: {  	[bflag:$0x0] =	sbarrier.arrive $0xFFFF  }
0xac: {  	s28 =	rddreg [dreg:$0x3]  }
0xad: {  	[tilespmem:s10], [sflag:$0x4] =	stream.linear.gather [spmem:s28], $0x1800, $0x38;
	[tilespmem:$0x1EC00] =	vst v63  }
0xae: {  	_ =	swait.ge [sflag:s26], $0x1800  }
0xaf: {  	[sflag:s26] =	ssyncset.done $0x0  }
0xb0: {  	s30 =	rddreg [dreg:$0x10];
	[sflag:s26] =	ssyncadd.s32 $0xFFFFE800  }
0xb1: {  	[tilespmem:s11], [sflag:$0x4] =	stream.linear.gather [spmem:s30], $0x1800, $0x38;
	[tilespmem:$0x1EC00] =	vst v63  }
0xb2: {  	_ =	swait.ge [sflag:s26], $0x1800  }
0xb3: {  	[sflag:s26] =	ssyncset.done $0x0  }
0xb4: {  	[sflag:s26] =	ssyncadd.s32 $0xFFFFE800  }
.LBB2_7:
.Ltmp5:
0xb5: {  	(pc) =	sbr.rel .LBB2_8-.Ltmp5, $2  }
0xb6: {  	_ =	sdelay $0x2  }
0xb7: {  	v3 =	vbroadcast v4, $0x0;
	v4 =	vbroadcast v4, $0x1;
	s26 =	simm.s32 $0x0;
	p1 =	por $0x0, $0x0  }
.LBB2_19:
0xb8: {  	s2 =	rddreg [dreg:$0x2]  }
0xb9: {  	s7 =	simm.s32 $0x0;
	s2 =	sadd.s32 s2, s28  }
0xba: {  	[hbm4b:s2+s7] =	stream.linear.scatter [tilespmem:s17], [sflag:$0x3], $0x2000, $0x38;
	[tilespmem:$0x1EC00] =	vst v63  }
0xbb: {  	s17 =	rddreg [dreg:$0x11]  }
0xbc: {  	s6 =	sadd.s32 $0xD800, s30;
	p2 =	sne.s32 s26, $0x8;
	s2 =	sadd.s32 s28, s17  }
0xbd: {  	[hbm4b:s2+s7] =	stream.linear.scatter [tilespmem:s6], [sflag:$0x3], $0x2000, $0x38;
	[tilespmem:$0x1EC00] =	vst v63  }
.Ltmp6:
0xbe: {  	s19 =	rddreg [dreg:$0x12];
	(pc) =	sbr.rel @!p2 .LBB2_20-.Ltmp6, $4  }
0xbf: {  	s22 =	sadd.s32 $0xF800, s30;
	s24 =	rddreg [dreg:$0x13];
	s2 =	sadd.s32 s28, s19  }
0xc0: {  	[hbm4b:s2+s7] =	stream.linear.scatter [tilespmem:s22], [sflag:$0x3], $0x2000, $0x38;
	[tilespmem:$0x1EC00] =	vst v63  }
0xc1: {  	s30 =	sor.u32 $0x11800, s30;
	p1 =	por !p1, !p1;
	s2 =	sadd.s32 s28, s24  }
0xc2: {  	[hbm4b:s2+s7] =	stream.linear.scatter [tilespmem:s30], [sflag:$0x3], $0x2000, $0x38;
	[tilespmem:$0x1EC00] =	vst v63  }
.LBB2_8:
0xc3: {  	s2 =	sshll.u32 s26, $0xA  }
0xc4: {  	s6 =	rddreg [dreg:$0x8];
	s8 =	simm.s32 $0x2;
	p2 =	seq.s32 s26, $0x7  }
0xc5: {  	s24 =	sand.u32 $0x1, s26;
	s28 =	sadd.s32 s6, s2;
	_ =	swait.ge [sflag:s8], $0xC00  }
0xc6: {  	s7 =	sshll.u32 s24, $0xA;
	s13 =	simm.s32 @!p2 $0x0;
	s6 =	sshrl.u32 @!p2 s28, $0x3  }
0xc7: {  	[sflag:s8] =	ssyncset.done $0x0;
	s9 =	rddreg [dreg:$0x5];
	s6 =	sadd.s32 @!p2 $0x80, s6  }
0xc8: {  	[sflag:s8] =	ssyncadd.s32 $0xFFFFF400;
	s8 =	ssub.s32 @!p2 $0x400, s7;
	s9 =	sadd.s32 @!p2 s9, s6  }
0xc9: {  	[tilespmem:s8], [sflag:$0x2] =	stream.linear.gather @!p2 [hbm4b:s9+s13], $0x400, $0x38;
	[tilespmem:$0x1EC00] =	vst v63  }
0xca: {  	s9 =	rddreg [dreg:$0x6]  }
0xcb: {  	s8 =	ssub.s32 @!p2 $0xC00, s7;
	s9 =	sadd.s32 @!p2 s9, s6  }
0xcc: {  	[tilespmem:s8], [sflag:$0x2] =	stream.linear.gather @!p2 [hbm4b:s9+s13], $0x400, $0x38;
	[tilespmem:$0x1EC00] =	vst v63  }
0xcd: {  	s8 =	rddreg [dreg:$0x7]  }
0xce: {  	p3 =	slt.u32 @!p2 s26, $0x2;
	s7 =	ssub.s32 @!p2 $0x1400, s7;
	s6 =	sadd.s32 @!p2 s8, s6  }
0xcf: {  	[tilespmem:s7], [sflag:$0x2] =	stream.linear.gather @!p2 [hbm4b:s6+s13], $0x400, $0x38;
	[tilespmem:$0x1EC00] =	vst v63  }
0xd0: {  	p2 =	por p2, !p3  }
0xd1: {  	s6 =	simm.s32 @p2 $0x3  }
.Ltmp7:
0xd2: {  	_ =	swait.ge @p2 [sflag:s6], $0x8000;
	(pc) =	sbr.rel @!p0 .LBB2_11-.Ltmp7, $4  }
0xd3: {  	[sflag:s6] =	ssyncset.done @p2 $0x0  }
0xd4: {  	[sflag:s6] =	ssyncadd.s32 @p2 $0xFFFF8000;
	s6 =	simm.s32 $0x1  }
0xd5: {  	s30 =	sshll.u32 s24, $0xF;
	s6 =	simm.s32 @!p1 $0x0  }
0xd6: {  	s17 =	sadd.s32 $0xB800, s30;
	s8 =	sshll.u32 s6, $0xA  }
0xd7: {  	s2 =	sor.u32 $0x1020, s8;
	s15 =	sor.u32 $0x820, s8;
	s22 =	sor.u32 $0x20, s8  }
0xd8: {  	s24 =	simm.s32 $0xFFFFFFFC;
	s13 =	simm.s32 $0x0;
	s6 =	simm.s32 $0x0  }
.LBB2_10:
0xd9: {  	v5 =	vld [tilespmem:s22+$0xFFFFFFE0]  }
0xda: {  	v6 =	vld [tilespmem:s15+$0xFFFFFFE0]  }
0xdb: {  	v7 =	vld [tilespmem:s2+$0xFFFFFFE0];
	_ =	sdelay $0x3  }
0xdc: {  	v5 =	vmul.f32 $1.600000000e+01, v5;
	v6 =	vmul.f32 $1.600000000e+01, v6  }
0xdd: {  	v7 =	vmul.f32 $1.600000000e+01, v7  }
0xde: {  	v8 =	vtrunc.f32 v5;
	v9 =	vtrunc.f32 v6  }
0xdf: {  	v8 =	vcvt.f32.s32 v8;
	v9 =	vcvt.f32.s32 v9;
	_ =	sdelay $0x1  }
0xe0: {  	v10 =	vtrunc.f32 v7;
	v11 =	vmul.u32 $0x144, v8;
	v12 =	vmul.u32 $0x12, v9  }
0xe1: {  	v10 =	vcvt.f32.s32 v10  }
0xe2: {  	v11 =	vadd.s32 v11, v12  }
0xe3: {  	v9 =	vcvt.s32.f32 v9;
	v55 =	vcvt.s32.f32 v10;
	v10 =	vadd.s32 v10, v11  }
0xe4: {  	v8 =	vcvt.s32.f32 v8  }
0xe5: {  	v6 =	vsub.f32 v6, v9;
	v7 =	vsub.f32 v7, v55;
	v56 =	vadd.s32 $0x144, v10  }
0xe6: {  	v5 =	vsub.f32 v5, v8  }
0xe7: {  	v57 =	vsub.f32 $1.000000000e+00, v6;
	v58 =	vsub.f32 $1.000000000e+00, v7;
	v15 =	vadd.s32 $0x12, v10  }
0xe8: {  	v59 =	vld.idx.msk [tilespmem:v10+s10+$0x0], $0xffff  }
0xe9: {  	v13 =	vsub.f32 $1.000000000e+00, v5;
	v19 =	vadd.s32 $0x156, v10;
	v14 =	vmul.f32 v58, v57;
	v18 =	vld.idx.msk [tilespmem:v10+s11+$0x0], $0xffff  }
0xea: {  	v16 =	vld.idx.msk [tilespmem:v56+s10+$0x0], $0xffff  }
0xeb: {  	v20 =	vadd.s32 $0x1, v10;
	v17 =	vmul.f32 v14, v13;
	v9 =	vld.idx.msk [tilespmem:v56+s11+$0x0], $0xffff  }
0xec: {  	v11 =	vmul.f32 v58, v6;
	v21 =	vld.idx.msk [tilespmem:v15+s10+$0x0], $0xffff  }
0xed: {  	v22 =	vadd.s32 $0x145, v10;
	v14 =	vmul.f32 v14, v5;
	v15 =	vld.idx.msk [tilespmem:v15+s11+$0x0], $0xffff;
	v12 =	vmul.f32 v17, v59  }
0xee: {  	v23 =	vadd.s32 $0x13, v10;
	v8 =	vmul.f32 v7, v57;
	v60 =	vld.idx.msk [tilespmem:v19+s10+$0x0], $0xffff;
	v17 =	vmul.f32 v17, v18  }
0xef: {  	v61 =	vmul.f32 v11, v13;
	v19 =	vld.idx.msk [tilespmem:v19+s11+$0x0], $0xffff;
	v16 =	vmul.f32 v14, v16;
	v12 =	vadd.f32 $0.0e+00, v12  }
0xf0: {  	v11 =	vmul.f32 v11, v5;
	v62 =	vld.idx.msk [tilespmem:v20+s10+$0x0], $0xffff;
	v9 =	vmul.f32 v14, v9;
	v17 =	vadd.f32 $0.0e+00, v17  }
0xf1: {  	v10 =	vadd.s32 $0x157, v10;
	v20 =	vld.idx.msk [tilespmem:v20+s11+$0x0], $0xffff;
	v21 =	vmul.f32 v61, v21;
	v12 =	vadd.f32 v12, v16  }
0xf2: {  	v63 =	vld.idx.msk [tilespmem:v22+s10+$0x0], $0xffff;
	v15 =	vmul.f32 v61, v15;
	v9 =	vadd.f32 v17, v9  }
0xf3: {  	v25 =	vmul.f32 v8, v13;
	v26 =	vld.idx.msk [tilespmem:v22+s11+$0x0], $0xffff;
	v24 =	vmul.f32 v60, v11;
	v12 =	vadd.f32 v12, v21  }
0xf4: {  	v6 =	vmul.f32 v7, v6;
	v28 =	vld.idx.msk [tilespmem:v23+s10+$0x0], $0xffff;
	v27 =	vmul.f32 v19, v11;
	v7 =	vadd.f32 v9, v15  }
0xf5: {  	v8 =	vmul.f32 v8, v5;
	v29 =	vld.idx.msk [tilespmem:v23+s11+$0x0], $0xffff;
	v14 =	vmul.f32 v62, v25;
	v12 =	vadd.f32 v12, v24  }
0xf6: {  	v31 =	vld.idx.msk [tilespmem:v10+s10+$0x0], $0xffff;
	v30 =	vmul.f32 v20, v25;
	v7 =	vadd.f32 v7, v27  }
0xf7: {  	v13 =	vmul.f32 v6, v13;
	v10 =	vld.idx.msk [tilespmem:v10+s11+$0x0], $0xffff;
	v32 =	vmul.f32 v63, v8;
	v12 =	vadd.f32 v12, v14  }
0xf8: {  	v8 =	vmul.f32 v26, v8;
	v7 =	vadd.f32 v7, v30  }
0xf9: {  	v5 =	vmul.f32 v6, v5;
	v11 =	vmul.f32 v28, v13;
	v33 =	vadd.f32 v12, v32  }
0xfa: {  	v6 =	vadd.f32 v8, v7;
	v7 =	vmul.f32 v29, v13  }
0xfb: {  	v35 =	vmul.f32 v31, v5;
	v34 =	vadd.f32 v11, v33  }
0xfc: {  	v5 =	vmul.f32 v10, v5;
	v6 =	vadd.f32 v7, v6  }
0xfd: {  	v7 =	vadd.f32 v35, v34  }
0xfe: {  	s7 =	sand.u32 $0x1C00, s6;
	v5 =	vadd.f32 v5, v6  }
0xff: {  	s9 =	sand.u32 $0x40, s13;
	s7 =	sadd.s32 s7, s17;
	v6 =	vmul.f32 v7, v3  }
0x100: {  	s9 =	sadd.s32 s9, s7;
	v5 =	vmul.f32 v5, v4  }
0x101: {  	[tilespmem:s9+$0x0] =	vst v6  }
0x102: {  	[tilespmem:s9+$0x80] =	vst v5  }
0x103: {  	v5 =	vld [tilespmem:s22+$0xFFFFFFF0]  }
0x104: {  	v6 =	vld [tilespmem:s15+$0xFFFFFFF0]  }
0x105: {  	v7 =	vld [tilespmem:s2+$0xFFFFFFF0];
	_ =	sdelay $0x3  }
0x106: {  	v5 =	vmul.f32 $1.600000000e+01, v5;
	v6 =	vmul.f32 $1.600000000e+01, v6  }
0x107: {  	v7 =	vmul.f32 $1.600000000e+01, v7  }
0x108: {  	v36 =	vtrunc.f32 v5;
	v37 =	vtrunc.f32 v6  }
0x109: {  	v8 =	vcvt.f32.s32 v36;
	v9 =	vcvt.f32.s32 v37;
	_ =	sdelay $0x1  }
0x10a: {  	v38 =	vtrunc.f32 v7;
	v39 =	vmul.u32 $0x144, v8;
	v40 =	vmul.u32 $0x12, v9  }
0x10b: {  	v10 =	vcvt.f32.s32 v38  }
0x10c: {  	v11 =	vadd.s32 v39, v40  }
0x10d: {  	v9 =	vcvt.s32.f32 v9;
	v41 =	vcvt.s32.f32 v10;
	v10 =	vadd.s32 v10, v11  }
0x10e: {  	v8 =	vcvt.s32.f32 v8  }
0x10f: {  	v6 =	vsub.f32 v6, v9;
	v7 =	vsub.f32 v7, v41;
	v42 =	vadd.s32 $0x144, v10  }
0x110: {  	v5 =	vsub.f32 v5, v8  }
0x111: {  	v43 =	vsub.f32 $1.000000000e+00, v6;
	v44 =	vsub.f32 $1.000000000e+00, v7;
	v48 =	vadd.s32 $0x12, v10  }
0x112: {  	v45 =	vld.idx.msk [tilespmem:v10+s10+$0x0], $0xffff  }
0x113: {  	v46 =	vsub.f32 $1.000000000e+00, v5;
	v52 =	vadd.s32 $0x156, v10;
	v47 =	vmul.f32 v44, v43;
	v51 =	vld.idx.msk [tilespmem:v10+s11+$0x0], $0xffff  }
0x114: {  	v49 =	vld.idx.msk [tilespmem:v42+s10+$0x0], $0xffff  }
0x115: {  	v53 =	vadd.s32 $0x1, v10;
	v50 =	vmul.f32 v47, v46;
	v9 =	vld.idx.msk [tilespmem:v42+s11+$0x0], $0xffff  }
0x116: {  	v11 =	vmul.f32 v44, v6;
	v54 =	vld.idx.msk [tilespmem:v48+s10+$0x0], $0xffff  }
0x117: {  	v55 =	vadd.s32 $0x145, v10;
	v14 =	vmul.f32 v47, v5;
	v15 =	vld.idx.msk [tilespmem:v48+s11+$0x0], $0xffff;
	v12 =	vmul.f32 v50, v45  }
0x118: {  	v58 =	vadd.s32 $0x13, v10;
	v8 =	vmul.f32 v7, v43;
	v56 =	vld.idx.msk [tilespmem:v52+s10+$0x0], $0xffff;
	v17 =	vmul.f32 v50, v51  }
0x119: {  	v57 =	vmul.f32 v11, v46;
	v19 =	vld.idx.msk [tilespmem:v52+s11+$0x0], $0xffff;
	v16 =	vmul.f32 v14, v49;
	v12 =	vadd.f32 $0.0e+00, v12  }
0x11a: {  	v11 =	vmul.f32 v11, v5;
	v59 =	vld.idx.msk [tilespmem:v53+s10+$0x0], $0xffff;
	v9 =	vmul.f32 v14, v9;
	v17 =	vadd.f32 $0.0e+00, v17  }
0x11b: {  	v10 =	vadd.s32 $0x157, v10;
	v20 =	vld.idx.msk [tilespmem:v53+s11+$0x0], $0xffff;
	v21 =	vmul.f32 v57, v54;
	v12 =	vadd.f32 v12, v16  }
0x11c: {  	v60 =	vld.idx.msk [tilespmem:v55+s10+$0x0], $0xffff;
	v15 =	vmul.f32 v57, v15;
	v9 =	vadd.f32 v17, v9  }
0x11d: {  	v62 =	vmul.f32 v8, v46;
	v63 =	vld.idx.msk [tilespmem:v55+s11+$0x0], $0xffff;
	v61 =	vmul.f32 v56, v11;
	v12 =	vadd.f32 v12, v21  }
0x11e: {  	v6 =	vmul.f32 v7, v6;
	v25 =	vld.idx.msk [tilespmem:v58+s10+$0x0], $0xffff;
	v24 =	vmul.f32 v19, v11;
	v7 =	vadd.f32 v9, v15  }
0x11f: {  	v8 =	vmul.f32 v8, v5;
	v26 =	vld.idx.msk [tilespmem:v58+s11+$0x0], $0xffff;
	v14 =	vmul.f32 v59, v62;
	v12 =	vadd.f32 v12, v61  }
0x120: {  	v28 =	vld.idx.msk [tilespmem:v10+s10+$0x0], $0xffff;
	v27 =	vmul.f32 v20, v62;
	v7 =	vadd.f32 v7, v24  }
0x121: {  	v13 =	vmul.f32 v6, v46;
	v10 =	vld.idx.msk [tilespmem:v10+s11+$0x0], $0xffff;
	v29 =	vmul.f32 v60, v8;
	v12 =	vadd.f32 v12, v14  }
0x122: {  	v8 =	vmul.f32 v63, v8;
	v7 =	vadd.f32 v7, v27  }
0x123: {  	v5 =	vmul.f32 v6, v5;
	v11 =	vmul.f32 v25, v13;
	v30 =	vadd.f32 v12, v29  }
0x124: {  	v6 =	vadd.f32 v8, v7;
	v7 =	vmul.f32 v26, v13  }
0x125: {  	v32 =	vmul.f32 v28, v5;
	v31 =	vadd.f32 v11, v30  }
0x126: {  	v5 =	vmul.f32 v10, v5;
	v6 =	vadd.f32 v7, v6  }
0x127: {  	v7 =	vadd.f32 v32, v31  }
0x128: {  	s19 =	sadd.s32 $0x10, s13;
	v5 =	vadd.f32 v5, v6  }
0x129: {  	s9 =	sand.u32 $0x50, s19;
	v6 =	vmul.f32 v7, v3  }
0x12a: {  	s9 =	sadd.s32 s9, s7;
	v5 =	vmul.f32 v5, v4  }
0x12b: {  	[tilespmem:s9+$0x0] =	vst v6  }
0x12c: {  	[tilespmem:s9+$0x80] =	vst v5  }
0x12d: {  	v5 =	vld [tilespmem:s22+$0x0]  }
0x12e: {  	v6 =	vld [tilespmem:s15+$0x0]  }
0x12f: {  	v7 =	vld [tilespmem:s2+$0x0];
	_ =	sdelay $0x3  }
0x130: {  	v5 =	vmul.f32 $1.600000000e+01, v5;
	v6 =	vmul.f32 $1.600000000e+01, v6  }
0x131: {  	v7 =	vmul.f32 $1.600000000e+01, v7  }
0x132: {  	v33 =	vtrunc.f32 v5;
	v34 =	vtrunc.f32 v6  }
0x133: {  	v8 =	vcvt.f32.s32 v33;
	v9 =	vcvt.f32.s32 v34;
	_ =	sdelay $0x1  }
0x134: {  	v35 =	vtrunc.f32 v7;
	v36 =	vmul.u32 $0x144, v8;
	v37 =	vmul.u32 $0x12, v9  }
0x135: {  	v10 =	vcvt.f32.s32 v35  }
0x136: {  	v11 =	vadd.s32 v36, v37  }
0x137: {  	v9 =	vcvt.s32.f32 v9;
	v38 =	vcvt.s32.f32 v10;
	v10 =	vadd.s32 v10, v11  }
0x138: {  	v8 =	vcvt.s32.f32 v8  }
0x139: {  	v6 =	vsub.f32 v6, v9;
	v7 =	vsub.f32 v7, v38;
	v39 =	vadd.s32 $0x144, v10  }
0x13a: {  	v5 =	vsub.f32 v5, v8  }
0x13b: {  	v40 =	vsub.f32 $1.000000000e+00, v6;
	v41 =	vsub.f32 $1.000000000e+00, v7;
	v45 =	vadd.s32 $0x12, v10  }
0x13c: {  	v42 =	vld.idx.msk [tilespmem:v10+s10+$0x0], $0xffff  }
0x13d: {  	v43 =	vsub.f32 $1.000000000e+00, v5;
	v49 =	vadd.s32 $0x156, v10;
	v44 =	vmul.f32 v41, v40;
	v48 =	vld.idx.msk [tilespmem:v10+s11+$0x0], $0xffff  }
0x13e: {  	v46 =	vld.idx.msk [tilespmem:v39+s10+$0x0], $0xffff  }
0x13f: {  	v50 =	vadd.s32 $0x1, v10;
	v47 =	vmul.f32 v44, v43;
	v9 =	vld.idx.msk [tilespmem:v39+s11+$0x0], $0xffff  }
0x140: {  	v11 =	vmul.f32 v41, v6;
	v51 =	vld.idx.msk [tilespmem:v45+s10+$0x0], $0xffff  }
0x141: {  	v52 =	vadd.s32 $0x145, v10;
	v14 =	vmul.f32 v44, v5;
	v15 =	vld.idx.msk [tilespmem:v45+s11+$0x0], $0xffff;
	v12 =	vmul.f32 v47, v42  }
0x142: {  	v55 =	vadd.s32 $0x13, v10;
	v8 =	vmul.f32 v7, v40;
	v53 =	vld.idx.msk [tilespmem:v49+s10+$0x0], $0xffff;
	v17 =	vmul.f32 v47, v48  }
0x143: {  	v54 =	vmul.f32 v11, v43;
	v19 =	vld.idx.msk [tilespmem:v49+s11+$0x0], $0xffff;
	v16 =	vmul.f32 v14, v46;
	v12 =	vadd.f32 $0.0e+00, v12  }
0x144: {  	v11 =	vmul.f32 v11, v5;
	v56 =	vld.idx.msk [tilespmem:v50+s10+$0x0], $0xffff;
	v9 =	vmul.f32 v14, v9;
	v17 =	vadd.f32 $0.0e+00, v17  }
0x145: {  	v10 =	vadd.s32 $0x157, v10;
	v20 =	vld.idx.msk [tilespmem:v50+s11+$0x0], $0xffff;
	v21 =	vmul.f32 v54, v51;
	v12 =	vadd.f32 v12, v16  }
0x146: {  	v57 =	vld.idx.msk [tilespmem:v52+s10+$0x0], $0xffff;
	v15 =	vmul.f32 v54, v15;
	v9 =	vadd.f32 v17, v9  }
0x147: {  	v59 =	vmul.f32 v8, v43;
	v60 =	vld.idx.msk [tilespmem:v52+s11+$0x0], $0xffff;
	v58 =	vmul.f32 v53, v11;
	v12 =	vadd.f32 v12, v21  }
0x148: {  	v6 =	vmul.f32 v7, v6;
	v62 =	vld.idx.msk [tilespmem:v55+s10+$0x0], $0xffff;
	v61 =	vmul.f32 v19, v11;
	v7 =	vadd.f32 v9, v15  }
0x149: {  	v8 =	vmul.f32 v8, v5;
	v63 =	vld.idx.msk [tilespmem:v55+s11+$0x0], $0xffff;
	v14 =	vmul.f32 v56, v59;
	v12 =	vadd.f32 v12, v58  }
0x14a: {  	v22 =	vld.idx.msk [tilespmem:v10+s10+$0x0], $0xffff;
	v20 =	vmul.f32 v20, v59;
	v7 =	vadd.f32 v7, v61  }
0x14b: {  	v13 =	vmul.f32 v6, v43;
	v10 =	vld.idx.msk [tilespmem:v10+s11+$0x0], $0xffff;
	v23 =	vmul.f32 v57, v8;
	v12 =	vadd.f32 v12, v14  }
0x14c: {  	v8 =	vmul.f32 v60, v8;
	v7 =	vadd.f32 v7, v20  }
0x14d: {  	v5 =	vmul.f32 v6, v5;
	v11 =	vmul.f32 v62, v13;
	v24 =	vadd.f32 v12, v23  }
0x14e: {  	v6 =	vadd.f32 v8, v7;
	v7 =	vmul.f32 v63, v13  }
0x14f: {  	v26 =	vmul.f32 v22, v5;
	v25 =	vadd.f32 v11, v24  }
0x150: {  	v5 =	vmul.f32 v10, v5;
	v6 =	vadd.f32 v7, v6  }
0x151: {  	v7 =	vadd.f32 v26, v25  }
0x152: {  	s14 =	sadd.s32 $0x20, s13;
	v5 =	vadd.f32 v5, v6  }
0x153: {  	s9 =	sand.u32 $0x60, s14;
	v6 =	vmul.f32 v7, v3  }
0x154: {  	s9 =	sadd.s32 s9, s7;
	v5 =	vmul.f32 v5, v4  }
0x155: {  	[tilespmem:s9+$0x0] =	vst v6  }
0x156: {  	[tilespmem:s9+$0x80] =	vst v5  }
0x157: {  	v5 =	vld [tilespmem:s22+$0x10]  }
0x158: {  	v6 =	vld [tilespmem:s15+$0x10]  }
0x159: {  	v7 =	vld [tilespmem:s2+$0x10];
	_ =	sdelay $0x3  }
0x15a: {  	v5 =	vmul.f32 $1.600000000e+01, v5;
	v6 =	vmul.f32 $1.600000000e+01, v6  }
0x15b: {  	v7 =	vmul.f32 $1.600000000e+01, v7  }
0x15c: {  	v27 =	vtrunc.f32 v5;
	v28 =	vtrunc.f32 v6  }
0x15d: {  	v8 =	vcvt.f32.s32 v27;
	v9 =	vcvt.f32.s32 v28;
	_ =	sdelay $0x1  }
0x15e: {  	v29 =	vtrunc.f32 v7;
	v30 =	vmul.u32 $0x144, v8;
	v31 =	vmul.u32 $0x12, v9  }
0x15f: {  	v10 =	vcvt.f32.s32 v29  }
0x160: {  	v11 =	vadd.s32 v30, v31  }
0x161: {  	v9 =	vcvt.s32.f32 v9;
	v32 =	vcvt.s32.f32 v10;
	v10 =	vadd.s32 v10, v11  }
0x162: {  	v8 =	vcvt.s32.f32 v8  }
0x163: {  	v6 =	vsub.f32 v6, v9;
	v7 =	vsub.f32 v7, v32;
	v33 =	vadd.s32 $0x144, v10  }
0x164: {  	v5 =	vsub.f32 v5, v8  }
0x165: {  	v34 =	vsub.f32 $1.000000000e+00, v6;
	v35 =	vsub.f32 $1.000000000e+00, v7;
	v39 =	vadd.s32 $0x12, v10  }
0x166: {  	v36 =	vld.idx.msk [tilespmem:v10+s10+$0x0], $0xffff  }
0x167: {  	v37 =	vsub.f32 $1.000000000e+00, v5;
	v43 =	vadd.s32 $0x156, v10;
	v38 =	vmul.f32 v35, v34;
	v42 =	vld.idx.msk [tilespmem:v10+s11+$0x0], $0xffff  }
0x168: {  	v40 =	vld.idx.msk [tilespmem:v33+s10+$0x0], $0xffff  }
0x169: {  	v44 =	vadd.s32 $0x1, v10;
	v41 =	vmul.f32 v38, v37;
	v9 =	vld.idx.msk [tilespmem:v33+s11+$0x0], $0xffff  }
0x16a: {  	v11 =	vmul.f32 v35, v6;
	v45 =	vld.idx.msk [tilespmem:v39+s10+$0x0], $0xffff  }
0x16b: {  	v46 =	vadd.s32 $0x145, v10;
	v14 =	vmul.f32 v38, v5;
	v15 =	vld.idx.msk [tilespmem:v39+s11+$0x0], $0xffff;
	v12 =	vmul.f32 v41, v36  }
0x16c: {  	v49 =	vadd.s32 $0x13, v10;
	v8 =	vmul.f32 v7, v34;
	v47 =	vld.idx.msk [tilespmem:v43+s10+$0x0], $0xffff;
	v17 =	vmul.f32 v41, v42  }
0x16d: {  	v48 =	vmul.f32 v11, v37;
	v19 =	vld.idx.msk [tilespmem:v43+s11+$0x0], $0xffff;
	v16 =	vmul.f32 v14, v40;
	v12 =	vadd.f32 $0.0e+00, v12  }
0x16e: {  	v11 =	vmul.f32 v11, v5;
	v50 =	vld.idx.msk [tilespmem:v44+s10+$0x0], $0xffff;
	v9 =	vmul.f32 v14, v9;
	v17 =	vadd.f32 $0.0e+00, v17  }
0x16f: {  	v10 =	vadd.s32 $0x157, v10;
	v20 =	vld.idx.msk [tilespmem:v44+s11+$0x0], $0xffff;
	v21 =	vmul.f32 v48, v45;
	v12 =	vadd.f32 v12, v16  }
0x170: {  	v51 =	vld.idx.msk [tilespmem:v46+s10+$0x0], $0xffff;
	v15 =	vmul.f32 v48, v15;
	v9 =	vadd.f32 v17, v9  }
0x171: {  	v53 =	vmul.f32 v8, v37;
	v54 =	vld.idx.msk [tilespmem:v46+s11+$0x0], $0xffff;
	v52 =	vmul.f32 v47, v11;
	v12 =	vadd.f32 v12, v21  }
0x172: {  	v6 =	vmul.f32 v7, v6;
	v56 =	vld.idx.msk [tilespmem:v49+s10+$0x0], $0xffff;
	v55 =	vmul.f32 v19, v11;
	v7 =	vadd.f32 v9, v15  }
0x173: {  	v8 =	vmul.f32 v8, v5;
	v57 =	vld.idx.msk [tilespmem:v49+s11+$0x0], $0xffff;
	v14 =	vmul.f32 v50, v53;
	v12 =	vadd.f32 v12, v52  }
0x174: {  	v59 =	vld.idx.msk [tilespmem:v10+s10+$0x0], $0xffff;
	v58 =	vmul.f32 v20, v53;
	v7 =	vadd.f32 v7, v55  }
0x175: {  	v13 =	vmul.f32 v6, v37;
	v10 =	vld.idx.msk [tilespmem:v10+s11+$0x0], $0xffff;
	v60 =	vmul.f32 v51, v8;
	v12 =	vadd.f32 v12, v14  }
0x176: {  	v8 =	vmul.f32 v54, v8;
	v7 =	vadd.f32 v7, v58  }
0x177: {  	v5 =	vmul.f32 v6, v5;
	v11 =	vmul.f32 v56, v13;
	v61 =	vadd.f32 v12, v60  }
0x178: {  	v6 =	vadd.f32 v8, v7;
	v7 =	vmul.f32 v57, v13  }
0x179: {  	v63 =	vmul.f32 v59, v5;
	v62 =	vadd.f32 v11, v61  }
0x17a: {  	s24 =	sadd.s32 $0x4, s24;
	v5 =	vmul.f32 v10, v5;
	v6 =	vadd.f32 v7, v6  }
0x17b: {  	p2 =	slt.u32 s24, $0x3C;
	v7 =	vadd.f32 v63, v62  }
.Ltmp8:
0x17c: {  	s19 =	sadd.s32 $0x30, s13;
	v5 =	vadd.f32 v5, v6;
	(pc) =	sbr.rel @p2 .LBB2_10-.Ltmp8, $4  }
0x17d: {  	s9 =	sand.u32 $0x70, s19;
	v6 =	vmul.f32 v7, v3  }
0x17e: {  	s7 =	sadd.s32 s9, s7;
	v5 =	vmul.f32 v5, v4  }
0x17f: {  	s6 =	sadd.s32 $0x200, s6;
	s13 =	sadd.s32 $0x40, s13;
	[tilespmem:s7+$0x0] =	vst v6  }
0x180: {  	s2 =	sadd.s32 $0x40, s2;
	s15 =	sadd.s32 $0x40, s15;
	s22 =	sadd.s32 $0x40, s22;
	[tilespmem:s7+$0x80] =	vst v5  }
.LBB2_11:
.Ltmp9:
0x181: {  	(pc) =	sbr.rel .LBB2_12-.Ltmp9, $3  }
0x182: {  	_ =	sdelay $0x1  }
0x183: {  	s22 =	sor.u32 $0x1000, s8  }
0x184: {  	s15 =	sor.u32 $0x800, s8;
	s26 =	sadd.s32 $0x1, s26;
	s24 =	simm.s32 $0x1  }
.LBB2_18:
0x185: {  	s24 =	sadd.s32 $0x1, s24  }
0x186: {  	p2 =	sne.s32 s24, $0x10  }
.Ltmp10:
0x187: {  	_ = 	snop;
	(pc) =	sbr.rel @!p2 .LBB2_19-.Ltmp10, $1  }
0x188: {  	_ =	sdelay $0x3  }
.LBB2_12:
0x189: {  	s2 =	sshll.u32 s24, $0x1  }
0x18a: {  	s2 =	sand.u32 $0x3FFFFFFE, s2  }
0x18b: {  	v5 =	vld [tilespmem:s2+$0x1B800];
	_ =	sdelay $0x4  }
0x18c: {  	(v2sf) =	vpush v5, $0x0;
	_ =	sdelay $0x2  }
0x18d: {  	(v2sf) =	vpush v5, $0x1;
	_ =	sdelay $0xb  }
0x18e: {  	s19 =	spop (v2sf)  }
0x18f: {  	p2 =	slt.f32 s19, $0.0e+00;
	p3 =	sgt.f32 s19, $0.0e+00  }
0x190: {  	_ = 	snop  }
0x191: {  	s2 =	spop (v2sf);
	p2 =	por p3, p2  }
0x192: {  	p3 =	slt.f32 @!p2 s2, $0.0e+00;
	p4 =	sgt.f32 @!p2 s2, $0.0e+00  }
0x193: {  	_ = 	snop  }
0x194: {  	p3 =	por @!p2 p4, p3  }
0x195: {  	p3 =	por @!p2 !p3, !p3  }
0x196: {  	p2 =	por p2, !p3  }
.Ltmp11:
0x197: {  	_ = 	snop;
	(pc) =	sbr.rel @!p2 .LBB2_18-.Ltmp11, $1  }
0x198: {  	_ =	sdelay $0x3  }
0x199: {  	v8 =	vld.msk [tilespmem:s24+$0x1B880 ss:$0x0], $0xffff  }
0x19a: {  	v11 =	vld [tilespmem:s22+$0x0]  }
0x19b: {  	s2 =	simm.s32 $0x0;
	v14 =	vld [tilespmem:s15+$0x0]  }
0x19c: {  	v12 =	vld [tilespmem:s8+$0x0];
	s6 =	sshll.u32 s24, $0x14;
	v9 =	vmul.u32 $0x2, v2;
	v6 =	vmov s2  }
0x19d: {  	v7 =	vmov s6;
	v10 =	vshll.u32 v6, $0x1  }
0x19e: {  	v6 =	vor.u32 $0x80, v7;
	v10 =	vor.u32 v9, v10  }
0x19f: {  	v23 =	vor.u32 $0x1001, v10;
	v13 =	vor.u32 $0x2800, v10;
	v24 =	vor.u32 $0x1000, v10  }
0x1a0: {  	v22 =	vor.u32 $0x801, v10;
	v18 =	vmul.f32 v11, v8;
	v20 =	vmul.f32 v14, v8  }
0x1a1: {  	v15 =	vor.u32 $0x2001, v10;
	v25 =	vor.u32 $0x1, v10;
	v19 =	vmul.f32 v12, v8  }
0x1a2: {  	v27 =	vor.u32 $0x800, v10;
	v14 =	vtrunc.f32 v18;
	v16 =	vtrunc.f32 v20  }
0x1a3: {  	v17 =	vor.u32 $0x1801, v10;
	v21 =	vcvt.f32.s32 v14;
	v14 =	vtrunc.f32 v19  }
0x1a4: {  	v38 =	vor.u32 $0x1800, v10;
	v26 =	vcvt.f32.s32 v14;
	v14 =	vcvt.f32.s32 v16  }
0x1a5: {  	v12 =	vor.u32 $0x2801, v10;
	v11 =	vor.u32 $0x3001, v10;
	v28 =	vcvt.s32.f32 v21  }
0x1a6: {  	v16 =	vor.u32 $0x2000, v10;
	v30 =	vcvt.s32.f32 v14;
	v31 =	vmul.u32 $0x9E3779B1, v14  }
0x1a7: {  	v29 =	vcvt.s32.f32 v26;
	v14 =	vsub.f32 v18, v28;
	v18 =	vadd.s32 $0x1, v26  }
0x1a8: {  	v28 =	vmul.u32 $0x30025795, v21;
	v30 =	vsub.f32 v20, v30;
	v32 =	vxor.u32 v26, v31  }
0x1a9: {  	v33 =	vxor.u32 v18, v31;
	v29 =	vsub.f32 v19, v29;
	v31 =	vadd.s32 $0x9E3779B1, v31  }
0x1aa: {  	v19 =	vxor.u32 v28, v32;
	v20 =	vxor.u32 v28, v33;
	v34 =	vsub.f32 $1.000000000e+00, v30  }
0x1ab: {  	v21 =	vshll.u32 v19, $0x1;
	v19 =	vand.u32 $0x7F, v19;
	v35 =	vshll.u32 v20, $0x1  }
0x1ac: {  	v20 =	vand.u32 $0x7F, v20;
	v59 =	vsub.f32 $1.000000000e+00, v29;
	v21 =	vand.u32 $0xFFF00, v21  }
0x1ad: {  	v36 =	vor.u32 v21, v19;
	v19 =	vand.u32 $0xFFF00, v35;
	v21 =	vxor.u32 v26, v31  }
0x1ae: {  	v26 =	vsub.f32 $1.000000000e+00, v14;
	v31 =	vxor.u32 v18, v31;
	v18 =	vmul.f32 v30, v29  }
0x1af: {  	v37 =	vor.u32 v19, v20;
	v19 =	vmul.f32 v34, v29;
	v34 =	vmul.f32 v34, v59  }
0x1b0: {  	v39 =	vor.u32 v7, v36;
	v20 =	vmul.f32 v30, v59;
	v60 =	vxor.u32 v28, v21  }
0x1b1: {  	v29 =	vor.u32 v6, v36;
	[tilespmem:v10+s29+$0x0] =	vst.idx.msk $0xffff, v39;
	v61 =	vshll.u32 v60, $0x1;
	v30 =	vmul.f32 v26, v34  }
0x1b2: {  	s19 =	simm.s32 $0x5800;
	v62 =	vxor.u32 v28, v31;
	[tilespmem:v25+s29+$0x0] =	vst.idx.msk $0xffff, v29;
	v25 =	vand.u32 $0xFFF00, v61;
	v29 =	vand.u32 $0x7F, v60  }
0x1b3: {  	v29 =	vor.u32 v25, v29;
	v25 =	vshll.u32 v62, $0x1;
	[tilespmem:s19+$0x0] =	vst v30;
	v30 =	vor.u32 v7, v37  }
0x1b4: {  	v63 =	vand.u32 $0xFFF00, v25;
	[tilespmem:v27+s29+$0x0] =	vst.idx.msk $0xffff, v30;
	v27 =	vor.u32 v6, v37;
	v30 =	vmul.f32 v26, v19  }
0x1b5: {  	s9 =	sand.u32 $0x3F0, s2;
	v25 =	vadd.s32 $0x30025795, v28;
	v28 =	vor.u32 v7, v29;
	[tilespmem:v22+s29+$0x0] =	vst.idx.msk $0xffff, v27;
	v27 =	vand.u32 $0x7F, v62  }
0x1b6: {  	v32 =	vxor.u32 v32, v25;
	v22 =	vmul.f32 v34, v14;
	[tilespmem:s9+$0x5C00] =	vst v30;
	v30 =	vor.u32 v63, v27  }
0x1b7: {  	[tilespmem:v24+s29+$0x0] =	vst.idx.msk $0xffff, v28;
	v24 =	vor.u32 v6, v29;
	v28 =	vmul.f32 v26, v20;
	v29 =	vshll.u32 v32, $0x1  }
0x1b8: {  	v27 =	vmul.f32 v26, v18;
	[tilespmem:v23+s29+$0x0] =	vst.idx.msk $0xffff, v24;
	v23 =	vand.u32 $0xFFF00, v29;
	v24 =	vand.u32 $0x7F, v32  }
0x1b9: {  	s7 =	smov.u32 s22;
	s13 =	smov.u32 s15;
	[tilespmem:s9+$0x6000] =	vst v28;
	v28 =	vor.u32 v7, v30;
	v26 =	vor.u32 v23, v24;
	v23 =	vxor.u32 v25, v31  }
0x1ba: {  	s14 =	smov.u32 s8;
	s2 =	simm.s32 $0x10;
	s6 =	simm.s32 $0x5810;
	v29 =	vor.u32 v6, v30;
	[tilespmem:v38+s29+$0x0] =	vst.idx.msk $0xffff, v28;
	v28 =	vxor.u32 v33, v25;
	v24 =	vshll.u32 v23, $0x1  }
.LBB2_14:
0x1bb: {  	[tilespmem:v17+s29+$0x0] =	vst.idx.msk $0xffff, v29;
	v17 =	vshll.u32 v28, $0x1;
	v28 =	vand.u32 $0x7F, v28;
	v21 =	vxor.u32 v25, v21;
	s7 =	sadd.s32 $0x10, s7;
	s13 =	sadd.s32 $0x10, s13;
	s14 =	sadd.s32 $0x10, s14  }
0x1bc: {  	p2 =	sne.s32 s2, $0x3F0;
	v25 =	vor.u32 v7, v26;
	s19 =	smov.u32 s2;
	s2 =	sadd.s32 $0x10, s2;
	[tilespmem:s9+$0x6400] =	vst v27;
	v27 =	vshll.u32 v21, $0x1;
	v21 =	vand.u32 $0x7F, v21  }
0x1bd: {  	v17 =	vand.u32 $0xFFF00, v17;
	[tilespmem:v16+s29+$0x0] =	vst.idx.msk $0xffff, v25;
	v16 =	vor.u32 v6, v26;
	v25 =	vand.u32 $0xFFF00, v27  }
0x1be: {  	[tilespmem:v15+s29+$0x0] =	vst.idx.msk $0xffff, v16;
	v15 =	vor.u32 v17, v28;
	v16 =	vor.u32 v25, v21;
	v17 =	vor.u32 $0x3000, v10  }
0x1bf: {  	v19 =	vmul.f32 v19, v14;
	v20 =	vmul.f32 v14, v20;
	[tilespmem:s9+$0x6800] =	vst v22;
	v21 =	vor.u32 v7, v15  }
0x1c0: {  	v14 =	vmul.f32 v14, v18;
	[tilespmem:v13+s29+$0x0] =	vst.idx.msk $0xffff, v21;
	v13 =	vor.u32 v6, v15  }
0x1c1: {  	[tilespmem:v12+s29+$0x0] =	vst.idx.msk $0xffff, v13;
	v12 =	vor.u32 $0x3800, v10  }
0x1c2: {  	v13 =	vor.u32 v7, v16;
	v10 =	vor.u32 $0x3801, v10;
	[tilespmem:s9+$0x6C00] =	vst v19  }
0x1c3: {  	v15 =	vand.u32 $0xFFF00, v24;
	[tilespmem:v17+s29+$0x0] =	vst.idx.msk $0xffff, v13;
	v13 =	vor.u32 v6, v16;
	v16 =	vand.u32 $0x7F, v23  }
0x1c4: {  	[tilespmem:v11+s29+$0x0] =	vst.idx.msk $0xffff, v13;
	v11 =	vor.u32 v15, v16  }
0x1c5: {  	[tilespmem:s9+$0x7000] =	vst v20;
	v13 =	vor.u32 v7, v11  }
0x1c6: {  	v11 =	vor.u32 v6, v11;
	[tilespmem:v12+s29+$0x0] =	vst.idx.msk $0xffff, v13  }
0x1c7: {  	[tilespmem:v10+s29+$0x0] =	vst.idx.msk $0xffff, v11  }
0x1c8: {  	v10 =	vmov s19;
	[tilespmem:s9+$0x7400] =	vst v14  }
0x1c9: {  	v11 =	vld [tilespmem:s7+$0x0]  }
0x1ca: {  	v10 =	vshll.u32 v10, $0x1;
	v12 =	vld [tilespmem:s14+$0x0]  }
0x1cb: {  	v14 =	vld [tilespmem:s13+$0x0];
	_ =	sdelay $0x1  }
0x1cc: {  	v10 =	vor.u32 v9, v10  }
0x1cd: {  	v23 =	vor.u32 $0x1001, v10;
	v13 =	vor.u32 $0x2800, v10;
	v18 =	vmul.f32 v11, v8  }
0x1ce: {  	v11 =	vor.u32 $0x3001, v10;
	v19 =	vmul.f32 v12, v8;
	v12 =	vor.u32 $0x2801, v10  }
0x1cf: {  	v24 =	vor.u32 $0x1000, v10;
	v20 =	vmul.f32 v14, v8;
	v14 =	vtrunc.f32 v18  }
0x1d0: {  	v22 =	vor.u32 $0x801, v10;
	v15 =	vor.u32 $0x2001, v10;
	v21 =	vcvt.f32.s32 v14  }
0x1d1: {  	v25 =	vor.u32 $0x1, v10;
	v14 =	vtrunc.f32 v19;
	v16 =	vtrunc.f32 v20  }
0x1d2: {  	v27 =	vor.u32 $0x800, v10;
	v26 =	vcvt.f32.s32 v14;
	v14 =	vcvt.f32.s32 v16  }
0x1d3: {  	v17 =	vor.u32 $0x1801, v10;
	v28 =	vcvt.s32.f32 v21;
	v16 =	vor.u32 $0x2000, v10  }
0x1d4: {  	v29 =	vcvt.s32.f32 v26;
	v30 =	vcvt.s32.f32 v14;
	v31 =	vmul.u32 $0x9E3779B1, v14  }
0x1d5: {  	v14 =	vsub.f32 v18, v28;
	v18 =	vadd.s32 $0x1, v26;
	v28 =	vmul.u32 $0x30025795, v21  }
0x1d6: {  	v30 =	vsub.f32 v20, v30;
	v32 =	vxor.u32 v26, v31;
	v33 =	vxor.u32 v18, v31  }
0x1d7: {  	v29 =	vsub.f32 v19, v29;
	v19 =	vxor.u32 v28, v32;
	v20 =	vxor.u32 v28, v33  }
0x1d8: {  	v31 =	vadd.s32 $0x9E3779B1, v31;
	v34 =	vsub.f32 $1.000000000e+00, v30;
	v21 =	vshll.u32 v19, $0x1  }
0x1d9: {  	v19 =	vand.u32 $0x7F, v19;
	v35 =	vshll.u32 v20, $0x1;
	v21 =	vand.u32 $0xFFF00, v21  }
0x1da: {  	v20 =	vand.u32 $0x7F, v20;
	v36 =	vor.u32 v21, v19;
	v19 =	vand.u32 $0xFFF00, v35  }
0x1db: {  	v38 =	vor.u32 $0x1800, v10;
	v35 =	vsub.f32 $1.000000000e+00, v29;
	v37 =	vor.u32 v19, v20  }
0x1dc: {  	v21 =	vxor.u32 v26, v31;
	v39 =	vor.u32 v7, v36;
	v19 =	vmul.f32 v34, v29  }
0x1dd: {  	v26 =	vsub.f32 $1.000000000e+00, v14;
	v34 =	vmul.f32 v34, v35;
	v20 =	vmul.f32 v30, v35  }
0x1de: {  	v31 =	vxor.u32 v18, v31;
	v18 =	vmul.f32 v30, v29;
	v35 =	vxor.u32 v28, v21  }
0x1df: {  	v29 =	vor.u32 v6, v36;
	v36 =	vshll.u32 v35, $0x1;
	v30 =	vmul.f32 v26, v34;
	[tilespmem:v10+s29+$0x0] =	vst.idx.msk $0xffff, v39  }
0x1e0: {  	[tilespmem:v25+s29+$0x0] =	vst.idx.msk $0xffff, v29;
	v25 =	vand.u32 $0xFFF00, v36;
	v29 =	vand.u32 $0x7F, v35;
	v35 =	vxor.u32 v28, v31  }
0x1e1: {  	[tilespmem:s6+$0x0] =	vst v30;
	v30 =	vor.u32 v7, v37;
	v29 =	vor.u32 v25, v29;
	v25 =	vshll.u32 v35, $0x1  }
0x1e2: {  	[tilespmem:v27+s29+$0x0] =	vst.idx.msk $0xffff, v30;
	v27 =	vor.u32 v6, v37;
	v30 =	vmul.f32 v26, v19;
	v36 =	vand.u32 $0xFFF00, v25  }
0x1e3: {  	s9 =	sand.u32 $0x3F0, s19;
	v25 =	vadd.s32 $0x30025795, v28;
	[tilespmem:v22+s29+$0x0] =	vst.idx.msk $0xffff, v27;
	v27 =	vand.u32 $0x7F, v35;
	v22 =	vmul.f32 v34, v14  }
.Ltmp12:
0x1e4: {  	v28 =	vor.u32 v7, v29;
	v32 =	vxor.u32 v32, v25;
	[tilespmem:s9+$0x5C00] =	vst v30;
	v30 =	vor.u32 v36, v27;
	(pc) =	sbr.rel @p2 .LBB2_14-.Ltmp12, $4  }
0x1e5: {  	[tilespmem:v24+s29+$0x0] =	vst.idx.msk $0xffff, v28;
	v24 =	vor.u32 v6, v29;
	v28 =	vmul.f32 v26, v20;
	v29 =	vshll.u32 v32, $0x1  }
0x1e6: {  	v27 =	vmul.f32 v26, v18;
	[tilespmem:v23+s29+$0x0] =	vst.idx.msk $0xffff, v24;
	v23 =	vand.u32 $0xFFF00, v29;
	v24 =	vand.u32 $0x7F, v32  }
0x1e7: {  	[tilespmem:s9+$0x6000] =	vst v28;
	v28 =	vor.u32 v7, v30;
	v26 =	vor.u32 v23, v24;
	v23 =	vxor.u32 v25, v31  }
0x1e8: {  	s6 =	sadd.s32 $0x10, s6;
	v29 =	vor.u32 v6, v30;
	[tilespmem:v38+s29+$0x0] =	vst.idx.msk $0xffff, v28;
	v28 =	vxor.u32 v33, v25;
	v24 =	vshll.u32 v23, $0x1  }
0x1e9: {  	_ =	sdelay $0x3  }
0x1ea: {  	[tilespmem:v17+s29+$0x0] =	vst.idx.msk $0xffff, v29  }
0x1eb: {  	v8 =	vshll.u32 v28, $0x1;
	v9 =	vor.u32 v7, v26;
	[tilespmem:s9+$0x6400] =	vst v27  }
0x1ec: {  	v17 =	vand.u32 $0x7F, v28;
	v8 =	vand.u32 $0xFFF00, v8;
	[tilespmem:v16+s29+$0x0] =	vst.idx.msk $0xffff, v9;
	v9 =	vor.u32 v6, v26  }
0x1ed: {  	v16 =	vxor.u32 v25, v21;
	v8 =	vor.u32 v8, v17;
	[tilespmem:v15+s29+$0x0] =	vst.idx.msk $0xffff, v9;
	v9 =	vor.u32 $0x3000, v10  }
0x1ee: {  	v19 =	vmul.f32 v19, v14;
	v15 =	vshll.u32 v16, $0x1;
	v17 =	vor.u32 v7, v8;
	[tilespmem:s9+$0x6800] =	vst v22  }
0x1ef: {  	v16 =	vand.u32 $0x7F, v16;
	v8 =	vor.u32 v6, v8;
	v15 =	vand.u32 $0xFFF00, v15;
	[tilespmem:v13+s29+$0x0] =	vst.idx.msk $0xffff, v17  }
0x1f0: {  	v13 =	vor.u32 v15, v16;
	[tilespmem:v12+s29+$0x0] =	vst.idx.msk $0xffff, v8;
	v8 =	vor.u32 $0x3800, v10  }
0x1f1: {  	v12 =	vmul.f32 v14, v20;
	v15 =	vor.u32 v7, v13;
	v10 =	vor.u32 $0x3801, v10;
	[tilespmem:s9+$0x6C00] =	vst v19  }
0x1f2: {  	[tilespmem:v9+s29+$0x0] =	vst.idx.msk $0xffff, v15;
	v9 =	vor.u32 v6, v13;
	v13 =	vand.u32 $0xFFF00, v24;
	v15 =	vand.u32 $0x7F, v23  }
0x1f3: {  	[tilespmem:v11+s29+$0x0] =	vst.idx.msk $0xffff, v9;
	v9 =	vor.u32 v13, v15  }
0x1f4: {  	[tilespmem:s9+$0x7000] =	vst v12;
	v7 =	vor.u32 v7, v9  }
0x1f5: {  	v11 =	vmul.f32 v14, v18;
	v6 =	vor.u32 v6, v9;
	[tilespmem:v8+s29+$0x0] =	vst.idx.msk $0xffff, v7  }
0x1f6: {  	[tilespmem:v10+s29+$0x0] =	vst.idx.msk $0xffff, v6  }
0x1f7: {  	s2 =	simm.s32 $0x7800;
	[tilespmem:s9+$0x7400] =	vst v11  }
0x1f8: {  	[tilespmem:s2], [sflag:$0x1] =	stream.indirect.gather [hbm4b:s1+s16], $0x1, s29, s16, $0xb8;
	[tilespmem:$0x1EC00] =	vst v63  }
0x1f9: {  	s6 =	simm.s32 $0x1880;
	s7 =	simm.s32 $0x7880  }
0x1fa: {  	[tilespmem:s7], [sflag:$0x1] =	stream.indirect.gather [hbm4b:s1+s16], $0x1, s6, s16, $0xb8;
	[tilespmem:$0x1EC00] =	vst v63  }
0x1fb: {  	s13 =	simm.s32 $0x7900;
	s9 =	simm.s32 $0x1900  }
0x1fc: {  	[tilespmem:s13], [sflag:$0x1] =	stream.indirect.gather [hbm4b:s1+s16], $0x1, s9, s16, $0xb8;
	[tilespmem:$0x1EC00] =	vst v63  }
0x1fd: {  	s14 =	simm.s32 $0x1980;
	s19 =	simm.s32 $0x7980  }
0x1fe: {  	[tilespmem:s19], [sflag:$0x1] =	stream.indirect.gather [hbm4b:s1+s16], $0x1, s14, s16, $0xb8;
	[tilespmem:$0x1EC00] =	vst v63  }
0x1ff: {  	s9 =	simm.s32 $0x1A00;
	s13 =	simm.s32 $0x7A00  }
0x200: {  	[tilespmem:s13], [sflag:$0x1] =	stream.indirect.gather [hbm4b:s1+s16], $0x1, s9, s16, $0xb8;
	[tilespmem:$0x1EC00] =	vst v63  }
0x201: {  	s14 =	simm.s32 $0x1A80;
	s19 =	simm.s32 $0x7A80  }
0x202: {  	[tilespmem:s19], [sflag:$0x1] =	stream.indirect.gather [hbm4b:s1+s16], $0x1, s14, s16, $0xb8;
	[tilespmem:$0x1EC00] =	vst v63  }
0x203: {  	s9 =	simm.s32 $0x1B00;
	s13 =	simm.s32 $0x7B00  }
0x204: {  	[tilespmem:s13], [sflag:$0x1] =	stream.indirect.gather [hbm4b:s1+s16], $0x1, s9, s16, $0xb8;
	[tilespmem:$0x1EC00] =	vst v63  }
0x205: {  	s14 =	simm.s32 $0x1B80;
	s19 =	simm.s32 $0x7B80  }
0x206: {  	[tilespmem:s19], [sflag:$0x1] =	stream.indirect.gather [hbm4b:s1+s16], $0x1, s14, s16, $0xb8;
	[tilespmem:$0x1EC00] =	vst v63  }
0x207: {  	s9 =	simm.s32 $0x1C00;
	s13 =	simm.s32 $0x7C00  }
0x208: {  	[tilespmem:s13], [sflag:$0x1] =	stream.indirect.gather [hbm4b:s1+s16], $0x1, s9, s16, $0xb8;
	[tilespmem:$0x1EC00] =	vst v63  }
0x209: {  	s14 =	simm.s32 $0x1C80;
	s19 =	simm.s32 $0x7C80  }
0x20a: {  	[tilespmem:s19], [sflag:$0x1] =	stream.indirect.gather [hbm4b:s1+s16], $0x1, s14, s16, $0xb8;
	[tilespmem:$0x1EC00] =	vst v63  }
0x20b: {  	s9 =	simm.s32 $0x1D00;
	s13 =	simm.s32 $0x7D00  }
0x20c: {  	[tilespmem:s13], [sflag:$0x1] =	stream.indirect.gather [hbm4b:s1+s16], $0x1, s9, s16, $0xb8;
	[tilespmem:$0x1EC00] =	vst v63  }
0x20d: {  	s14 =	simm.s32 $0x1D80;
	s19 =	simm.s32 $0x7D80  }
0x20e: {  	[tilespmem:s19], [sflag:$0x1] =	stream.indirect.gather [hbm4b:s1+s16], $0x1, s14, s16, $0xb8;
	[tilespmem:$0x1EC00] =	vst v63  }
0x20f: {  	s9 =	simm.s32 $0x1E00;
	s13 =	simm.s32 $0x7E00  }
0x210: {  	[tilespmem:s13], [sflag:$0x1] =	stream.indirect.gather [hbm4b:s1+s16], $0x1, s9, s16, $0xb8;
	[tilespmem:$0x1EC00] =	vst v63  }
0x211: {  	s14 =	simm.s32 $0x1E80;
	s19 =	simm.s32 $0x7E80  }
0x212: {  	[tilespmem:s19], [sflag:$0x1] =	stream.indirect.gather [hbm4b:s1+s16], $0x1, s14, s16, $0xb8;
	[tilespmem:$0x1EC00] =	vst v63  }
0x213: {  	s9 =	simm.s32 $0x1F00;
	s13 =	simm.s32 $0x7F00  }
0x214: {  	[tilespmem:s13], [sflag:$0x1] =	stream.indirect.gather [hbm4b:s1+s16], $0x1, s9, s16, $0xb8;
	[tilespmem:$0x1EC00] =	vst v63  }
0x215: {  	s14 =	simm.s32 $0x1F80;
	s19 =	simm.s32 $0x7F80  }
0x216: {  	[tilespmem:s19], [sflag:$0x1] =	stream.indirect.gather [hbm4b:s1+s16], $0x1, s14, s16, $0xb8;
	[tilespmem:$0x1EC00] =	vst v63  }
0x217: {  	s9 =	simm.s32 $0x2000;
	s13 =	simm.s32 $0x8000  }
0x218: {  	[tilespmem:s13], [sflag:$0x1] =	stream.indirect.gather [hbm4b:s1+s16], $0x1, s9, s16, $0xb8;
	[tilespmem:$0x1EC00] =	vst v63  }
0x219: {  	s14 =	simm.s32 $0x2080;
	s19 =	simm.s32 $0x8080  }
0x21a: {  	[tilespmem:s19], [sflag:$0x1] =	stream.indirect.gather [hbm4b:s1+s16], $0x1, s14, s16, $0xb8;
	[tilespmem:$0x1EC00] =	vst v63  }
0x21b: {  	s9 =	simm.s32 $0x2100;
	s13 =	simm.s32 $0x8100  }
0x21c: {  	[tilespmem:s13], [sflag:$0x1] =	stream.indirect.gather [hbm4b:s1+s16], $0x1, s9, s16, $0xb8;
	[tilespmem:$0x1EC00] =	vst v63  }
0x21d: {  	s14 =	simm.s32 $0x2180;
	s19 =	simm.s32 $0x8180  }
0x21e: {  	[tilespmem:s19], [sflag:$0x1] =	stream.indirect.gather [hbm4b:s1+s16], $0x1, s14, s16, $0xb8;
	[tilespmem:$0x1EC00] =	vst v63  }
0x21f: {  	s9 =	simm.s32 $0x2200;
	s13 =	simm.s32 $0x8200  }
0x220: {  	[tilespmem:s13], [sflag:$0x1] =	stream.indirect.gather [hbm4b:s1+s16], $0x1, s9, s16, $0xb8;
	[tilespmem:$0x1EC00] =	vst v63  }
0x221: {  	s14 =	simm.s32 $0x2280;
	s19 =	simm.s32 $0x8280  }
0x222: {  	[tilespmem:s19], [sflag:$0x1] =	stream.indirect.gather [hbm4b:s1+s16], $0x1, s14, s16, $0xb8;
	[tilespmem:$0x1EC00] =	vst v63  }
0x223: {  	s9 =	simm.s32 $0x2300;
	s13 =	simm.s32 $0x8300  }
0x224: {  	[tilespmem:s13], [sflag:$0x1] =	stream.indirect.gather [hbm4b:s1+s16], $0x1, s9, s16, $0xb8;
	[tilespmem:$0x1EC00] =	vst v63  }
0x225: {  	s14 =	simm.s32 $0x2380;
	s19 =	simm.s32 $0x8380  }
0x226: {  	[tilespmem:s19], [sflag:$0x1] =	stream.indirect.gather [hbm4b:s1+s16], $0x1, s14, s16, $0xb8;
	[tilespmem:$0x1EC00] =	vst v63  }
0x227: {  	s9 =	simm.s32 $0x2400;
	s13 =	simm.s32 $0x8400  }
0x228: {  	[tilespmem:s13], [sflag:$0x1] =	stream.indirect.gather [hbm4b:s1+s16], $0x1, s9, s16, $0xb8;
	[tilespmem:$0x1EC00] =	vst v63  }
0x229: {  	s14 =	simm.s32 $0x2480;
	s19 =	simm.s32 $0x8480  }
0x22a: {  	[tilespmem:s19], [sflag:$0x1] =	stream.indirect.gather [hbm4b:s1+s16], $0x1, s14, s16, $0xb8;
	[tilespmem:$0x1EC00] =	vst v63  }
0x22b: {  	s9 =	simm.s32 $0x2500;
	s13 =	simm.s32 $0x8500  }
0x22c: {  	[tilespmem:s13], [sflag:$0x1] =	stream.indirect.gather [hbm4b:s1+s16], $0x1, s9, s16, $0xb8;
	[tilespmem:$0x1EC00] =	vst v63  }
0x22d: {  	s14 =	simm.s32 $0x2580;
	s19 =	simm.s32 $0x8580  }
0x22e: {  	[tilespmem:s19], [sflag:$0x1] =	stream.indirect.gather [hbm4b:s1+s16], $0x1, s14, s16, $0xb8;
	[tilespmem:$0x1EC00] =	vst v63  }
0x22f: {  	s9 =	simm.s32 $0x2600;
	s13 =	simm.s32 $0x8600  }
0x230: {  	[tilespmem:s13], [sflag:$0x1] =	stream.indirect.gather [hbm4b:s1+s16], $0x1, s9, s16, $0xb8;
	[tilespmem:$0x1EC00] =	vst v63  }
0x231: {  	s14 =	simm.s32 $0x2680;
	s19 =	simm.s32 $0x8680  }
0x232: {  	[tilespmem:s19], [sflag:$0x1] =	stream.indirect.gather [hbm4b:s1+s16], $0x1, s14, s16, $0xb8;
	[tilespmem:$0x1EC00] =	vst v63  }
0x233: {  	s9 =	simm.s32 $0x2700;
	s13 =	simm.s32 $0x8700  }
0x234: {  	[tilespmem:s13], [sflag:$0x1] =	stream.indirect.gather [hbm4b:s1+s16], $0x1, s9, s16, $0xb8;
	[tilespmem:$0x1EC00] =	vst v63  }
0x235: {  	s14 =	simm.s32 $0x2780;
	s19 =	simm.s32 $0x8780  }
0x236: {  	[tilespmem:s19], [sflag:$0x1] =	stream.indirect.gather [hbm4b:s1+s16], $0x1, s14, s16, $0xb8;
	[tilespmem:$0x1EC00] =	vst v63  }
0x237: {  	s9 =	simm.s32 $0x2800;
	s13 =	simm.s32 $0x8800  }
0x238: {  	[tilespmem:s13], [sflag:$0x1] =	stream.indirect.gather [hbm4b:s1+s16], $0x1, s9, s16, $0xb8;
	[tilespmem:$0x1EC00] =	vst v63  }
0x239: {  	s14 =	simm.s32 $0x2880;
	s19 =	simm.s32 $0x8880  }
0x23a: {  	[tilespmem:s19], [sflag:$0x1] =	stream.indirect.gather [hbm4b:s1+s16], $0x1, s14, s16, $0xb8;
	[tilespmem:$0x1EC00] =	vst v63  }
0x23b: {  	s9 =	simm.s32 $0x2900;
	s13 =	simm.s32 $0x8900  }
0x23c: {  	[tilespmem:s13], [sflag:$0x1] =	stream.indirect.gather [hbm4b:s1+s16], $0x1, s9, s16, $0xb8;
	[tilespmem:$0x1EC00] =	vst v63  }
0x23d: {  	s14 =	simm.s32 $0x2980;
	s19 =	simm.s32 $0x8980  }
0x23e: {  	[tilespmem:s19], [sflag:$0x1] =	stream.indirect.gather [hbm4b:s1+s16], $0x1, s14, s16, $0xb8;
	[tilespmem:$0x1EC00] =	vst v63  }
0x23f: {  	s9 =	simm.s32 $0x2A00;
	s13 =	simm.s32 $0x8A00  }
0x240: {  	[tilespmem:s13], [sflag:$0x1] =	stream.indirect.gather [hbm4b:s1+s16], $0x1, s9, s16, $0xb8;
	[tilespmem:$0x1EC00] =	vst v63  }
0x241: {  	s14 =	simm.s32 $0x2A80;
	s19 =	simm.s32 $0x8A80  }
0x242: {  	[tilespmem:s19], [sflag:$0x1] =	stream.indirect.gather [hbm4b:s1+s16], $0x1, s14, s16, $0xb8;
	[tilespmem:$0x1EC00] =	vst v63  }
0x243: {  	s9 =	simm.s32 $0x2B00;
	s13 =	simm.s32 $0x8B00  }
0x244: {  	[tilespmem:s13], [sflag:$0x1] =	stream.indirect.gather [hbm4b:s1+s16], $0x1, s9, s16, $0xb8;
	[tilespmem:$0x1EC00] =	vst v63  }
0x245: {  	s14 =	simm.s32 $0x2B80;
	s19 =	simm.s32 $0x8B80  }
0x246: {  	[tilespmem:s19], [sflag:$0x1] =	stream.indirect.gather [hbm4b:s1+s16], $0x1, s14, s16, $0xb8;
	[tilespmem:$0x1EC00] =	vst v63  }
0x247: {  	s9 =	simm.s32 $0x2C00;
	s13 =	simm.s32 $0x8C00  }
0x248: {  	[tilespmem:s13], [sflag:$0x1] =	stream.indirect.gather [hbm4b:s1+s16], $0x1, s9, s16, $0xb8;
	[tilespmem:$0x1EC00] =	vst v63  }
0x249: {  	s14 =	simm.s32 $0x2C80;
	s19 =	simm.s32 $0x8C80  }
0x24a: {  	[tilespmem:s19], [sflag:$0x1] =	stream.indirect.gather [hbm4b:s1+s16], $0x1, s14, s16, $0xb8;
	[tilespmem:$0x1EC00] =	vst v63  }
0x24b: {  	s9 =	simm.s32 $0x2D00;
	s13 =	simm.s32 $0x8D00  }
0x24c: {  	[tilespmem:s13], [sflag:$0x1] =	stream.indirect.gather [hbm4b:s1+s16], $0x1, s9, s16, $0xb8;
	[tilespmem:$0x1EC00] =	vst v63  }
0x24d: {  	s14 =	simm.s32 $0x2D80;
	s19 =	simm.s32 $0x8D80  }
0x24e: {  	[tilespmem:s19], [sflag:$0x1] =	stream.indirect.gather [hbm4b:s1+s16], $0x1, s14, s16, $0xb8;
	[tilespmem:$0x1EC00] =	vst v63  }
0x24f: {  	s9 =	simm.s32 $0x2E00;
	s13 =	simm.s32 $0x8E00  }
0x250: {  	[tilespmem:s13], [sflag:$0x1] =	stream.indirect.gather [hbm4b:s1+s16], $0x1, s9, s16, $0xb8;
	[tilespmem:$0x1EC00] =	vst v63  }
0x251: {  	s14 =	simm.s32 $0x2E80;
	s19 =	simm.s32 $0x8E80  }
0x252: {  	[tilespmem:s19], [sflag:$0x1] =	stream.indirect.gather [hbm4b:s1+s16], $0x1, s14, s16, $0xb8;
	[tilespmem:$0x1EC00] =	vst v63  }
0x253: {  	s9 =	simm.s32 $0x2F00;
	s13 =	simm.s32 $0x8F00  }
0x254: {  	[tilespmem:s13], [sflag:$0x1] =	stream.indirect.gather [hbm4b:s1+s16], $0x1, s9, s16, $0xb8;
	[tilespmem:$0x1EC00] =	vst v63  }
0x255: {  	s14 =	simm.s32 $0x2F80;
	s19 =	simm.s32 $0x8F80  }
0x256: {  	[tilespmem:s19], [sflag:$0x1] =	stream.indirect.gather [hbm4b:s1+s16], $0x1, s14, s16, $0xb8;
	[tilespmem:$0x1EC00] =	vst v63  }
0x257: {  	s9 =	simm.s32 $0x3000;
	s13 =	simm.s32 $0x9000  }
0x258: {  	[tilespmem:s13], [sflag:$0x1] =	stream.indirect.gather [hbm4b:s1+s16], $0x1, s9, s16, $0xb8;
	[tilespmem:$0x1EC00] =	vst v63  }
0x259: {  	s14 =	simm.s32 $0x3080;
	s19 =	simm.s32 $0x9080  }
0x25a: {  	[tilespmem:s19], [sflag:$0x1] =	stream.indirect.gather [hbm4b:s1+s16], $0x1, s14, s16, $0xb8;
	[tilespmem:$0x1EC00] =	vst v63  }
0x25b: {  	s9 =	simm.s32 $0x3100;
	s13 =	simm.s32 $0x9100  }
0x25c: {  	[tilespmem:s13], [sflag:$0x1] =	stream.indirect.gather [hbm4b:s1+s16], $0x1, s9, s16, $0xb8;
	[tilespmem:$0x1EC00] =	vst v63  }
0x25d: {  	s14 =	simm.s32 $0x3180;
	s19 =	simm.s32 $0x9180  }
0x25e: {  	[tilespmem:s19], [sflag:$0x1] =	stream.indirect.gather [hbm4b:s1+s16], $0x1, s14, s16, $0xb8;
	[tilespmem:$0x1EC00] =	vst v63  }
0x25f: {  	s9 =	simm.s32 $0x3200;
	s13 =	simm.s32 $0x9200  }
0x260: {  	[tilespmem:s13], [sflag:$0x1] =	stream.indirect.gather [hbm4b:s1+s16], $0x1, s9, s16, $0xb8;
	[tilespmem:$0x1EC00] =	vst v63  }
0x261: {  	s14 =	simm.s32 $0x3280;
	s19 =	simm.s32 $0x9280  }
0x262: {  	[tilespmem:s19], [sflag:$0x1] =	stream.indirect.gather [hbm4b:s1+s16], $0x1, s14, s16, $0xb8;
	[tilespmem:$0x1EC00] =	vst v63  }
0x263: {  	s9 =	simm.s32 $0x3300;
	s13 =	simm.s32 $0x9300  }
0x264: {  	[tilespmem:s13], [sflag:$0x1] =	stream.indirect.gather [hbm4b:s1+s16], $0x1, s9, s16, $0xb8;
	[tilespmem:$0x1EC00] =	vst v63  }
0x265: {  	s14 =	simm.s32 $0x3380;
	s19 =	simm.s32 $0x9380  }
0x266: {  	[tilespmem:s19], [sflag:$0x1] =	stream.indirect.gather [hbm4b:s1+s16], $0x1, s14, s16, $0xb8;
	[tilespmem:$0x1EC00] =	vst v63  }
0x267: {  	s9 =	simm.s32 $0x3400;
	s13 =	simm.s32 $0x9400  }
0x268: {  	[tilespmem:s13], [sflag:$0x1] =	stream.indirect.gather [hbm4b:s1+s16], $0x1, s9, s16, $0xb8;
	[tilespmem:$0x1EC00] =	vst v63  }
0x269: {  	s14 =	simm.s32 $0x3480;
	s19 =	simm.s32 $0x9480  }
0x26a: {  	[tilespmem:s19], [sflag:$0x1] =	stream.indirect.gather [hbm4b:s1+s16], $0x1, s14, s16, $0xb8;
	[tilespmem:$0x1EC00] =	vst v63  }
0x26b: {  	s9 =	simm.s32 $0x3500;
	s13 =	simm.s32 $0x9500  }
0x26c: {  	[tilespmem:s13], [sflag:$0x1] =	stream.indirect.gather [hbm4b:s1+s16], $0x1, s9, s16, $0xb8;
	[tilespmem:$0x1EC00] =	vst v63  }
0x26d: {  	s14 =	simm.s32 $0x3580;
	s19 =	simm.s32 $0x9580  }
0x26e: {  	[tilespmem:s19], [sflag:$0x1] =	stream.indirect.gather [hbm4b:s1+s16], $0x1, s14, s16, $0xb8;
	[tilespmem:$0x1EC00] =	vst v63  }
0x26f: {  	s9 =	simm.s32 $0x3600;
	s13 =	simm.s32 $0x9600  }
0x270: {  	[tilespmem:s13], [sflag:$0x1] =	stream.indirect.gather [hbm4b:s1+s16], $0x1, s9, s16, $0xb8;
	[tilespmem:$0x1EC00] =	vst v63  }
0x271: {  	s14 =	simm.s32 $0x3680;
	s19 =	simm.s32 $0x9680  }
0x272: {  	[tilespmem:s19], [sflag:$0x1] =	stream.indirect.gather [hbm4b:s1+s16], $0x1, s14, s16, $0xb8;
	[tilespmem:$0x1EC00] =	vst v63  }
0x273: {  	s9 =	simm.s32 $0x3700;
	s13 =	simm.s32 $0x9700  }
0x274: {  	[tilespmem:s13], [sflag:$0x1] =	stream.indirect.gather [hbm4b:s1+s16], $0x1, s9, s16, $0xb8;
	[tilespmem:$0x1EC00] =	vst v63  }
0x275: {  	s14 =	simm.s32 $0x3780;
	s19 =	simm.s32 $0x9780  }
0x276: {  	[tilespmem:s19], [sflag:$0x1] =	stream.indirect.gather [hbm4b:s1+s16], $0x1, s14, s16, $0xb8;
	[tilespmem:$0x1EC00] =	vst v63  }
0x277: {  	s9 =	simm.s32 $0x3800;
	s13 =	simm.s32 $0x9800  }
0x278: {  	[tilespmem:s13], [sflag:$0x1] =	stream.indirect.gather [hbm4b:s1+s16], $0x1, s9, s16, $0xb8;
	[tilespmem:$0x1EC00] =	vst v63  }
0x279: {  	s14 =	simm.s32 $0x3880;
	s19 =	simm.s32 $0x9880  }
0x27a: {  	[tilespmem:s19], [sflag:$0x1] =	stream.indirect.gather [hbm4b:s1+s16], $0x1, s14, s16, $0xb8;
	[tilespmem:$0x1EC00] =	vst v63  }
0x27b: {  	s9 =	simm.s32 $0x3900;
	s13 =	simm.s32 $0x9900  }
0x27c: {  	[tilespmem:s13], [sflag:$0x1] =	stream.indirect.gather [hbm4b:s1+s16], $0x1, s9, s16, $0xb8;
	[tilespmem:$0x1EC00] =	vst v63  }
0x27d: {  	s14 =	simm.s32 $0x3980;
	s19 =	simm.s32 $0x9980  }
0x27e: {  	[tilespmem:s19], [sflag:$0x1] =	stream.indirect.gather [hbm4b:s1+s16], $0x1, s14, s16, $0xb8;
	[tilespmem:$0x1EC00] =	vst v63  }
0x27f: {  	s9 =	simm.s32 $0x3A00;
	s13 =	simm.s32 $0x9A00  }
0x280: {  	[tilespmem:s13], [sflag:$0x1] =	stream.indirect.gather [hbm4b:s1+s16], $0x1, s9, s16, $0xb8;
	[tilespmem:$0x1EC00] =	vst v63  }
0x281: {  	s14 =	simm.s32 $0x3A80;
	s19 =	simm.s32 $0x9A80  }
0x282: {  	[tilespmem:s19], [sflag:$0x1] =	stream.indirect.gather [hbm4b:s1+s16], $0x1, s14, s16, $0xb8;
	[tilespmem:$0x1EC00] =	vst v63  }
0x283: {  	s9 =	simm.s32 $0x3B00;
	s13 =	simm.s32 $0x9B00  }
0x284: {  	[tilespmem:s13], [sflag:$0x1] =	stream.indirect.gather [hbm4b:s1+s16], $0x1, s9, s16, $0xb8;
	[tilespmem:$0x1EC00] =	vst v63  }
0x285: {  	s14 =	simm.s32 $0x3B80;
	s19 =	simm.s32 $0x9B80  }
0x286: {  	[tilespmem:s19], [sflag:$0x1] =	stream.indirect.gather [hbm4b:s1+s16], $0x1, s14, s16, $0xb8;
	[tilespmem:$0x1EC00] =	vst v63  }
0x287: {  	s9 =	simm.s32 $0x3C00;
	s13 =	simm.s32 $0x9C00  }
0x288: {  	[tilespmem:s13], [sflag:$0x1] =	stream.indirect.gather [hbm4b:s1+s16], $0x1, s9, s16, $0xb8;
	[tilespmem:$0x1EC00] =	vst v63  }
0x289: {  	s14 =	simm.s32 $0x3C80;
	s19 =	simm.s32 $0x9C80  }
0x28a: {  	[tilespmem:s19], [sflag:$0x1] =	stream.indirect.gather [hbm4b:s1+s16], $0x1, s14, s16, $0xb8;
	[tilespmem:$0x1EC00] =	vst v63  }
0x28b: {  	s9 =	simm.s32 $0x3D00;
	s13 =	simm.s32 $0x9D00  }
0x28c: {  	[tilespmem:s13], [sflag:$0x1] =	stream.indirect.gather [hbm4b:s1+s16], $0x1, s9, s16, $0xb8;
	[tilespmem:$0x1EC00] =	vst v63  }
0x28d: {  	s14 =	simm.s32 $0x3D80;
	s19 =	simm.s32 $0x9D80  }
0x28e: {  	[tilespmem:s19], [sflag:$0x1] =	stream.indirect.gather [hbm4b:s1+s16], $0x1, s14, s16, $0xb8;
	[tilespmem:$0x1EC00] =	vst v63  }
0x28f: {  	s9 =	simm.s32 $0x3E00;
	s13 =	simm.s32 $0x9E00  }
0x290: {  	[tilespmem:s13], [sflag:$0x1] =	stream.indirect.gather [hbm4b:s1+s16], $0x1, s9, s16, $0xb8;
	[tilespmem:$0x1EC00] =	vst v63  }
0x291: {  	s14 =	simm.s32 $0x3E80;
	s19 =	simm.s32 $0x9E80  }
0x292: {  	[tilespmem:s19], [sflag:$0x1] =	stream.indirect.gather [hbm4b:s1+s16], $0x1, s14, s16, $0xb8;
	[tilespmem:$0x1EC00] =	vst v63  }
0x293: {  	s9 =	simm.s32 $0x3F00;
	s13 =	simm.s32 $0x9F00  }
0x294: {  	[tilespmem:s13], [sflag:$0x1] =	stream.indirect.gather [hbm4b:s1+s16], $0x1, s9, s16, $0xb8;
	[tilespmem:$0x1EC00] =	vst v63  }
0x295: {  	s14 =	simm.s32 $0x3F80;
	s19 =	simm.s32 $0x9F80  }
0x296: {  	[tilespmem:s19], [sflag:$0x1] =	stream.indirect.gather [hbm4b:s1+s16], $0x1, s14, s16, $0xb8;
	[tilespmem:$0x1EC00] =	vst v63  }
0x297: {  	s9 =	simm.s32 $0x4000;
	s13 =	simm.s32 $0xA000  }
0x298: {  	[tilespmem:s13], [sflag:$0x1] =	stream.indirect.gather [hbm4b:s1+s16], $0x1, s9, s16, $0xb8;
	[tilespmem:$0x1EC00] =	vst v63  }
0x299: {  	s14 =	simm.s32 $0x4080;
	s19 =	simm.s32 $0xA080  }
0x29a: {  	[tilespmem:s19], [sflag:$0x1] =	stream.indirect.gather [hbm4b:s1+s16], $0x1, s14, s16, $0xb8;
	[tilespmem:$0x1EC00] =	vst v63  }
0x29b: {  	s9 =	simm.s32 $0x4100;
	s13 =	simm.s32 $0xA100  }
0x29c: {  	[tilespmem:s13], [sflag:$0x1] =	stream.indirect.gather [hbm4b:s1+s16], $0x1, s9, s16, $0xb8;
	[tilespmem:$0x1EC00] =	vst v63  }
0x29d: {  	s14 =	simm.s32 $0x4180;
	s19 =	simm.s32 $0xA180  }
0x29e: {  	[tilespmem:s19], [sflag:$0x1] =	stream.indirect.gather [hbm4b:s1+s16], $0x1, s14, s16, $0xb8;
	[tilespmem:$0x1EC00] =	vst v63  }
0x29f: {  	s9 =	simm.s32 $0x4200;
	s13 =	simm.s32 $0xA200  }
0x2a0: {  	[tilespmem:s13], [sflag:$0x1] =	stream.indirect.gather [hbm4b:s1+s16], $0x1, s9, s16, $0xb8;
	[tilespmem:$0x1EC00] =	vst v63  }
0x2a1: {  	s14 =	simm.s32 $0x4280;
	s19 =	simm.s32 $0xA280  }
0x2a2: {  	[tilespmem:s19], [sflag:$0x1] =	stream.indirect.gather [hbm4b:s1+s16], $0x1, s14, s16, $0xb8;
	[tilespmem:$0x1EC00] =	vst v63  }
0x2a3: {  	s9 =	simm.s32 $0x4300;
	s13 =	simm.s32 $0xA300  }
0x2a4: {  	[tilespmem:s13], [sflag:$0x1] =	stream.indirect.gather [hbm4b:s1+s16], $0x1, s9, s16, $0xb8;
	[tilespmem:$0x1EC00] =	vst v63  }
0x2a5: {  	s14 =	simm.s32 $0x4380;
	s19 =	simm.s32 $0xA380  }
0x2a6: {  	[tilespmem:s19], [sflag:$0x1] =	stream.indirect.gather [hbm4b:s1+s16], $0x1, s14, s16, $0xb8;
	[tilespmem:$0x1EC00] =	vst v63  }
0x2a7: {  	s9 =	simm.s32 $0x4400;
	s13 =	simm.s32 $0xA400  }
0x2a8: {  	[tilespmem:s13], [sflag:$0x1] =	stream.indirect.gather [hbm4b:s1+s16], $0x1, s9, s16, $0xb8;
	[tilespmem:$0x1EC00] =	vst v63  }
0x2a9: {  	s14 =	simm.s32 $0x4480;
	s19 =	simm.s32 $0xA480  }
0x2aa: {  	[tilespmem:s19], [sflag:$0x1] =	stream.indirect.gather [hbm4b:s1+s16], $0x1, s14, s16, $0xb8;
	[tilespmem:$0x1EC00] =	vst v63  }
0x2ab: {  	s9 =	simm.s32 $0x4500;
	s13 =	simm.s32 $0xA500  }
0x2ac: {  	[tilespmem:s13], [sflag:$0x1] =	stream.indirect.gather [hbm4b:s1+s16], $0x1, s9, s16, $0xb8;
	[tilespmem:$0x1EC00] =	vst v63  }
0x2ad: {  	s14 =	simm.s32 $0x4580;
	s19 =	simm.s32 $0xA580  }
0x2ae: {  	[tilespmem:s19], [sflag:$0x1] =	stream.indirect.gather [hbm4b:s1+s16], $0x1, s14, s16, $0xb8;
	[tilespmem:$0x1EC00] =	vst v63  }
0x2af: {  	s9 =	simm.s32 $0x4600;
	s13 =	simm.s32 $0xA600  }
0x2b0: {  	[tilespmem:s13], [sflag:$0x1] =	stream.indirect.gather [hbm4b:s1+s16], $0x1, s9, s16, $0xb8;
	[tilespmem:$0x1EC00] =	vst v63  }
0x2b1: {  	s14 =	simm.s32 $0x4680;
	s19 =	simm.s32 $0xA680  }
0x2b2: {  	[tilespmem:s19], [sflag:$0x1] =	stream.indirect.gather [hbm4b:s1+s16], $0x1, s14, s16, $0xb8;
	[tilespmem:$0x1EC00] =	vst v63  }
0x2b3: {  	s9 =	simm.s32 $0x4700;
	s13 =	simm.s32 $0xA700  }
0x2b4: {  	[tilespmem:s13], [sflag:$0x1] =	stream.indirect.gather [hbm4b:s1+s16], $0x1, s9, s16, $0xb8;
	[tilespmem:$0x1EC00] =	vst v63  }
0x2b5: {  	s14 =	simm.s32 $0x4780;
	s19 =	simm.s32 $0xA780  }
0x2b6: {  	[tilespmem:s19], [sflag:$0x1] =	stream.indirect.gather [hbm4b:s1+s16], $0x1, s14, s16, $0xb8;
	[tilespmem:$0x1EC00] =	vst v63  }
0x2b7: {  	s9 =	simm.s32 $0x4800;
	s13 =	simm.s32 $0xA800  }
0x2b8: {  	[tilespmem:s13], [sflag:$0x1] =	stream.indirect.gather [hbm4b:s1+s16], $0x1, s9, s16, $0xb8;
	[tilespmem:$0x1EC00] =	vst v63  }
0x2b9: {  	s14 =	simm.s32 $0x4880;
	s19 =	simm.s32 $0xA880  }
0x2ba: {  	[tilespmem:s19], [sflag:$0x1] =	stream.indirect.gather [hbm4b:s1+s16], $0x1, s14, s16, $0xb8;
	[tilespmem:$0x1EC00] =	vst v63  }
0x2bb: {  	s9 =	simm.s32 $0x4900;
	s13 =	simm.s32 $0xA900  }
0x2bc: {  	[tilespmem:s13], [sflag:$0x1] =	stream.indirect.gather [hbm4b:s1+s16], $0x1, s9, s16, $0xb8;
	[tilespmem:$0x1EC00] =	vst v63  }
0x2bd: {  	s14 =	simm.s32 $0x4980;
	s19 =	simm.s32 $0xA980  }
0x2be: {  	[tilespmem:s19], [sflag:$0x1] =	stream.indirect.gather [hbm4b:s1+s16], $0x1, s14, s16, $0xb8;
	[tilespmem:$0x1EC00] =	vst v63  }
0x2bf: {  	s9 =	simm.s32 $0x4A00;
	s13 =	simm.s32 $0xAA00  }
0x2c0: {  	[tilespmem:s13], [sflag:$0x1] =	stream.indirect.gather [hbm4b:s1+s16], $0x1, s9, s16, $0xb8;
	[tilespmem:$0x1EC00] =	vst v63  }
0x2c1: {  	s14 =	simm.s32 $0x4A80;
	s19 =	simm.s32 $0xAA80  }
0x2c2: {  	[tilespmem:s19], [sflag:$0x1] =	stream.indirect.gather [hbm4b:s1+s16], $0x1, s14, s16, $0xb8;
	[tilespmem:$0x1EC00] =	vst v63  }
0x2c3: {  	s9 =	simm.s32 $0x4B00;
	s13 =	simm.s32 $0xAB00  }
0x2c4: {  	[tilespmem:s13], [sflag:$0x1] =	stream.indirect.gather [hbm4b:s1+s16], $0x1, s9, s16, $0xb8;
	[tilespmem:$0x1EC00] =	vst v63  }
0x2c5: {  	s14 =	simm.s32 $0x4B80;
	s19 =	simm.s32 $0xAB80  }
0x2c6: {  	[tilespmem:s19], [sflag:$0x1] =	stream.indirect.gather [hbm4b:s1+s16], $0x1, s14, s16, $0xb8;
	[tilespmem:$0x1EC00] =	vst v63  }
0x2c7: {  	s9 =	simm.s32 $0x4C00;
	s13 =	simm.s32 $0xAC00  }
0x2c8: {  	[tilespmem:s13], [sflag:$0x1] =	stream.indirect.gather [hbm4b:s1+s16], $0x1, s9, s16, $0xb8;
	[tilespmem:$0x1EC00] =	vst v63  }
0x2c9: {  	s14 =	simm.s32 $0x4C80;
	s19 =	simm.s32 $0xAC80  }
0x2ca: {  	[tilespmem:s19], [sflag:$0x1] =	stream.indirect.gather [hbm4b:s1+s16], $0x1, s14, s16, $0xb8;
	[tilespmem:$0x1EC00] =	vst v63  }
0x2cb: {  	s9 =	simm.s32 $0x4D00;
	s13 =	simm.s32 $0xAD00  }
0x2cc: {  	[tilespmem:s13], [sflag:$0x1] =	stream.indirect.gather [hbm4b:s1+s16], $0x1, s9, s16, $0xb8;
	[tilespmem:$0x1EC00] =	vst v63  }
0x2cd: {  	s14 =	simm.s32 $0x4D80;
	s19 =	simm.s32 $0xAD80  }
0x2ce: {  	[tilespmem:s19], [sflag:$0x1] =	stream.indirect.gather [hbm4b:s1+s16], $0x1, s14, s16, $0xb8;
	[tilespmem:$0x1EC00] =	vst v63  }
0x2cf: {  	s9 =	simm.s32 $0x4E00;
	s13 =	simm.s32 $0xAE00  }
0x2d0: {  	[tilespmem:s13], [sflag:$0x1] =	stream.indirect.gather [hbm4b:s1+s16], $0x1, s9, s16, $0xb8;
	[tilespmem:$0x1EC00] =	vst v63  }
0x2d1: {  	s14 =	simm.s32 $0x4E80;
	s19 =	simm.s32 $0xAE80  }
0x2d2: {  	[tilespmem:s19], [sflag:$0x1] =	stream.indirect.gather [hbm4b:s1+s16], $0x1, s14, s16, $0xb8;
	[tilespmem:$0x1EC00] =	vst v63  }
0x2d3: {  	s9 =	simm.s32 $0x4F00;
	s13 =	simm.s32 $0xAF00  }
0x2d4: {  	[tilespmem:s13], [sflag:$0x1] =	stream.indirect.gather [hbm4b:s1+s16], $0x1, s9, s16, $0xb8;
	[tilespmem:$0x1EC00] =	vst v63  }
0x2d5: {  	s14 =	simm.s32 $0x4F80;
	s19 =	simm.s32 $0xAF80  }
0x2d6: {  	[tilespmem:s19], [sflag:$0x1] =	stream.indirect.gather [hbm4b:s1+s16], $0x1, s14, s16, $0xb8;
	[tilespmem:$0x1EC00] =	vst v63  }
0x2d7: {  	s9 =	simm.s32 $0x5000;
	s13 =	simm.s32 $0xB000  }
0x2d8: {  	[tilespmem:s13], [sflag:$0x1] =	stream.indirect.gather [hbm4b:s1+s16], $0x1, s9, s16, $0xb8;
	[tilespmem:$0x1EC00] =	vst v63  }
0x2d9: {  	s14 =	simm.s32 $0x5080;
	s19 =	simm.s32 $0xB080  }
0x2da: {  	[tilespmem:s19], [sflag:$0x1] =	stream.indirect.gather [hbm4b:s1+s16], $0x1, s14, s16, $0xb8;
	[tilespmem:$0x1EC00] =	vst v63  }
0x2db: {  	s9 =	simm.s32 $0x5100;
	s13 =	simm.s32 $0xB100  }
0x2dc: {  	[tilespmem:s13], [sflag:$0x1] =	stream.indirect.gather [hbm4b:s1+s16], $0x1, s9, s16, $0xb8;
	[tilespmem:$0x1EC00] =	vst v63  }
0x2dd: {  	s14 =	simm.s32 $0x5180;
	s19 =	simm.s32 $0xB180  }
0x2de: {  	[tilespmem:s19], [sflag:$0x1] =	stream.indirect.gather [hbm4b:s1+s16], $0x1, s14, s16, $0xb8;
	[tilespmem:$0x1EC00] =	vst v63  }
0x2df: {  	s9 =	simm.s32 $0x5200;
	s13 =	simm.s32 $0xB200  }
0x2e0: {  	[tilespmem:s13], [sflag:$0x1] =	stream.indirect.gather [hbm4b:s1+s16], $0x1, s9, s16, $0xb8;
	[tilespmem:$0x1EC00] =	vst v63  }
0x2e1: {  	s14 =	simm.s32 $0x5280;
	s19 =	simm.s32 $0xB280  }
0x2e2: {  	[tilespmem:s19], [sflag:$0x1] =	stream.indirect.gather [hbm4b:s1+s16], $0x1, s14, s16, $0xb8;
	[tilespmem:$0x1EC00] =	vst v63  }
0x2e3: {  	s9 =	simm.s32 $0x5300;
	s13 =	simm.s32 $0xB300  }
0x2e4: {  	[tilespmem:s13], [sflag:$0x1] =	stream.indirect.gather [hbm4b:s1+s16], $0x1, s9, s16, $0xb8;
	[tilespmem:$0x1EC00] =	vst v63  }
0x2e5: {  	s14 =	simm.s32 $0x5380;
	s19 =	simm.s32 $0xB380  }
0x2e6: {  	[tilespmem:s19], [sflag:$0x1] =	stream.indirect.gather [hbm4b:s1+s16], $0x1, s14, s16, $0xb8;
	[tilespmem:$0x1EC00] =	vst v63  }
0x2e7: {  	s9 =	simm.s32 $0x5400;
	s13 =	simm.s32 $0xB400  }
0x2e8: {  	[tilespmem:s13], [sflag:$0x1] =	stream.indirect.gather [hbm4b:s1+s16], $0x1, s9, s16, $0xb8;
	[tilespmem:$0x1EC00] =	vst v63  }
0x2e9: {  	s14 =	simm.s32 $0x5480;
	s19 =	simm.s32 $0xB480  }
0x2ea: {  	[tilespmem:s19], [sflag:$0x1] =	stream.indirect.gather [hbm4b:s1+s16], $0x1, s14, s16, $0xb8;
	[tilespmem:$0x1EC00] =	vst v63  }
0x2eb: {  	s7 =	simm.s32 $0x5500;
	s9 =	simm.s32 $0xB500  }
0x2ec: {  	[tilespmem:s9], [sflag:$0x1] =	stream.indirect.gather [hbm4b:s1+s16], $0x1, s7, s16, $0xb8;
	[tilespmem:$0x1EC00] =	vst v63  }
0x2ed: {  	s13 =	simm.s32 $0x5580;
	s14 =	simm.s32 $0xB580  }
0x2ee: {  	[tilespmem:s14], [sflag:$0x1] =	stream.indirect.gather [hbm4b:s1+s16], $0x1, s13, s16, $0xb8;
	[tilespmem:$0x1EC00] =	vst v63  }
0x2ef: {  	_ = 	snop  }
0x2f0: {  	[tilespmem:s21], [sflag:$0x1] =	stream.indirect.gather [hbm4b:s1+s16], $0x1, s20, s16, $0xb8;
	[tilespmem:$0x1EC00] =	vst v63  }
0x2f1: {  	_ = 	snop  }
0x2f2: {  	[tilespmem:s4], [sflag:$0x1] =	stream.indirect.gather [hbm4b:s1+s16], $0x1, s12, s16, $0xb8;
	[tilespmem:$0x1EC00] =	vst v63  }
0x2f3: {  	_ = 	snop  }
0x2f4: {  	[tilespmem:s0], [sflag:$0x1] =	stream.indirect.gather [hbm4b:s1+s16], $0x1, s31, s16, $0xb8;
	[tilespmem:$0x1EC00] =	vst v63  }
0x2f5: {  	_ = 	snop  }
0x2f6: {  	[tilespmem:s3], [sflag:$0x1] =	stream.indirect.gather [hbm4b:s1+s16], $0x1, s5, s16, $0xb8;
	[tilespmem:$0x1EC00] =	vst v63  }
0x2f7: {  	_ =	swait.ge [sflag:s18], $0x80  }
0x2f8: {  	[sflag:s18] =	ssyncset.done $0x0  }
0x2f9: {  	[sflag:s18] =	ssyncadd.s32 $0xFFFFFF80  }
0x2fa: {  	_ =	swait.ge [sflag:s18], $0x80  }
0x2fb: {  	[sflag:s18] =	ssyncset.done $0x0  }
0x2fc: {  	[sflag:s18] =	ssyncadd.s32 $0xFFFFFF80  }
0x2fd: {  	_ =	swait.ge [sflag:s18], $0x80  }
0x2fe: {  	[sflag:s18] =	ssyncset.done $0x0  }
0x2ff: {  	[sflag:s18] =	ssyncadd.s32 $0xFFFFFF80  }
0x300: {  	_ =	swait.ge [sflag:s18], $0x80  }
0x301: {  	[sflag:s18] =	ssyncset.done $0x0  }
0x302: {  	[sflag:s18] =	ssyncadd.s32 $0xFFFFFF80  }
0x303: {  	_ =	swait.ge [sflag:s18], $0x80  }
0x304: {  	[sflag:s18] =	ssyncset.done $0x0  }
0x305: {  	[sflag:s18] =	ssyncadd.s32 $0xFFFFFF80  }
0x306: {  	_ =	swait.ge [sflag:s18], $0x80  }
0x307: {  	[sflag:s18] =	ssyncset.done $0x0  }
0x308: {  	[sflag:s18] =	ssyncadd.s32 $0xFFFFFF80  }
0x309: {  	_ =	swait.ge [sflag:s18], $0x80  }
0x30a: {  	[sflag:s18] =	ssyncset.done $0x0  }
0x30b: {  	[sflag:s18] =	ssyncadd.s32 $0xFFFFFF80  }
0x30c: {  	_ =	swait.ge [sflag:s18], $0x80  }
0x30d: {  	[sflag:s18] =	ssyncset.done $0x0  }
0x30e: {  	[sflag:s18] =	ssyncadd.s32 $0xFFFFFF80  }
0x30f: {  	_ =	swait.ge [sflag:s18], $0x80  }
0x310: {  	[sflag:s18] =	ssyncset.done $0x0  }
0x311: {  	[sflag:s18] =	ssyncadd.s32 $0xFFFFFF80  }
0x312: {  	_ =	swait.ge [sflag:s18], $0x80  }
0x313: {  	[sflag:s18] =	ssyncset.done $0x0  }
0x314: {  	[sflag:s18] =	ssyncadd.s32 $0xFFFFFF80  }
0x315: {  	_ =	swait.ge [sflag:s18], $0x80  }
0x316: {  	[sflag:s18] =	ssyncset.done $0x0  }
0x317: {  	[sflag:s18] =	ssyncadd.s32 $0xFFFFFF80  }
0x318: {  	_ =	swait.ge [sflag:s18], $0x80  }
0x319: {  	[sflag:s18] =	ssyncset.done $0x0  }
0x31a: {  	[sflag:s18] =	ssyncadd.s32 $0xFFFFFF80  }
0x31b: {  	_ =	swait.ge [sflag:s18], $0x80  }
0x31c: {  	[sflag:s18] =	ssyncset.done $0x0  }
0x31d: {  	[sflag:s18] =	ssyncadd.s32 $0xFFFFFF80  }
0x31e: {  	_ =	swait.ge [sflag:s18], $0x80  }
0x31f: {  	[sflag:s18] =	ssyncset.done $0x0  }
0x320: {  	[sflag:s18] =	ssyncadd.s32 $0xFFFFFF80  }
0x321: {  	_ =	swait.ge [sflag:s18], $0x80  }
0x322: {  	[sflag:s18] =	ssyncset.done $0x0  }
0x323: {  	[sflag:s18] =	ssyncadd.s32 $0xFFFFFF80  }
0x324: {  	_ =	swait.ge [sflag:s18], $0x80  }
0x325: {  	[sflag:s18] =	ssyncset.done $0x0  }
0x326: {  	[sflag:s18] =	ssyncadd.s32 $0xFFFFFF80  }
0x327: {  	_ =	swait.ge [sflag:s18], $0x80  }
0x328: {  	[sflag:s18] =	ssyncset.done $0x0  }
0x329: {  	[sflag:s18] =	ssyncadd.s32 $0xFFFFFF80  }
0x32a: {  	_ =	swait.ge [sflag:s18], $0x80  }
0x32b: {  	[sflag:s18] =	ssyncset.done $0x0  }
0x32c: {  	[sflag:s18] =	ssyncadd.s32 $0xFFFFFF80  }
0x32d: {  	_ =	swait.ge [sflag:s18], $0x80  }
0x32e: {  	[sflag:s18] =	ssyncset.done $0x0  }
0x32f: {  	[sflag:s18] =	ssyncadd.s32 $0xFFFFFF80  }
0x330: {  	_ =	swait.ge [sflag:s18], $0x80  }
0x331: {  	[sflag:s18] =	ssyncset.done $0x0  }
0x332: {  	[sflag:s18] =	ssyncadd.s32 $0xFFFFFF80  }
0x333: {  	_ =	swait.ge [sflag:s18], $0x80  }
0x334: {  	[sflag:s18] =	ssyncset.done $0x0  }
0x335: {  	[sflag:s18] =	ssyncadd.s32 $0xFFFFFF80  }
0x336: {  	_ =	swait.ge [sflag:s18], $0x80  }
0x337: {  	[sflag:s18] =	ssyncset.done $0x0  }
0x338: {  	[sflag:s18] =	ssyncadd.s32 $0xFFFFFF80  }
0x339: {  	_ =	swait.ge [sflag:s18], $0x80  }
0x33a: {  	[sflag:s18] =	ssyncset.done $0x0  }
0x33b: {  	[sflag:s18] =	ssyncadd.s32 $0xFFFFFF80  }
0x33c: {  	_ =	swait.ge [sflag:s18], $0x80  }
0x33d: {  	[sflag:s18] =	ssyncset.done $0x0  }
0x33e: {  	[sflag:s18] =	ssyncadd.s32 $0xFFFFFF80  }
0x33f: {  	_ =	swait.ge [sflag:s18], $0x80  }
0x340: {  	[sflag:s18] =	ssyncset.done $0x0  }
0x341: {  	[sflag:s18] =	ssyncadd.s32 $0xFFFFFF80  }
0x342: {  	_ =	swait.ge [sflag:s18], $0x80  }
0x343: {  	[sflag:s18] =	ssyncset.done $0x0  }
0x344: {  	[sflag:s18] =	ssyncadd.s32 $0xFFFFFF80  }
0x345: {  	_ =	swait.ge [sflag:s18], $0x80  }
0x346: {  	[sflag:s18] =	ssyncset.done $0x0  }
0x347: {  	[sflag:s18] =	ssyncadd.s32 $0xFFFFFF80  }
0x348: {  	_ =	swait.ge [sflag:s18], $0x80  }
0x349: {  	[sflag:s18] =	ssyncset.done $0x0  }
0x34a: {  	[sflag:s18] =	ssyncadd.s32 $0xFFFFFF80  }
0x34b: {  	_ =	swait.ge [sflag:s18], $0x80  }
0x34c: {  	[sflag:s18] =	ssyncset.done $0x0  }
0x34d: {  	[sflag:s18] =	ssyncadd.s32 $0xFFFFFF80  }
0x34e: {  	_ =	swait.ge [sflag:s18], $0x80  }
0x34f: {  	[sflag:s18] =	ssyncset.done $0x0  }
0x350: {  	[sflag:s18] =	ssyncadd.s32 $0xFFFFFF80  }
0x351: {  	_ =	swait.ge [sflag:s18], $0x80  }
0x352: {  	[sflag:s18] =	ssyncset.done $0x0  }
0x353: {  	[sflag:s18] =	ssyncadd.s32 $0xFFFFFF80  }
0x354: {  	_ =	swait.ge [sflag:s18], $0x80  }
0x355: {  	[sflag:s18] =	ssyncset.done $0x0  }
0x356: {  	[sflag:s18] =	ssyncadd.s32 $0xFFFFFF80  }
0x357: {  	_ =	swait.ge [sflag:s18], $0x80  }
0x358: {  	[sflag:s18] =	ssyncset.done $0x0  }
0x359: {  	[sflag:s18] =	ssyncadd.s32 $0xFFFFFF80  }
0x35a: {  	_ =	swait.ge [sflag:s18], $0x80  }
0x35b: {  	[sflag:s18] =	ssyncset.done $0x0  }
0x35c: {  	[sflag:s18] =	ssyncadd.s32 $0xFFFFFF80  }
0x35d: {  	_ =	swait.ge [sflag:s18], $0x80  }
0x35e: {  	[sflag:s18] =	ssyncset.done $0x0  }
0x35f: {  	[sflag:s18] =	ssyncadd.s32 $0xFFFFFF80  }
0x360: {  	_ =	swait.ge [sflag:s18], $0x80  }
0x361: {  	[sflag:s18] =	ssyncset.done $0x0  }
0x362: {  	[sflag:s18] =	ssyncadd.s32 $0xFFFFFF80  }
0x363: {  	_ =	swait.ge [sflag:s18], $0x80  }
0x364: {  	[sflag:s18] =	ssyncset.done $0x0  }
0x365: {  	[sflag:s18] =	ssyncadd.s32 $0xFFFFFF80  }
0x366: {  	_ =	swait.ge [sflag:s18], $0x80  }
0x367: {  	[sflag:s18] =	ssyncset.done $0x0  }
0x368: {  	[sflag:s18] =	ssyncadd.s32 $0xFFFFFF80  }
0x369: {  	_ =	swait.ge [sflag:s18], $0x80  }
0x36a: {  	[sflag:s18] =	ssyncset.done $0x0  }
0x36b: {  	[sflag:s18] =	ssyncadd.s32 $0xFFFFFF80  }
0x36c: {  	_ =	swait.ge [sflag:s18], $0x80  }
0x36d: {  	[sflag:s18] =	ssyncset.done $0x0  }
0x36e: {  	[sflag:s18] =	ssyncadd.s32 $0xFFFFFF80  }
0x36f: {  	_ =	swait.ge [sflag:s18], $0x80  }
0x370: {  	[sflag:s18] =	ssyncset.done $0x0  }
0x371: {  	[sflag:s18] =	ssyncadd.s32 $0xFFFFFF80  }
0x372: {  	_ =	swait.ge [sflag:s18], $0x80  }
0x373: {  	[sflag:s18] =	ssyncset.done $0x0  }
0x374: {  	[sflag:s18] =	ssyncadd.s32 $0xFFFFFF80  }
0x375: {  	_ =	swait.ge [sflag:s18], $0x80  }
0x376: {  	[sflag:s18] =	ssyncset.done $0x0  }
0x377: {  	[sflag:s18] =	ssyncadd.s32 $0xFFFFFF80  }
0x378: {  	_ =	swait.ge [sflag:s18], $0x80  }
0x379: {  	[sflag:s18] =	ssyncset.done $0x0  }
0x37a: {  	[sflag:s18] =	ssyncadd.s32 $0xFFFFFF80  }
0x37b: {  	_ =	swait.ge [sflag:s18], $0x80  }
0x37c: {  	[sflag:s18] =	ssyncset.done $0x0  }
0x37d: {  	[sflag:s18] =	ssyncadd.s32 $0xFFFFFF80  }
0x37e: {  	_ =	swait.ge [sflag:s18], $0x80  }
0x37f: {  	[sflag:s18] =	ssyncset.done $0x0  }
0x380: {  	[sflag:s18] =	ssyncadd.s32 $0xFFFFFF80  }
0x381: {  	_ =	swait.ge [sflag:s18], $0x80  }
0x382: {  	[sflag:s18] =	ssyncset.done $0x0  }
0x383: {  	[sflag:s18] =	ssyncadd.s32 $0xFFFFFF80  }
0x384: {  	_ =	swait.ge [sflag:s18], $0x80  }
0x385: {  	[sflag:s18] =	ssyncset.done $0x0  }
0x386: {  	[sflag:s18] =	ssyncadd.s32 $0xFFFFFF80  }
0x387: {  	_ =	swait.ge [sflag:s18], $0x80  }
0x388: {  	[sflag:s18] =	ssyncset.done $0x0  }
0x389: {  	[sflag:s18] =	ssyncadd.s32 $0xFFFFFF80  }
0x38a: {  	_ =	swait.ge [sflag:s18], $0x80  }
0x38b: {  	[sflag:s18] =	ssyncset.done $0x0  }
0x38c: {  	[sflag:s18] =	ssyncadd.s32 $0xFFFFFF80  }
0x38d: {  	_ =	swait.ge [sflag:s18], $0x80  }
0x38e: {  	[sflag:s18] =	ssyncset.done $0x0  }
0x38f: {  	[sflag:s18] =	ssyncadd.s32 $0xFFFFFF80  }
0x390: {  	_ =	swait.ge [sflag:s18], $0x80  }
0x391: {  	[sflag:s18] =	ssyncset.done $0x0  }
0x392: {  	[sflag:s18] =	ssyncadd.s32 $0xFFFFFF80  }
0x393: {  	_ =	swait.ge [sflag:s18], $0x80  }
0x394: {  	[sflag:s18] =	ssyncset.done $0x0  }
0x395: {  	[sflag:s18] =	ssyncadd.s32 $0xFFFFFF80  }
0x396: {  	_ =	swait.ge [sflag:s18], $0x80  }
0x397: {  	[sflag:s18] =	ssyncset.done $0x0  }
0x398: {  	[sflag:s18] =	ssyncadd.s32 $0xFFFFFF80  }
0x399: {  	_ =	swait.ge [sflag:s18], $0x80  }
0x39a: {  	[sflag:s18] =	ssyncset.done $0x0  }
0x39b: {  	[sflag:s18] =	ssyncadd.s32 $0xFFFFFF80  }
0x39c: {  	_ =	swait.ge [sflag:s18], $0x80  }
0x39d: {  	[sflag:s18] =	ssyncset.done $0x0  }
0x39e: {  	[sflag:s18] =	ssyncadd.s32 $0xFFFFFF80  }
0x39f: {  	_ =	swait.ge [sflag:s18], $0x80  }
0x3a0: {  	[sflag:s18] =	ssyncset.done $0x0  }
0x3a1: {  	[sflag:s18] =	ssyncadd.s32 $0xFFFFFF80  }
0x3a2: {  	_ =	swait.ge [sflag:s18], $0x80  }
0x3a3: {  	[sflag:s18] =	ssyncset.done $0x0  }
0x3a4: {  	[sflag:s18] =	ssyncadd.s32 $0xFFFFFF80  }
0x3a5: {  	_ =	swait.ge [sflag:s18], $0x80  }
0x3a6: {  	[sflag:s18] =	ssyncset.done $0x0  }
0x3a7: {  	[sflag:s18] =	ssyncadd.s32 $0xFFFFFF80  }
0x3a8: {  	_ =	swait.ge [sflag:s18], $0x80  }
0x3a9: {  	[sflag:s18] =	ssyncset.done $0x0  }
0x3aa: {  	[sflag:s18] =	ssyncadd.s32 $0xFFFFFF80  }
0x3ab: {  	_ =	swait.ge [sflag:s18], $0x80  }
0x3ac: {  	[sflag:s18] =	ssyncset.done $0x0  }
0x3ad: {  	[sflag:s18] =	ssyncadd.s32 $0xFFFFFF80  }
0x3ae: {  	_ =	swait.ge [sflag:s18], $0x80  }
0x3af: {  	[sflag:s18] =	ssyncset.done $0x0  }
0x3b0: {  	[sflag:s18] =	ssyncadd.s32 $0xFFFFFF80  }
0x3b1: {  	_ =	swait.ge [sflag:s18], $0x80  }
0x3b2: {  	[sflag:s18] =	ssyncset.done $0x0  }
0x3b3: {  	[sflag:s18] =	ssyncadd.s32 $0xFFFFFF80  }
0x3b4: {  	_ =	swait.ge [sflag:s18], $0x80  }
0x3b5: {  	[sflag:s18] =	ssyncset.done $0x0  }
0x3b6: {  	[sflag:s18] =	ssyncadd.s32 $0xFFFFFF80  }
0x3b7: {  	_ =	swait.ge [sflag:s18], $0x80  }
0x3b8: {  	[sflag:s18] =	ssyncset.done $0x0  }
0x3b9: {  	[sflag:s18] =	ssyncadd.s32 $0xFFFFFF80  }
0x3ba: {  	_ =	swait.ge [sflag:s18], $0x80  }
0x3bb: {  	[sflag:s18] =	ssyncset.done $0x0  }
0x3bc: {  	[sflag:s18] =	ssyncadd.s32 $0xFFFFFF80  }
0x3bd: {  	_ =	swait.ge [sflag:s18], $0x80  }
0x3be: {  	[sflag:s18] =	ssyncset.done $0x0  }
0x3bf: {  	[sflag:s18] =	ssyncadd.s32 $0xFFFFFF80  }
0x3c0: {  	_ =	swait.ge [sflag:s18], $0x80  }
0x3c1: {  	[sflag:s18] =	ssyncset.done $0x0  }
0x3c2: {  	[sflag:s18] =	ssyncadd.s32 $0xFFFFFF80  }
0x3c3: {  	_ =	swait.ge [sflag:s18], $0x80  }
0x3c4: {  	[sflag:s18] =	ssyncset.done $0x0  }
0x3c5: {  	[sflag:s18] =	ssyncadd.s32 $0xFFFFFF80  }
0x3c6: {  	_ =	swait.ge [sflag:s18], $0x80  }
0x3c7: {  	[sflag:s18] =	ssyncset.done $0x0  }
0x3c8: {  	[sflag:s18] =	ssyncadd.s32 $0xFFFFFF80  }
0x3c9: {  	_ =	swait.ge [sflag:s18], $0x80  }
0x3ca: {  	[sflag:s18] =	ssyncset.done $0x0  }
0x3cb: {  	[sflag:s18] =	ssyncadd.s32 $0xFFFFFF80  }
0x3cc: {  	_ =	swait.ge [sflag:s18], $0x80  }
0x3cd: {  	[sflag:s18] =	ssyncset.done $0x0  }
0x3ce: {  	[sflag:s18] =	ssyncadd.s32 $0xFFFFFF80  }
0x3cf: {  	_ =	swait.ge [sflag:s18], $0x80  }
0x3d0: {  	[sflag:s18] =	ssyncset.done $0x0  }
0x3d1: {  	[sflag:s18] =	ssyncadd.s32 $0xFFFFFF80  }
0x3d2: {  	_ =	swait.ge [sflag:s18], $0x80  }
0x3d3: {  	[sflag:s18] =	ssyncset.done $0x0  }
0x3d4: {  	[sflag:s18] =	ssyncadd.s32 $0xFFFFFF80  }
0x3d5: {  	_ =	swait.ge [sflag:s18], $0x80  }
0x3d6: {  	[sflag:s18] =	ssyncset.done $0x0  }
0x3d7: {  	[sflag:s18] =	ssyncadd.s32 $0xFFFFFF80  }
0x3d8: {  	_ =	swait.ge [sflag:s18], $0x80  }
0x3d9: {  	[sflag:s18] =	ssyncset.done $0x0  }
0x3da: {  	[sflag:s18] =	ssyncadd.s32 $0xFFFFFF80  }
0x3db: {  	_ =	swait.ge [sflag:s18], $0x80  }
0x3dc: {  	[sflag:s18] =	ssyncset.done $0x0  }
0x3dd: {  	[sflag:s18] =	ssyncadd.s32 $0xFFFFFF80  }
0x3de: {  	_ =	swait.ge [sflag:s18], $0x80  }
0x3df: {  	[sflag:s18] =	ssyncset.done $0x0  }
0x3e0: {  	[sflag:s18] =	ssyncadd.s32 $0xFFFFFF80  }
0x3e1: {  	_ =	swait.ge [sflag:s18], $0x80  }
0x3e2: {  	[sflag:s18] =	ssyncset.done $0x0  }
0x3e3: {  	[sflag:s18] =	ssyncadd.s32 $0xFFFFFF80  }
0x3e4: {  	_ =	swait.ge [sflag:s18], $0x80  }
0x3e5: {  	[sflag:s18] =	ssyncset.done $0x0  }
0x3e6: {  	[sflag:s18] =	ssyncadd.s32 $0xFFFFFF80  }
0x3e7: {  	_ =	swait.ge [sflag:s18], $0x80  }
0x3e8: {  	[sflag:s18] =	ssyncset.done $0x0  }
0x3e9: {  	[sflag:s18] =	ssyncadd.s32 $0xFFFFFF80  }
0x3ea: {  	_ =	swait.ge [sflag:s18], $0x80  }
0x3eb: {  	[sflag:s18] =	ssyncset.done $0x0  }
0x3ec: {  	[sflag:s18] =	ssyncadd.s32 $0xFFFFFF80  }
0x3ed: {  	_ =	swait.ge [sflag:s18], $0x80  }
0x3ee: {  	[sflag:s18] =	ssyncset.done $0x0  }
0x3ef: {  	[sflag:s18] =	ssyncadd.s32 $0xFFFFFF80  }
0x3f0: {  	_ =	swait.ge [sflag:s18], $0x80  }
0x3f1: {  	[sflag:s18] =	ssyncset.done $0x0  }
0x3f2: {  	[sflag:s18] =	ssyncadd.s32 $0xFFFFFF80  }
0x3f3: {  	_ =	swait.ge [sflag:s18], $0x80  }
0x3f4: {  	[sflag:s18] =	ssyncset.done $0x0  }
0x3f5: {  	[sflag:s18] =	ssyncadd.s32 $0xFFFFFF80  }
0x3f6: {  	_ =	swait.ge [sflag:s18], $0x80  }
0x3f7: {  	[sflag:s18] =	ssyncset.done $0x0  }
0x3f8: {  	[sflag:s18] =	ssyncadd.s32 $0xFFFFFF80  }
0x3f9: {  	_ =	swait.ge [sflag:s18], $0x80  }
0x3fa: {  	[sflag:s18] =	ssyncset.done $0x0  }
0x3fb: {  	[sflag:s18] =	ssyncadd.s32 $0xFFFFFF80  }
0x3fc: {  	_ =	swait.ge [sflag:s18], $0x80  }
0x3fd: {  	[sflag:s18] =	ssyncset.done $0x0  }
0x3fe: {  	[sflag:s18] =	ssyncadd.s32 $0xFFFFFF80  }
0x3ff: {  	_ =	swait.ge [sflag:s18], $0x80  }
0x400: {  	[sflag:s18] =	ssyncset.done $0x0  }
0x401: {  	[sflag:s18] =	ssyncadd.s32 $0xFFFFFF80  }
0x402: {  	_ =	swait.ge [sflag:s18], $0x80  }
0x403: {  	[sflag:s18] =	ssyncset.done $0x0  }
0x404: {  	[sflag:s18] =	ssyncadd.s32 $0xFFFFFF80  }
0x405: {  	_ =	swait.ge [sflag:s18], $0x80  }
0x406: {  	[sflag:s18] =	ssyncset.done $0x0  }
0x407: {  	[sflag:s18] =	ssyncadd.s32 $0xFFFFFF80  }
0x408: {  	_ =	swait.ge [sflag:s18], $0x80  }
0x409: {  	[sflag:s18] =	ssyncset.done $0x0  }
0x40a: {  	[sflag:s18] =	ssyncadd.s32 $0xFFFFFF80  }
0x40b: {  	_ =	swait.ge [sflag:s18], $0x80  }
0x40c: {  	[sflag:s18] =	ssyncset.done $0x0  }
0x40d: {  	[sflag:s18] =	ssyncadd.s32 $0xFFFFFF80  }
0x40e: {  	_ =	swait.ge [sflag:s18], $0x80  }
0x40f: {  	[sflag:s18] =	ssyncset.done $0x0  }
0x410: {  	[sflag:s18] =	ssyncadd.s32 $0xFFFFFF80  }
0x411: {  	_ =	swait.ge [sflag:s18], $0x80  }
0x412: {  	[sflag:s18] =	ssyncset.done $0x0  }
0x413: {  	[sflag:s18] =	ssyncadd.s32 $0xFFFFFF80  }
0x414: {  	_ =	swait.ge [sflag:s18], $0x80  }
0x415: {  	[sflag:s18] =	ssyncset.done $0x0  }
0x416: {  	[sflag:s18] =	ssyncadd.s32 $0xFFFFFF80  }
0x417: {  	_ =	swait.ge [sflag:s18], $0x80  }
0x418: {  	[sflag:s18] =	ssyncset.done $0x0  }
0x419: {  	[sflag:s18] =	ssyncadd.s32 $0xFFFFFF80  }
0x41a: {  	_ =	swait.ge [sflag:s18], $0x80  }
0x41b: {  	[sflag:s18] =	ssyncset.done $0x0  }
0x41c: {  	[sflag:s18] =	ssyncadd.s32 $0xFFFFFF80  }
0x41d: {  	_ =	swait.ge [sflag:s18], $0x80  }
0x41e: {  	[sflag:s18] =	ssyncset.done $0x0  }
0x41f: {  	[sflag:s18] =	ssyncadd.s32 $0xFFFFFF80  }
0x420: {  	_ =	swait.ge [sflag:s18], $0x80  }
0x421: {  	[sflag:s18] =	ssyncset.done $0x0  }
0x422: {  	[sflag:s18] =	ssyncadd.s32 $0xFFFFFF80  }
0x423: {  	_ =	swait.ge [sflag:s18], $0x80  }
0x424: {  	[sflag:s18] =	ssyncset.done $0x0  }
0x425: {  	[sflag:s18] =	ssyncadd.s32 $0xFFFFFF80  }
0x426: {  	_ =	swait.ge [sflag:s18], $0x80  }
0x427: {  	[sflag:s18] =	ssyncset.done $0x0  }
0x428: {  	[sflag:s18] =	ssyncadd.s32 $0xFFFFFF80  }
0x429: {  	_ =	swait.ge [sflag:s18], $0x80  }
0x42a: {  	[sflag:s18] =	ssyncset.done $0x0  }
0x42b: {  	[sflag:s18] =	ssyncadd.s32 $0xFFFFFF80  }
0x42c: {  	_ =	swait.ge [sflag:s18], $0x80  }
0x42d: {  	[sflag:s18] =	ssyncset.done $0x0  }
0x42e: {  	[sflag:s18] =	ssyncadd.s32 $0xFFFFFF80  }
0x42f: {  	_ =	swait.ge [sflag:s18], $0x80  }
0x430: {  	[sflag:s18] =	ssyncset.done $0x0  }
0x431: {  	[sflag:s18] =	ssyncadd.s32 $0xFFFFFF80  }
0x432: {  	_ =	swait.ge [sflag:s18], $0x80  }
0x433: {  	[sflag:s18] =	ssyncset.done $0x0  }
0x434: {  	[sflag:s18] =	ssyncadd.s32 $0xFFFFFF80  }
0x435: {  	_ =	swait.ge [sflag:s18], $0x80  }
0x436: {  	[sflag:s18] =	ssyncset.done $0x0  }
0x437: {  	[sflag:s18] =	ssyncadd.s32 $0xFFFFFF80  }
0x438: {  	_ =	swait.ge [sflag:s18], $0x80  }
0x439: {  	[sflag:s18] =	ssyncset.done $0x0  }
0x43a: {  	[sflag:s18] =	ssyncadd.s32 $0xFFFFFF80  }
0x43b: {  	_ =	swait.ge [sflag:s18], $0x80  }
0x43c: {  	[sflag:s18] =	ssyncset.done $0x0  }
0x43d: {  	[sflag:s18] =	ssyncadd.s32 $0xFFFFFF80  }
0x43e: {  	_ =	swait.ge [sflag:s18], $0x80  }
0x43f: {  	[sflag:s18] =	ssyncset.done $0x0  }
0x440: {  	[sflag:s18] =	ssyncadd.s32 $0xFFFFFF80  }
0x441: {  	_ =	swait.ge [sflag:s18], $0x80  }
0x442: {  	[sflag:s18] =	ssyncset.done $0x0  }
0x443: {  	[sflag:s18] =	ssyncadd.s32 $0xFFFFFF80  }
0x444: {  	_ =	swait.ge [sflag:s18], $0x80  }
0x445: {  	[sflag:s18] =	ssyncset.done $0x0  }
0x446: {  	[sflag:s18] =	ssyncadd.s32 $0xFFFFFF80  }
0x447: {  	_ =	swait.ge [sflag:s18], $0x80  }
0x448: {  	[sflag:s18] =	ssyncset.done $0x0  }
0x449: {  	[sflag:s18] =	ssyncadd.s32 $0xFFFFFF80  }
0x44a: {  	_ =	swait.ge [sflag:s18], $0x80  }
0x44b: {  	[sflag:s18] =	ssyncset.done $0x0  }
0x44c: {  	[sflag:s18] =	ssyncadd.s32 $0xFFFFFF80  }
0x44d: {  	_ =	swait.ge [sflag:s18], $0x80  }
0x44e: {  	[sflag:s18] =	ssyncset.done $0x0  }
0x44f: {  	[sflag:s18] =	ssyncadd.s32 $0xFFFFFF80  }
0x450: {  	_ =	swait.ge [sflag:s18], $0x80  }
0x451: {  	[sflag:s18] =	ssyncset.done $0x0  }
0x452: {  	[sflag:s18] =	ssyncadd.s32 $0xFFFFFF80  }
0x453: {  	_ =	swait.ge [sflag:s18], $0x80  }
0x454: {  	[sflag:s18] =	ssyncset.done $0x0  }
0x455: {  	[sflag:s18] =	ssyncadd.s32 $0xFFFFFF80  }
0x456: {  	_ =	swait.ge [sflag:s18], $0x80  }
0x457: {  	[sflag:s18] =	ssyncset.done $0x0  }
0x458: {  	[sflag:s18] =	ssyncadd.s32 $0xFFFFFF80  }
0x459: {  	_ =	swait.ge [sflag:s18], $0x80  }
0x45a: {  	[sflag:s18] =	ssyncset.done $0x0  }
0x45b: {  	[sflag:s18] =	ssyncadd.s32 $0xFFFFFF80  }
0x45c: {  	_ =	swait.ge [sflag:s18], $0x80  }
0x45d: {  	[sflag:s18] =	ssyncset.done $0x0  }
0x45e: {  	[sflag:s18] =	ssyncadd.s32 $0xFFFFFF80  }
0x45f: {  	_ =	swait.ge [sflag:s18], $0x80  }
0x460: {  	[sflag:s18] =	ssyncset.done $0x0  }
0x461: {  	[sflag:s18] =	ssyncadd.s32 $0xFFFFFF80  }
0x462: {  	_ =	swait.ge [sflag:s18], $0x80  }
0x463: {  	[sflag:s18] =	ssyncset.done $0x0  }
0x464: {  	[sflag:s18] =	ssyncadd.s32 $0xFFFFFF80  }
0x465: {  	_ =	swait.ge [sflag:s18], $0x80  }
0x466: {  	[sflag:s18] =	ssyncset.done $0x0  }
0x467: {  	[sflag:s18] =	ssyncadd.s32 $0xFFFFFF80  }
0x468: {  	_ =	swait.ge [sflag:s18], $0x80  }
0x469: {  	[sflag:s18] =	ssyncset.done $0x0  }
0x46a: {  	[sflag:s18] =	ssyncadd.s32 $0xFFFFFF80  }
0x46b: {  	_ =	swait.ge [sflag:s18], $0x80  }
0x46c: {  	[sflag:s18] =	ssyncset.done $0x0  }
0x46d: {  	[sflag:s18] =	ssyncadd.s32 $0xFFFFFF80  }
0x46e: {  	_ =	swait.ge [sflag:s18], $0x80  }
0x46f: {  	[sflag:s18] =	ssyncset.done $0x0  }
0x470: {  	[sflag:s18] =	ssyncadd.s32 $0xFFFFFF80  }
0x471: {  	v6 =	vshrl.u32 v2, $0x1;
	s6 =	simm.s32 $0x0;
	_ =	swait.ge [sflag:s18], $0x80  }
0x472: {  	v15 =	vor.u32 s6, v6;
	[sflag:s18] =	ssyncset.done $0x0  }
0x473: {  	v7 =	vor.u32 $0x400, v6;
	[sflag:s18] =	ssyncadd.s32 $0xFFFFFF80  }
0x474: {  	v9 =	vor.u32 s6, v7;
	_ =	swait.ge [sflag:s18], $0x80  }
0x475: {  	v10 =	vor.u32 $0x800, v6;
	[sflag:s18] =	ssyncset.done $0x0  }
0x476: {  	v11 =	vor.u32 s6, v10;
	[sflag:s18] =	ssyncadd.s32 $0xFFFFFF80  }
0x477: {  	v8 =	vor.u32 $0xC00, v6;
	v12 =	vld.idx.msk [tilespmem:v15+s23+$0x0], $0xffff  }
0x478: {  	v14 =	vor.u32 s6, v8;
	v13 =	vld [tilespmem:s2+$0x0]  }
0x479: {  	s19 =	sand.u32 $0x7F0, s6;
	v16 =	vld.idx.msk [tilespmem:v9+s23+$0x0], $0xffff;
	v9 =	vor.u32 $0x1000, v6  }
0x47a: {  	v17 =	vld [tilespmem:s19+$0x8000];
	v18 =	vor.u32 s6, v9  }
0x47b: {  	v19 =	vld.idx.msk [tilespmem:v11+s23+$0x0], $0xffff  }
0x47c: {  	v11 =	vor.u32 $0x1400, v6;
	v51 =	vld [tilespmem:s19+$0x8800]  }
0x47d: {  	v14 =	vld.idx.msk [tilespmem:v14+s23+$0x0], $0xffff;
	v52 =	vor.u32 s6, v11;
	v13 =	vmul.f32 v13, v12  }
0x47e: {  	v53 =	vld [tilespmem:s19+$0x9000];
	v12 =	vor.u32 $0x1800, v6  }
0x47f: {  	v16 =	vmul.f32 v17, v16;
	v54 =	vor.u32 s6, v12;
	v17 =	vld.idx.msk [tilespmem:v18+s23+$0x0], $0xffff;
	v55 =	vadd.f32 $0.0e+00, v13  }
0x480: {  	v18 =	vld [tilespmem:s19+$0x9800];
	v13 =	vor.u32 $0x1C00, v6  }
0x481: {  	v58 =	vld [tilespmem:s19+$0xA000];
	v19 =	vmul.f32 v51, v19;
	v56 =	vor.u32 s6, v13;
	v16 =	vadd.f32 v16, v55  }
0x482: {  	v57 =	vld.idx.msk [tilespmem:v52+s23+$0x0], $0xffff  }
0x483: {  	v59 =	vld [tilespmem:s19+$0xA800];
	v14 =	vmul.f32 v53, v14;
	v16 =	vadd.f32 v19, v16  }
0x484: {  	v19 =	vld.idx.msk [tilespmem:v54+s23+$0x0], $0xffff  }
0x485: {  	v61 =	vld [tilespmem:s19+$0xB000];
	v14 =	vadd.f32 v14, v16;
	v16 =	vmul.f32 v18, v17  }
0x486: {  	v60 =	vand.u32 $0x1, v2;
	v63 =	vbroadcast v5, $0x1;
	s14 =	sshll.u32 s24, $0xB;
	s13 =	sshll.u32 s24, $0x8;
	v17 =	vld.idx.msk [tilespmem:v56+s23+$0x0], $0xffff  }
0x487: {  	v62 =	vmov s6;
	s9 =	sand.u32 $0x6000, s14;
	s13 =	sand.u32 $0x300, s13;
	v14 =	vadd.f32 v16, v14;
	v16 =	vmul.f32 v58, v57  }
0x488: {  	v23 =	vmul.u32 $0x80, v60;
	v20 =	vshll.u32 v62, $0x3;
	s9 =	sor.u32 s9, s13;
	v18 =	vbroadcast v5, $0x0  }
0x489: {  	v20 =	vand.u32 $0x1C00, v20;
	s19 =	sor.u32 s30, s9;
	v19 =	vmul.f32 v59, v19;
	v16 =	vadd.f32 v16, v14  }
0x48a: {  	v15 =	vand.u32 $0x7F, v15;
	v5 =	vor.u32 s19, v23;
	v14 =	vsel vm0, v18, v63  }
0x48b: {  	v18 =	vor.u32 v20, v5;
	v17 =	vmul.f32 v61, v17;
	v16 =	vadd.f32 v19, v16  }
0x48c: {  	s7 =	simm.s32 $0x8;
	s9 =	simm.s32 $0x10;
	v15 =	vor.u32 v15, v18  }
.LBB2_16:
0x48d: {  	p2 =	sne.s32 s9, $0x3F8;
	v18 =	vor.u32 s7, v6;
	v16 =	vadd.f32 v17, v16  }
0x48e: {  	v17 =	vor.u32 $0x400, v6  }
0x48f: {  	v17 =	vor.u32 s7, v17;
	v16 =	vmul.f32 v16, v14  }
0x490: {  	v19 =	vor.u32 $0x800, v6  }
0x491: {  	v19 =	vor.u32 s7, v19;
	[tilespmem:v15+s25+$0x0] =	vst.idx.msk $0xffff, v16  }
0x492: {  	s2 =	sadd.s32 $0x10, s2;
	v16 =	vor.u32 $0xC00, v6;
	v15 =	vld.idx.msk [tilespmem:v18+s23+$0x0], $0xffff  }
0x493: {  	s6 =	sadd.s32 $0x10, s6;
	v16 =	vor.u32 s7, v16;
	v20 =	vld [tilespmem:s2+$0x0]  }
0x494: {  	v21 =	vor.u32 $0x1000, v6;
	s13 =	sand.u32 $0x7F0, s6;
	v17 =	vld.idx.msk [tilespmem:v17+s23+$0x0], $0xffff  }
0x495: {  	v21 =	vor.u32 s7, v21;
	v22 =	vld [tilespmem:s13+$0x8000]  }
0x496: {  	v23 =	vor.u32 $0x1400, v6;
	v19 =	vld.idx.msk [tilespmem:v19+s23+$0x0], $0xffff  }
0x497: {  	v23 =	vor.u32 s7, v23;
	v24 =	vld [tilespmem:s13+$0x8800]  }
0x498: {  	v15 =	vmul.f32 v20, v15;
	v16 =	vld.idx.msk [tilespmem:v16+s23+$0x0], $0xffff;
	v20 =	vor.u32 $0x1800, v6  }
0x499: {  	v25 =	vld [tilespmem:s13+$0x9000];
	v20 =	vor.u32 s7, v20  }
0x49a: {  	v15 =	vadd.f32 $0.0e+00, v15;
	v17 =	vmul.f32 v22, v17;
	v21 =	vld.idx.msk [tilespmem:v21+s23+$0x0], $0xffff;
	v22 =	vor.u32 $0x1C00, v6  }
0x49b: {  	v26 =	vld [tilespmem:s13+$0x9800];
	v22 =	vor.u32 s7, v22  }
0x49c: {  	v15 =	vadd.f32 v17, v15;
	v17 =	vmul.f32 v24, v19;
	v19 =	vld.idx.msk [tilespmem:v23+s23+$0x0], $0xffff  }
0x49d: {  	v23 =	vld [tilespmem:s13+$0xA000]  }
0x49e: {  	v15 =	vadd.f32 v17, v15;
	v16 =	vmul.f32 v25, v16;
	v17 =	vld.idx.msk [tilespmem:v20+s23+$0x0], $0xffff  }
0x49f: {  	v20 =	vld [tilespmem:s13+$0xA800]  }
0x4a0: {  	v15 =	vadd.f32 v16, v15;
	v16 =	vmul.f32 v26, v21;
	v21 =	vld.idx.msk [tilespmem:v22+s23+$0x0], $0xffff  }
0x4a1: {  	v22 =	vld [tilespmem:s13+$0xB000]  }
0x4a2: {  	v15 =	vadd.f32 v16, v15;
	v16 =	vmul.f32 v23, v19  }
.Ltmp13:
0x4a3: {  	v19 =	vmov s7;
	s7 =	smov.u32 s9;
	(pc) =	sbr.rel @p2 .LBB2_16-.Ltmp13, $4  }
0x4a4: {  	v15 =	vadd.f32 v16, v15;
	v16 =	vmul.f32 v20, v17;
	v17 =	vshll.u32 v19, $0x3  }
0x4a5: {  	v18 =	vand.u32 $0x7F, v18;
	v19 =	vand.u32 $0x1C00, v17  }
0x4a6: {  	v16 =	vadd.f32 v16, v15;
	v17 =	vmul.f32 v22, v21;
	v15 =	vor.u32 v19, v5  }
0x4a7: {  	s9 =	sadd.s32 $0x8, s9;
	v15 =	vor.u32 v18, v15  }
0x4a8: {  	v6 =	vor.u32 s7, v6;
	v16 =	vadd.f32 v17, v16;
	_ =	sdelay $0x1  }
0x4a9: {  	v7 =	vor.u32 s7, v7;
	v16 =	vmul.f32 v16, v14;
	_ =	sdelay $0x1  }
0x4aa: {  	v10 =	vor.u32 s7, v10;
	[tilespmem:v15+s25+$0x0] =	vst.idx.msk $0xffff, v16  }
0x4ab: {  	s2 =	sadd.s32 $0x10, s2;
	v15 =	vld.idx.msk [tilespmem:v6+s23+$0x0], $0xffff  }
0x4ac: {  	v8 =	vor.u32 s7, v8;
	s19 =	sadd.s32 $0x10, s6;
	v16 =	vld [tilespmem:s2+$0x0]  }
0x4ad: {  	v7 =	vld.idx.msk [tilespmem:v7+s23+$0x0], $0xffff;
	s2 =	sand.u32 $0x7F0, s19  }
0x4ae: {  	v9 =	vor.u32 s7, v9;
	v50 =	vld [tilespmem:s2+$0x8000]  }
0x4af: {  	v10 =	vld.idx.msk [tilespmem:v10+s23+$0x0], $0xffff  }
0x4b0: {  	v11 =	vor.u32 s7, v11;
	v18 =	vld [tilespmem:s2+$0x8800]  }
0x4b1: {  	v8 =	vld.idx.msk [tilespmem:v8+s23+$0x0], $0xffff;
	v15 =	vmul.f32 v16, v15  }
0x4b2: {  	v12 =	vor.u32 s7, v12;
	v51 =	vld [tilespmem:s2+$0x9000]  }
0x4b3: {  	v9 =	vld.idx.msk [tilespmem:v9+s23+$0x0], $0xffff;
	v7 =	vmul.f32 v50, v7;
	v15 =	vadd.f32 $0.0e+00, v15  }
0x4b4: {  	v13 =	vor.u32 s7, v13;
	v52 =	vld [tilespmem:s2+$0x9800]  }
0x4b5: {  	v11 =	vld.idx.msk [tilespmem:v11+s23+$0x0], $0xffff;
	v10 =	vmul.f32 v18, v10;
	v7 =	vadd.f32 v7, v15  }
0x4b6: {  	v53 =	vld [tilespmem:s2+$0xA000]  }
0x4b7: {  	v54 =	vld.idx.msk [tilespmem:v12+s23+$0x0], $0xffff;
	v8 =	vmul.f32 v51, v8;
	v7 =	vadd.f32 v10, v7  }
0x4b8: {  	v55 =	vld [tilespmem:s2+$0xA800]  }
0x4b9: {  	v57 =	vld.idx.msk [tilespmem:v13+s23+$0x0], $0xffff;
	v56 =	vmul.f32 v52, v9;
	v7 =	vadd.f32 v8, v7  }
0x4ba: {  	v58 =	vld [tilespmem:s2+$0xB000]  }
0x4bb: {  	v59 =	vmul.f32 v53, v11;
	v7 =	vadd.f32 v56, v7  }
0x4bc: {  	v60 =	vmov s7  }
0x4bd: {  	v62 =	vshll.u32 v60, $0x3;
	v61 =	vmul.f32 v55, v54;
	v7 =	vadd.f32 v59, v7  }
0x4be: {  	v6 =	vand.u32 $0x7F, v6;
	v10 =	vand.u32 $0x1C00, v62  }
0x4bf: {  	v63 =	vmul.f32 v58, v57;
	v5 =	vor.u32 v10, v5;
	v7 =	vadd.f32 v61, v7  }
0x4c0: {  	v5 =	vor.u32 v6, v5  }
.Ltmp14:
0x4c1: {  	v6 =	vadd.f32 v63, v7;
	(pc) =	sbr.rel .LBB2_18-.Ltmp14, $3  }
0x4c2: {  	_ = 	snop  }
0x4c3: {  	v6 =	vmul.f32 v6, v14;
	_ =	sdelay $0x1  }
0x4c4: {  	[tilespmem:v5+s25+$0x0] =	vst.idx.msk $0xffff, v6  }
.LBB2_21:
0x4c5: {  	_ =	sfence.sel $0x180000  }
0x4c6: {  	[bflag:$0x0] =	sbarrier.arrive $0xFFFF  }
0x4c7: {  	_ =	strace $0x90000047  }
0x4c8: {  	s0 =	stileid.u32;
	[bflag:$0x2] =	sbarrier.arrive $0xFFFF  }
0x4c9: {  	p0 =	sne.s32 s0, $0x0;
	s0 =	rddreg [dreg:$0x4]  }
0x4ca: {  	s0 =	sadd.s32 @!p0 $0x100000, s0  }
0x4cb: {  	[sflag:s0] =	ssyncadd.tile.s32 @!p0 $0x1;
	_ =	shalt  }
.Lfunc_end2:
_tile_overlayer_lowered:
.L_overlay_start_2:
0x4cc: {  	(tag) =	ssettag $0x2  }
0x4cd: {  	s0 =	rddreg [dreg:$0x0];
	s2 =	stileid.u32  }
0x4ce: {  	s1 =	rddreg [dreg:$0x1];
	p0 =	sne.s32 s2, $0x0  }
0x4cf: {  	s3 =	rddreg [dreg:$0x2];
	[bflag:$0x3] =	sbarrier.arrive $0xFFFF;
	s2 =	simm.s32 @!p0 $0x1C04  }
0x4d0: {  	[timem:s3], [sflag:s2] =	dma.local @!p0 [hbm:s0], s1  }
0x4d1: {  	s0 =	simm.s32 @!p0 $0x4  }
0x4d2: {  	_ =	swait.ge @!p0 [sflag:s0], s1  }
0x4d3: {  	s1 =	ssub.s32 @!p0 $0x0, s1;
	[sflag:s0] =	ssyncset.done @!p0 $0x0  }
0x4d4: {  	[sflag:s0] =	ssyncadd.s32 @!p0 s1  }
0x4d5: {  	[bflag:$0x3] =	sbarrier.arrive $0xFFFF  }
0x4d6: {  	_ =	shalt  }

</sc_bundles>
